<compile_context>
chip_gen: v7x
topology: tpu7x:2x2x1
jax: 0.10.2.dev20260603
libtpu: 0.0.44.dev20260713+nightly
codegen_flags: <defaults>
</compile_context>

<pallas_src>
import jax
import jax.numpy as jnp
from jax import lax
from jax.experimental import pallas as pl
from jax.experimental.pallas import tpu as pltpu
from jax.experimental.pallas import tpu_sc as plsc

_N = 10000
_NPAD = 10240
_E = 320000
_NC = 2
_NS = 16
_NW = _NC * _NS
_K = 128
_EPAD = 327680
_ZROW = 10000
_BN_EPS = 1e-5

_sc_mesh = plsc.VectorSubcoreMesh(
    core_axis_name="c", subcore_axis_name="s", num_cores=_NC, num_subcores=_NS
)

_EPT = _EPAD // _NS
_NCH = _EPT // _K



_DROWS = 2560
_DACC = _DROWS + 128
_DRPS = _DACC // _NS
_DK = _K
_DNCH = _EPT // _DK


def _deg_body(dst_h, out_h, dstv, rows, zbuf, acc):
  c = lax.axis_index("c")
  s = lax.axis_index("s")

  zero = jnp.zeros((16,), jnp.float32)
  one = jnp.ones((16,), jnp.float32)
  def zfill(r, _):
    for cc in range(8):
      zbuf[r, pl.ds(cc * 16, 16)] = zero
    return 0
  lax.fori_loop(0, _DRPS, zfill, 0)
  def ofill(r, _):
    for cc in range(8):
      rows[r, pl.ds(cc * 16, 16)] = one
    return 0
  lax.fori_loop(0, _DK, ofill, 0)

  base = s * _DRPS
  trash = jnp.full((16,), _DROWS, jnp.int32)
  nloc = jnp.full((16,), _DROWS, jnp.int32)

  for r in range(2):
    pltpu.sync_copy(dst_h.at[s], dstv)
    off = jnp.full((16,), (2 * c + r) * _DROWS, jnp.int32)
    def remap(j, _):
      for cc in range(_DK // 16):
        sl = pl.ds(cc * 16, 16)
        d = dstv[j, sl] - off
        m = (d >= 0) & (d < nloc)
        dstv[j, sl] = jnp.where(m, d, trash)
      return 0
    lax.fori_loop(0, _DNCH, remap, 0)

    pltpu.sync_copy(zbuf, acc.at[pl.ds(base, _DRPS)])
    plsc.subcore_barrier()

    def chunk(j, _):
      pltpu.sync_copy(rows, acc.at[dstv.at[j]], add=True)
      return 0
    lax.fori_loop(0, _DNCH, chunk, 0)
    plsc.subcore_barrier()

    pltpu.sync_copy(acc.at[pl.ds(base, _DRPS)],
                    out_h.at[c, r, pl.ds(base, _DRPS)])


_deg_pass = pl.kernel(
    _deg_body,
    out_type=jax.ShapeDtypeStruct((_NC, 2, _DACC, 128), jnp.float32),
    mesh=_sc_mesh,
    scratch_types=[
        pltpu.VMEM((_DNCH, _DK), jnp.int32),
        pltpu.VMEM((_DK, 128), jnp.float32),
        pltpu.VMEM((_DRPS, 128), jnp.float32),
        pltpu.VMEM_SHARED((_DACC, 128), jnp.float32),
    ],
    name="sc_deg",
)




def _make_agg(rows_per_core, n_rounds):
  rps = rows_per_core // _NS

  def body(table, src_h, dst_h, out_h, srcv, dstv, rows, zbuf, acc, g0, g1):
    gsems = (g0, g1)
    c = lax.axis_index("c")
    s = lax.axis_index("s")

    zero = jnp.zeros((16,), jnp.float32)
    def zfill(r, _):
      for cc in range(8):
        zbuf[r, pl.ds(cc * 16, 16)] = zero
      return 0
    lax.fori_loop(0, rps, zfill, 0)

    base = s * rps
    zrow = jnp.full((16,), _ZROW, jnp.int32)
    lzero = jnp.zeros((16,), jnp.int32)
    nloc = jnp.full((16,), rows_per_core, jnp.int32)

    for r in range(n_rounds):
      pltpu.sync_copy(src_h.at[s], srcv)
      pltpu.sync_copy(dst_h.at[s], dstv)
      qoff = (n_rounds * c + r) * rows_per_core
      off = jnp.full((16,), qoff, jnp.int32)
      def remap(j, _):
        for cc in range(_K // 16):
          sl = pl.ds(cc * 16, 16)
          d = dstv[j, sl] - off
          m = (d >= 0) & (d < nloc)
          dstv[j, sl] = jnp.where(m, d, lzero)
          srcv[j, sl] = jnp.where(m, srcv[j, sl], zrow)
        return 0
      lax.fori_loop(0, _NCH, remap, 0)

      pltpu.sync_copy(zbuf, acc.at[pl.ds(base, rps)])
      plsc.subcore_barrier()

      def _gather(j, slot):
        pltpu.async_copy(table.at[srcv.at[j]], rows.at[slot], gsems[slot])
      def _wait_g(slot):
        pltpu.make_async_copy(table.at[srcv.at[0]], rows.at[slot],
                              gsems[slot]).wait()

      _gather(0, 0)
      def steady(i, _):
        for b in range(2):
          j = 2 * i + b
          _wait_g(b)
          _gather(lax.rem(j + 1, _NCH), 1 - b)
          pltpu.sync_copy(rows.at[b], acc.at[dstv.at[j]], add=True)
        return 0
      lax.fori_loop(0, _NCH // 2, steady, 0)
      _wait_g(0)
      plsc.subcore_barrier()

      if n_rounds == 1:
        pltpu.sync_copy(acc.at[pl.ds(base, rps)], out_h.at[c, pl.ds(base, rps)])
      else:
        pltpu.sync_copy(acc.at[pl.ds(base, rps)],
                        out_h.at[c, r, pl.ds(base, rps)])

  if n_rounds == 1:
    oshape = (_NC, rows_per_core, 128)
  else:
    oshape = (_NC, n_rounds, rows_per_core, 128)
  return pl.kernel(
      body,
      out_type=jax.ShapeDtypeStruct(oshape, jnp.float32),
      mesh=_sc_mesh,
      scratch_types=[
          pltpu.VMEM((_NCH, _K), jnp.int32),
          pltpu.VMEM((_NCH, _K), jnp.int32),
          pltpu.VMEM((2, _K, 128), jnp.float32),
          pltpu.VMEM((rps, 128), jnp.float32),
          pltpu.VMEM_SHARED((rows_per_core, 128), jnp.float32),
      ] + [pltpu.SemaphoreType.DMA] * 2,
      name=f"sc_agg_{rows_per_core}x{n_rounds}",
  )


_QROWS = _NPAD // 4
_agg_pass = _make_agg(_QROWS, 2)



_RB1 = 1024
_GRID1 = _NPAD // _RB1
_RB2 = 512
_GRID2 = _NPAD // _RB2


_qsplit128 = pl.BlockSpec((1, 1, _RB2, 128),
                          lambda i: (i // 10, (i // 5) % 2, i % 5, 0))


def _prescale_body(degp, x, xs, dis):
  deg = degp[0, 0, :, 0:1] + 1.0
  d = lax.rsqrt(deg)
  dis[...] = d
  xs[...] = x[...] * d


def _prescale(degp, x):
  return pl.pallas_call(
      _prescale_body,
      grid=(_GRID2,),
      in_specs=[
          _qsplit128,
          pl.BlockSpec((_RB2, 128), lambda i: (i, 0)),
      ],
      out_specs=[
          pl.BlockSpec((_RB2, 128), lambda i: (i, 0)),
          pl.BlockSpec((_RB2, 1), lambda i: (i, 0)),
      ],
      out_shape=[
          jax.ShapeDtypeStruct((_NPAD, 128), jnp.float32),
          jax.ShapeDtypeStruct((_NPAD, 1), jnp.float32),
      ],
  )(degp, x)


def _mm_body(p1, xs, dis, w1s, c1, w2, h2s):
  agg1 = (p1[0, 0] + xs[...]) * dis[...]
  y1 = jnp.dot(agg1, w1s[...], preferred_element_type=jnp.float32) + c1[...]
  y1 = jnp.maximum(y1, 0.0)
  v = jnp.dot(y1, w2[...], preferred_element_type=jnp.float32) * dis[...]
  rid = lax.broadcasted_iota(jnp.int32, (_RB2, 1), 0) + pl.program_id(0) * _RB2
  h2s[...] = jnp.where(rid < _N, v, 0.0)


def _mm(p1, xs, dis, w1s, c1, w2):
  return pl.pallas_call(
      _mm_body,
      grid=(_GRID2,),
      in_specs=[
          _qsplit128,
          pl.BlockSpec((_RB2, 128), lambda i: (i, 0)),
          pl.BlockSpec((_RB2, 1), lambda i: (i, 0)),
          pl.BlockSpec((128, 256), lambda i: (0, 0)),
          pl.BlockSpec((1, 256), lambda i: (0, 0)),
          pl.BlockSpec((256, 128), lambda i: (0, 0)),
      ],
      out_specs=pl.BlockSpec((_RB2, 128), lambda i: (i, 0)),
      out_shape=jax.ShapeDtypeStruct((_NPAD, 128), jnp.float32),
  )(p1, xs, dis, w1s, c1, w2)


def _final_body(p2, h2s, dis, sv, cv, out):
  y2 = (p2[0, 0] + h2s[...]) * dis[...] * sv[...] + cv[...]
  m = jnp.max(y2, axis=1, keepdims=True)
  e = jnp.exp(y2 - m)
  lse = jnp.log(jnp.sum(e, axis=1, keepdims=True))
  out[...] = y2 - m - lse


def _final(p2, h2s, dis, sv, cv):
  return pl.pallas_call(
      _final_body,
      grid=(_GRID2,),
      in_specs=[
          pl.BlockSpec((1, 1, _RB2, 128),
                       lambda i: (i // 10, (i // 5) % 2, i % 5, 0)),
          pl.BlockSpec((_RB2, 128), lambda i: (i, 0)),
          pl.BlockSpec((_RB2, 1), lambda i: (i, 0)),
          pl.BlockSpec((1, 128), lambda i: (0, 0)),
          pl.BlockSpec((1, 128), lambda i: (0, 0)),
      ],
      out_specs=pl.BlockSpec((_RB2, 128), lambda i: (i, 0)),
      out_shape=jax.ShapeDtypeStruct((_NPAD, 128), jnp.float32),
  )(p2, h2s, dis, sv, cv)


def kernel(x, edge_index, W1, b1, W2, b2,
           bn1_gamma, bn1_beta, bn1_mean, bn1_var,
           bn2_gamma, bn2_beta, bn2_mean, bn2_var):
  ep = _EPAD - _E
  src_w = jnp.concatenate(
      [edge_index[0].astype(jnp.int32), jnp.full((ep,), _ZROW, jnp.int32)]
  ).reshape(_NS, _NCH, _K)
  dst_w = jnp.concatenate(
      [edge_index[1].astype(jnp.int32), jnp.full((ep,), _NPAD, jnp.int32)]
  ).reshape(_NS, _NCH, _K)
  dst_d = dst_w
  xp = jnp.pad(x, ((0, _NPAD - _N), (0, 0)))

  s1 = bn1_gamma * lax.rsqrt(bn1_var + _BN_EPS)
  c1 = (b1 * s1 + bn1_beta - bn1_mean * s1)[None, :]
  w1s = W1 * s1[None, :]
  s2 = bn2_gamma * lax.rsqrt(bn2_var + _BN_EPS)
  cv = (b2 * s2 + bn2_beta - bn2_mean * s2)[None, :]
  sv = s2[None, :]

  degp = _deg_pass(dst_d)
  xs, dis = _prescale(degp, xp)
  p1 = _agg_pass(xs, src_w, dst_w)
  h2s = _mm(p1, xs, dis, w1s, c1, W2)
  p2 = _agg_pass(h2s, src_w, dst_w)
  out = _final(p2, h2s, dis, sv, cv)
  return out[:_N]

# --- scband reference (transcript-rebuilt; emitter-appended) ---
"""Pipeline reference for scband-gcnlayer-71073118814871 (READ-ONLY COPY).

The authoritative reference and input builder live on the scoring server;
editing this copy changes nothing except your own understanding.
"""

import jax, jax.numpy as jnp
import numpy as np

N_NODES = 10000
IN_CH = 128
OUT_DIM = 256
OUT_CH = 128
N_EDGES = 320000
BN_EPS = 1e-5


def gcn_conv(x, edge_index, W, b):
    # GCNConv (Kipf & Welling): add self-loops, symmetric normalization, scatter-add aggregation
    n = x.shape[0]
    loop = jnp.arange(n, dtype=edge_index.dtype)
    src = jnp.concatenate([edge_index[0], loop])
    dst = jnp.concatenate([edge_index[1], loop])
    ones = jnp.ones(src.shape[0], dtype=x.dtype)
    deg = jax.ops.segment_sum(ones, dst, num_segments=n)
    deg_inv_sqrt = jnp.where(deg > 0, jax.lax.rsqrt(jnp.maximum(deg, 1e-12)), 0.0)
    norm = deg_inv_sqrt[src] * deg_inv_sqrt[dst]
    h = x @ W  # linear transform
    msg = h[src] * norm[:, None]  # gather + scale
    out = jax.ops.segment_sum(msg, dst, num_segments=n)  # scatter-add
    return out + b


def batch_norm_eval(y, gamma, beta, mean, var):
    return (y - mean) * jax.lax.rsqrt(var + BN_EPS) * gamma + beta


def setup_inputs(seed: int = 0) -> dict:
    key = jax.random.key(seed)
    ks = jax.random.split(key, 6)
    x = jax.random.normal(ks[0], (N_NODES, IN_CH), dtype=jnp.float32)
    edge_index = jax.random.randint(ks[1], (2, N_EDGES), 0, N_NODES, dtype=jnp.int64)
    # conv1: in_channel -> out_dim
    W1 = jax.random.normal(ks[2], (IN_CH, OUT_DIM), dtype=jnp.float32) * (1.0 / np.sqrt(IN_CH))
    b1 = jnp.zeros((OUT_DIM,), dtype=jnp.float32)
    # conv2: out_dim -> out_channel
    W2 = jax.random.normal(ks[3], (OUT_DIM, OUT_CH), dtype=jnp.float32) * (1.0 / np.sqrt(OUT_DIM))
    b2 = jnp.zeros((OUT_CH,), dtype=jnp.float32)
    # batchnorm params (eval mode: running stats at init values)
    bn1_gamma = jnp.ones((OUT_DIM,), dtype=jnp.float32)
    bn1_beta = jnp.zeros((OUT_DIM,), dtype=jnp.float32)
    bn1_mean = jnp.zeros((OUT_DIM,), dtype=jnp.float32)
    bn1_var = jnp.ones((OUT_DIM,), dtype=jnp.float32)
    bn2_gamma = jnp.ones((OUT_CH,), dtype=jnp.float32)
    bn2_beta = jnp.zeros((OUT_CH,), dtype=jnp.float32)
    bn2_mean = jnp.zeros((OUT_CH,), dtype=jnp.float32)
    bn2_var = jnp.ones((OUT_CH,), dtype=jnp.float32)
    return {"x": x, "edge_index": edge_index, "W1": W1, "b1": b1, "W2": W2, "b2": b2,
            "bn1_gamma": bn1_gamma, "bn1_beta": bn1_beta, "bn1_mean": bn1_mean, "bn1_var": bn1_var,
            "bn2_gamma": bn2_gamma, "bn2_beta": bn2_beta, "bn2_mean": bn2_mean, "bn2_var": bn2_var}


def reference(x, edge_index, W1, b1, W2, b2,
              bn1_gamma, bn1_beta, bn1_mean, bn1_var,
              bn2_gamma, bn2_beta, bn2_mean, bn2_var):
    y = gcn_conv(x, edge_index, W1, b1)
    y = jax.nn.relu(batch_norm_eval(y, bn1_gamma, bn1_beta, bn1_mean, bn1_var))
    # dropout is identity in eval mode (training=False)
    y = gcn_conv(y, edge_index, W2, b2)
    y = batch_norm_eval(y, bn2_gamma, bn2_beta, bn2_mean, bn2_var)
    return jax.nn.log_softmax(y, axis=1)

if __name__ == "__main__":
    import jax
    _d = setup_inputs()
    print(jax.jit(kernel)(*tuple(_d.values())))

</pallas_src>

<mosaic_0001>
#map = affine_map<(d0, d1) -> (0, 0)>
#map1 = affine_map<(d0, d1) -> (0, 0, 0)>
#map2 = affine_map<(d0, d1) -> (0, 0, 0, 0)>
module attributes {stable_mosaic.version = 14 : i64} {
  func.func @sc_agg_2560x2(%arg0: i32, %arg1: i32, %arg2: memref<10240x128xf32, #tpu.memory_space<hbm>>, %arg3: memref<16x160x128xi32, #tpu.memory_space<hbm>>, %arg4: memref<16x160x128xi32, #tpu.memory_space<hbm>>, %arg5: memref<2x2x2560x128xf32, #tpu.memory_space<hbm>>, %arg6: memref<160x128xi32, #tpu.memory_space<vmem>>, %arg7: memref<160x128xi32, #tpu.memory_space<vmem>>, %arg8: memref<2x128x128xf32, #tpu.memory_space<vmem>>, %arg9: memref<160x128xf32, #tpu.memory_space<vmem>>, %arg10: memref<2560x128xf32, #tpu.memory_space<vmem_shared>>, %arg11: memref<!tpu.dma_semaphore, #tpu.memory_space<semaphore_mem>>, %arg12: memref<!tpu.dma_semaphore, #tpu.memory_space<semaphore_mem>>) attributes {dimension_semantics = [#tpu.dimension_semantics<core_parallel>, #tpu.dimension_semantics<subcore_parallel>], iteration_bounds = array<i64: 2, 16>, scalar_prefetch = 0 : i64, scratch_operands = 7 : i64, tpu.core_type = #tpu.core_type<sc_vector_subcore>, window_params = [{transform_indices = #map}, {transform_indices = #map1}, {transform_indices = #map1}, {transform_indices = #map2}]} {
    %broadcast_in_dim3A = arith.constant 0.000000e+00 : f32
    %broadcast_in_dim3A_0 = vector.broadcast %broadcast_in_dim3A : f32 to vector<16xf32>
    %scan3A = arith.constant 0 : i32
    %scan3A_1 = arith.constant 0 : i32
    %scan3A_2 = arith.constant 160 : i32
    %scan3A_3 = arith.addi %scan3A_1, %scan3A_2 : i32
    %scan3A_4 = arith.constant 1 : i32
    %scan3A_5 = scf.for %scan3A_105 = %scan3A_1 to %scan3A_3 step %scan3A_4 iter_args(%scan3A_106 = %scan3A) -> (i32)  : i32 {
      %swap3A = arith.index_cast %scan3A_105 : i32 to index
      %swap3A_107 = arith.constant 0 : index
      %swap3A_108 = tpu.vector_load %arg9[%swap3A, %swap3A_107] {strides = array<i32>} : memref<160x128xf32, #tpu.memory_space<vmem>>, vector<1x16xf32>,
      %swap3A_109 = vector.shape_cast %swap3A_108 : vector<1x16xf32> to vector<16xf32>
      %swap3A_110 = vector.shape_cast %broadcast_in_dim3A_0 : vector<16xf32> to vector<1x16xf32>
      tpu.vector_store %arg9[%swap3A, %swap3A_107], %swap3A_110 {strides = array<i32>} : memref<160x128xf32, #tpu.memory_space<vmem>>, vector<1x16xf32>,
      %swap3A_111 = arith.index_cast %scan3A_105 : i32 to index
      %swap3A_112 = arith.constant 16 : index
      %swap3A_113 = tpu.vector_load %arg9[%swap3A_111, %swap3A_112] {strides = array<i32>} : memref<160x128xf32, #tpu.memory_space<vmem>>, vector<1x16xf32>,
      %swap3A_114 = vector.shape_cast %swap3A_113 : vector<1x16xf32> to vector<16xf32>
      %swap3A_115 = vector.shape_cast %broadcast_in_dim3A_0 : vector<16xf32> to vector<1x16xf32>
      tpu.vector_store %arg9[%swap3A_111, %swap3A_112], %swap3A_115 {strides = array<i32>} : memref<160x128xf32, #tpu.memory_space<vmem>>, vector<1x16xf32>,
      %swap3A_116 = arith.index_cast %scan3A_105 : i32 to index
      %swap3A_117 = arith.constant 32 : index
      %swap3A_118 = tpu.vector_load %arg9[%swap3A_116, %swap3A_117] {strides = array<i32>} : memref<160x128xf32, #tpu.memory_space<vmem>>, vector<1x16xf32>,
      %swap3A_119 = vector.shape_cast %swap3A_118 : vector<1x16xf32> to vector<16xf32>
      %swap3A_120 = vector.shape_cast %broadcast_in_dim3A_0 : vector<16xf32> to vector<1x16xf32>
      tpu.vector_store %arg9[%swap3A_116, %swap3A_117], %swap3A_120 {strides = array<i32>} : memref<160x128xf32, #tpu.memory_space<vmem>>, vector<1x16xf32>,
      %swap3A_121 = arith.index_cast %scan3A_105 : i32 to index
      %swap3A_122 = arith.constant 48 : index
      %swap3A_123 = tpu.vector_load %arg9[%swap3A_121, %swap3A_122] {strides = array<i32>} : memref<160x128xf32, #tpu.memory_space<vmem>>, vector<1x16xf32>,
      %swap3A_124 = vector.shape_cast %swap3A_123 : vector<1x16xf32> to vector<16xf32>
      %swap3A_125 = vector.shape_cast %broadcast_in_dim3A_0 : vector<16xf32> to vector<1x16xf32>
      tpu.vector_store %arg9[%swap3A_121, %swap3A_122], %swap3A_125 {strides = array<i32>} : memref<160x128xf32, #tpu.memory_space<vmem>>, vector<1x16xf32>,
      %swap3A_126 = arith.index_cast %scan3A_105 : i32 to index
      %swap3A_127 = arith.constant 64 : index
      %swap3A_128 = tpu.vector_load %arg9[%swap3A_126, %swap3A_127] {strides = array<i32>} : memref<160x128xf32, #tpu.memory_space<vmem>>, vector<1x16xf32>,
      %swap3A_129 = vector.shape_cast %swap3A_128 : vector<1x16xf32> to vector<16xf32>
      %swap3A_130 = vector.shape_cast %broadcast_in_dim3A_0 : vector<16xf32> to vector<1x16xf32>
      tpu.vector_store %arg9[%swap3A_126, %swap3A_127], %swap3A_130 {strides = array<i32>} : memref<160x128xf32, #tpu.memory_space<vmem>>, vector<1x16xf32>,
      %swap3A_131 = arith.index_cast %scan3A_105 : i32 to index
      %swap3A_132 = arith.constant 80 : index
      %swap3A_133 = tpu.vector_load %arg9[%swap3A_131, %swap3A_132] {strides = array<i32>} : memref<160x128xf32, #tpu.memory_space<vmem>>, vector<1x16xf32>,
      %swap3A_134 = vector.shape_cast %swap3A_133 : vector<1x16xf32> to vector<16xf32>
      %swap3A_135 = vector.shape_cast %broadcast_in_dim3A_0 : vector<16xf32> to vector<1x16xf32>
      tpu.vector_store %arg9[%swap3A_131, %swap3A_132], %swap3A_135 {strides = array<i32>} : memref<160x128xf32, #tpu.memory_space<vmem>>, vector<1x16xf32>,
      %swap3A_136 = arith.index_cast %scan3A_105 : i32 to index
      %swap3A_137 = arith.constant 96 : index
      %swap3A_138 = tpu.vector_load %arg9[%swap3A_136, %swap3A_137] {strides = array<i32>} : memref<160x128xf32, #tpu.memory_space<vmem>>, vector<1x16xf32>,
      %swap3A_139 = vector.shape_cast %swap3A_138 : vector<1x16xf32> to vector<16xf32>
      %swap3A_140 = vector.shape_cast %broadcast_in_dim3A_0 : vector<16xf32> to vector<1x16xf32>
      tpu.vector_store %arg9[%swap3A_136, %swap3A_137], %swap3A_140 {strides = array<i32>} : memref<160x128xf32, #tpu.memory_space<vmem>>, vector<1x16xf32>,
      %swap3A_141 = arith.index_cast %scan3A_105 : i32 to index
      %swap3A_142 = arith.constant 112 : index
      %swap3A_143 = tpu.vector_load %arg9[%swap3A_141, %swap3A_142] {strides = array<i32>} : memref<160x128xf32, #tpu.memory_space<vmem>>, vector<1x16xf32>,
      %swap3A_144 = vector.shape_cast %swap3A_143 : vector<1x16xf32> to vector<16xf32>
      %swap3A_145 = vector.shape_cast %broadcast_in_dim3A_0 : vector<16xf32> to vector<1x16xf32>
      tpu.vector_store %arg9[%swap3A_141, %swap3A_142], %swap3A_145 {strides = array<i32>} : memref<160x128xf32, #tpu.memory_space<vmem>>, vector<1x16xf32>,
      %scan3A_146 = arith.constant 0 : i32
      scf.yield %scan3A_146 : i32
    }
    %scan3A_6 = arith.constant 160 : i32
    %mul3A = arith.constant 160 : i32
    %mul3A_7 = arith.muli %arg1, %mul3A : i32
    %broadcast_in_dim3A_8 = arith.constant 10000 : i32
    %broadcast_in_dim3A_9 = vector.broadcast %broadcast_in_dim3A_8 : i32 to vector<16xi32>
    %broadcast_in_dim3A_10 = arith.constant 0 : i32
    %broadcast_in_dim3A_11 = vector.broadcast %broadcast_in_dim3A_10 : i32 to vector<16xi32>
    %broadcast_in_dim3A_12 = arith.constant 2560 : i32
    %broadcast_in_dim3A_13 = vector.broadcast %broadcast_in_dim3A_12 : i32 to vector<16xi32>
    "tpu.region"() ({
      %run_scoped3A_105 = tpu.sem_alloc : memref<!tpu.dma_semaphore, #tpu.memory_space<semaphore_mem>>
      %dma_start3A_106 = arith.constant 0 : i32
      %dma_start3A_107 = arith.constant 0 : i32
      %dma_start3A_108 = tpu.memref_slice %arg3[%arg1, %dma_start3A_106, %dma_start3A_107] : memref<16x160x128xi32, #tpu.memory_space<hbm>> -> memref<1x160x128xi32, #tpu.memory_space<hbm>>
      %dma_start3A_109 = tpu.memref_squeeze %dma_start3A_108 : memref<1x160x128xi32, #tpu.memory_space<hbm>> -> memref<160x128xi32, #tpu.memory_space<hbm>>
      %dma_start3A_110 = arith.constant 0 : i32
      %dma_start3A_111 = arith.constant 0 : i32
      %dma_start3A_112 = tpu.memref_slice %arg3[%arg1, %dma_start3A_110, %dma_start3A_111] : memref<16x160x128xi32, #tpu.memory_space<hbm>> -> memref<1x160x128xi32, #tpu.memory_space<hbm>>
      %dma_start3A_113 = tpu.memref_squeeze %dma_start3A_112 : memref<1x160x128xi32, #tpu.memory_space<hbm>> -> memref<160x128xi32, #tpu.memory_space<hbm>>
      tpu.enqueue_dma source(%dma_start3A_113 : memref<160x128xi32, #tpu.memory_space<hbm>>) target(%arg6 : memref<160x128xi32, #tpu.memory_space<vmem>>) target_semaphore(%run_scoped3A_105 : memref<!tpu.dma_semaphore, #tpu.memory_space<semaphore_mem>>)
      %dma_wait3A_114 = arith.constant 0 : i32
      %dma_wait3A_115 = arith.constant 0 : i32
      %dma_wait3A_116 = tpu.memref_slice %arg3[%arg1, %dma_wait3A_114, %dma_wait3A_115] : memref<16x160x128xi32, #tpu.memory_space<hbm>> -> memref<1x160x128xi32, #tpu.memory_space<hbm>>
      %dma_wait3A_117 = tpu.memref_squeeze %dma_wait3A_116 : memref<1x160x128xi32, #tpu.memory_space<hbm>> -> memref<160x128xi32, #tpu.memory_space<hbm>>
      %dma_wait3A_118 = arith.constant 0 : i32
      %dma_wait3A_119 = arith.constant 0 : i32
      %dma_wait3A_120 = tpu.memref_slice %arg3[%arg1, %dma_wait3A_118, %dma_wait3A_119] : memref<16x160x128xi32, #tpu.memory_space<hbm>> -> memref<1x160x128xi32, #tpu.memory_space<hbm>>
      %dma_wait3A_121 = tpu.memref_squeeze %dma_wait3A_120 : memref<1x160x128xi32, #tpu.memory_space<hbm>> -> memref<160x128xi32, #tpu.memory_space<hbm>>
      tpu.wait_dma2 semaphore(%run_scoped3A_105 : memref<!tpu.dma_semaphore, #tpu.memory_space<semaphore_mem>>) src(%dma_wait3A_121 : memref<160x128xi32, #tpu.memory_space<hbm>>) dst(%arg6 : memref<160x128xi32, #tpu.memory_space<vmem>>)
      tpu.yield
    }) : () -> ()
    "tpu.region"() ({
      %run_scoped3A_105 = tpu.sem_alloc : memref<!tpu.dma_semaphore, #tpu.memory_space<semaphore_mem>>
      %dma_start3A_106 = arith.constant 0 : i32
      %dma_start3A_107 = arith.constant 0 : i32
      %dma_start3A_108 = tpu.memref_slice %arg4[%arg1, %dma_start3A_106, %dma_start3A_107] : memref<16x160x128xi32, #tpu.memory_space<hbm>> -> memref<1x160x128xi32, #tpu.memory_space<hbm>>
      %dma_start3A_109 = tpu.memref_squeeze %dma_start3A_108 : memref<1x160x128xi32, #tpu.memory_space<hbm>> -> memref<160x128xi32, #tpu.memory_space<hbm>>
      %dma_start3A_110 = arith.constant 0 : i32
      %dma_start3A_111 = arith.constant 0 : i32
      %dma_start3A_112 = tpu.memref_slice %arg4[%arg1, %dma_start3A_110, %dma_start3A_111] : memref<16x160x128xi32, #tpu.memory_space<hbm>> -> memref<1x160x128xi32, #tpu.memory_space<hbm>>
      %dma_start3A_113 = tpu.memref_squeeze %dma_start3A_112 : memref<1x160x128xi32, #tpu.memory_space<hbm>> -> memref<160x128xi32, #tpu.memory_space<hbm>>
      tpu.enqueue_dma source(%dma_start3A_113 : memref<160x128xi32, #tpu.memory_space<hbm>>) target(%arg7 : memref<160x128xi32, #tpu.memory_space<vmem>>) target_semaphore(%run_scoped3A_105 : memref<!tpu.dma_semaphore, #tpu.memory_space<semaphore_mem>>)
      %dma_wait3A_114 = arith.constant 0 : i32
      %dma_wait3A_115 = arith.constant 0 : i32
      %dma_wait3A_116 = tpu.memref_slice %arg4[%arg1, %dma_wait3A_114, %dma_wait3A_115] : memref<16x160x128xi32, #tpu.memory_space<hbm>> -> memref<1x160x128xi32, #tpu.memory_space<hbm>>
      %dma_wait3A_117 = tpu.memref_squeeze %dma_wait3A_116 : memref<1x160x128xi32, #tpu.memory_space<hbm>> -> memref<160x128xi32, #tpu.memory_space<hbm>>
      %dma_wait3A_118 = arith.constant 0 : i32
      %dma_wait3A_119 = arith.constant 0 : i32
      %dma_wait3A_120 = tpu.memref_slice %arg4[%arg1, %dma_wait3A_118, %dma_wait3A_119] : memref<16x160x128xi32, #tpu.memory_space<hbm>> -> memref<1x160x128xi32, #tpu.memory_space<hbm>>
      %dma_wait3A_121 = tpu.memref_squeeze %dma_wait3A_120 : memref<1x160x128xi32, #tpu.memory_space<hbm>> -> memref<160x128xi32, #tpu.memory_space<hbm>>
      tpu.wait_dma2 semaphore(%run_scoped3A_105 : memref<!tpu.dma_semaphore, #tpu.memory_space<semaphore_mem>>) src(%dma_wait3A_121 : memref<160x128xi32, #tpu.memory_space<hbm>>) dst(%arg7 : memref<160x128xi32, #tpu.memory_space<vmem>>)
      tpu.yield
    }) : () -> ()
    %mul3A_14 = arith.constant 2 : i32
    %mul3A_15 = arith.muli %mul3A_14, %arg0 : i32
    %add3A = arith.constant 0 : i32
    %add3A_16 = arith.addi %mul3A_15, %add3A : i32
    %mul3A_17 = arith.constant 2560 : i32
    %mul3A_18 = arith.muli %add3A_16, %mul3A_17 : i32
    %broadcast_in_dim3A_19 = vector.broadcast %mul3A_18 : i32 to vector<16xi32>
    %scan3A_20 = arith.constant 0 : i32
    %scan3A_21 = arith.constant 0 : i32
    %scan3A_22 = arith.constant 160 : i32
    %scan3A_23 = arith.addi %scan3A_21, %scan3A_22 : i32
    %scan3A_24 = arith.constant 1 : i32
    %scan3A_25 = scf.for %scan3A_105 = %scan3A_21 to %scan3A_23 step %scan3A_24 iter_args(%scan3A_106 = %scan3A_20) -> (i32)  : i32 {
      %get3A = arith.index_cast %scan3A_105 : i32 to index
      %get3A_107 = arith.constant 0 : index
      %get3A_108 = tpu.vector_load %arg7[%get3A, %get3A_107] {strides = array<i32>} : memref<160x128xi32, #tpu.memory_space<vmem>>, vector<1x16xi32>,
      %get3A_109 = vector.shape_cast %get3A_108 : vector<1x16xi32> to vector<16xi32>
      %sub3A = arith.subi %get3A_109, %broadcast_in_dim3A_19 : vector<16xi32>
      %ge3A = arith.constant 0 : i32
      %ge3A_110 = vector.broadcast %ge3A : i32 to vector<16xi32>
      %ge3A_111 = arith.cmpi sge, %sub3A, %ge3A_110 : vector<16xi32>
      %lt3A = arith.cmpi slt, %sub3A, %broadcast_in_dim3A_13 : vector<16xi32>
      %and3A = arith.andi %ge3A_111, %lt3A : vector<16xi1>
      %select_n3A = arith.select %and3A, %sub3A, %broadcast_in_dim3A_11 : vector<16xi1>, vector<16xi32>
      %swap3A = arith.index_cast %scan3A_105 : i32 to index
      %swap3A_112 = arith.constant 0 : index
      %swap3A_113 = tpu.vector_load %arg7[%swap3A, %swap3A_112] {strides = array<i32>} : memref<160x128xi32, #tpu.memory_space<vmem>>, vector<1x16xi32>,
      %swap3A_114 = vector.shape_cast %swap3A_113 : vector<1x16xi32> to vector<16xi32>
      %swap3A_115 = vector.shape_cast %select_n3A : vector<16xi32> to vector<1x16xi32>
      tpu.vector_store %arg7[%swap3A, %swap3A_112], %swap3A_115 {strides = array<i32>} : memref<160x128xi32, #tpu.memory_space<vmem>>, vector<1x16xi32>,
      %get3A_116 = arith.index_cast %scan3A_105 : i32 to index
      %get3A_117 = arith.constant 0 : index
      %get3A_118 = tpu.vector_load %arg6[%get3A_116, %get3A_117] {strides = array<i32>} : memref<160x128xi32, #tpu.memory_space<vmem>>, vector<1x16xi32>,
      %get3A_119 = vector.shape_cast %get3A_118 : vector<1x16xi32> to vector<16xi32>
      %select_n3A_120 = arith.select %and3A, %get3A_119, %broadcast_in_dim3A_9 : vector<16xi1>, vector<16xi32>
      %swap3A_121 = arith.index_cast %scan3A_105 : i32 to index
      %swap3A_122 = arith.constant 0 : index
      %swap3A_123 = tpu.vector_load %arg6[%swap3A_121, %swap3A_122] {strides = array<i32>} : memref<160x128xi32, #tpu.memory_space<vmem>>, vector<1x16xi32>,
      %swap3A_124 = vector.shape_cast %swap3A_123 : vector<1x16xi32> to vector<16xi32>
      %swap3A_125 = vector.shape_cast %select_n3A_120 : vector<16xi32> to vector<1x16xi32>
      tpu.vector_store %arg6[%swap3A_121, %swap3A_122], %swap3A_125 {strides = array<i32>} : memref<160x128xi32, #tpu.memory_space<vmem>>, vector<1x16xi32>,
      %get3A_126 = arith.index_cast %scan3A_105 : i32 to index
      %get3A_127 = arith.constant 16 : index
      %get3A_128 = tpu.vector_load %arg7[%get3A_126, %get3A_127] {strides = array<i32>} : memref<160x128xi32, #tpu.memory_space<vmem>>, vector<1x16xi32>,
      %get3A_129 = vector.shape_cast %get3A_128 : vector<1x16xi32> to vector<16xi32>
      %sub3A_130 = arith.subi %get3A_129, %broadcast_in_dim3A_19 : vector<16xi32>
      %ge3A_131 = arith.constant 0 : i32
      %ge3A_132 = vector.broadcast %ge3A_131 : i32 to vector<16xi32>
      %ge3A_133 = arith.cmpi sge, %sub3A_130, %ge3A_132 : vector<16xi32>
      %lt3A_134 = arith.cmpi slt, %sub3A_130, %broadcast_in_dim3A_13 : vector<16xi32>
      %and3A_135 = arith.andi %ge3A_133, %lt3A_134 : vector<16xi1>
      %select_n3A_136 = arith.select %and3A_135, %sub3A_130, %broadcast_in_dim3A_11 : vector<16xi1>, vector<16xi32>
      %swap3A_137 = arith.index_cast %scan3A_105 : i32 to index
      %swap3A_138 = arith.constant 16 : index
      %swap3A_139 = tpu.vector_load %arg7[%swap3A_137, %swap3A_138] {strides = array<i32>} : memref<160x128xi32, #tpu.memory_space<vmem>>, vector<1x16xi32>,
      %swap3A_140 = vector.shape_cast %swap3A_139 : vector<1x16xi32> to vector<16xi32>
      %swap3A_141 = vector.shape_cast %select_n3A_136 : vector<16xi32> to vector<1x16xi32>
      tpu.vector_store %arg7[%swap3A_137, %swap3A_138], %swap3A_141 {strides = array<i32>} : memref<160x128xi32, #tpu.memory_space<vmem>>, vector<1x16xi32>,
      %get3A_142 = arith.index_cast %scan3A_105 : i32 to index
      %get3A_143 = arith.constant 16 : index
      %get3A_144 = tpu.vector_load %arg6[%get3A_142, %get3A_143] {strides = array<i32>} : memref<160x128xi32, #tpu.memory_space<vmem>>, vector<1x16xi32>,
      %get3A_145 = vector.shape_cast %get3A_144 : vector<1x16xi32> to vector<16xi32>
      %select_n3A_146 = arith.select %and3A_135, %get3A_145, %broadcast_in_dim3A_9 : vector<16xi1>, vector<16xi32>
      %swap3A_147 = arith.index_cast %scan3A_105 : i32 to index
      %swap3A_148 = arith.constant 16 : index
      %swap3A_149 = tpu.vector_load %arg6[%swap3A_147, %swap3A_148] {strides = array<i32>} : memref<160x128xi32, #tpu.memory_space<vmem>>, vector<1x16xi32>,
      %swap3A_150 = vector.shape_cast %swap3A_149 : vector<1x16xi32> to vector<16xi32>
      %swap3A_151 = vector.shape_cast %select_n3A_146 : vector<16xi32> to vector<1x16xi32>
      tpu.vector_store %arg6[%swap3A_147, %swap3A_148], %swap3A_151 {strides = array<i32>} : memref<160x128xi32, #tpu.memory_space<vmem>>, vector<1x16xi32>,
      %get3A_152 = arith.index_cast %scan3A_105 : i32 to index
      %get3A_153 = arith.constant 32 : index
      %get3A_154 = tpu.vector_load %arg7[%get3A_152, %get3A_153] {strides = array<i32>} : memref<160x128xi32, #tpu.memory_space<vmem>>, vector<1x16xi32>,
      %get3A_155 = vector.shape_cast %get3A_154 : vector<1x16xi32> to vector<16xi32>
      %sub3A_156 = arith.subi %get3A_155, %broadcast_in_dim3A_19 : vector<16xi32>
      %ge3A_157 = arith.constant 0 : i32
      %ge3A_158 = vector.broadcast %ge3A_157 : i32 to vector<16xi32>
      %ge3A_159 = arith.cmpi sge, %sub3A_156, %ge3A_158 : vector<16xi32>
      %lt3A_160 = arith.cmpi slt, %sub3A_156, %broadcast_in_dim3A_13 : vector<16xi32>
      %and3A_161 = arith.andi %ge3A_159, %lt3A_160 : vector<16xi1>
      %select_n3A_162 = arith.select %and3A_161, %sub3A_156, %broadcast_in_dim3A_11 : vector<16xi1>, vector<16xi32>
      %swap3A_163 = arith.index_cast %scan3A_105 : i32 to index
      %swap3A_164 = arith.constant 32 : index
      %swap3A_165 = tpu.vector_load %arg7[%swap3A_163, %swap3A_164] {strides = array<i32>} : memref<160x128xi32, #tpu.memory_space<vmem>>, vector<1x16xi32>,
      %swap3A_166 = vector.shape_cast %swap3A_165 : vector<1x16xi32> to vector<16xi32>
      %swap3A_167 = vector.shape_cast %select_n3A_162 : vector<16xi32> to vector<1x16xi32>
      tpu.vector_store %arg7[%swap3A_163, %swap3A_164], %swap3A_167 {strides = array<i32>} : memref<160x128xi32, #tpu.memory_space<vmem>>, vector<1x16xi32>,
      %get3A_168 = arith.index_cast %scan3A_105 : i32 to index
      %get3A_169 = arith.constant 32 : index
      %get3A_170 = tpu.vector_load %arg6[%get3A_168, %get3A_169] {strides = array<i32>} : memref<160x128xi32, #tpu.memory_space<vmem>>, vector<1x16xi32>,
      %get3A_171 = vector.shape_cast %get3A_170 : vector<1x16xi32> to vector<16xi32>
      %select_n3A_172 = arith.select %and3A_161, %get3A_171, %broadcast_in_dim3A_9 : vector<16xi1>, vector<16xi32>
      %swap3A_173 = arith.index_cast %scan3A_105 : i32 to index
      %swap3A_174 = arith.constant 32 : index
      %swap3A_175 = tpu.vector_load %arg6[%swap3A_173, %swap3A_174] {strides = array<i32>} : memref<160x128xi32, #tpu.memory_space<vmem>>, vector<1x16xi32>,
      %swap3A_176 = vector.shape_cast %swap3A_175 : vector<1x16xi32> to vector<16xi32>
      %swap3A_177 = vector.shape_cast %select_n3A_172 : vector<16xi32> to vector<1x16xi32>
      tpu.vector_store %arg6[%swap3A_173, %swap3A_174], %swap3A_177 {strides = array<i32>} : memref<160x128xi32, #tpu.memory_space<vmem>>, vector<1x16xi32>,
      %get3A_178 = arith.index_cast %scan3A_105 : i32 to index
      %get3A_179 = arith.constant 48 : index
      %get3A_180 = tpu.vector_load %arg7[%get3A_178, %get3A_179] {strides = array<i32>} : memref<160x128xi32, #tpu.memory_space<vmem>>, vector<1x16xi32>,
      %get3A_181 = vector.shape_cast %get3A_180 : vector<1x16xi32> to vector<16xi32>
      %sub3A_182 = arith.subi %get3A_181, %broadcast_in_dim3A_19 : vector<16xi32>
      %ge3A_183 = arith.constant 0 : i32
      %ge3A_184 = vector.broadcast %ge3A_183 : i32 to vector<16xi32>
      %ge3A_185 = arith.cmpi sge, %sub3A_182, %ge3A_184 : vector<16xi32>
      %lt3A_186 = arith.cmpi slt, %sub3A_182, %broadcast_in_dim3A_13 : vector<16xi32>
      %and3A_187 = arith.andi %ge3A_185, %lt3A_186 : vector<16xi1>
      %select_n3A_188 = arith.select %and3A_187, %sub3A_182, %broadcast_in_dim3A_11 : vector<16xi1>, vector<16xi32>
      %swap3A_189 = arith.index_cast %scan3A_105 : i32 to index
      %swap3A_190 = arith.constant 48 : index
      %swap3A_191 = tpu.vector_load %arg7[%swap3A_189, %swap3A_190] {strides = array<i32>} : memref<160x128xi32, #tpu.memory_space<vmem>>, vector<1x16xi32>,
      %swap3A_192 = vector.shape_cast %swap3A_191 : vector<1x16xi32> to vector<16xi32>
      %swap3A_193 = vector.shape_cast %select_n3A_188 : vector<16xi32> to vector<1x16xi32>
      tpu.vector_store %arg7[%swap3A_189, %swap3A_190], %swap3A_193 {strides = array<i32>} : memref<160x128xi32, #tpu.memory_space<vmem>>, vector<1x16xi32>,
      %get3A_194 = arith.index_cast %scan3A_105 : i32 to index
      %get3A_195 = arith.constant 48 : index
      %get3A_196 = tpu.vector_load %arg6[%get3A_194, %get3A_195] {strides = array<i32>} : memref<160x128xi32, #tpu.memory_space<vmem>>, vector<1x16xi32>,
      %get3A_197 = vector.shape_cast %get3A_196 : vector<1x16xi32> to vector<16xi32>
      %select_n3A_198 = arith.select %and3A_187, %get3A_197, %broadcast_in_dim3A_9 : vector<16xi1>, vector<16xi32>
      %swap3A_199 = arith.index_cast %scan3A_105 : i32 to index
      %swap3A_200 = arith.constant 48 : index
      %swap3A_201 = tpu.vector_load %arg6[%swap3A_199, %swap3A_200] {strides = array<i32>} : memref<160x128xi32, #tpu.memory_space<vmem>>, vector<1x16xi32>,
      %swap3A_202 = vector.shape_cast %swap3A_201 : vector<1x16xi32> to vector<16xi32>
      %swap3A_203 = vector.shape_cast %select_n3A_198 : vector<16xi32> to vector<1x16xi32>
      tpu.vector_store %arg6[%swap3A_199, %swap3A_200], %swap3A_203 {strides = array<i32>} : memref<160x128xi32, #tpu.memory_space<vmem>>, vector<1x16xi32>,
      %get3A_204 = arith.index_cast %scan3A_105 : i32 to index
      %get3A_205 = arith.constant 64 : index
      %get3A_206 = tpu.vector_load %arg7[%get3A_204, %get3A_205] {strides = array<i32>} : memref<160x128xi32, #tpu.memory_space<vmem>>, vector<1x16xi32>,
      %get3A_207 = vector.shape_cast %get3A_206 : vector<1x16xi32> to vector<16xi32>
      %sub3A_208 = arith.subi %get3A_207, %broadcast_in_dim3A_19 : vector<16xi32>
      %ge3A_209 = arith.constant 0 : i32
      %ge3A_210 = vector.broadcast %ge3A_209 : i32 to vector<16xi32>
      %ge3A_211 = arith.cmpi sge, %sub3A_208, %ge3A_210 : vector<16xi32>
      %lt3A_212 = arith.cmpi slt, %sub3A_208, %broadcast_in_dim3A_13 : vector<16xi32>
      %and3A_213 = arith.andi %ge3A_211, %lt3A_212 : vector<16xi1>
      %select_n3A_214 = arith.select %and3A_213, %sub3A_208, %broadcast_in_dim3A_11 : vector<16xi1>, vector<16xi32>
      %swap3A_215 = arith.index_cast %scan3A_105 : i32 to index
      %swap3A_216 = arith.constant 64 : index
      %swap3A_217 = tpu.vector_load %arg7[%swap3A_215, %swap3A_216] {strides = array<i32>} : memref<160x128xi32, #tpu.memory_space<vmem>>, vector<1x16xi32>,
      %swap3A_218 = vector.shape_cast %swap3A_217 : vector<1x16xi32> to vector<16xi32>
      %swap3A_219 = vector.shape_cast %select_n3A_214 : vector<16xi32> to vector<1x16xi32>
      tpu.vector_store %arg7[%swap3A_215, %swap3A_216], %swap3A_219 {strides = array<i32>} : memref<160x128xi32, #tpu.memory_space<vmem>>, vector<1x16xi32>,
      %get3A_220 = arith.index_cast %scan3A_105 : i32 to index
      %get3A_221 = arith.constant 64 : index
      %get3A_222 = tpu.vector_load %arg6[%get3A_220, %get3A_221] {strides = array<i32>} : memref<160x128xi32, #tpu.memory_space<vmem>>, vector<1x16xi32>,
      %get3A_223 = vector.shape_cast %get3A_222 : vector<1x16xi32> to vector<16xi32>
      %select_n3A_224 = arith.select %and3A_213, %get3A_223, %broadcast_in_dim3A_9 : vector<16xi1>, vector<16xi32>
      %swap3A_225 = arith.index_cast %scan3A_105 : i32 to index
      %swap3A_226 = arith.constant 64 : index
      %swap3A_227 = tpu.vector_load %arg6[%swap3A_225, %swap3A_226] {strides = array<i32>} : memref<160x128xi32, #tpu.memory_space<vmem>>, vector<1x16xi32>,
      %swap3A_228 = vector.shape_cast %swap3A_227 : vector<1x16xi32> to vector<16xi32>
      %swap3A_229 = vector.shape_cast %select_n3A_224 : vector<16xi32> to vector<1x16xi32>
      tpu.vector_store %arg6[%swap3A_225, %swap3A_226], %swap3A_229 {strides = array<i32>} : memref<160x128xi32, #tpu.memory_space<vmem>>, vector<1x16xi32>,
      %get3A_230 = arith.index_cast %scan3A_105 : i32 to index
      %get3A_231 = arith.constant 80 : index
      %get3A_232 = tpu.vector_load %arg7[%get3A_230, %get3A_231] {strides = array<i32>} : memref<160x128xi32, #tpu.memory_space<vmem>>, vector<1x16xi32>,
      %get3A_233 = vector.shape_cast %get3A_232 : vector<1x16xi32> to vector<16xi32>
      %sub3A_234 = arith.subi %get3A_233, %broadcast_in_dim3A_19 : vector<16xi32>
      %ge3A_235 = arith.constant 0 : i32
      %ge3A_236 = vector.broadcast %ge3A_235 : i32 to vector<16xi32>
      %ge3A_237 = arith.cmpi sge, %sub3A_234, %ge3A_236 : vector<16xi32>
      %lt3A_238 = arith.cmpi slt, %sub3A_234, %broadcast_in_dim3A_13 : vector<16xi32>
      %and3A_239 = arith.andi %ge3A_237, %lt3A_238 : vector<16xi1>
      %select_n3A_240 = arith.select %and3A_239, %sub3A_234, %broadcast_in_dim3A_11 : vector<16xi1>, vector<16xi32>
      %swap3A_241 = arith.index_cast %scan3A_105 : i32 to index
      %swap3A_242 = arith.constant 80 : index
      %swap3A_243 = tpu.vector_load %arg7[%swap3A_241, %swap3A_242] {strides = array<i32>} : memref<160x128xi32, #tpu.memory_space<vmem>>, vector<1x16xi32>,
      %swap3A_244 = vector.shape_cast %swap3A_243 : vector<1x16xi32> to vector<16xi32>
      %swap3A_245 = vector.shape_cast %select_n3A_240 : vector<16xi32> to vector<1x16xi32>
      tpu.vector_store %arg7[%swap3A_241, %swap3A_242], %swap3A_245 {strides = array<i32>} : memref<160x128xi32, #tpu.memory_space<vmem>>, vector<1x16xi32>,
      %get3A_246 = arith.index_cast %scan3A_105 : i32 to index
      %get3A_247 = arith.constant 80 : index
      %get3A_248 = tpu.vector_load %arg6[%get3A_246, %get3A_247] {strides = array<i32>} : memref<160x128xi32, #tpu.memory_space<vmem>>, vector<1x16xi32>,
      %get3A_249 = vector.shape_cast %get3A_248 : vector<1x16xi32> to vector<16xi32>
      %select_n3A_250 = arith.select %and3A_239, %get3A_249, %broadcast_in_dim3A_9 : vector<16xi1>, vector<16xi32>
      %swap3A_251 = arith.index_cast %scan3A_105 : i32 to index
      %swap3A_252 = arith.constant 80 : index
      %swap3A_253 = tpu.vector_load %arg6[%swap3A_251, %swap3A_252] {strides = array<i32>} : memref<160x128xi32, #tpu.memory_space<vmem>>, vector<1x16xi32>,
      %swap3A_254 = vector.shape_cast %swap3A_253 : vector<1x16xi32> to vector<16xi32>
      %swap3A_255 = vector.shape_cast %select_n3A_250 : vector<16xi32> to vector<1x16xi32>
      tpu.vector_store %arg6[%swap3A_251, %swap3A_252], %swap3A_255 {strides = array<i32>} : memref<160x128xi32, #tpu.memory_space<vmem>>, vector<1x16xi32>,
      %get3A_256 = arith.index_cast %scan3A_105 : i32 to index
      %get3A_257 = arith.constant 96 : index
      %get3A_258 = tpu.vector_load %arg7[%get3A_256, %get3A_257] {strides = array<i32>} : memref<160x128xi32, #tpu.memory_space<vmem>>, vector<1x16xi32>,
      %get3A_259 = vector.shape_cast %get3A_258 : vector<1x16xi32> to vector<16xi32>
      %sub3A_260 = arith.subi %get3A_259, %broadcast_in_dim3A_19 : vector<16xi32>
      %ge3A_261 = arith.constant 0 : i32
      %ge3A_262 = vector.broadcast %ge3A_261 : i32 to vector<16xi32>
      %ge3A_263 = arith.cmpi sge, %sub3A_260, %ge3A_262 : vector<16xi32>
      %lt3A_264 = arith.cmpi slt, %sub3A_260, %broadcast_in_dim3A_13 : vector<16xi32>
      %and3A_265 = arith.andi %ge3A_263, %lt3A_264 : vector<16xi1>
      %select_n3A_266 = arith.select %and3A_265, %sub3A_260, %broadcast_in_dim3A_11 : vector<16xi1>, vector<16xi32>
      %swap3A_267 = arith.index_cast %scan3A_105 : i32 to index
      %swap3A_268 = arith.constant 96 : index
      %swap3A_269 = tpu.vector_load %arg7[%swap3A_267, %swap3A_268] {strides = array<i32>} : memref<160x128xi32, #tpu.memory_space<vmem>>, vector<1x16xi32>,
      %swap3A_270 = vector.shape_cast %swap3A_269 : vector<1x16xi32> to vector<16xi32>
      %swap3A_271 = vector.shape_cast %select_n3A_266 : vector<16xi32> to vector<1x16xi32>
      tpu.vector_store %arg7[%swap3A_267, %swap3A_268], %swap3A_271 {strides = array<i32>} : memref<160x128xi32, #tpu.memory_space<vmem>>, vector<1x16xi32>,
      %get3A_272 = arith.index_cast %scan3A_105 : i32 to index
      %get3A_273 = arith.constant 96 : index
      %get3A_274 = tpu.vector_load %arg6[%get3A_272, %get3A_273] {strides = array<i32>} : memref<160x128xi32, #tpu.memory_space<vmem>>, vector<1x16xi32>,
      %get3A_275 = vector.shape_cast %get3A_274 : vector<1x16xi32> to vector<16xi32>
      %select_n3A_276 = arith.select %and3A_265, %get3A_275, %broadcast_in_dim3A_9 : vector<16xi1>, vector<16xi32>
      %swap3A_277 = arith.index_cast %scan3A_105 : i32 to index
      %swap3A_278 = arith.constant 96 : index
      %swap3A_279 = tpu.vector_load %arg6[%swap3A_277, %swap3A_278] {strides = array<i32>} : memref<160x128xi32, #tpu.memory_space<vmem>>, vector<1x16xi32>,
      %swap3A_280 = vector.shape_cast %swap3A_279 : vector<1x16xi32> to vector<16xi32>
      %swap3A_281 = vector.shape_cast %select_n3A_276 : vector<16xi32> to vector<1x16xi32>
      tpu.vector_store %arg6[%swap3A_277, %swap3A_278], %swap3A_281 {strides = array<i32>} : memref<160x128xi32, #tpu.memory_space<vmem>>, vector<1x16xi32>,
      %get3A_282 = arith.index_cast %scan3A_105 : i32 to index
      %get3A_283 = arith.constant 112 : index
      %get3A_284 = tpu.vector_load %arg7[%get3A_282, %get3A_283] {strides = array<i32>} : memref<160x128xi32, #tpu.memory_space<vmem>>, vector<1x16xi32>,
      %get3A_285 = vector.shape_cast %get3A_284 : vector<1x16xi32> to vector<16xi32>
      %sub3A_286 = arith.subi %get3A_285, %broadcast_in_dim3A_19 : vector<16xi32>
      %ge3A_287 = arith.constant 0 : i32
      %ge3A_288 = vector.broadcast %ge3A_287 : i32 to vector<16xi32>
      %ge3A_289 = arith.cmpi sge, %sub3A_286, %ge3A_288 : vector<16xi32>
      %lt3A_290 = arith.cmpi slt, %sub3A_286, %broadcast_in_dim3A_13 : vector<16xi32>
      %and3A_291 = arith.andi %ge3A_289, %lt3A_290 : vector<16xi1>
      %select_n3A_292 = arith.select %and3A_291, %sub3A_286, %broadcast_in_dim3A_11 : vector<16xi1>, vector<16xi32>
      %swap3A_293 = arith.index_cast %scan3A_105 : i32 to index
      %swap3A_294 = arith.constant 112 : index
      %swap3A_295 = tpu.vector_load %arg7[%swap3A_293, %swap3A_294] {strides = array<i32>} : memref<160x128xi32, #tpu.memory_space<vmem>>, vector<1x16xi32>,
      %swap3A_296 = vector.shape_cast %swap3A_295 : vector<1x16xi32> to vector<16xi32>
      %swap3A_297 = vector.shape_cast %select_n3A_292 : vector<16xi32> to vector<1x16xi32>
      tpu.vector_store %arg7[%swap3A_293, %swap3A_294], %swap3A_297 {strides = array<i32>} : memref<160x128xi32, #tpu.memory_space<vmem>>, vector<1x16xi32>,
      %get3A_298 = arith.index_cast %scan3A_105 : i32 to index
      %get3A_299 = arith.constant 112 : index
      %get3A_300 = tpu.vector_load %arg6[%get3A_298, %get3A_299] {strides = array<i32>} : memref<160x128xi32, #tpu.memory_space<vmem>>, vector<1x16xi32>,
      %get3A_301 = vector.shape_cast %get3A_300 : vector<1x16xi32> to vector<16xi32>
      %select_n3A_302 = arith.select %and3A_291, %get3A_301, %broadcast_in_dim3A_9 : vector<16xi1>, vector<16xi32>
      %swap3A_303 = arith.index_cast %scan3A_105 : i32 to index
      %swap3A_304 = arith.constant 112 : index
      %swap3A_305 = tpu.vector_load %arg6[%swap3A_303, %swap3A_304] {strides = array<i32>} : memref<160x128xi32, #tpu.memory_space<vmem>>, vector<1x16xi32>,
      %swap3A_306 = vector.shape_cast %swap3A_305 : vector<1x16xi32> to vector<16xi32>
      %swap3A_307 = vector.shape_cast %select_n3A_302 : vector<16xi32> to vector<1x16xi32>
      tpu.vector_store %arg6[%swap3A_303, %swap3A_304], %swap3A_307 {strides = array<i32>} : memref<160x128xi32, #tpu.memory_space<vmem>>, vector<1x16xi32>,
      %scan3A_308 = arith.constant 0 : i32
      scf.yield %scan3A_308 : i32
    }
    %scan3A_26 = arith.constant 160 : i32
    "tpu.region"() ({
      %run_scoped3A_105 = tpu.sem_alloc : memref<!tpu.dma_semaphore, #tpu.memory_space<semaphore_mem>>
      %dma_start3A_106 = arith.constant 0 : i32
      %dma_start3A_107 = tpu.memref_slice %arg10[%mul3A_7, %dma_start3A_106] : memref<2560x128xf32, #tpu.memory_space<vmem_shared>> -> memref<160x128xf32, #tpu.memory_space<vmem_shared>>
      %dma_start3A_108 = arith.constant 0 : i32
      %dma_start3A_109 = tpu.memref_slice %arg10[%mul3A_7, %dma_start3A_108] : memref<2560x128xf32, #tpu.memory_space<vmem_shared>> -> memref<160x128xf32, #tpu.memory_space<vmem_shared>>
      tpu.enqueue_dma source(%arg9 : memref<160x128xf32, #tpu.memory_space<vmem>>) target(%dma_start3A_109 : memref<160x128xf32, #tpu.memory_space<vmem_shared>>) target_semaphore(%run_scoped3A_105 : memref<!tpu.dma_semaphore, #tpu.memory_space<semaphore_mem>>)
      %dma_wait3A_110 = arith.constant 0 : i32
      %dma_wait3A_111 = tpu.memref_slice %arg10[%mul3A_7, %dma_wait3A_110] : memref<2560x128xf32, #tpu.memory_space<vmem_shared>> -> memref<160x128xf32, #tpu.memory_space<vmem_shared>>
      %dma_wait3A_112 = arith.constant 0 : i32
      %dma_wait3A_113 = tpu.memref_slice %arg10[%mul3A_7, %dma_wait3A_112] : memref<2560x128xf32, #tpu.memory_space<vmem_shared>> -> memref<160x128xf32, #tpu.memory_space<vmem_shared>>
      tpu.wait_dma2 semaphore(%run_scoped3A_105 : memref<!tpu.dma_semaphore, #tpu.memory_space<semaphore_mem>>) src(%arg9 : memref<160x128xf32, #tpu.memory_space<vmem>>) dst(%dma_wait3A_113 : memref<160x128xf32, #tpu.memory_space<vmem_shared>>)
      tpu.yield
    }) : () -> ()
    %barrier3A = arith.constant 0 : index
    tpu.barrier barrier_id(%barrier3A)
    %dma_start3A = arith.constant 0 : i32
    %dma_start3A_27 = arith.constant 0 : i32
    %dma_start3A_28 = arith.constant 0 : i32
    %dma_start3A_29 = arith.constant 0 : i32
    %dma_start3A_30 = tpu.memref_slice %arg8[%dma_start3A_27, %dma_start3A_28, %dma_start3A_29] : memref<2x128x128xf32, #tpu.memory_space<vmem>> -> memref<1x128x128xf32, #tpu.memory_space<vmem>>
    %dma_start3A_31 = tpu.memref_squeeze %dma_start3A_30 : memref<1x128x128xf32, #tpu.memory_space<vmem>> -> memref<128x128xf32, #tpu.memory_space<vmem>>
    %dma_start3A_32 = arith.constant 0 : i32
    %dma_start3A_33 = tpu.memref_slice %arg6[%dma_start3A, %dma_start3A_32] : memref<160x128xi32, #tpu.memory_space<vmem>> -> memref<1x128xi32, #tpu.memory_space<vmem>>
    %dma_start3A_34 = tpu.memref_squeeze %dma_start3A_33 : memref<1x128xi32, #tpu.memory_space<vmem>> -> memref<128xi32, #tpu.memory_space<vmem>>
    %dma_start3A_35 = arith.constant 0 : i32
    %dma_start3A_36 = arith.constant 0 : i32
    %dma_start3A_37 = tpu.memref_slice %arg2[%dma_start3A_35, %dma_start3A_36] : memref<10240x128xf32, #tpu.memory_space<hbm>> -> memref<10240x128xf32, #tpu.memory_space<hbm>>
    tpu.enqueue_indirect_dma source(%dma_start3A_37 : memref<10240x128xf32, #tpu.memory_space<hbm>>) target(%dma_start3A_31 : memref<128x128xf32, #tpu.memory_space<vmem>>) offsets(%dma_start3A_34 : memref<128xi32, #tpu.memory_space<vmem>>) semaphore(%arg11 : memref<!tpu.dma_semaphore, #tpu.memory_space<semaphore_mem>>)
    %scan3A_38 = arith.constant 0 : i32
    %scan3A_39 = arith.constant 0 : i32
    %scan3A_40 = arith.constant 80 : i32
    %scan3A_41 = arith.addi %scan3A_39, %scan3A_40 : i32
    %scan3A_42 = arith.constant 1 : i32
    %scan3A_43 = scf.for %scan3A_105 = %scan3A_39 to %scan3A_41 step %scan3A_42 iter_args(%scan3A_106 = %scan3A_38) -> (i32)  : i32 {
      %mul3A_107 = arith.constant 2 : i32
      %mul3A_108 = arith.muli %mul3A_107, %scan3A_105 : i32
      %add3A_109 = arith.constant 0 : i32
      %add3A_110 = arith.addi %mul3A_108, %add3A_109 : i32
      %dma_wait3A_111 = arith.constant 0 : i32
      %dma_wait3A_112 = arith.constant 0 : i32
      %dma_wait3A_113 = arith.constant 0 : i32
      %dma_wait3A_114 = arith.constant 0 : i32
      %dma_wait3A_115 = tpu.memref_slice %arg8[%dma_wait3A_112, %dma_wait3A_113, %dma_wait3A_114] : memref<2x128x128xf32, #tpu.memory_space<vmem>> -> memref<1x128x128xf32, #tpu.memory_space<vmem>>
      %dma_wait3A_116 = tpu.memref_squeeze %dma_wait3A_115 : memref<1x128x128xf32, #tpu.memory_space<vmem>> -> memref<128x128xf32, #tpu.memory_space<vmem>>
      %dma_wait3A_117 = arith.constant 0 : i32
      %dma_wait3A_118 = tpu.memref_slice %arg6[%dma_wait3A_111, %dma_wait3A_117] : memref<160x128xi32, #tpu.memory_space<vmem>> -> memref<1x128xi32, #tpu.memory_space<vmem>>
      %dma_wait3A_119 = tpu.memref_squeeze %dma_wait3A_118 : memref<1x128xi32, #tpu.memory_space<vmem>> -> memref<128xi32, #tpu.memory_space<vmem>>
      %dma_wait3A_120 = arith.constant 0 : i32
      %dma_wait3A_121 = arith.constant 0 : i32
      %dma_wait3A_122 = tpu.memref_slice %arg2[%dma_wait3A_120, %dma_wait3A_121] : memref<10240x128xf32, #tpu.memory_space<hbm>> -> memref<10240x128xf32, #tpu.memory_space<hbm>>
      tpu.wait_indirect_dma semaphore(%arg11 : memref<!tpu.dma_semaphore, #tpu.memory_space<semaphore_mem>>) src(%dma_wait3A_122 : memref<10240x128xf32, #tpu.memory_space<hbm>>) dst(%dma_wait3A_116 : memref<128x128xf32, #tpu.memory_space<vmem>>)
      %add3A_123 = arith.constant 1 : i32
      %add3A_124 = arith.addi %add3A_110, %add3A_123 : i32
      %rem3A = arith.constant 160 : i32
      %rem3A_125 = arith.remsi %add3A_124, %rem3A : i32
      %dma_start3A_126 = arith.constant 1 : i32
      %dma_start3A_127 = arith.constant 0 : i32
      %dma_start3A_128 = arith.constant 0 : i32
      %dma_start3A_129 = tpu.memref_slice %arg8[%dma_start3A_126, %dma_start3A_127, %dma_start3A_128] : memref<2x128x128xf32, #tpu.memory_space<vmem>> -> memref<1x128x128xf32, #tpu.memory_space<vmem>>
      %dma_start3A_130 = tpu.memref_squeeze %dma_start3A_129 : memref<1x128x128xf32, #tpu.memory_space<vmem>> -> memref<128x128xf32, #tpu.memory_space<vmem>>
      %dma_start3A_131 = arith.constant 0 : i32
      %dma_start3A_132 = tpu.memref_slice %arg6[%rem3A_125, %dma_start3A_131] : memref<160x128xi32, #tpu.memory_space<vmem>> -> memref<1x128xi32, #tpu.memory_space<vmem>>
      %dma_start3A_133 = tpu.memref_squeeze %dma_start3A_132 : memref<1x128xi32, #tpu.memory_space<vmem>> -> memref<128xi32, #tpu.memory_space<vmem>>
      %dma_start3A_134 = arith.constant 0 : i32
      %dma_start3A_135 = arith.constant 0 : i32
      %dma_start3A_136 = tpu.memref_slice %arg2[%dma_start3A_134, %dma_start3A_135] : memref<10240x128xf32, #tpu.memory_space<hbm>> -> memref<10240x128xf32, #tpu.memory_space<hbm>>
      tpu.enqueue_indirect_dma source(%dma_start3A_136 : memref<10240x128xf32, #tpu.memory_space<hbm>>) target(%dma_start3A_130 : memref<128x128xf32, #tpu.memory_space<vmem>>) offsets(%dma_start3A_133 : memref<128xi32, #tpu.memory_space<vmem>>) semaphore(%arg12 : memref<!tpu.dma_semaphore, #tpu.memory_space<semaphore_mem>>)
      %run_scoped3A_137 = arith.constant 0 : i32
      "tpu.region"() ({
        %run_scoped3A_171 = tpu.sem_alloc : memref<!tpu.dma_semaphore, #tpu.memory_space<semaphore_mem>>
        %dma_start3A_172 = arith.constant 0 : i32
        %dma_start3A_173 = arith.constant 0 : i32
        %dma_start3A_174 = tpu.memref_slice %arg8[%run_scoped3A_137, %dma_start3A_172, %dma_start3A_173] : memref<2x128x128xf32, #tpu.memory_space<vmem>> -> memref<1x128x128xf32, #tpu.memory_space<vmem>>
        %dma_start3A_175 = tpu.memref_squeeze %dma_start3A_174 : memref<1x128x128xf32, #tpu.memory_space<vmem>> -> memref<128x128xf32, #tpu.memory_space<vmem>>
        %dma_start3A_176 = arith.constant 0 : i32
        %dma_start3A_177 = tpu.memref_slice %arg7[%add3A_110, %dma_start3A_176] : memref<160x128xi32, #tpu.memory_space<vmem>> -> memref<1x128xi32, #tpu.memory_space<vmem>>
        %dma_start3A_178 = tpu.memref_squeeze %dma_start3A_177 : memref<1x128xi32, #tpu.memory_space<vmem>> -> memref<128xi32, #tpu.memory_space<vmem>>
        %dma_start3A_179 = arith.constant 0 : i32
        %dma_start3A_180 = arith.constant 0 : i32
        %dma_start3A_181 = tpu.memref_slice %arg10[%dma_start3A_179, %dma_start3A_180] : memref<2560x128xf32, #tpu.memory_space<vmem_shared>> -> memref<2560x128xf32, #tpu.memory_space<vmem_shared>>
        tpu.enqueue_indirect_dma source(%dma_start3A_175 : memref<128x128xf32, #tpu.memory_space<vmem>>) target(%dma_start3A_181 : memref<2560x128xf32, #tpu.memory_space<vmem_shared>>) offsets(%dma_start3A_178 : memref<128xi32, #tpu.memory_space<vmem>>) semaphore(%run_scoped3A_171 : memref<!tpu.dma_semaphore, #tpu.memory_space<semaphore_mem>>) {add = true}
        %dma_wait3A_182 = arith.constant 0 : i32
        %dma_wait3A_183 = arith.constant 0 : i32
        %dma_wait3A_184 = tpu.memref_slice %arg8[%run_scoped3A_137, %dma_wait3A_182, %dma_wait3A_183] : memref<2x128x128xf32, #tpu.memory_space<vmem>> -> memref<1x128x128xf32, #tpu.memory_space<vmem>>
        %dma_wait3A_185 = tpu.memref_squeeze %dma_wait3A_184 : memref<1x128x128xf32, #tpu.memory_space<vmem>> -> memref<128x128xf32, #tpu.memory_space<vmem>>
        %dma_wait3A_186 = arith.constant 0 : i32
        %dma_wait3A_187 = tpu.memref_slice %arg7[%add3A_110, %dma_wait3A_186] : memref<160x128xi32, #tpu.memory_space<vmem>> -> memref<1x128xi32, #tpu.memory_space<vmem>>
        %dma_wait3A_188 = tpu.memref_squeeze %dma_wait3A_187 : memref<1x128xi32, #tpu.memory_space<vmem>> -> memref<128xi32, #tpu.memory_space<vmem>>
        %dma_wait3A_189 = arith.constant 0 : i32
        %dma_wait3A_190 = arith.constant 0 : i32
        %dma_wait3A_191 = tpu.memref_slice %arg10[%dma_wait3A_189, %dma_wait3A_190] : memref<2560x128xf32, #tpu.memory_space<vmem_shared>> -> memref<2560x128xf32, #tpu.memory_space<vmem_shared>>
        tpu.wait_indirect_dma semaphore(%run_scoped3A_171 : memref<!tpu.dma_semaphore, #tpu.memory_space<semaphore_mem>>) src(%dma_wait3A_185 : memref<128x128xf32, #tpu.memory_space<vmem>>) dst(%dma_wait3A_191 : memref<2560x128xf32, #tpu.memory_space<vmem_shared>>)
        tpu.yield
      }) : () -> ()
      %mul3A_138 = arith.constant 2 : i32
      %mul3A_139 = arith.muli %mul3A_138, %scan3A_105 : i32
      %add3A_140 = arith.constant 1 : i32
      %add3A_141 = arith.addi %mul3A_139, %add3A_140 : i32
      %dma_wait3A_142 = arith.constant 0 : i32
      %dma_wait3A_143 = arith.constant 1 : i32
      %dma_wait3A_144 = arith.constant 0 : i32
      %dma_wait3A_145 = arith.constant 0 : i32
      %dma_wait3A_146 = tpu.memref_slice %arg8[%dma_wait3A_143, %dma_wait3A_144, %dma_wait3A_145] : memref<2x128x128xf32, #tpu.memory_space<vmem>> -> memref<1x128x128xf32, #tpu.memory_space<vmem>>
      %dma_wait3A_147 = tpu.memref_squeeze %dma_wait3A_146 : memref<1x128x128xf32, #tpu.memory_space<vmem>> -> memref<128x128xf32, #tpu.memory_space<vmem>>
      %dma_wait3A_148 = arith.constant 0 : i32
      %dma_wait3A_149 = tpu.memref_slice %arg6[%dma_wait3A_142, %dma_wait3A_148] : memref<160x128xi32, #tpu.memory_space<vmem>> -> memref<1x128xi32, #tpu.memory_space<vmem>>
      %dma_wait3A_150 = tpu.memref_squeeze %dma_wait3A_149 : memref<1x128xi32, #tpu.memory_space<vmem>> -> memref<128xi32, #tpu.memory_space<vmem>>
      %dma_wait3A_151 = arith.constant 0 : i32
      %dma_wait3A_152 = arith.constant 0 : i32
      %dma_wait3A_153 = tpu.memref_slice %arg2[%dma_wait3A_151, %dma_wait3A_152] : memref<10240x128xf32, #tpu.memory_space<hbm>> -> memref<10240x128xf32, #tpu.memory_space<hbm>>
      tpu.wait_indirect_dma semaphore(%arg12 : memref<!tpu.dma_semaphore, #tpu.memory_space<semaphore_mem>>) src(%dma_wait3A_153 : memref<10240x128xf32, #tpu.memory_space<hbm>>) dst(%dma_wait3A_147 : memref<128x128xf32, #tpu.memory_space<vmem>>)
      %add3A_154 = arith.constant 1 : i32
      %add3A_155 = arith.addi %add3A_141, %add3A_154 : i32
      %rem3A_156 = arith.constant 160 : i32
      %rem3A_157 = arith.remsi %add3A_155, %rem3A_156 : i32
      %dma_start3A_158 = arith.constant 0 : i32
      %dma_start3A_159 = arith.constant 0 : i32
      %dma_start3A_160 = arith.constant 0 : i32
      %dma_start3A_161 = tpu.memref_slice %arg8[%dma_start3A_158, %dma_start3A_159, %dma_start3A_160] : memref<2x128x128xf32, #tpu.memory_space<vmem>> -> memref<1x128x128xf32, #tpu.memory_space<vmem>>
      %dma_start3A_162 = tpu.memref_squeeze %dma_start3A_161 : memref<1x128x128xf32, #tpu.memory_space<vmem>> -> memref<128x128xf32, #tpu.memory_space<vmem>>
      %dma_start3A_163 = arith.constant 0 : i32
      %dma_start3A_164 = tpu.memref_slice %arg6[%rem3A_157, %dma_start3A_163] : memref<160x128xi32, #tpu.memory_space<vmem>> -> memref<1x128xi32, #tpu.memory_space<vmem>>
      %dma_start3A_165 = tpu.memref_squeeze %dma_start3A_164 : memref<1x128xi32, #tpu.memory_space<vmem>> -> memref<128xi32, #tpu.memory_space<vmem>>
      %dma_start3A_166 = arith.constant 0 : i32
      %dma_start3A_167 = arith.constant 0 : i32
      %dma_start3A_168 = tpu.memref_slice %arg2[%dma_start3A_166, %dma_start3A_167] : memref<10240x128xf32, #tpu.memory_space<hbm>> -> memref<10240x128xf32, #tpu.memory_space<hbm>>
      tpu.enqueue_indirect_dma source(%dma_start3A_168 : memref<10240x128xf32, #tpu.memory_space<hbm>>) target(%dma_start3A_162 : memref<128x128xf32, #tpu.memory_space<vmem>>) offsets(%dma_start3A_165 : memref<128xi32, #tpu.memory_space<vmem>>) semaphore(%arg11 : memref<!tpu.dma_semaphore, #tpu.memory_space<semaphore_mem>>)
      %run_scoped3A_169 = arith.constant 1 : i32
      "tpu.region"() ({
        %run_scoped3A_171 = tpu.sem_alloc : memref<!tpu.dma_semaphore, #tpu.memory_space<semaphore_mem>>
        %dma_start3A_172 = arith.constant 0 : i32
        %dma_start3A_173 = arith.constant 0 : i32
        %dma_start3A_174 = tpu.memref_slice %arg8[%run_scoped3A_169, %dma_start3A_172, %dma_start3A_173] : memref<2x128x128xf32, #tpu.memory_space<vmem>> -> memref<1x128x128xf32, #tpu.memory_space<vmem>>
        %dma_start3A_175 = tpu.memref_squeeze %dma_start3A_174 : memref<1x128x128xf32, #tpu.memory_space<vmem>> -> memref<128x128xf32, #tpu.memory_space<vmem>>
        %dma_start3A_176 = arith.constant 0 : i32
        %dma_start3A_177 = tpu.memref_slice %arg7[%add3A_141, %dma_start3A_176] : memref<160x128xi32, #tpu.memory_space<vmem>> -> memref<1x128xi32, #tpu.memory_space<vmem>>
        %dma_start3A_178 = tpu.memref_squeeze %dma_start3A_177 : memref<1x128xi32, #tpu.memory_space<vmem>> -> memref<128xi32, #tpu.memory_space<vmem>>
        %dma_start3A_179 = arith.constant 0 : i32
        %dma_start3A_180 = arith.constant 0 : i32
        %dma_start3A_181 = tpu.memref_slice %arg10[%dma_start3A_179, %dma_start3A_180] : memref<2560x128xf32, #tpu.memory_space<vmem_shared>> -> memref<2560x128xf32, #tpu.memory_space<vmem_shared>>
        tpu.enqueue_indirect_dma source(%dma_start3A_175 : memref<128x128xf32, #tpu.memory_space<vmem>>) target(%dma_start3A_181 : memref<2560x128xf32, #tpu.memory_space<vmem_shared>>) offsets(%dma_start3A_178 : memref<128xi32, #tpu.memory_space<vmem>>) semaphore(%run_scoped3A_171 : memref<!tpu.dma_semaphore, #tpu.memory_space<semaphore_mem>>) {add = true}
        %dma_wait3A_182 = arith.constant 0 : i32
        %dma_wait3A_183 = arith.constant 0 : i32
        %dma_wait3A_184 = tpu.memref_slice %arg8[%run_scoped3A_169, %dma_wait3A_182, %dma_wait3A_183] : memref<2x128x128xf32, #tpu.memory_space<vmem>> -> memref<1x128x128xf32, #tpu.memory_space<vmem>>
        %dma_wait3A_185 = tpu.memref_squeeze %dma_wait3A_184 : memref<1x128x128xf32, #tpu.memory_space<vmem>> -> memref<128x128xf32, #tpu.memory_space<vmem>>
        %dma_wait3A_186 = arith.constant 0 : i32
        %dma_wait3A_187 = tpu.memref_slice %arg7[%add3A_141, %dma_wait3A_186] : memref<160x128xi32, #tpu.memory_space<vmem>> -> memref<1x128xi32, #tpu.memory_space<vmem>>
        %dma_wait3A_188 = tpu.memref_squeeze %dma_wait3A_187 : memref<1x128xi32, #tpu.memory_space<vmem>> -> memref<128xi32, #tpu.memory_space<vmem>>
        %dma_wait3A_189 = arith.constant 0 : i32
        %dma_wait3A_190 = arith.constant 0 : i32
        %dma_wait3A_191 = tpu.memref_slice %arg10[%dma_wait3A_189, %dma_wait3A_190] : memref<2560x128xf32, #tpu.memory_space<vmem_shared>> -> memref<2560x128xf32, #tpu.memory_space<vmem_shared>>
        tpu.wait_indirect_dma semaphore(%run_scoped3A_171 : memref<!tpu.dma_semaphore, #tpu.memory_space<semaphore_mem>>) src(%dma_wait3A_185 : memref<128x128xf32, #tpu.memory_space<vmem>>) dst(%dma_wait3A_191 : memref<2560x128xf32, #tpu.memory_space<vmem_shared>>)
        tpu.yield
      }) : () -> ()
      %scan3A_170 = arith.constant 0 : i32
      scf.yield %scan3A_170 : i32
    }
    %scan3A_44 = arith.constant 80 : i32
    %dma_wait3A = arith.constant 0 : i32
    %dma_wait3A_45 = arith.constant 0 : i32
    %dma_wait3A_46 = arith.constant 0 : i32
    %dma_wait3A_47 = arith.constant 0 : i32
    %dma_wait3A_48 = tpu.memref_slice %arg8[%dma_wait3A_45, %dma_wait3A_46, %dma_wait3A_47] : memref<2x128x128xf32, #tpu.memory_space<vmem>> -> memref<1x128x128xf32, #tpu.memory_space<vmem>>
    %dma_wait3A_49 = tpu.memref_squeeze %dma_wait3A_48 : memref<1x128x128xf32, #tpu.memory_space<vmem>> -> memref<128x128xf32, #tpu.memory_space<vmem>>
    %dma_wait3A_50 = arith.constant 0 : i32
    %dma_wait3A_51 = tpu.memref_slice %arg6[%dma_wait3A, %dma_wait3A_50] : memref<160x128xi32, #tpu.memory_space<vmem>> -> memref<1x128xi32, #tpu.memory_space<vmem>>
    %dma_wait3A_52 = tpu.memref_squeeze %dma_wait3A_51 : memref<1x128xi32, #tpu.memory_space<vmem>> -> memref<128xi32, #tpu.memory_space<vmem>>
    %dma_wait3A_53 = arith.constant 0 : i32
    %dma_wait3A_54 = arith.constant 0 : i32
    %dma_wait3A_55 = tpu.memref_slice %arg2[%dma_wait3A_53, %dma_wait3A_54] : memref<10240x128xf32, #tpu.memory_space<hbm>> -> memref<10240x128xf32, #tpu.memory_space<hbm>>
    tpu.wait_indirect_dma semaphore(%arg11 : memref<!tpu.dma_semaphore, #tpu.memory_space<semaphore_mem>>) src(%dma_wait3A_55 : memref<10240x128xf32, #tpu.memory_space<hbm>>) dst(%dma_wait3A_49 : memref<128x128xf32, #tpu.memory_space<vmem>>)
    %barrier3A_56 = arith.constant 0 : index
    tpu.barrier barrier_id(%barrier3A_56)
    %run_scoped3A = arith.constant 0 : i32
    "tpu.region"() ({
      %run_scoped3A_105 = tpu.sem_alloc : memref<!tpu.dma_semaphore, #tpu.memory_space<semaphore_mem>>
      %dma_start3A_106 = arith.constant 0 : i32
      %dma_start3A_107 = tpu.memref_slice %arg5[%arg0, %run_scoped3A, %mul3A_7, %dma_start3A_106] : memref<2x2x2560x128xf32, #tpu.memory_space<hbm>> -> memref<1x1x160x128xf32, #tpu.memory_space<hbm>>
      %dma_start3A_108 = tpu.memref_squeeze %dma_start3A_107 : memref<1x1x160x128xf32, #tpu.memory_space<hbm>> -> memref<160x128xf32, #tpu.memory_space<hbm>>
      %dma_start3A_109 = arith.constant 0 : i32
      %dma_start3A_110 = tpu.memref_slice %arg10[%mul3A_7, %dma_start3A_109] : memref<2560x128xf32, #tpu.memory_space<vmem_shared>> -> memref<160x128xf32, #tpu.memory_space<vmem_shared>>
      tpu.enqueue_dma source(%dma_start3A_110 : memref<160x128xf32, #tpu.memory_space<vmem_shared>>) target(%dma_start3A_108 : memref<160x128xf32, #tpu.memory_space<hbm>>) target_semaphore(%run_scoped3A_105 : memref<!tpu.dma_semaphore, #tpu.memory_space<semaphore_mem>>)
      %dma_wait3A_111 = arith.constant 0 : i32
      %dma_wait3A_112 = tpu.memref_slice %arg5[%arg0, %run_scoped3A, %mul3A_7, %dma_wait3A_111] : memref<2x2x2560x128xf32, #tpu.memory_space<hbm>> -> memref<1x1x160x128xf32, #tpu.memory_space<hbm>>
      %dma_wait3A_113 = tpu.memref_squeeze %dma_wait3A_112 : memref<1x1x160x128xf32, #tpu.memory_space<hbm>> -> memref<160x128xf32, #tpu.memory_space<hbm>>
      %dma_wait3A_114 = arith.constant 0 : i32
      %dma_wait3A_115 = tpu.memref_slice %arg10[%mul3A_7, %dma_wait3A_114] : memref<2560x128xf32, #tpu.memory_space<vmem_shared>> -> memref<160x128xf32, #tpu.memory_space<vmem_shared>>
      tpu.wait_dma2 semaphore(%run_scoped3A_105 : memref<!tpu.dma_semaphore, #tpu.memory_space<semaphore_mem>>) src(%dma_wait3A_115 : memref<160x128xf32, #tpu.memory_space<vmem_shared>>) dst(%dma_wait3A_113 : memref<160x128xf32, #tpu.memory_space<hbm>>)
      tpu.yield
    }) : () -> ()
    "tpu.region"() ({
      %run_scoped3A_105 = tpu.sem_alloc : memref<!tpu.dma_semaphore, #tpu.memory_space<semaphore_mem>>
      %dma_start3A_106 = arith.constant 0 : i32
      %dma_start3A_107 = arith.constant 0 : i32
      %dma_start3A_108 = tpu.memref_slice %arg3[%arg1, %dma_start3A_106, %dma_start3A_107] : memref<16x160x128xi32, #tpu.memory_space<hbm>> -> memref<1x160x128xi32, #tpu.memory_space<hbm>>
      %dma_start3A_109 = tpu.memref_squeeze %dma_start3A_108 : memref<1x160x128xi32, #tpu.memory_space<hbm>> -> memref<160x128xi32, #tpu.memory_space<hbm>>
      %dma_start3A_110 = arith.constant 0 : i32
      %dma_start3A_111 = arith.constant 0 : i32
      %dma_start3A_112 = tpu.memref_slice %arg3[%arg1, %dma_start3A_110, %dma_start3A_111] : memref<16x160x128xi32, #tpu.memory_space<hbm>> -> memref<1x160x128xi32, #tpu.memory_space<hbm>>
      %dma_start3A_113 = tpu.memref_squeeze %dma_start3A_112 : memref<1x160x128xi32, #tpu.memory_space<hbm>> -> memref<160x128xi32, #tpu.memory_space<hbm>>
      tpu.enqueue_dma source(%dma_start3A_113 : memref<160x128xi32, #tpu.memory_space<hbm>>) target(%arg6 : memref<160x128xi32, #tpu.memory_space<vmem>>) target_semaphore(%run_scoped3A_105 : memref<!tpu.dma_semaphore, #tpu.memory_space<semaphore_mem>>)
      %dma_wait3A_114 = arith.constant 0 : i32
      %dma_wait3A_115 = arith.constant 0 : i32
      %dma_wait3A_116 = tpu.memref_slice %arg3[%arg1, %dma_wait3A_114, %dma_wait3A_115] : memref<16x160x128xi32, #tpu.memory_space<hbm>> -> memref<1x160x128xi32, #tpu.memory_space<hbm>>
      %dma_wait3A_117 = tpu.memref_squeeze %dma_wait3A_116 : memref<1x160x128xi32, #tpu.memory_space<hbm>> -> memref<160x128xi32, #tpu.memory_space<hbm>>
      %dma_wait3A_118 = arith.constant 0 : i32
      %dma_wait3A_119 = arith.constant 0 : i32
      %dma_wait3A_120 = tpu.memref_slice %arg3[%arg1, %dma_wait3A_118, %dma_wait3A_119] : memref<16x160x128xi32, #tpu.memory_space<hbm>> -> memref<1x160x128xi32, #tpu.memory_space<hbm>>
      %dma_wait3A_121 = tpu.memref_squeeze %dma_wait3A_120 : memref<1x160x128xi32, #tpu.memory_space<hbm>> -> memref<160x128xi32, #tpu.memory_space<hbm>>
      tpu.wait_dma2 semaphore(%run_scoped3A_105 : memref<!tpu.dma_semaphore, #tpu.memory_space<semaphore_mem>>) src(%dma_wait3A_121 : memref<160x128xi32, #tpu.memory_space<hbm>>) dst(%arg6 : memref<160x128xi32, #tpu.memory_space<vmem>>)
      tpu.yield
    }) : () -> ()
    "tpu.region"() ({
      %run_scoped3A_105 = tpu.sem_alloc : memref<!tpu.dma_semaphore, #tpu.memory_space<semaphore_mem>>
      %dma_start3A_106 = arith.constant 0 : i32
      %dma_start3A_107 = arith.constant 0 : i32
      %dma_start3A_108 = tpu.memref_slice %arg4[%arg1, %dma_start3A_106, %dma_start3A_107] : memref<16x160x128xi32, #tpu.memory_space<hbm>> -> memref<1x160x128xi32, #tpu.memory_space<hbm>>
      %dma_start3A_109 = tpu.memref_squeeze %dma_start3A_108 : memref<1x160x128xi32, #tpu.memory_space<hbm>> -> memref<160x128xi32, #tpu.memory_space<hbm>>
      %dma_start3A_110 = arith.constant 0 : i32
      %dma_start3A_111 = arith.constant 0 : i32
      %dma_start3A_112 = tpu.memref_slice %arg4[%arg1, %dma_start3A_110, %dma_start3A_111] : memref<16x160x128xi32, #tpu.memory_space<hbm>> -> memref<1x160x128xi32, #tpu.memory_space<hbm>>
      %dma_start3A_113 = tpu.memref_squeeze %dma_start3A_112 : memref<1x160x128xi32, #tpu.memory_space<hbm>> -> memref<160x128xi32, #tpu.memory_space<hbm>>
      tpu.enqueue_dma source(%dma_start3A_113 : memref<160x128xi32, #tpu.memory_space<hbm>>) target(%arg7 : memref<160x128xi32, #tpu.memory_space<vmem>>) target_semaphore(%run_scoped3A_105 : memref<!tpu.dma_semaphore, #tpu.memory_space<semaphore_mem>>)
      %dma_wait3A_114 = arith.constant 0 : i32
      %dma_wait3A_115 = arith.constant 0 : i32
      %dma_wait3A_116 = tpu.memref_slice %arg4[%arg1, %dma_wait3A_114, %dma_wait3A_115] : memref<16x160x128xi32, #tpu.memory_space<hbm>> -> memref<1x160x128xi32, #tpu.memory_space<hbm>>
      %dma_wait3A_117 = tpu.memref_squeeze %dma_wait3A_116 : memref<1x160x128xi32, #tpu.memory_space<hbm>> -> memref<160x128xi32, #tpu.memory_space<hbm>>
      %dma_wait3A_118 = arith.constant 0 : i32
      %dma_wait3A_119 = arith.constant 0 : i32
      %dma_wait3A_120 = tpu.memref_slice %arg4[%arg1, %dma_wait3A_118, %dma_wait3A_119] : memref<16x160x128xi32, #tpu.memory_space<hbm>> -> memref<1x160x128xi32, #tpu.memory_space<hbm>>
      %dma_wait3A_121 = tpu.memref_squeeze %dma_wait3A_120 : memref<1x160x128xi32, #tpu.memory_space<hbm>> -> memref<160x128xi32, #tpu.memory_space<hbm>>
      tpu.wait_dma2 semaphore(%run_scoped3A_105 : memref<!tpu.dma_semaphore, #tpu.memory_space<semaphore_mem>>) src(%dma_wait3A_121 : memref<160x128xi32, #tpu.memory_space<hbm>>) dst(%arg7 : memref<160x128xi32, #tpu.memory_space<vmem>>)
      tpu.yield
    }) : () -> ()
    %mul3A_57 = arith.constant 2 : i32
    %mul3A_58 = arith.muli %mul3A_57, %arg0 : i32
    %add3A_59 = arith.constant 1 : i32
    %add3A_60 = arith.addi %mul3A_58, %add3A_59 : i32
    %mul3A_61 = arith.constant 2560 : i32
    %mul3A_62 = arith.muli %add3A_60, %mul3A_61 : i32
    %broadcast_in_dim3A_63 = vector.broadcast %mul3A_62 : i32 to vector<16xi32>
    %scan3A_64 = arith.constant 0 : i32
    %scan3A_65 = arith.constant 0 : i32
    %scan3A_66 = arith.constant 160 : i32
    %scan3A_67 = arith.addi %scan3A_65, %scan3A_66 : i32
    %scan3A_68 = arith.constant 1 : i32
    %scan3A_69 = scf.for %scan3A_105 = %scan3A_65 to %scan3A_67 step %scan3A_68 iter_args(%scan3A_106 = %scan3A_64) -> (i32)  : i32 {
      %get3A = arith.index_cast %scan3A_105 : i32 to index
      %get3A_107 = arith.constant 0 : index
      %get3A_108 = tpu.vector_load %arg7[%get3A, %get3A_107] {strides = array<i32>} : memref<160x128xi32, #tpu.memory_space<vmem>>, vector<1x16xi32>,
      %get3A_109 = vector.shape_cast %get3A_108 : vector<1x16xi32> to vector<16xi32>
      %sub3A = arith.subi %get3A_109, %broadcast_in_dim3A_63 : vector<16xi32>
      %ge3A = arith.constant 0 : i32
      %ge3A_110 = vector.broadcast %ge3A : i32 to vector<16xi32>
      %ge3A_111 = arith.cmpi sge, %sub3A, %ge3A_110 : vector<16xi32>
      %lt3A = arith.cmpi slt, %sub3A, %broadcast_in_dim3A_13 : vector<16xi32>
      %and3A = arith.andi %ge3A_111, %lt3A : vector<16xi1>
      %select_n3A = arith.select %and3A, %sub3A, %broadcast_in_dim3A_11 : vector<16xi1>, vector<16xi32>
      %swap3A = arith.index_cast %scan3A_105 : i32 to index
      %swap3A_112 = arith.constant 0 : index
      %swap3A_113 = tpu.vector_load %arg7[%swap3A, %swap3A_112] {strides = array<i32>} : memref<160x128xi32, #tpu.memory_space<vmem>>, vector<1x16xi32>,
      %swap3A_114 = vector.shape_cast %swap3A_113 : vector<1x16xi32> to vector<16xi32>
      %swap3A_115 = vector.shape_cast %select_n3A : vector<16xi32> to vector<1x16xi32>
      tpu.vector_store %arg7[%swap3A, %swap3A_112], %swap3A_115 {strides = array<i32>} : memref<160x128xi32, #tpu.memory_space<vmem>>, vector<1x16xi32>,
      %get3A_116 = arith.index_cast %scan3A_105 : i32 to index
      %get3A_117 = arith.constant 0 : index
      %get3A_118 = tpu.vector_load %arg6[%get3A_116, %get3A_117] {strides = array<i32>} : memref<160x128xi32, #tpu.memory_space<vmem>>, vector<1x16xi32>,
      %get3A_119 = vector.shape_cast %get3A_118 : vector<1x16xi32> to vector<16xi32>
      %select_n3A_120 = arith.select %and3A, %get3A_119, %broadcast_in_dim3A_9 : vector<16xi1>, vector<16xi32>
      %swap3A_121 = arith.index_cast %scan3A_105 : i32 to index
      %swap3A_122 = arith.constant 0 : index
      %swap3A_123 = tpu.vector_load %arg6[%swap3A_121, %swap3A_122] {strides = array<i32>} : memref<160x128xi32, #tpu.memory_space<vmem>>, vector<1x16xi32>,
      %swap3A_124 = vector.shape_cast %swap3A_123 : vector<1x16xi32> to vector<16xi32>
      %swap3A_125 = vector.shape_cast %select_n3A_120 : vector<16xi32> to vector<1x16xi32>
      tpu.vector_store %arg6[%swap3A_121, %swap3A_122], %swap3A_125 {strides = array<i32>} : memref<160x128xi32, #tpu.memory_space<vmem>>, vector<1x16xi32>,
      %get3A_126 = arith.index_cast %scan3A_105 : i32 to index
      %get3A_127 = arith.constant 16 : index
      %get3A_128 = tpu.vector_load %arg7[%get3A_126, %get3A_127] {strides = array<i32>} : memref<160x128xi32, #tpu.memory_space<vmem>>, vector<1x16xi32>,
      %get3A_129 = vector.shape_cast %get3A_128 : vector<1x16xi32> to vector<16xi32>
      %sub3A_130 = arith.subi %get3A_129, %broadcast_in_dim3A_63 : vector<16xi32>
      %ge3A_131 = arith.constant 0 : i32
      %ge3A_132 = vector.broadcast %ge3A_131 : i32 to vector<16xi32>
      %ge3A_133 = arith.cmpi sge, %sub3A_130, %ge3A_132 : vector<16xi32>
      %lt3A_134 = arith.cmpi slt, %sub3A_130, %broadcast_in_dim3A_13 : vector<16xi32>
      %and3A_135 = arith.andi %ge3A_133, %lt3A_134 : vector<16xi1>
      %select_n3A_136 = arith.select %and3A_135, %sub3A_130, %broadcast_in_dim3A_11 : vector<16xi1>, vector<16xi32>
      %swap3A_137 = arith.index_cast %scan3A_105 : i32 to index
      %swap3A_138 = arith.constant 16 : index
      %swap3A_139 = tpu.vector_load %arg7[%swap3A_137, %swap3A_138] {strides = array<i32>} : memref<160x128xi32, #tpu.memory_space<vmem>>, vector<1x16xi32>,
      %swap3A_140 = vector.shape_cast %swap3A_139 : vector<1x16xi32> to vector<16xi32>
      %swap3A_141 = vector.shape_cast %select_n3A_136 : vector<16xi32> to vector<1x16xi32>
      tpu.vector_store %arg7[%swap3A_137, %swap3A_138], %swap3A_141 {strides = array<i32>} : memref<160x128xi32, #tpu.memory_space<vmem>>, vector<1x16xi32>,
      %get3A_142 = arith.index_cast %scan3A_105 : i32 to index
      %get3A_143 = arith.constant 16 : index
      %get3A_144 = tpu.vector_load %arg6[%get3A_142, %get3A_143] {strides = array<i32>} : memref<160x128xi32, #tpu.memory_space<vmem>>, vector<1x16xi32>,
      %get3A_145 = vector.shape_cast %get3A_144 : vector<1x16xi32> to vector<16xi32>
      %select_n3A_146 = arith.select %and3A_135, %get3A_145, %broadcast_in_dim3A_9 : vector<16xi1>, vector<16xi32>
      %swap3A_147 = arith.index_cast %scan3A_105 : i32 to index
      %swap3A_148 = arith.constant 16 : index
      %swap3A_149 = tpu.vector_load %arg6[%swap3A_147, %swap3A_148] {strides = array<i32>} : memref<160x128xi32, #tpu.memory_space<vmem>>, vector<1x16xi32>,
      %swap3A_150 = vector.shape_cast %swap3A_149 : vector<1x16xi32> to vector<16xi32>
      %swap3A_151 = vector.shape_cast %select_n3A_146 : vector<16xi32> to vector<1x16xi32>
      tpu.vector_store %arg6[%swap3A_147, %swap3A_148], %swap3A_151 {strides = array<i32>} : memref<160x128xi32, #tpu.memory_space<vmem>>, vector<1x16xi32>,
      %get3A_152 = arith.index_cast %scan3A_105 : i32 to index
      %get3A_153 = arith.constant 32 : index
      %get3A_154 = tpu.vector_load %arg7[%get3A_152, %get3A_153] {strides = array<i32>} : memref<160x128xi32, #tpu.memory_space<vmem>>, vector<1x16xi32>,
      %get3A_155 = vector.shape_cast %get3A_154 : vector<1x16xi32> to vector<16xi32>
      %sub3A_156 = arith.subi %get3A_155, %broadcast_in_dim3A_63 : vector<16xi32>
      %ge3A_157 = arith.constant 0 : i32
      %ge3A_158 = vector.broadcast %ge3A_157 : i32 to vector<16xi32>
      %ge3A_159 = arith.cmpi sge, %sub3A_156, %ge3A_158 : vector<16xi32>
      %lt3A_160 = arith.cmpi slt, %sub3A_156, %broadcast_in_dim3A_13 : vector<16xi32>
      %and3A_161 = arith.andi %ge3A_159, %lt3A_160 : vector<16xi1>
      %select_n3A_162 = arith.select %and3A_161, %sub3A_156, %broadcast_in_dim3A_11 : vector<16xi1>, vector<16xi32>
      %swap3A_163 = arith.index_cast %scan3A_105 : i32 to index
      %swap3A_164 = arith.constant 32 : index
      %swap3A_165 = tpu.vector_load %arg7[%swap3A_163, %swap3A_164] {strides = array<i32>} : memref<160x128xi32, #tpu.memory_space<vmem>>, vector<1x16xi32>,
      %swap3A_166 = vector.shape_cast %swap3A_165 : vector<1x16xi32> to vector<16xi32>
      %swap3A_167 = vector.shape_cast %select_n3A_162 : vector<16xi32> to vector<1x16xi32>
      tpu.vector_store %arg7[%swap3A_163, %swap3A_164], %swap3A_167 {strides = array<i32>} : memref<160x128xi32, #tpu.memory_space<vmem>>, vector<1x16xi32>,
      %get3A_168 = arith.index_cast %scan3A_105 : i32 to index
      %get3A_169 = arith.constant 32 : index
      %get3A_170 = tpu.vector_load %arg6[%get3A_168, %get3A_169] {strides = array<i32>} : memref<160x128xi32, #tpu.memory_space<vmem>>, vector<1x16xi32>,
      %get3A_171 = vector.shape_cast %get3A_170 : vector<1x16xi32> to vector<16xi32>
      %select_n3A_172 = arith.select %and3A_161, %get3A_171, %broadcast_in_dim3A_9 : vector<16xi1>, vector<16xi32>
      %swap3A_173 = arith.index_cast %scan3A_105 : i32 to index
      %swap3A_174 = arith.constant 32 : index
      %swap3A_175 = tpu.vector_load %arg6[%swap3A_173, %swap3A_174] {strides = array<i32>} : memref<160x128xi32, #tpu.memory_space<vmem>>, vector<1x16xi32>,
      %swap3A_176 = vector.shape_cast %swap3A_175 : vector<1x16xi32> to vector<16xi32>
      %swap3A_177 = vector.shape_cast %select_n3A_172 : vector<16xi32> to vector<1x16xi32>
      tpu.vector_store %arg6[%swap3A_173, %swap3A_174], %swap3A_177 {strides = array<i32>} : memref<160x128xi32, #tpu.memory_space<vmem>>, vector<1x16xi32>,
      %get3A_178 = arith.index_cast %scan3A_105 : i32 to index
      %get3A_179 = arith.constant 48 : index
      %get3A_180 = tpu.vector_load %arg7[%get3A_178, %get3A_179] {strides = array<i32>} : memref<160x128xi32, #tpu.memory_space<vmem>>, vector<1x16xi32>,
      %get3A_181 = vector.shape_cast %get3A_180 : vector<1x16xi32> to vector<16xi32>
      %sub3A_182 = arith.subi %get3A_181, %broadcast_in_dim3A_63 : vector<16xi32>
      %ge3A_183 = arith.constant 0 : i32
      %ge3A_184 = vector.broadcast %ge3A_183 : i32 to vector<16xi32>
      %ge3A_185 = arith.cmpi sge, %sub3A_182, %ge3A_184 : vector<16xi32>
      %lt3A_186 = arith.cmpi slt, %sub3A_182, %broadcast_in_dim3A_13 : vector<16xi32>
      %and3A_187 = arith.andi %ge3A_185, %lt3A_186 : vector<16xi1>
      %select_n3A_188 = arith.select %and3A_187, %sub3A_182, %broadcast_in_dim3A_11 : vector<16xi1>, vector<16xi32>
      %swap3A_189 = arith.index_cast %scan3A_105 : i32 to index
      %swap3A_190 = arith.constant 48 : index
      %swap3A_191 = tpu.vector_load %arg7[%swap3A_189, %swap3A_190] {strides = array<i32>} : memref<160x128xi32, #tpu.memory_space<vmem>>, vector<1x16xi32>,
      %swap3A_192 = vector.shape_cast %swap3A_191 : vector<1x16xi32> to vector<16xi32>
      %swap3A_193 = vector.shape_cast %select_n3A_188 : vector<16xi32> to vector<1x16xi32>
      tpu.vector_store %arg7[%swap3A_189, %swap3A_190], %swap3A_193 {strides = array<i32>} : memref<160x128xi32, #tpu.memory_space<vmem>>, vector<1x16xi32>,
      %get3A_194 = arith.index_cast %scan3A_105 : i32 to index
      %get3A_195 = arith.constant 48 : index
      %get3A_196 = tpu.vector_load %arg6[%get3A_194, %get3A_195] {strides = array<i32>} : memref<160x128xi32, #tpu.memory_space<vmem>>, vector<1x16xi32>,
      %get3A_197 = vector.shape_cast %get3A_196 : vector<1x16xi32> to vector<16xi32>
      %select_n3A_198 = arith.select %and3A_187, %get3A_197, %broadcast_in_dim3A_9 : vector<16xi1>, vector<16xi32>
      %swap3A_199 = arith.index_cast %scan3A_105 : i32 to index
      %swap3A_200 = arith.constant 48 : index
      %swap3A_201 = tpu.vector_load %arg6[%swap3A_199, %swap3A_200] {strides = array<i32>} : memref<160x128xi32, #tpu.memory_space<vmem>>, vector<1x16xi32>,
      %swap3A_202 = vector.shape_cast %swap3A_201 : vector<1x16xi32> to vector<16xi32>
      %swap3A_203 = vector.shape_cast %select_n3A_198 : vector<16xi32> to vector<1x16xi32>
      tpu.vector_store %arg6[%swap3A_199, %swap3A_200], %swap3A_203 {strides = array<i32>} : memref<160x128xi32, #tpu.memory_space<vmem>>, vector<1x16xi32>,
      %get3A_204 = arith.index_cast %scan3A_105 : i32 to index
      %get3A_205 = arith.constant 64 : index
      %get3A_206 = tpu.vector_load %arg7[%get3A_204, %get3A_205] {strides = array<i32>} : memref<160x128xi32, #tpu.memory_space<vmem>>, vector<1x16xi32>,
      %get3A_207 = vector.shape_cast %get3A_206 : vector<1x16xi32> to vector<16xi32>
      %sub3A_208 = arith.subi %get3A_207, %broadcast_in_dim3A_63 : vector<16xi32>
      %ge3A_209 = arith.constant 0 : i32
      %ge3A_210 = vector.broadcast %ge3A_209 : i32 to vector<16xi32>
      %ge3A_211 = arith.cmpi sge, %sub3A_208, %ge3A_210 : vector<16xi32>
      %lt3A_212 = arith.cmpi slt, %sub3A_208, %broadcast_in_dim3A_13 : vector<16xi32>
      %and3A_213 = arith.andi %ge3A_211, %lt3A_212 : vector<16xi1>
      %select_n3A_214 = arith.select %and3A_213, %sub3A_208, %broadcast_in_dim3A_11 : vector<16xi1>, vector<16xi32>
      %swap3A_215 = arith.index_cast %scan3A_105 : i32 to index
      %swap3A_216 = arith.constant 64 : index
      %swap3A_217 = tpu.vector_load %arg7[%swap3A_215, %swap3A_216] {strides = array<i32>} : memref<160x128xi32, #tpu.memory_space<vmem>>, vector<1x16xi32>,
      %swap3A_218 = vector.shape_cast %swap3A_217 : vector<1x16xi32> to vector<16xi32>
      %swap3A_219 = vector.shape_cast %select_n3A_214 : vector<16xi32> to vector<1x16xi32>
      tpu.vector_store %arg7[%swap3A_215, %swap3A_216], %swap3A_219 {strides = array<i32>} : memref<160x128xi32, #tpu.memory_space<vmem>>, vector<1x16xi32>,
      %get3A_220 = arith.index_cast %scan3A_105 : i32 to index
      %get3A_221 = arith.constant 64 : index
      %get3A_222 = tpu.vector_load %arg6[%get3A_220, %get3A_221] {strides = array<i32>} : memref<160x128xi32, #tpu.memory_space<vmem>>, vector<1x16xi32>,
      %get3A_223 = vector.shape_cast %get3A_222 : vector<1x16xi32> to vector<16xi32>
      %select_n3A_224 = arith.select %and3A_213, %get3A_223, %broadcast_in_dim3A_9 : vector<16xi1>, vector<16xi32>
      %swap3A_225 = arith.index_cast %scan3A_105 : i32 to index
      %swap3A_226 = arith.constant 64 : index
      %swap3A_227 = tpu.vector_load %arg6[%swap3A_225, %swap3A_226] {strides = array<i32>} : memref<160x128xi32, #tpu.memory_space<vmem>>, vector<1x16xi32>,
      %swap3A_228 = vector.shape_cast %swap3A_227 : vector<1x16xi32> to vector<16xi32>
      %swap3A_229 = vector.shape_cast %select_n3A_224 : vector<16xi32> to vector<1x16xi32>
      tpu.vector_store %arg6[%swap3A_225, %swap3A_226], %swap3A_229 {strides = array<i32>} : memref<160x128xi32, #tpu.memory_space<vmem>>, vector<1x16xi32>,
      %get3A_230 = arith.index_cast %scan3A_105 : i32 to index
      %get3A_231 = arith.constant 80 : index
      %get3A_232 = tpu.vector_load %arg7[%get3A_230, %get3A_231] {strides = array<i32>} : memref<160x128xi32, #tpu.memory_space<vmem>>, vector<1x16xi32>,
      %get3A_233 = vector.shape_cast %get3A_232 : vector<1x16xi32> to vector<16xi32>
      %sub3A_234 = arith.subi %get3A_233, %broadcast_in_dim3A_63 : vector<16xi32>
      %ge3A_235 = arith.constant 0 : i32
      %ge3A_236 = vector.broadcast %ge3A_235 : i32 to vector<16xi32>
      %ge3A_237 = arith.cmpi sge, %sub3A_234, %ge3A_236 : vector<16xi32>
      %lt3A_238 = arith.cmpi slt, %sub3A_234, %broadcast_in_dim3A_13 : vector<16xi32>
      %and3A_239 = arith.andi %ge3A_237, %lt3A_238 : vector<16xi1>
      %select_n3A_240 = arith.select %and3A_239, %sub3A_234, %broadcast_in_dim3A_11 : vector<16xi1>, vector<16xi32>
      %swap3A_241 = arith.index_cast %scan3A_105 : i32 to index
      %swap3A_242 = arith.constant 80 : index
      %swap3A_243 = tpu.vector_load %arg7[%swap3A_241, %swap3A_242] {strides = array<i32>} : memref<160x128xi32, #tpu.memory_space<vmem>>, vector<1x16xi32>,
      %swap3A_244 = vector.shape_cast %swap3A_243 : vector<1x16xi32> to vector<16xi32>
      %swap3A_245 = vector.shape_cast %select_n3A_240 : vector<16xi32> to vector<1x16xi32>
      tpu.vector_store %arg7[%swap3A_241, %swap3A_242], %swap3A_245 {strides = array<i32>} : memref<160x128xi32, #tpu.memory_space<vmem>>, vector<1x16xi32>,
      %get3A_246 = arith.index_cast %scan3A_105 : i32 to index
      %get3A_247 = arith.constant 80 : index
      %get3A_248 = tpu.vector_load %arg6[%get3A_246, %get3A_247] {strides = array<i32>} : memref<160x128xi32, #tpu.memory_space<vmem>>, vector<1x16xi32>,
      %get3A_249 = vector.shape_cast %get3A_248 : vector<1x16xi32> to vector<16xi32>
      %select_n3A_250 = arith.select %and3A_239, %get3A_249, %broadcast_in_dim3A_9 : vector<16xi1>, vector<16xi32>
      %swap3A_251 = arith.index_cast %scan3A_105 : i32 to index
      %swap3A_252 = arith.constant 80 : index
      %swap3A_253 = tpu.vector_load %arg6[%swap3A_251, %swap3A_252] {strides = array<i32>} : memref<160x128xi32, #tpu.memory_space<vmem>>, vector<1x16xi32>,
      %swap3A_254 = vector.shape_cast %swap3A_253 : vector<1x16xi32> to vector<16xi32>
      %swap3A_255 = vector.shape_cast %select_n3A_250 : vector<16xi32> to vector<1x16xi32>
      tpu.vector_store %arg6[%swap3A_251, %swap3A_252], %swap3A_255 {strides = array<i32>} : memref<160x128xi32, #tpu.memory_space<vmem>>, vector<1x16xi32>,
      %get3A_256 = arith.index_cast %scan3A_105 : i32 to index
      %get3A_257 = arith.constant 96 : index
      %get3A_258 = tpu.vector_load %arg7[%get3A_256, %get3A_257] {strides = array<i32>} : memref<160x128xi32, #tpu.memory_space<vmem>>, vector<1x16xi32>,
      %get3A_259 = vector.shape_cast %get3A_258 : vector<1x16xi32> to vector<16xi32>
      %sub3A_260 = arith.subi %get3A_259, %broadcast_in_dim3A_63 : vector<16xi32>
      %ge3A_261 = arith.constant 0 : i32
      %ge3A_262 = vector.broadcast %ge3A_261 : i32 to vector<16xi32>
      %ge3A_263 = arith.cmpi sge, %sub3A_260, %ge3A_262 : vector<16xi32>
      %lt3A_264 = arith.cmpi slt, %sub3A_260, %broadcast_in_dim3A_13 : vector<16xi32>
      %and3A_265 = arith.andi %ge3A_263, %lt3A_264 : vector<16xi1>
      %select_n3A_266 = arith.select %and3A_265, %sub3A_260, %broadcast_in_dim3A_11 : vector<16xi1>, vector<16xi32>
      %swap3A_267 = arith.index_cast %scan3A_105 : i32 to index
      %swap3A_268 = arith.constant 96 : index
      %swap3A_269 = tpu.vector_load %arg7[%swap3A_267, %swap3A_268] {strides = array<i32>} : memref<160x128xi32, #tpu.memory_space<vmem>>, vector<1x16xi32>,
      %swap3A_270 = vector.shape_cast %swap3A_269 : vector<1x16xi32> to vector<16xi32>
      %swap3A_271 = vector.shape_cast %select_n3A_266 : vector<16xi32> to vector<1x16xi32>
      tpu.vector_store %arg7[%swap3A_267, %swap3A_268], %swap3A_271 {strides = array<i32>} : memref<160x128xi32, #tpu.memory_space<vmem>>, vector<1x16xi32>,
      %get3A_272 = arith.index_cast %scan3A_105 : i32 to index
      %get3A_273 = arith.constant 96 : index
      %get3A_274 = tpu.vector_load %arg6[%get3A_272, %get3A_273] {strides = array<i32>} : memref<160x128xi32, #tpu.memory_space<vmem>>, vector<1x16xi32>,
      %get3A_275 = vector.shape_cast %get3A_274 : vector<1x16xi32> to vector<16xi32>
      %select_n3A_276 = arith.select %and3A_265, %get3A_275, %broadcast_in_dim3A_9 : vector<16xi1>, vector<16xi32>
      %swap3A_277 = arith.index_cast %scan3A_105 : i32 to index
      %swap3A_278 = arith.constant 96 : index
      %swap3A_279 = tpu.vector_load %arg6[%swap3A_277, %swap3A_278] {strides = array<i32>} : memref<160x128xi32, #tpu.memory_space<vmem>>, vector<1x16xi32>,
      %swap3A_280 = vector.shape_cast %swap3A_279 : vector<1x16xi32> to vector<16xi32>
      %swap3A_281 = vector.shape_cast %select_n3A_276 : vector<16xi32> to vector<1x16xi32>
      tpu.vector_store %arg6[%swap3A_277, %swap3A_278], %swap3A_281 {strides = array<i32>} : memref<160x128xi32, #tpu.memory_space<vmem>>, vector<1x16xi32>,
      %get3A_282 = arith.index_cast %scan3A_105 : i32 to index
      %get3A_283 = arith.constant 112 : index
      %get3A_284 = tpu.vector_load %arg7[%get3A_282, %get3A_283] {strides = array<i32>} : memref<160x128xi32, #tpu.memory_space<vmem>>, vector<1x16xi32>,
      %get3A_285 = vector.shape_cast %get3A_284 : vector<1x16xi32> to vector<16xi32>
      %sub3A_286 = arith.subi %get3A_285, %broadcast_in_dim3A_63 : vector<16xi32>
      %ge3A_287 = arith.constant 0 : i32
      %ge3A_288 = vector.broadcast %ge3A_287 : i32 to vector<16xi32>
      %ge3A_289 = arith.cmpi sge, %sub3A_286, %ge3A_288 : vector<16xi32>
      %lt3A_290 = arith.cmpi slt, %sub3A_286, %broadcast_in_dim3A_13 : vector<16xi32>
      %and3A_291 = arith.andi %ge3A_289, %lt3A_290 : vector<16xi1>
      %select_n3A_292 = arith.select %and3A_291, %sub3A_286, %broadcast_in_dim3A_11 : vector<16xi1>, vector<16xi32>
      %swap3A_293 = arith.index_cast %scan3A_105 : i32 to index
      %swap3A_294 = arith.constant 112 : index
      %swap3A_295 = tpu.vector_load %arg7[%swap3A_293, %swap3A_294] {strides = array<i32>} : memref<160x128xi32, #tpu.memory_space<vmem>>, vector<1x16xi32>,
      %swap3A_296 = vector.shape_cast %swap3A_295 : vector<1x16xi32> to vector<16xi32>
      %swap3A_297 = vector.shape_cast %select_n3A_292 : vector<16xi32> to vector<1x16xi32>
      tpu.vector_store %arg7[%swap3A_293, %swap3A_294], %swap3A_297 {strides = array<i32>} : memref<160x128xi32, #tpu.memory_space<vmem>>, vector<1x16xi32>,
      %get3A_298 = arith.index_cast %scan3A_105 : i32 to index
      %get3A_299 = arith.constant 112 : index
      %get3A_300 = tpu.vector_load %arg6[%get3A_298, %get3A_299] {strides = array<i32>} : memref<160x128xi32, #tpu.memory_space<vmem>>, vector<1x16xi32>,
      %get3A_301 = vector.shape_cast %get3A_300 : vector<1x16xi32> to vector<16xi32>
      %select_n3A_302 = arith.select %and3A_291, %get3A_301, %broadcast_in_dim3A_9 : vector<16xi1>, vector<16xi32>
      %swap3A_303 = arith.index_cast %scan3A_105 : i32 to index
      %swap3A_304 = arith.constant 112 : index
      %swap3A_305 = tpu.vector_load %arg6[%swap3A_303, %swap3A_304] {strides = array<i32>} : memref<160x128xi32, #tpu.memory_space<vmem>>, vector<1x16xi32>,
      %swap3A_306 = vector.shape_cast %swap3A_305 : vector<1x16xi32> to vector<16xi32>
      %swap3A_307 = vector.shape_cast %select_n3A_302 : vector<16xi32> to vector<1x16xi32>
      tpu.vector_store %arg6[%swap3A_303, %swap3A_304], %swap3A_307 {strides = array<i32>} : memref<160x128xi32, #tpu.memory_space<vmem>>, vector<1x16xi32>,
      %scan3A_308 = arith.constant 0 : i32
      scf.yield %scan3A_308 : i32
    }
    %scan3A_70 = arith.constant 160 : i32
    "tpu.region"() ({
      %run_scoped3A_105 = tpu.sem_alloc : memref<!tpu.dma_semaphore, #tpu.memory_space<semaphore_mem>>
      %dma_start3A_106 = arith.constant 0 : i32
      %dma_start3A_107 = tpu.memref_slice %arg10[%mul3A_7, %dma_start3A_106] : memref<2560x128xf32, #tpu.memory_space<vmem_shared>> -> memref<160x128xf32, #tpu.memory_space<vmem_shared>>
      %dma_start3A_108 = arith.constant 0 : i32
      %dma_start3A_109 = tpu.memref_slice %arg10[%mul3A_7, %dma_start3A_108] : memref<2560x128xf32, #tpu.memory_space<vmem_shared>> -> memref<160x128xf32, #tpu.memory_space<vmem_shared>>
      tpu.enqueue_dma source(%arg9 : memref<160x128xf32, #tpu.memory_space<vmem>>) target(%dma_start3A_109 : memref<160x128xf32, #tpu.memory_space<vmem_shared>>) target_semaphore(%run_scoped3A_105 : memref<!tpu.dma_semaphore, #tpu.memory_space<semaphore_mem>>)
      %dma_wait3A_110 = arith.constant 0 : i32
      %dma_wait3A_111 = tpu.memref_slice %arg10[%mul3A_7, %dma_wait3A_110] : memref<2560x128xf32, #tpu.memory_space<vmem_shared>> -> memref<160x128xf32, #tpu.memory_space<vmem_shared>>
      %dma_wait3A_112 = arith.constant 0 : i32
      %dma_wait3A_113 = tpu.memref_slice %arg10[%mul3A_7, %dma_wait3A_112] : memref<2560x128xf32, #tpu.memory_space<vmem_shared>> -> memref<160x128xf32, #tpu.memory_space<vmem_shared>>
      tpu.wait_dma2 semaphore(%run_scoped3A_105 : memref<!tpu.dma_semaphore, #tpu.memory_space<semaphore_mem>>) src(%arg9 : memref<160x128xf32, #tpu.memory_space<vmem>>) dst(%dma_wait3A_113 : memref<160x128xf32, #tpu.memory_space<vmem_shared>>)
      tpu.yield
    }) : () -> ()
    %barrier3A_71 = arith.constant 0 : index
    tpu.barrier barrier_id(%barrier3A_71)
    %dma_start3A_72 = arith.constant 0 : i32
    %dma_start3A_73 = arith.constant 0 : i32
    %dma_start3A_74 = arith.constant 0 : i32
    %dma_start3A_75 = arith.constant 0 : i32
    %dma_start3A_76 = tpu.memref_slice %arg8[%dma_start3A_73, %dma_start3A_74, %dma_start3A_75] : memref<2x128x128xf32, #tpu.memory_space<vmem>> -> memref<1x128x128xf32, #tpu.memory_space<vmem>>
    %dma_start3A_77 = tpu.memref_squeeze %dma_start3A_76 : memref<1x128x128xf32, #tpu.memory_space<vmem>> -> memref<128x128xf32, #tpu.memory_space<vmem>>
    %dma_start3A_78 = arith.constant 0 : i32
    %dma_start3A_79 = tpu.memref_slice %arg6[%dma_start3A_72, %dma_start3A_78] : memref<160x128xi32, #tpu.memory_space<vmem>> -> memref<1x128xi32, #tpu.memory_space<vmem>>
    %dma_start3A_80 = tpu.memref_squeeze %dma_start3A_79 : memref<1x128xi32, #tpu.memory_space<vmem>> -> memref<128xi32, #tpu.memory_space<vmem>>
    %dma_start3A_81 = arith.constant 0 : i32
    %dma_start3A_82 = arith.constant 0 : i32
    %dma_start3A_83 = tpu.memref_slice %arg2[%dma_start3A_81, %dma_start3A_82] : memref<10240x128xf32, #tpu.memory_space<hbm>> -> memref<10240x128xf32, #tpu.memory_space<hbm>>
    tpu.enqueue_indirect_dma source(%dma_start3A_83 : memref<10240x128xf32, #tpu.memory_space<hbm>>) target(%dma_start3A_77 : memref<128x128xf32, #tpu.memory_space<vmem>>) offsets(%dma_start3A_80 : memref<128xi32, #tpu.memory_space<vmem>>) semaphore(%arg11 : memref<!tpu.dma_semaphore, #tpu.memory_space<semaphore_mem>>)
    %scan3A_84 = arith.constant 0 : i32
    %scan3A_85 = arith.constant 0 : i32
    %scan3A_86 = arith.constant 80 : i32
    %scan3A_87 = arith.addi %scan3A_85, %scan3A_86 : i32
    %scan3A_88 = arith.constant 1 : i32
    %scan3A_89 = scf.for %scan3A_105 = %scan3A_85 to %scan3A_87 step %scan3A_88 iter_args(%scan3A_106 = %scan3A_84) -> (i32)  : i32 {
      %mul3A_107 = arith.constant 2 : i32
      %mul3A_108 = arith.muli %mul3A_107, %scan3A_105 : i32
      %add3A_109 = arith.constant 0 : i32
      %add3A_110 = arith.addi %mul3A_108, %add3A_109 : i32
      %dma_wait3A_111 = arith.constant 0 : i32
      %dma_wait3A_112 = arith.constant 0 : i32
      %dma_wait3A_113 = arith.constant 0 : i32
      %dma_wait3A_114 = arith.constant 0 : i32
      %dma_wait3A_115 = tpu.memref_slice %arg8[%dma_wait3A_112, %dma_wait3A_113, %dma_wait3A_114] : memref<2x128x128xf32, #tpu.memory_space<vmem>> -> memref<1x128x128xf32, #tpu.memory_space<vmem>>
      %dma_wait3A_116 = tpu.memref_squeeze %dma_wait3A_115 : memref<1x128x128xf32, #tpu.memory_space<vmem>> -> memref<128x128xf32, #tpu.memory_space<vmem>>
      %dma_wait3A_117 = arith.constant 0 : i32
      %dma_wait3A_118 = tpu.memref_slice %arg6[%dma_wait3A_111, %dma_wait3A_117] : memref<160x128xi32, #tpu.memory_space<vmem>> -> memref<1x128xi32, #tpu.memory_space<vmem>>
      %dma_wait3A_119 = tpu.memref_squeeze %dma_wait3A_118 : memref<1x128xi32, #tpu.memory_space<vmem>> -> memref<128xi32, #tpu.memory_space<vmem>>
      %dma_wait3A_120 = arith.constant 0 : i32
      %dma_wait3A_121 = arith.constant 0 : i32
      %dma_wait3A_122 = tpu.memref_slice %arg2[%dma_wait3A_120, %dma_wait3A_121] : memref<10240x128xf32, #tpu.memory_space<hbm>> -> memref<10240x128xf32, #tpu.memory_space<hbm>>
      tpu.wait_indirect_dma semaphore(%arg11 : memref<!tpu.dma_semaphore, #tpu.memory_space<semaphore_mem>>) src(%dma_wait3A_122 : memref<10240x128xf32, #tpu.memory_space<hbm>>) dst(%dma_wait3A_116 : memref<128x128xf32, #tpu.memory_space<vmem>>)
      %add3A_123 = arith.constant 1 : i32
      %add3A_124 = arith.addi %add3A_110, %add3A_123 : i32
      %rem3A = arith.constant 160 : i32
      %rem3A_125 = arith.remsi %add3A_124, %rem3A : i32
      %dma_start3A_126 = arith.constant 1 : i32
      %dma_start3A_127 = arith.constant 0 : i32
      %dma_start3A_128 = arith.constant 0 : i32
      %dma_start3A_129 = tpu.memref_slice %arg8[%dma_start3A_126, %dma_start3A_127, %dma_start3A_128] : memref<2x128x128xf32, #tpu.memory_space<vmem>> -> memref<1x128x128xf32, #tpu.memory_space<vmem>>
      %dma_start3A_130 = tpu.memref_squeeze %dma_start3A_129 : memref<1x128x128xf32, #tpu.memory_space<vmem>> -> memref<128x128xf32, #tpu.memory_space<vmem>>
      %dma_start3A_131 = arith.constant 0 : i32
      %dma_start3A_132 = tpu.memref_slice %arg6[%rem3A_125, %dma_start3A_131] : memref<160x128xi32, #tpu.memory_space<vmem>> -> memref<1x128xi32, #tpu.memory_space<vmem>>
      %dma_start3A_133 = tpu.memref_squeeze %dma_start3A_132 : memref<1x128xi32, #tpu.memory_space<vmem>> -> memref<128xi32, #tpu.memory_space<vmem>>
      %dma_start3A_134 = arith.constant 0 : i32
      %dma_start3A_135 = arith.constant 0 : i32
      %dma_start3A_136 = tpu.memref_slice %arg2[%dma_start3A_134, %dma_start3A_135] : memref<10240x128xf32, #tpu.memory_space<hbm>> -> memref<10240x128xf32, #tpu.memory_space<hbm>>
      tpu.enqueue_indirect_dma source(%dma_start3A_136 : memref<10240x128xf32, #tpu.memory_space<hbm>>) target(%dma_start3A_130 : memref<128x128xf32, #tpu.memory_space<vmem>>) offsets(%dma_start3A_133 : memref<128xi32, #tpu.memory_space<vmem>>) semaphore(%arg12 : memref<!tpu.dma_semaphore, #tpu.memory_space<semaphore_mem>>)
      %run_scoped3A_137 = arith.constant 0 : i32
      "tpu.region"() ({
        %run_scoped3A_171 = tpu.sem_alloc : memref<!tpu.dma_semaphore, #tpu.memory_space<semaphore_mem>>
        %dma_start3A_172 = arith.constant 0 : i32
        %dma_start3A_173 = arith.constant 0 : i32
        %dma_start3A_174 = tpu.memref_slice %arg8[%run_scoped3A_137, %dma_start3A_172, %dma_start3A_173] : memref<2x128x128xf32, #tpu.memory_space<vmem>> -> memref<1x128x128xf32, #tpu.memory_space<vmem>>
        %dma_start3A_175 = tpu.memref_squeeze %dma_start3A_174 : memref<1x128x128xf32, #tpu.memory_space<vmem>> -> memref<128x128xf32, #tpu.memory_space<vmem>>
        %dma_start3A_176 = arith.constant 0 : i32
        %dma_start3A_177 = tpu.memref_slice %arg7[%add3A_110, %dma_start3A_176] : memref<160x128xi32, #tpu.memory_space<vmem>> -> memref<1x128xi32, #tpu.memory_space<vmem>>
        %dma_start3A_178 = tpu.memref_squeeze %dma_start3A_177 : memref<1x128xi32, #tpu.memory_space<vmem>> -> memref<128xi32, #tpu.memory_space<vmem>>
        %dma_start3A_179 = arith.constant 0 : i32
        %dma_start3A_180 = arith.constant 0 : i32
        %dma_start3A_181 = tpu.memref_slice %arg10[%dma_start3A_179, %dma_start3A_180] : memref<2560x128xf32, #tpu.memory_space<vmem_shared>> -> memref<2560x128xf32, #tpu.memory_space<vmem_shared>>
        tpu.enqueue_indirect_dma source(%dma_start3A_175 : memref<128x128xf32, #tpu.memory_space<vmem>>) target(%dma_start3A_181 : memref<2560x128xf32, #tpu.memory_space<vmem_shared>>) offsets(%dma_start3A_178 : memref<128xi32, #tpu.memory_space<vmem>>) semaphore(%run_scoped3A_171 : memref<!tpu.dma_semaphore, #tpu.memory_space<semaphore_mem>>) {add = true}
        %dma_wait3A_182 = arith.constant 0 : i32
        %dma_wait3A_183 = arith.constant 0 : i32
        %dma_wait3A_184 = tpu.memref_slice %arg8[%run_scoped3A_137, %dma_wait3A_182, %dma_wait3A_183] : memref<2x128x128xf32, #tpu.memory_space<vmem>> -> memref<1x128x128xf32, #tpu.memory_space<vmem>>
        %dma_wait3A_185 = tpu.memref_squeeze %dma_wait3A_184 : memref<1x128x128xf32, #tpu.memory_space<vmem>> -> memref<128x128xf32, #tpu.memory_space<vmem>>
        %dma_wait3A_186 = arith.constant 0 : i32
        %dma_wait3A_187 = tpu.memref_slice %arg7[%add3A_110, %dma_wait3A_186] : memref<160x128xi32, #tpu.memory_space<vmem>> -> memref<1x128xi32, #tpu.memory_space<vmem>>
        %dma_wait3A_188 = tpu.memref_squeeze %dma_wait3A_187 : memref<1x128xi32, #tpu.memory_space<vmem>> -> memref<128xi32, #tpu.memory_space<vmem>>
        %dma_wait3A_189 = arith.constant 0 : i32
        %dma_wait3A_190 = arith.constant 0 : i32
        %dma_wait3A_191 = tpu.memref_slice %arg10[%dma_wait3A_189, %dma_wait3A_190] : memref<2560x128xf32, #tpu.memory_space<vmem_shared>> -> memref<2560x128xf32, #tpu.memory_space<vmem_shared>>
        tpu.wait_indirect_dma semaphore(%run_scoped3A_171 : memref<!tpu.dma_semaphore, #tpu.memory_space<semaphore_mem>>) src(%dma_wait3A_185 : memref<128x128xf32, #tpu.memory_space<vmem>>) dst(%dma_wait3A_191 : memref<2560x128xf32, #tpu.memory_space<vmem_shared>>)
        tpu.yield
      }) : () -> ()
      %mul3A_138 = arith.constant 2 : i32
      %mul3A_139 = arith.muli %mul3A_138, %scan3A_105 : i32
      %add3A_140 = arith.constant 1 : i32
      %add3A_141 = arith.addi %mul3A_139, %add3A_140 : i32
      %dma_wait3A_142 = arith.constant 0 : i32
      %dma_wait3A_143 = arith.constant 1 : i32
      %dma_wait3A_144 = arith.constant 0 : i32
      %dma_wait3A_145 = arith.constant 0 : i32
      %dma_wait3A_146 = tpu.memref_slice %arg8[%dma_wait3A_143, %dma_wait3A_144, %dma_wait3A_145] : memref<2x128x128xf32, #tpu.memory_space<vmem>> -> memref<1x128x128xf32, #tpu.memory_space<vmem>>
      %dma_wait3A_147 = tpu.memref_squeeze %dma_wait3A_146 : memref<1x128x128xf32, #tpu.memory_space<vmem>> -> memref<128x128xf32, #tpu.memory_space<vmem>>
      %dma_wait3A_148 = arith.constant 0 : i32
      %dma_wait3A_149 = tpu.memref_slice %arg6[%dma_wait3A_142, %dma_wait3A_148] : memref<160x128xi32, #tpu.memory_space<vmem>> -> memref<1x128xi32, #tpu.memory_space<vmem>>
      %dma_wait3A_150 = tpu.memref_squeeze %dma_wait3A_149 : memref<1x128xi32, #tpu.memory_space<vmem>> -> memref<128xi32, #tpu.memory_space<vmem>>
      %dma_wait3A_151 = arith.constant 0 : i32
      %dma_wait3A_152 = arith.constant 0 : i32
      %dma_wait3A_153 = tpu.memref_slice %arg2[%dma_wait3A_151, %dma_wait3A_152] : memref<10240x128xf32, #tpu.memory_space<hbm>> -> memref<10240x128xf32, #tpu.memory_space<hbm>>
      tpu.wait_indirect_dma semaphore(%arg12 : memref<!tpu.dma_semaphore, #tpu.memory_space<semaphore_mem>>) src(%dma_wait3A_153 : memref<10240x128xf32, #tpu.memory_space<hbm>>) dst(%dma_wait3A_147 : memref<128x128xf32, #tpu.memory_space<vmem>>)
      %add3A_154 = arith.constant 1 : i32
      %add3A_155 = arith.addi %add3A_141, %add3A_154 : i32
      %rem3A_156 = arith.constant 160 : i32
      %rem3A_157 = arith.remsi %add3A_155, %rem3A_156 : i32
      %dma_start3A_158 = arith.constant 0 : i32
      %dma_start3A_159 = arith.constant 0 : i32
      %dma_start3A_160 = arith.constant 0 : i32
      %dma_start3A_161 = tpu.memref_slice %arg8[%dma_start3A_158, %dma_start3A_159, %dma_start3A_160] : memref<2x128x128xf32, #tpu.memory_space<vmem>> -> memref<1x128x128xf32, #tpu.memory_space<vmem>>
      %dma_start3A_162 = tpu.memref_squeeze %dma_start3A_161 : memref<1x128x128xf32, #tpu.memory_space<vmem>> -> memref<128x128xf32, #tpu.memory_space<vmem>>
      %dma_start3A_163 = arith.constant 0 : i32
      %dma_start3A_164 = tpu.memref_slice %arg6[%rem3A_157, %dma_start3A_163] : memref<160x128xi32, #tpu.memory_space<vmem>> -> memref<1x128xi32, #tpu.memory_space<vmem>>
      %dma_start3A_165 = tpu.memref_squeeze %dma_start3A_164 : memref<1x128xi32, #tpu.memory_space<vmem>> -> memref<128xi32, #tpu.memory_space<vmem>>
      %dma_start3A_166 = arith.constant 0 : i32
      %dma_start3A_167 = arith.constant 0 : i32
      %dma_start3A_168 = tpu.memref_slice %arg2[%dma_start3A_166, %dma_start3A_167] : memref<10240x128xf32, #tpu.memory_space<hbm>> -> memref<10240x128xf32, #tpu.memory_space<hbm>>
      tpu.enqueue_indirect_dma source(%dma_start3A_168 : memref<10240x128xf32, #tpu.memory_space<hbm>>) target(%dma_start3A_162 : memref<128x128xf32, #tpu.memory_space<vmem>>) offsets(%dma_start3A_165 : memref<128xi32, #tpu.memory_space<vmem>>) semaphore(%arg11 : memref<!tpu.dma_semaphore, #tpu.memory_space<semaphore_mem>>)
      %run_scoped3A_169 = arith.constant 1 : i32
      "tpu.region"() ({
        %run_scoped3A_171 = tpu.sem_alloc : memref<!tpu.dma_semaphore, #tpu.memory_space<semaphore_mem>>
        %dma_start3A_172 = arith.constant 0 : i32
        %dma_start3A_173 = arith.constant 0 : i32
        %dma_start3A_174 = tpu.memref_slice %arg8[%run_scoped3A_169, %dma_start3A_172, %dma_start3A_173] : memref<2x128x128xf32, #tpu.memory_space<vmem>> -> memref<1x128x128xf32, #tpu.memory_space<vmem>>
        %dma_start3A_175 = tpu.memref_squeeze %dma_start3A_174 : memref<1x128x128xf32, #tpu.memory_space<vmem>> -> memref<128x128xf32, #tpu.memory_space<vmem>>
        %dma_start3A_176 = arith.constant 0 : i32
        %dma_start3A_177 = tpu.memref_slice %arg7[%add3A_141, %dma_start3A_176] : memref<160x128xi32, #tpu.memory_space<vmem>> -> memref<1x128xi32, #tpu.memory_space<vmem>>
        %dma_start3A_178 = tpu.memref_squeeze %dma_start3A_177 : memref<1x128xi32, #tpu.memory_space<vmem>> -> memref<128xi32, #tpu.memory_space<vmem>>
        %dma_start3A_179 = arith.constant 0 : i32
        %dma_start3A_180 = arith.constant 0 : i32
        %dma_start3A_181 = tpu.memref_slice %arg10[%dma_start3A_179, %dma_start3A_180] : memref<2560x128xf32, #tpu.memory_space<vmem_shared>> -> memref<2560x128xf32, #tpu.memory_space<vmem_shared>>
        tpu.enqueue_indirect_dma source(%dma_start3A_175 : memref<128x128xf32, #tpu.memory_space<vmem>>) target(%dma_start3A_181 : memref<2560x128xf32, #tpu.memory_space<vmem_shared>>) offsets(%dma_start3A_178 : memref<128xi32, #tpu.memory_space<vmem>>) semaphore(%run_scoped3A_171 : memref<!tpu.dma_semaphore, #tpu.memory_space<semaphore_mem>>) {add = true}
        %dma_wait3A_182 = arith.constant 0 : i32
        %dma_wait3A_183 = arith.constant 0 : i32
        %dma_wait3A_184 = tpu.memref_slice %arg8[%run_scoped3A_169, %dma_wait3A_182, %dma_wait3A_183] : memref<2x128x128xf32, #tpu.memory_space<vmem>> -> memref<1x128x128xf32, #tpu.memory_space<vmem>>
        %dma_wait3A_185 = tpu.memref_squeeze %dma_wait3A_184 : memref<1x128x128xf32, #tpu.memory_space<vmem>> -> memref<128x128xf32, #tpu.memory_space<vmem>>
        %dma_wait3A_186 = arith.constant 0 : i32
        %dma_wait3A_187 = tpu.memref_slice %arg7[%add3A_141, %dma_wait3A_186] : memref<160x128xi32, #tpu.memory_space<vmem>> -> memref<1x128xi32, #tpu.memory_space<vmem>>
        %dma_wait3A_188 = tpu.memref_squeeze %dma_wait3A_187 : memref<1x128xi32, #tpu.memory_space<vmem>> -> memref<128xi32, #tpu.memory_space<vmem>>
        %dma_wait3A_189 = arith.constant 0 : i32
        %dma_wait3A_190 = arith.constant 0 : i32
        %dma_wait3A_191 = tpu.memref_slice %arg10[%dma_wait3A_189, %dma_wait3A_190] : memref<2560x128xf32, #tpu.memory_space<vmem_shared>> -> memref<2560x128xf32, #tpu.memory_space<vmem_shared>>
        tpu.wait_indirect_dma semaphore(%run_scoped3A_171 : memref<!tpu.dma_semaphore, #tpu.memory_space<semaphore_mem>>) src(%dma_wait3A_185 : memref<128x128xf32, #tpu.memory_space<vmem>>) dst(%dma_wait3A_191 : memref<2560x128xf32, #tpu.memory_space<vmem_shared>>)
        tpu.yield
      }) : () -> ()
      %scan3A_170 = arith.constant 0 : i32
      scf.yield %scan3A_170 : i32
    }
    %scan3A_90 = arith.constant 80 : i32
    %dma_wait3A_91 = arith.constant 0 : i32
    %dma_wait3A_92 = arith.constant 0 : i32
    %dma_wait3A_93 = arith.constant 0 : i32
    %dma_wait3A_94 = arith.constant 0 : i32
    %dma_wait3A_95 = tpu.memref_slice %arg8[%dma_wait3A_92, %dma_wait3A_93, %dma_wait3A_94] : memref<2x128x128xf32, #tpu.memory_space<vmem>> -> memref<1x128x128xf32, #tpu.memory_space<vmem>>
    %dma_wait3A_96 = tpu.memref_squeeze %dma_wait3A_95 : memref<1x128x128xf32, #tpu.memory_space<vmem>> -> memref<128x128xf32, #tpu.memory_space<vmem>>
    %dma_wait3A_97 = arith.constant 0 : i32
    %dma_wait3A_98 = tpu.memref_slice %arg6[%dma_wait3A_91, %dma_wait3A_97] : memref<160x128xi32, #tpu.memory_space<vmem>> -> memref<1x128xi32, #tpu.memory_space<vmem>>
    %dma_wait3A_99 = tpu.memref_squeeze %dma_wait3A_98 : memref<1x128xi32, #tpu.memory_space<vmem>> -> memref<128xi32, #tpu.memory_space<vmem>>
    %dma_wait3A_100 = arith.constant 0 : i32
    %dma_wait3A_101 = arith.constant 0 : i32
    %dma_wait3A_102 = tpu.memref_slice %arg2[%dma_wait3A_100, %dma_wait3A_101] : memref<10240x128xf32, #tpu.memory_space<hbm>> -> memref<10240x128xf32, #tpu.memory_space<hbm>>
    tpu.wait_indirect_dma semaphore(%arg11 : memref<!tpu.dma_semaphore, #tpu.memory_space<semaphore_mem>>) src(%dma_wait3A_102 : memref<10240x128xf32, #tpu.memory_space<hbm>>) dst(%dma_wait3A_96 : memref<128x128xf32, #tpu.memory_space<vmem>>)
    %barrier3A_103 = arith.constant 0 : index
    tpu.barrier barrier_id(%barrier3A_103)
    %run_scoped3A_104 = arith.constant 1 : i32
    "tpu.region"() ({
      %run_scoped3A_105 = tpu.sem_alloc : memref<!tpu.dma_semaphore, #tpu.memory_space<semaphore_mem>>
      %dma_start3A_106 = arith.constant 0 : i32
      %dma_start3A_107 = tpu.memref_slice %arg5[%arg0, %run_scoped3A_104, %mul3A_7, %dma_start3A_106] : memref<2x2x2560x128xf32, #tpu.memory_space<hbm>> -> memref<1x1x160x128xf32, #tpu.memory_space<hbm>>
      %dma_start3A_108 = tpu.memref_squeeze %dma_start3A_107 : memref<1x1x160x128xf32, #tpu.memory_space<hbm>> -> memref<160x128xf32, #tpu.memory_space<hbm>>
      %dma_start3A_109 = arith.constant 0 : i32
      %dma_start3A_110 = tpu.memref_slice %arg10[%mul3A_7, %dma_start3A_109] : memref<2560x128xf32, #tpu.memory_space<vmem_shared>> -> memref<160x128xf32, #tpu.memory_space<vmem_shared>>
      tpu.enqueue_dma source(%dma_start3A_110 : memref<160x128xf32, #tpu.memory_space<vmem_shared>>) target(%dma_start3A_108 : memref<160x128xf32, #tpu.memory_space<hbm>>) target_semaphore(%run_scoped3A_105 : memref<!tpu.dma_semaphore, #tpu.memory_space<semaphore_mem>>)
      %dma_wait3A_111 = arith.constant 0 : i32
      %dma_wait3A_112 = tpu.memref_slice %arg5[%arg0, %run_scoped3A_104, %mul3A_7, %dma_wait3A_111] : memref<2x2x2560x128xf32, #tpu.memory_space<hbm>> -> memref<1x1x160x128xf32, #tpu.memory_space<hbm>>
      %dma_wait3A_113 = tpu.memref_squeeze %dma_wait3A_112 : memref<1x1x160x128xf32, #tpu.memory_space<hbm>> -> memref<160x128xf32, #tpu.memory_space<hbm>>
      %dma_wait3A_114 = arith.constant 0 : i32
      %dma_wait3A_115 = tpu.memref_slice %arg10[%mul3A_7, %dma_wait3A_114] : memref<2560x128xf32, #tpu.memory_space<vmem_shared>> -> memref<160x128xf32, #tpu.memory_space<vmem_shared>>
      tpu.wait_dma2 semaphore(%run_scoped3A_105 : memref<!tpu.dma_semaphore, #tpu.memory_space<semaphore_mem>>) src(%dma_wait3A_115 : memref<160x128xf32, #tpu.memory_space<vmem_shared>>) dst(%dma_wait3A_113 : memref<160x128xf32, #tpu.memory_space<hbm>>)
      tpu.yield
    }) : () -> ()
    return
  }
}

#map = affine_map<(d0, d1) -> (0, 0, 0)>
#map1 = affine_map<(d0, d1) -> (0, 0, 0, 0)>
module attributes {stable_mosaic.version = 14 : i64} {
  func.func @sc_deg(%arg0: i32, %arg1: i32, %arg2: memref<16x160x128xi32, #tpu.memory_space<hbm>>, %arg3: memref<2x2x2688x128xf32, #tpu.memory_space<hbm>>, %arg4: memref<160x128xi32, #tpu.memory_space<vmem>>, %arg5: memref<128x128xf32, #tpu.memory_space<vmem>>, %arg6: memref<168x128xf32, #tpu.memory_space<vmem>>, %arg7: memref<2688x128xf32, #tpu.memory_space<vmem_shared>>) attributes {dimension_semantics = [#tpu.dimension_semantics<core_parallel>, #tpu.dimension_semantics<subcore_parallel>], iteration_bounds = array<i64: 2, 16>, scalar_prefetch = 0 : i64, scratch_operands = 4 : i64, tpu.core_type = #tpu.core_type<sc_vector_subcore>, window_params = [{transform_indices = #map}, {transform_indices = #map1}]} {
    %broadcast_in_dim3A = arith.constant 0.000000e+00 : f32
    %broadcast_in_dim3A_0 = vector.broadcast %broadcast_in_dim3A : f32 to vector<16xf32>
    %broadcast_in_dim3A_1 = arith.constant 1.000000e+00 : f32
    %broadcast_in_dim3A_2 = vector.broadcast %broadcast_in_dim3A_1 : f32 to vector<16xf32>
    %scan3A = arith.constant 0 : i32
    %scan3A_3 = arith.constant 0 : i32
    %scan3A_4 = arith.constant 168 : i32
    %scan3A_5 = arith.addi %scan3A_3, %scan3A_4 : i32
    %scan3A_6 = arith.constant 1 : i32
    %scan3A_7 = scf.for %scan3A_66 = %scan3A_3 to %scan3A_5 step %scan3A_6 iter_args(%scan3A_67 = %scan3A) -> (i32)  : i32 {
      %swap3A = arith.index_cast %scan3A_66 : i32 to index
      %swap3A_68 = arith.constant 0 : index
      %swap3A_69 = tpu.vector_load %arg6[%swap3A, %swap3A_68] {strides = array<i32>} : memref<168x128xf32, #tpu.memory_space<vmem>>, vector<1x16xf32>,
      %swap3A_70 = vector.shape_cast %swap3A_69 : vector<1x16xf32> to vector<16xf32>
      %swap3A_71 = vector.shape_cast %broadcast_in_dim3A_0 : vector<16xf32> to vector<1x16xf32>
      tpu.vector_store %arg6[%swap3A, %swap3A_68], %swap3A_71 {strides = array<i32>} : memref<168x128xf32, #tpu.memory_space<vmem>>, vector<1x16xf32>,
      %swap3A_72 = arith.index_cast %scan3A_66 : i32 to index
      %swap3A_73 = arith.constant 16 : index
      %swap3A_74 = tpu.vector_load %arg6[%swap3A_72, %swap3A_73] {strides = array<i32>} : memref<168x128xf32, #tpu.memory_space<vmem>>, vector<1x16xf32>,
      %swap3A_75 = vector.shape_cast %swap3A_74 : vector<1x16xf32> to vector<16xf32>
      %swap3A_76 = vector.shape_cast %broadcast_in_dim3A_0 : vector<16xf32> to vector<1x16xf32>
      tpu.vector_store %arg6[%swap3A_72, %swap3A_73], %swap3A_76 {strides = array<i32>} : memref<168x128xf32, #tpu.memory_space<vmem>>, vector<1x16xf32>,
      %swap3A_77 = arith.index_cast %scan3A_66 : i32 to index
      %swap3A_78 = arith.constant 32 : index
      %swap3A_79 = tpu.vector_load %arg6[%swap3A_77, %swap3A_78] {strides = array<i32>} : memref<168x128xf32, #tpu.memory_space<vmem>>, vector<1x16xf32>,
      %swap3A_80 = vector.shape_cast %swap3A_79 : vector<1x16xf32> to vector<16xf32>
      %swap3A_81 = vector.shape_cast %broadcast_in_dim3A_0 : vector<16xf32> to vector<1x16xf32>
      tpu.vector_store %arg6[%swap3A_77, %swap3A_78], %swap3A_81 {strides = array<i32>} : memref<168x128xf32, #tpu.memory_space<vmem>>, vector<1x16xf32>,
      %swap3A_82 = arith.index_cast %scan3A_66 : i32 to index
      %swap3A_83 = arith.constant 48 : index
      %swap3A_84 = tpu.vector_load %arg6[%swap3A_82, %swap3A_83] {strides = array<i32>} : memref<168x128xf32, #tpu.memory_space<vmem>>, vector<1x16xf32>,
      %swap3A_85 = vector.shape_cast %swap3A_84 : vector<1x16xf32> to vector<16xf32>
      %swap3A_86 = vector.shape_cast %broadcast_in_dim3A_0 : vector<16xf32> to vector<1x16xf32>
      tpu.vector_store %arg6[%swap3A_82, %swap3A_83], %swap3A_86 {strides = array<i32>} : memref<168x128xf32, #tpu.memory_space<vmem>>, vector<1x16xf32>,
      %swap3A_87 = arith.index_cast %scan3A_66 : i32 to index
      %swap3A_88 = arith.constant 64 : index
      %swap3A_89 = tpu.vector_load %arg6[%swap3A_87, %swap3A_88] {strides = array<i32>} : memref<168x128xf32, #tpu.memory_space<vmem>>, vector<1x16xf32>,
      %swap3A_90 = vector.shape_cast %swap3A_89 : vector<1x16xf32> to vector<16xf32>
      %swap3A_91 = vector.shape_cast %broadcast_in_dim3A_0 : vector<16xf32> to vector<1x16xf32>
      tpu.vector_store %arg6[%swap3A_87, %swap3A_88], %swap3A_91 {strides = array<i32>} : memref<168x128xf32, #tpu.memory_space<vmem>>, vector<1x16xf32>,
      %swap3A_92 = arith.index_cast %scan3A_66 : i32 to index
      %swap3A_93 = arith.constant 80 : index
      %swap3A_94 = tpu.vector_load %arg6[%swap3A_92, %swap3A_93] {strides = array<i32>} : memref<168x128xf32, #tpu.memory_space<vmem>>, vector<1x16xf32>,
      %swap3A_95 = vector.shape_cast %swap3A_94 : vector<1x16xf32> to vector<16xf32>
      %swap3A_96 = vector.shape_cast %broadcast_in_dim3A_0 : vector<16xf32> to vector<1x16xf32>
      tpu.vector_store %arg6[%swap3A_92, %swap3A_93], %swap3A_96 {strides = array<i32>} : memref<168x128xf32, #tpu.memory_space<vmem>>, vector<1x16xf32>,
      %swap3A_97 = arith.index_cast %scan3A_66 : i32 to index
      %swap3A_98 = arith.constant 96 : index
      %swap3A_99 = tpu.vector_load %arg6[%swap3A_97, %swap3A_98] {strides = array<i32>} : memref<168x128xf32, #tpu.memory_space<vmem>>, vector<1x16xf32>,
      %swap3A_100 = vector.shape_cast %swap3A_99 : vector<1x16xf32> to vector<16xf32>
      %swap3A_101 = vector.shape_cast %broadcast_in_dim3A_0 : vector<16xf32> to vector<1x16xf32>
      tpu.vector_store %arg6[%swap3A_97, %swap3A_98], %swap3A_101 {strides = array<i32>} : memref<168x128xf32, #tpu.memory_space<vmem>>, vector<1x16xf32>,
      %swap3A_102 = arith.index_cast %scan3A_66 : i32 to index
      %swap3A_103 = arith.constant 112 : index
      %swap3A_104 = tpu.vector_load %arg6[%swap3A_102, %swap3A_103] {strides = array<i32>} : memref<168x128xf32, #tpu.memory_space<vmem>>, vector<1x16xf32>,
      %swap3A_105 = vector.shape_cast %swap3A_104 : vector<1x16xf32> to vector<16xf32>
      %swap3A_106 = vector.shape_cast %broadcast_in_dim3A_0 : vector<16xf32> to vector<1x16xf32>
      tpu.vector_store %arg6[%swap3A_102, %swap3A_103], %swap3A_106 {strides = array<i32>} : memref<168x128xf32, #tpu.memory_space<vmem>>, vector<1x16xf32>,
      %scan3A_107 = arith.constant 0 : i32
      scf.yield %scan3A_107 : i32
    }
    %scan3A_8 = arith.constant 168 : i32
    %scan3A_9 = arith.constant 0 : i32
    %scan3A_10 = arith.constant 0 : i32
    %scan3A_11 = arith.constant 128 : i32
    %scan3A_12 = arith.addi %scan3A_10, %scan3A_11 : i32
    %scan3A_13 = arith.constant 1 : i32
    %scan3A_14 = scf.for %scan3A_66 = %scan3A_10 to %scan3A_12 step %scan3A_13 iter_args(%scan3A_67 = %scan3A_9) -> (i32)  : i32 {
      %swap3A = arith.index_cast %scan3A_66 : i32 to index
      %swap3A_68 = arith.constant 0 : index
      %swap3A_69 = tpu.vector_load %arg5[%swap3A, %swap3A_68] {strides = array<i32>} : memref<128x128xf32, #tpu.memory_space<vmem>>, vector<1x16xf32>,
      %swap3A_70 = vector.shape_cast %swap3A_69 : vector<1x16xf32> to vector<16xf32>
      %swap3A_71 = vector.shape_cast %broadcast_in_dim3A_2 : vector<16xf32> to vector<1x16xf32>
      tpu.vector_store %arg5[%swap3A, %swap3A_68], %swap3A_71 {strides = array<i32>} : memref<128x128xf32, #tpu.memory_space<vmem>>, vector<1x16xf32>,
      %swap3A_72 = arith.index_cast %scan3A_66 : i32 to index
      %swap3A_73 = arith.constant 16 : index
      %swap3A_74 = tpu.vector_load %arg5[%swap3A_72, %swap3A_73] {strides = array<i32>} : memref<128x128xf32, #tpu.memory_space<vmem>>, vector<1x16xf32>,
      %swap3A_75 = vector.shape_cast %swap3A_74 : vector<1x16xf32> to vector<16xf32>
      %swap3A_76 = vector.shape_cast %broadcast_in_dim3A_2 : vector<16xf32> to vector<1x16xf32>
      tpu.vector_store %arg5[%swap3A_72, %swap3A_73], %swap3A_76 {strides = array<i32>} : memref<128x128xf32, #tpu.memory_space<vmem>>, vector<1x16xf32>,
      %swap3A_77 = arith.index_cast %scan3A_66 : i32 to index
      %swap3A_78 = arith.constant 32 : index
      %swap3A_79 = tpu.vector_load %arg5[%swap3A_77, %swap3A_78] {strides = array<i32>} : memref<128x128xf32, #tpu.memory_space<vmem>>, vector<1x16xf32>,
      %swap3A_80 = vector.shape_cast %swap3A_79 : vector<1x16xf32> to vector<16xf32>
      %swap3A_81 = vector.shape_cast %broadcast_in_dim3A_2 : vector<16xf32> to vector<1x16xf32>
      tpu.vector_store %arg5[%swap3A_77, %swap3A_78], %swap3A_81 {strides = array<i32>} : memref<128x128xf32, #tpu.memory_space<vmem>>, vector<1x16xf32>,
      %swap3A_82 = arith.index_cast %scan3A_66 : i32 to index
      %swap3A_83 = arith.constant 48 : index
      %swap3A_84 = tpu.vector_load %arg5[%swap3A_82, %swap3A_83] {strides = array<i32>} : memref<128x128xf32, #tpu.memory_space<vmem>>, vector<1x16xf32>,
      %swap3A_85 = vector.shape_cast %swap3A_84 : vector<1x16xf32> to vector<16xf32>
      %swap3A_86 = vector.shape_cast %broadcast_in_dim3A_2 : vector<16xf32> to vector<1x16xf32>
      tpu.vector_store %arg5[%swap3A_82, %swap3A_83], %swap3A_86 {strides = array<i32>} : memref<128x128xf32, #tpu.memory_space<vmem>>, vector<1x16xf32>,
      %swap3A_87 = arith.index_cast %scan3A_66 : i32 to index
      %swap3A_88 = arith.constant 64 : index
      %swap3A_89 = tpu.vector_load %arg5[%swap3A_87, %swap3A_88] {strides = array<i32>} : memref<128x128xf32, #tpu.memory_space<vmem>>, vector<1x16xf32>,
      %swap3A_90 = vector.shape_cast %swap3A_89 : vector<1x16xf32> to vector<16xf32>
      %swap3A_91 = vector.shape_cast %broadcast_in_dim3A_2 : vector<16xf32> to vector<1x16xf32>
      tpu.vector_store %arg5[%swap3A_87, %swap3A_88], %swap3A_91 {strides = array<i32>} : memref<128x128xf32, #tpu.memory_space<vmem>>, vector<1x16xf32>,
      %swap3A_92 = arith.index_cast %scan3A_66 : i32 to index
      %swap3A_93 = arith.constant 80 : index
      %swap3A_94 = tpu.vector_load %arg5[%swap3A_92, %swap3A_93] {strides = array<i32>} : memref<128x128xf32, #tpu.memory_space<vmem>>, vector<1x16xf32>,
      %swap3A_95 = vector.shape_cast %swap3A_94 : vector<1x16xf32> to vector<16xf32>
      %swap3A_96 = vector.shape_cast %broadcast_in_dim3A_2 : vector<16xf32> to vector<1x16xf32>
      tpu.vector_store %arg5[%swap3A_92, %swap3A_93], %swap3A_96 {strides = array<i32>} : memref<128x128xf32, #tpu.memory_space<vmem>>, vector<1x16xf32>,
      %swap3A_97 = arith.index_cast %scan3A_66 : i32 to index
      %swap3A_98 = arith.constant 96 : index
      %swap3A_99 = tpu.vector_load %arg5[%swap3A_97, %swap3A_98] {strides = array<i32>} : memref<128x128xf32, #tpu.memory_space<vmem>>, vector<1x16xf32>,
      %swap3A_100 = vector.shape_cast %swap3A_99 : vector<1x16xf32> to vector<16xf32>
      %swap3A_101 = vector.shape_cast %broadcast_in_dim3A_2 : vector<16xf32> to vector<1x16xf32>
      tpu.vector_store %arg5[%swap3A_97, %swap3A_98], %swap3A_101 {strides = array<i32>} : memref<128x128xf32, #tpu.memory_space<vmem>>, vector<1x16xf32>,
      %swap3A_102 = arith.index_cast %scan3A_66 : i32 to index
      %swap3A_103 = arith.constant 112 : index
      %swap3A_104 = tpu.vector_load %arg5[%swap3A_102, %swap3A_103] {strides = array<i32>} : memref<128x128xf32, #tpu.memory_space<vmem>>, vector<1x16xf32>,
      %swap3A_105 = vector.shape_cast %swap3A_104 : vector<1x16xf32> to vector<16xf32>
      %swap3A_106 = vector.shape_cast %broadcast_in_dim3A_2 : vector<16xf32> to vector<1x16xf32>
      tpu.vector_store %arg5[%swap3A_102, %swap3A_103], %swap3A_106 {strides = array<i32>} : memref<128x128xf32, #tpu.memory_space<vmem>>, vector<1x16xf32>,
      %scan3A_107 = arith.constant 0 : i32
      scf.yield %scan3A_107 : i32
    }
    %scan3A_15 = arith.constant 128 : i32
    %mul3A = arith.constant 168 : i32
    %mul3A_16 = arith.muli %arg1, %mul3A : i32
    %broadcast_in_dim3A_17 = arith.constant 2560 : i32
    %broadcast_in_dim3A_18 = vector.broadcast %broadcast_in_dim3A_17 : i32 to vector<16xi32>
    %broadcast_in_dim3A_19 = arith.constant 2560 : i32
    %broadcast_in_dim3A_20 = vector.broadcast %broadcast_in_dim3A_19 : i32 to vector<16xi32>
    "tpu.region"() ({
      %run_scoped3A_66 = tpu.sem_alloc : memref<!tpu.dma_semaphore, #tpu.memory_space<semaphore_mem>>
      %dma_start3A = arith.constant 0 : i32
      %dma_start3A_67 = arith.constant 0 : i32
      %dma_start3A_68 = tpu.memref_slice %arg2[%arg1, %dma_start3A, %dma_start3A_67] : memref<16x160x128xi32, #tpu.memory_space<hbm>> -> memref<1x160x128xi32, #tpu.memory_space<hbm>>
      %dma_start3A_69 = tpu.memref_squeeze %dma_start3A_68 : memref<1x160x128xi32, #tpu.memory_space<hbm>> -> memref<160x128xi32, #tpu.memory_space<hbm>>
      %dma_start3A_70 = arith.constant 0 : i32
      %dma_start3A_71 = arith.constant 0 : i32
      %dma_start3A_72 = tpu.memref_slice %arg2[%arg1, %dma_start3A_70, %dma_start3A_71] : memref<16x160x128xi32, #tpu.memory_space<hbm>> -> memref<1x160x128xi32, #tpu.memory_space<hbm>>
      %dma_start3A_73 = tpu.memref_squeeze %dma_start3A_72 : memref<1x160x128xi32, #tpu.memory_space<hbm>> -> memref<160x128xi32, #tpu.memory_space<hbm>>
      tpu.enqueue_dma source(%dma_start3A_73 : memref<160x128xi32, #tpu.memory_space<hbm>>) target(%arg4 : memref<160x128xi32, #tpu.memory_space<vmem>>) target_semaphore(%run_scoped3A_66 : memref<!tpu.dma_semaphore, #tpu.memory_space<semaphore_mem>>)
      %dma_wait3A = arith.constant 0 : i32
      %dma_wait3A_74 = arith.constant 0 : i32
      %dma_wait3A_75 = tpu.memref_slice %arg2[%arg1, %dma_wait3A, %dma_wait3A_74] : memref<16x160x128xi32, #tpu.memory_space<hbm>> -> memref<1x160x128xi32, #tpu.memory_space<hbm>>
      %dma_wait3A_76 = tpu.memref_squeeze %dma_wait3A_75 : memref<1x160x128xi32, #tpu.memory_space<hbm>> -> memref<160x128xi32, #tpu.memory_space<hbm>>
      %dma_wait3A_77 = arith.constant 0 : i32
      %dma_wait3A_78 = arith.constant 0 : i32
      %dma_wait3A_79 = tpu.memref_slice %arg2[%arg1, %dma_wait3A_77, %dma_wait3A_78] : memref<16x160x128xi32, #tpu.memory_space<hbm>> -> memref<1x160x128xi32, #tpu.memory_space<hbm>>
      %dma_wait3A_80 = tpu.memref_squeeze %dma_wait3A_79 : memref<1x160x128xi32, #tpu.memory_space<hbm>> -> memref<160x128xi32, #tpu.memory_space<hbm>>
      tpu.wait_dma2 semaphore(%run_scoped3A_66 : memref<!tpu.dma_semaphore, #tpu.memory_space<semaphore_mem>>) src(%dma_wait3A_80 : memref<160x128xi32, #tpu.memory_space<hbm>>) dst(%arg4 : memref<160x128xi32, #tpu.memory_space<vmem>>)
      tpu.yield
    }) : () -> ()
    %mul3A_21 = arith.constant 2 : i32
    %mul3A_22 = arith.muli %mul3A_21, %arg0 : i32
    %add3A = arith.constant 0 : i32
    %add3A_23 = arith.addi %mul3A_22, %add3A : i32
    %mul3A_24 = arith.constant 2560 : i32
    %mul3A_25 = arith.muli %add3A_23, %mul3A_24 : i32
    %broadcast_in_dim3A_26 = vector.broadcast %mul3A_25 : i32 to vector<16xi32>
    %scan3A_27 = arith.constant 0 : i32
    %scan3A_28 = arith.constant 0 : i32
    %scan3A_29 = arith.constant 160 : i32
    %scan3A_30 = arith.addi %scan3A_28, %scan3A_29 : i32
    %scan3A_31 = arith.constant 1 : i32
    %scan3A_32 = scf.for %scan3A_66 = %scan3A_28 to %scan3A_30 step %scan3A_31 iter_args(%scan3A_67 = %scan3A_27) -> (i32)  : i32 {
      %get3A = arith.index_cast %scan3A_66 : i32 to index
      %get3A_68 = arith.constant 0 : index
      %get3A_69 = tpu.vector_load %arg4[%get3A, %get3A_68] {strides = array<i32>} : memref<160x128xi32, #tpu.memory_space<vmem>>, vector<1x16xi32>,
      %get3A_70 = vector.shape_cast %get3A_69 : vector<1x16xi32> to vector<16xi32>
      %sub3A = arith.subi %get3A_70, %broadcast_in_dim3A_26 : vector<16xi32>
      %ge3A = arith.constant 0 : i32
      %ge3A_71 = vector.broadcast %ge3A : i32 to vector<16xi32>
      %ge3A_72 = arith.cmpi sge, %sub3A, %ge3A_71 : vector<16xi32>
      %lt3A = arith.cmpi slt, %sub3A, %broadcast_in_dim3A_20 : vector<16xi32>
      %and3A = arith.andi %ge3A_72, %lt3A : vector<16xi1>
      %select_n3A = arith.select %and3A, %sub3A, %broadcast_in_dim3A_18 : vector<16xi1>, vector<16xi32>
      %swap3A = arith.index_cast %scan3A_66 : i32 to index
      %swap3A_73 = arith.constant 0 : index
      %swap3A_74 = tpu.vector_load %arg4[%swap3A, %swap3A_73] {strides = array<i32>} : memref<160x128xi32, #tpu.memory_space<vmem>>, vector<1x16xi32>,
      %swap3A_75 = vector.shape_cast %swap3A_74 : vector<1x16xi32> to vector<16xi32>
      %swap3A_76 = vector.shape_cast %select_n3A : vector<16xi32> to vector<1x16xi32>
      tpu.vector_store %arg4[%swap3A, %swap3A_73], %swap3A_76 {strides = array<i32>} : memref<160x128xi32, #tpu.memory_space<vmem>>, vector<1x16xi32>,
      %get3A_77 = arith.index_cast %scan3A_66 : i32 to index
      %get3A_78 = arith.constant 16 : index
      %get3A_79 = tpu.vector_load %arg4[%get3A_77, %get3A_78] {strides = array<i32>} : memref<160x128xi32, #tpu.memory_space<vmem>>, vector<1x16xi32>,
      %get3A_80 = vector.shape_cast %get3A_79 : vector<1x16xi32> to vector<16xi32>
      %sub3A_81 = arith.subi %get3A_80, %broadcast_in_dim3A_26 : vector<16xi32>
      %ge3A_82 = arith.constant 0 : i32
      %ge3A_83 = vector.broadcast %ge3A_82 : i32 to vector<16xi32>
      %ge3A_84 = arith.cmpi sge, %sub3A_81, %ge3A_83 : vector<16xi32>
      %lt3A_85 = arith.cmpi slt, %sub3A_81, %broadcast_in_dim3A_20 : vector<16xi32>
      %and3A_86 = arith.andi %ge3A_84, %lt3A_85 : vector<16xi1>
      %select_n3A_87 = arith.select %and3A_86, %sub3A_81, %broadcast_in_dim3A_18 : vector<16xi1>, vector<16xi32>
      %swap3A_88 = arith.index_cast %scan3A_66 : i32 to index
      %swap3A_89 = arith.constant 16 : index
      %swap3A_90 = tpu.vector_load %arg4[%swap3A_88, %swap3A_89] {strides = array<i32>} : memref<160x128xi32, #tpu.memory_space<vmem>>, vector<1x16xi32>,
      %swap3A_91 = vector.shape_cast %swap3A_90 : vector<1x16xi32> to vector<16xi32>
      %swap3A_92 = vector.shape_cast %select_n3A_87 : vector<16xi32> to vector<1x16xi32>
      tpu.vector_store %arg4[%swap3A_88, %swap3A_89], %swap3A_92 {strides = array<i32>} : memref<160x128xi32, #tpu.memory_space<vmem>>, vector<1x16xi32>,
      %get3A_93 = arith.index_cast %scan3A_66 : i32 to index
      %get3A_94 = arith.constant 32 : index
      %get3A_95 = tpu.vector_load %arg4[%get3A_93, %get3A_94] {strides = array<i32>} : memref<160x128xi32, #tpu.memory_space<vmem>>, vector<1x16xi32>,
      %get3A_96 = vector.shape_cast %get3A_95 : vector<1x16xi32> to vector<16xi32>
      %sub3A_97 = arith.subi %get3A_96, %broadcast_in_dim3A_26 : vector<16xi32>
      %ge3A_98 = arith.constant 0 : i32
      %ge3A_99 = vector.broadcast %ge3A_98 : i32 to vector<16xi32>
      %ge3A_100 = arith.cmpi sge, %sub3A_97, %ge3A_99 : vector<16xi32>
      %lt3A_101 = arith.cmpi slt, %sub3A_97, %broadcast_in_dim3A_20 : vector<16xi32>
      %and3A_102 = arith.andi %ge3A_100, %lt3A_101 : vector<16xi1>
      %select_n3A_103 = arith.select %and3A_102, %sub3A_97, %broadcast_in_dim3A_18 : vector<16xi1>, vector<16xi32>
      %swap3A_104 = arith.index_cast %scan3A_66 : i32 to index
      %swap3A_105 = arith.constant 32 : index
      %swap3A_106 = tpu.vector_load %arg4[%swap3A_104, %swap3A_105] {strides = array<i32>} : memref<160x128xi32, #tpu.memory_space<vmem>>, vector<1x16xi32>,
      %swap3A_107 = vector.shape_cast %swap3A_106 : vector<1x16xi32> to vector<16xi32>
      %swap3A_108 = vector.shape_cast %select_n3A_103 : vector<16xi32> to vector<1x16xi32>
      tpu.vector_store %arg4[%swap3A_104, %swap3A_105], %swap3A_108 {strides = array<i32>} : memref<160x128xi32, #tpu.memory_space<vmem>>, vector<1x16xi32>,
      %get3A_109 = arith.index_cast %scan3A_66 : i32 to index
      %get3A_110 = arith.constant 48 : index
      %get3A_111 = tpu.vector_load %arg4[%get3A_109, %get3A_110] {strides = array<i32>} : memref<160x128xi32, #tpu.memory_space<vmem>>, vector<1x16xi32>,
      %get3A_112 = vector.shape_cast %get3A_111 : vector<1x16xi32> to vector<16xi32>
      %sub3A_113 = arith.subi %get3A_112, %broadcast_in_dim3A_26 : vector<16xi32>
      %ge3A_114 = arith.constant 0 : i32
      %ge3A_115 = vector.broadcast %ge3A_114 : i32 to vector<16xi32>
      %ge3A_116 = arith.cmpi sge, %sub3A_113, %ge3A_115 : vector<16xi32>
      %lt3A_117 = arith.cmpi slt, %sub3A_113, %broadcast_in_dim3A_20 : vector<16xi32>
      %and3A_118 = arith.andi %ge3A_116, %lt3A_117 : vector<16xi1>
      %select_n3A_119 = arith.select %and3A_118, %sub3A_113, %broadcast_in_dim3A_18 : vector<16xi1>, vector<16xi32>
      %swap3A_120 = arith.index_cast %scan3A_66 : i32 to index
      %swap3A_121 = arith.constant 48 : index
      %swap3A_122 = tpu.vector_load %arg4[%swap3A_120, %swap3A_121] {strides = array<i32>} : memref<160x128xi32, #tpu.memory_space<vmem>>, vector<1x16xi32>,
      %swap3A_123 = vector.shape_cast %swap3A_122 : vector<1x16xi32> to vector<16xi32>
      %swap3A_124 = vector.shape_cast %select_n3A_119 : vector<16xi32> to vector<1x16xi32>
      tpu.vector_store %arg4[%swap3A_120, %swap3A_121], %swap3A_124 {strides = array<i32>} : memref<160x128xi32, #tpu.memory_space<vmem>>, vector<1x16xi32>,
      %get3A_125 = arith.index_cast %scan3A_66 : i32 to index
      %get3A_126 = arith.constant 64 : index
      %get3A_127 = tpu.vector_load %arg4[%get3A_125, %get3A_126] {strides = array<i32>} : memref<160x128xi32, #tpu.memory_space<vmem>>, vector<1x16xi32>,
      %get3A_128 = vector.shape_cast %get3A_127 : vector<1x16xi32> to vector<16xi32>
      %sub3A_129 = arith.subi %get3A_128, %broadcast_in_dim3A_26 : vector<16xi32>
      %ge3A_130 = arith.constant 0 : i32
      %ge3A_131 = vector.broadcast %ge3A_130 : i32 to vector<16xi32>
      %ge3A_132 = arith.cmpi sge, %sub3A_129, %ge3A_131 : vector<16xi32>
      %lt3A_133 = arith.cmpi slt, %sub3A_129, %broadcast_in_dim3A_20 : vector<16xi32>
      %and3A_134 = arith.andi %ge3A_132, %lt3A_133 : vector<16xi1>
      %select_n3A_135 = arith.select %and3A_134, %sub3A_129, %broadcast_in_dim3A_18 : vector<16xi1>, vector<16xi32>
      %swap3A_136 = arith.index_cast %scan3A_66 : i32 to index
      %swap3A_137 = arith.constant 64 : index
      %swap3A_138 = tpu.vector_load %arg4[%swap3A_136, %swap3A_137] {strides = array<i32>} : memref<160x128xi32, #tpu.memory_space<vmem>>, vector<1x16xi32>,
      %swap3A_139 = vector.shape_cast %swap3A_138 : vector<1x16xi32> to vector<16xi32>
      %swap3A_140 = vector.shape_cast %select_n3A_135 : vector<16xi32> to vector<1x16xi32>
      tpu.vector_store %arg4[%swap3A_136, %swap3A_137], %swap3A_140 {strides = array<i32>} : memref<160x128xi32, #tpu.memory_space<vmem>>, vector<1x16xi32>,
      %get3A_141 = arith.index_cast %scan3A_66 : i32 to index
      %get3A_142 = arith.constant 80 : index
      %get3A_143 = tpu.vector_load %arg4[%get3A_141, %get3A_142] {strides = array<i32>} : memref<160x128xi32, #tpu.memory_space<vmem>>, vector<1x16xi32>,
      %get3A_144 = vector.shape_cast %get3A_143 : vector<1x16xi32> to vector<16xi32>
      %sub3A_145 = arith.subi %get3A_144, %broadcast_in_dim3A_26 : vector<16xi32>
      %ge3A_146 = arith.constant 0 : i32
      %ge3A_147 = vector.broadcast %ge3A_146 : i32 to vector<16xi32>
      %ge3A_148 = arith.cmpi sge, %sub3A_145, %ge3A_147 : vector<16xi32>
      %lt3A_149 = arith.cmpi slt, %sub3A_145, %broadcast_in_dim3A_20 : vector<16xi32>
      %and3A_150 = arith.andi %ge3A_148, %lt3A_149 : vector<16xi1>
      %select_n3A_151 = arith.select %and3A_150, %sub3A_145, %broadcast_in_dim3A_18 : vector<16xi1>, vector<16xi32>
      %swap3A_152 = arith.index_cast %scan3A_66 : i32 to index
      %swap3A_153 = arith.constant 80 : index
      %swap3A_154 = tpu.vector_load %arg4[%swap3A_152, %swap3A_153] {strides = array<i32>} : memref<160x128xi32, #tpu.memory_space<vmem>>, vector<1x16xi32>,
      %swap3A_155 = vector.shape_cast %swap3A_154 : vector<1x16xi32> to vector<16xi32>
      %swap3A_156 = vector.shape_cast %select_n3A_151 : vector<16xi32> to vector<1x16xi32>
      tpu.vector_store %arg4[%swap3A_152, %swap3A_153], %swap3A_156 {strides = array<i32>} : memref<160x128xi32, #tpu.memory_space<vmem>>, vector<1x16xi32>,
      %get3A_157 = arith.index_cast %scan3A_66 : i32 to index
      %get3A_158 = arith.constant 96 : index
      %get3A_159 = tpu.vector_load %arg4[%get3A_157, %get3A_158] {strides = array<i32>} : memref<160x128xi32, #tpu.memory_space<vmem>>, vector<1x16xi32>,
      %get3A_160 = vector.shape_cast %get3A_159 : vector<1x16xi32> to vector<16xi32>
      %sub3A_161 = arith.subi %get3A_160, %broadcast_in_dim3A_26 : vector<16xi32>
      %ge3A_162 = arith.constant 0 : i32
      %ge3A_163 = vector.broadcast %ge3A_162 : i32 to vector<16xi32>
      %ge3A_164 = arith.cmpi sge, %sub3A_161, %ge3A_163 : vector<16xi32>
      %lt3A_165 = arith.cmpi slt, %sub3A_161, %broadcast_in_dim3A_20 : vector<16xi32>
      %and3A_166 = arith.andi %ge3A_164, %lt3A_165 : vector<16xi1>
      %select_n3A_167 = arith.select %and3A_166, %sub3A_161, %broadcast_in_dim3A_18 : vector<16xi1>, vector<16xi32>
      %swap3A_168 = arith.index_cast %scan3A_66 : i32 to index
      %swap3A_169 = arith.constant 96 : index
      %swap3A_170 = tpu.vector_load %arg4[%swap3A_168, %swap3A_169] {strides = array<i32>} : memref<160x128xi32, #tpu.memory_space<vmem>>, vector<1x16xi32>,
      %swap3A_171 = vector.shape_cast %swap3A_170 : vector<1x16xi32> to vector<16xi32>
      %swap3A_172 = vector.shape_cast %select_n3A_167 : vector<16xi32> to vector<1x16xi32>
      tpu.vector_store %arg4[%swap3A_168, %swap3A_169], %swap3A_172 {strides = array<i32>} : memref<160x128xi32, #tpu.memory_space<vmem>>, vector<1x16xi32>,
      %get3A_173 = arith.index_cast %scan3A_66 : i32 to index
      %get3A_174 = arith.constant 112 : index
      %get3A_175 = tpu.vector_load %arg4[%get3A_173, %get3A_174] {strides = array<i32>} : memref<160x128xi32, #tpu.memory_space<vmem>>, vector<1x16xi32>,
      %get3A_176 = vector.shape_cast %get3A_175 : vector<1x16xi32> to vector<16xi32>
      %sub3A_177 = arith.subi %get3A_176, %broadcast_in_dim3A_26 : vector<16xi32>
      %ge3A_178 = arith.constant 0 : i32
      %ge3A_179 = vector.broadcast %ge3A_178 : i32 to vector<16xi32>
      %ge3A_180 = arith.cmpi sge, %sub3A_177, %ge3A_179 : vector<16xi32>
      %lt3A_181 = arith.cmpi slt, %sub3A_177, %broadcast_in_dim3A_20 : vector<16xi32>
      %and3A_182 = arith.andi %ge3A_180, %lt3A_181 : vector<16xi1>
      %select_n3A_183 = arith.select %and3A_182, %sub3A_177, %broadcast_in_dim3A_18 : vector<16xi1>, vector<16xi32>
      %swap3A_184 = arith.index_cast %scan3A_66 : i32 to index
      %swap3A_185 = arith.constant 112 : index
      %swap3A_186 = tpu.vector_load %arg4[%swap3A_184, %swap3A_185] {strides = array<i32>} : memref<160x128xi32, #tpu.memory_space<vmem>>, vector<1x16xi32>,
      %swap3A_187 = vector.shape_cast %swap3A_186 : vector<1x16xi32> to vector<16xi32>
      %swap3A_188 = vector.shape_cast %select_n3A_183 : vector<16xi32> to vector<1x16xi32>
      tpu.vector_store %arg4[%swap3A_184, %swap3A_185], %swap3A_188 {strides = array<i32>} : memref<160x128xi32, #tpu.memory_space<vmem>>, vector<1x16xi32>,
      %scan3A_189 = arith.constant 0 : i32
      scf.yield %scan3A_189 : i32
    }
    %scan3A_33 = arith.constant 160 : i32
    "tpu.region"() ({
      %run_scoped3A_66 = tpu.sem_alloc : memref<!tpu.dma_semaphore, #tpu.memory_space<semaphore_mem>>
      %dma_start3A = arith.constant 0 : i32
      %dma_start3A_67 = tpu.memref_slice %arg7[%mul3A_16, %dma_start3A] : memref<2688x128xf32, #tpu.memory_space<vmem_shared>> -> memref<168x128xf32, #tpu.memory_space<vmem_shared>>
      %dma_start3A_68 = arith.constant 0 : i32
      %dma_start3A_69 = tpu.memref_slice %arg7[%mul3A_16, %dma_start3A_68] : memref<2688x128xf32, #tpu.memory_space<vmem_shared>> -> memref<168x128xf32, #tpu.memory_space<vmem_shared>>
      tpu.enqueue_dma source(%arg6 : memref<168x128xf32, #tpu.memory_space<vmem>>) target(%dma_start3A_69 : memref<168x128xf32, #tpu.memory_space<vmem_shared>>) target_semaphore(%run_scoped3A_66 : memref<!tpu.dma_semaphore, #tpu.memory_space<semaphore_mem>>)
      %dma_wait3A = arith.constant 0 : i32
      %dma_wait3A_70 = tpu.memref_slice %arg7[%mul3A_16, %dma_wait3A] : memref<2688x128xf32, #tpu.memory_space<vmem_shared>> -> memref<168x128xf32, #tpu.memory_space<vmem_shared>>
      %dma_wait3A_71 = arith.constant 0 : i32
      %dma_wait3A_72 = tpu.memref_slice %arg7[%mul3A_16, %dma_wait3A_71] : memref<2688x128xf32, #tpu.memory_space<vmem_shared>> -> memref<168x128xf32, #tpu.memory_space<vmem_shared>>
      tpu.wait_dma2 semaphore(%run_scoped3A_66 : memref<!tpu.dma_semaphore, #tpu.memory_space<semaphore_mem>>) src(%arg6 : memref<168x128xf32, #tpu.memory_space<vmem>>) dst(%dma_wait3A_72 : memref<168x128xf32, #tpu.memory_space<vmem_shared>>)
      tpu.yield
    }) : () -> ()
    %barrier3A = arith.constant 0 : index
    tpu.barrier barrier_id(%barrier3A)
    %scan3A_34 = arith.constant 0 : i32
    %scan3A_35 = arith.constant 0 : i32
    %scan3A_36 = arith.constant 160 : i32
    %scan3A_37 = arith.addi %scan3A_35, %scan3A_36 : i32
    %scan3A_38 = arith.constant 1 : i32
    %scan3A_39 = scf.for %scan3A_66 = %scan3A_35 to %scan3A_37 step %scan3A_38 iter_args(%scan3A_67 = %scan3A_34) -> (i32)  : i32 {
      "tpu.region"() ({
        %run_scoped3A_69 = tpu.sem_alloc : memref<!tpu.dma_semaphore, #tpu.memory_space<semaphore_mem>>
        %dma_start3A = arith.constant 0 : i32
        %dma_start3A_70 = tpu.memref_slice %arg4[%scan3A_66, %dma_start3A] : memref<160x128xi32, #tpu.memory_space<vmem>> -> memref<1x128xi32, #tpu.memory_space<vmem>>
        %dma_start3A_71 = tpu.memref_squeeze %dma_start3A_70 : memref<1x128xi32, #tpu.memory_space<vmem>> -> memref<128xi32, #tpu.memory_space<vmem>>
        %dma_start3A_72 = arith.constant 0 : i32
        %dma_start3A_73 = arith.constant 0 : i32
        %dma_start3A_74 = tpu.memref_slice %arg7[%dma_start3A_72, %dma_start3A_73] : memref<2688x128xf32, #tpu.memory_space<vmem_shared>> -> memref<2688x128xf32, #tpu.memory_space<vmem_shared>>
        tpu.enqueue_indirect_dma source(%arg5 : memref<128x128xf32, #tpu.memory_space<vmem>>) target(%dma_start3A_74 : memref<2688x128xf32, #tpu.memory_space<vmem_shared>>) offsets(%dma_start3A_71 : memref<128xi32, #tpu.memory_space<vmem>>) semaphore(%run_scoped3A_69 : memref<!tpu.dma_semaphore, #tpu.memory_space<semaphore_mem>>) {add = true}
        %dma_wait3A = arith.constant 0 : i32
        %dma_wait3A_75 = tpu.memref_slice %arg4[%scan3A_66, %dma_wait3A] : memref<160x128xi32, #tpu.memory_space<vmem>> -> memref<1x128xi32, #tpu.memory_space<vmem>>
        %dma_wait3A_76 = tpu.memref_squeeze %dma_wait3A_75 : memref<1x128xi32, #tpu.memory_space<vmem>> -> memref<128xi32, #tpu.memory_space<vmem>>
        %dma_wait3A_77 = arith.constant 0 : i32
        %dma_wait3A_78 = arith.constant 0 : i32
        %dma_wait3A_79 = tpu.memref_slice %arg7[%dma_wait3A_77, %dma_wait3A_78] : memref<2688x128xf32, #tpu.memory_space<vmem_shared>> -> memref<2688x128xf32, #tpu.memory_space<vmem_shared>>
        tpu.wait_indirect_dma semaphore(%run_scoped3A_69 : memref<!tpu.dma_semaphore, #tpu.memory_space<semaphore_mem>>) src(%arg5 : memref<128x128xf32, #tpu.memory_space<vmem>>) dst(%dma_wait3A_79 : memref<2688x128xf32, #tpu.memory_space<vmem_shared>>)
        tpu.yield
      }) : () -> ()
      %scan3A_68 = arith.constant 0 : i32
      scf.yield %scan3A_68 : i32
    }
    %scan3A_40 = arith.constant 160 : i32
    %barrier3A_41 = arith.constant 0 : index
    tpu.barrier barrier_id(%barrier3A_41)
    %run_scoped3A = arith.constant 0 : i32
    "tpu.region"() ({
      %run_scoped3A_66 = tpu.sem_alloc : memref<!tpu.dma_semaphore, #tpu.memory_space<semaphore_mem>>
      %dma_start3A = arith.constant 0 : i32
      %dma_start3A_67 = tpu.memref_slice %arg3[%arg0, %run_scoped3A, %mul3A_16, %dma_start3A] : memref<2x2x2688x128xf32, #tpu.memory_space<hbm>> -> memref<1x1x168x128xf32, #tpu.memory_space<hbm>>
      %dma_start3A_68 = tpu.memref_squeeze %dma_start3A_67 : memref<1x1x168x128xf32, #tpu.memory_space<hbm>> -> memref<168x128xf32, #tpu.memory_space<hbm>>
      %dma_start3A_69 = arith.constant 0 : i32
      %dma_start3A_70 = tpu.memref_slice %arg7[%mul3A_16, %dma_start3A_69] : memref<2688x128xf32, #tpu.memory_space<vmem_shared>> -> memref<168x128xf32, #tpu.memory_space<vmem_shared>>
      tpu.enqueue_dma source(%dma_start3A_70 : memref<168x128xf32, #tpu.memory_space<vmem_shared>>) target(%dma_start3A_68 : memref<168x128xf32, #tpu.memory_space<hbm>>) target_semaphore(%run_scoped3A_66 : memref<!tpu.dma_semaphore, #tpu.memory_space<semaphore_mem>>)
      %dma_wait3A = arith.constant 0 : i32
      %dma_wait3A_71 = tpu.memref_slice %arg3[%arg0, %run_scoped3A, %mul3A_16, %dma_wait3A] : memref<2x2x2688x128xf32, #tpu.memory_space<hbm>> -> memref<1x1x168x128xf32, #tpu.memory_space<hbm>>
      %dma_wait3A_72 = tpu.memref_squeeze %dma_wait3A_71 : memref<1x1x168x128xf32, #tpu.memory_space<hbm>> -> memref<168x128xf32, #tpu.memory_space<hbm>>
      %dma_wait3A_73 = arith.constant 0 : i32
      %dma_wait3A_74 = tpu.memref_slice %arg7[%mul3A_16, %dma_wait3A_73] : memref<2688x128xf32, #tpu.memory_space<vmem_shared>> -> memref<168x128xf32, #tpu.memory_space<vmem_shared>>
      tpu.wait_dma2 semaphore(%run_scoped3A_66 : memref<!tpu.dma_semaphore, #tpu.memory_space<semaphore_mem>>) src(%dma_wait3A_74 : memref<168x128xf32, #tpu.memory_space<vmem_shared>>) dst(%dma_wait3A_72 : memref<168x128xf32, #tpu.memory_space<hbm>>)
      tpu.yield
    }) : () -> ()
    "tpu.region"() ({
      %run_scoped3A_66 = tpu.sem_alloc : memref<!tpu.dma_semaphore, #tpu.memory_space<semaphore_mem>>
      %dma_start3A = arith.constant 0 : i32
      %dma_start3A_67 = arith.constant 0 : i32
      %dma_start3A_68 = tpu.memref_slice %arg2[%arg1, %dma_start3A, %dma_start3A_67] : memref<16x160x128xi32, #tpu.memory_space<hbm>> -> memref<1x160x128xi32, #tpu.memory_space<hbm>>
      %dma_start3A_69 = tpu.memref_squeeze %dma_start3A_68 : memref<1x160x128xi32, #tpu.memory_space<hbm>> -> memref<160x128xi32, #tpu.memory_space<hbm>>
      %dma_start3A_70 = arith.constant 0 : i32
      %dma_start3A_71 = arith.constant 0 : i32
      %dma_start3A_72 = tpu.memref_slice %arg2[%arg1, %dma_start3A_70, %dma_start3A_71] : memref<16x160x128xi32, #tpu.memory_space<hbm>> -> memref<1x160x128xi32, #tpu.memory_space<hbm>>
      %dma_start3A_73 = tpu.memref_squeeze %dma_start3A_72 : memref<1x160x128xi32, #tpu.memory_space<hbm>> -> memref<160x128xi32, #tpu.memory_space<hbm>>
      tpu.enqueue_dma source(%dma_start3A_73 : memref<160x128xi32, #tpu.memory_space<hbm>>) target(%arg4 : memref<160x128xi32, #tpu.memory_space<vmem>>) target_semaphore(%run_scoped3A_66 : memref<!tpu.dma_semaphore, #tpu.memory_space<semaphore_mem>>)
      %dma_wait3A = arith.constant 0 : i32
      %dma_wait3A_74 = arith.constant 0 : i32
      %dma_wait3A_75 = tpu.memref_slice %arg2[%arg1, %dma_wait3A, %dma_wait3A_74] : memref<16x160x128xi32, #tpu.memory_space<hbm>> -> memref<1x160x128xi32, #tpu.memory_space<hbm>>
      %dma_wait3A_76 = tpu.memref_squeeze %dma_wait3A_75 : memref<1x160x128xi32, #tpu.memory_space<hbm>> -> memref<160x128xi32, #tpu.memory_space<hbm>>
      %dma_wait3A_77 = arith.constant 0 : i32
      %dma_wait3A_78 = arith.constant 0 : i32
      %dma_wait3A_79 = tpu.memref_slice %arg2[%arg1, %dma_wait3A_77, %dma_wait3A_78] : memref<16x160x128xi32, #tpu.memory_space<hbm>> -> memref<1x160x128xi32, #tpu.memory_space<hbm>>
      %dma_wait3A_80 = tpu.memref_squeeze %dma_wait3A_79 : memref<1x160x128xi32, #tpu.memory_space<hbm>> -> memref<160x128xi32, #tpu.memory_space<hbm>>
      tpu.wait_dma2 semaphore(%run_scoped3A_66 : memref<!tpu.dma_semaphore, #tpu.memory_space<semaphore_mem>>) src(%dma_wait3A_80 : memref<160x128xi32, #tpu.memory_space<hbm>>) dst(%arg4 : memref<160x128xi32, #tpu.memory_space<vmem>>)
      tpu.yield
    }) : () -> ()
    %mul3A_42 = arith.constant 2 : i32
    %mul3A_43 = arith.muli %mul3A_42, %arg0 : i32
    %add3A_44 = arith.constant 1 : i32
    %add3A_45 = arith.addi %mul3A_43, %add3A_44 : i32
    %mul3A_46 = arith.constant 2560 : i32
    %mul3A_47 = arith.muli %add3A_45, %mul3A_46 : i32
    %broadcast_in_dim3A_48 = vector.broadcast %mul3A_47 : i32 to vector<16xi32>
    %scan3A_49 = arith.constant 0 : i32
    %scan3A_50 = arith.constant 0 : i32
    %scan3A_51 = arith.constant 160 : i32
    %scan3A_52 = arith.addi %scan3A_50, %scan3A_51 : i32
    %scan3A_53 = arith.constant 1 : i32
    %scan3A_54 = scf.for %scan3A_66 = %scan3A_50 to %scan3A_52 step %scan3A_53 iter_args(%scan3A_67 = %scan3A_49) -> (i32)  : i32 {
      %get3A = arith.index_cast %scan3A_66 : i32 to index
      %get3A_68 = arith.constant 0 : index
      %get3A_69 = tpu.vector_load %arg4[%get3A, %get3A_68] {strides = array<i32>} : memref<160x128xi32, #tpu.memory_space<vmem>>, vector<1x16xi32>,
      %get3A_70 = vector.shape_cast %get3A_69 : vector<1x16xi32> to vector<16xi32>
      %sub3A = arith.subi %get3A_70, %broadcast_in_dim3A_48 : vector<16xi32>
      %ge3A = arith.constant 0 : i32
      %ge3A_71 = vector.broadcast %ge3A : i32 to vector<16xi32>
      %ge3A_72 = arith.cmpi sge, %sub3A, %ge3A_71 : vector<16xi32>
      %lt3A = arith.cmpi slt, %sub3A, %broadcast_in_dim3A_20 : vector<16xi32>
      %and3A = arith.andi %ge3A_72, %lt3A : vector<16xi1>
      %select_n3A = arith.select %and3A, %sub3A, %broadcast_in_dim3A_18 : vector<16xi1>, vector<16xi32>
      %swap3A = arith.index_cast %scan3A_66 : i32 to index
      %swap3A_73 = arith.constant 0 : index
      %swap3A_74 = tpu.vector_load %arg4[%swap3A, %swap3A_73] {strides = array<i32>} : memref<160x128xi32, #tpu.memory_space<vmem>>, vector<1x16xi32>,
      %swap3A_75 = vector.shape_cast %swap3A_74 : vector<1x16xi32> to vector<16xi32>
      %swap3A_76 = vector.shape_cast %select_n3A : vector<16xi32> to vector<1x16xi32>
      tpu.vector_store %arg4[%swap3A, %swap3A_73], %swap3A_76 {strides = array<i32>} : memref<160x128xi32, #tpu.memory_space<vmem>>, vector<1x16xi32>,
      %get3A_77 = arith.index_cast %scan3A_66 : i32 to index
      %get3A_78 = arith.constant 16 : index
      %get3A_79 = tpu.vector_load %arg4[%get3A_77, %get3A_78] {strides = array<i32>} : memref<160x128xi32, #tpu.memory_space<vmem>>, vector<1x16xi32>,
      %get3A_80 = vector.shape_cast %get3A_79 : vector<1x16xi32> to vector<16xi32>
      %sub3A_81 = arith.subi %get3A_80, %broadcast_in_dim3A_48 : vector<16xi32>
      %ge3A_82 = arith.constant 0 : i32
      %ge3A_83 = vector.broadcast %ge3A_82 : i32 to vector<16xi32>
      %ge3A_84 = arith.cmpi sge, %sub3A_81, %ge3A_83 : vector<16xi32>
      %lt3A_85 = arith.cmpi slt, %sub3A_81, %broadcast_in_dim3A_20 : vector<16xi32>
      %and3A_86 = arith.andi %ge3A_84, %lt3A_85 : vector<16xi1>
      %select_n3A_87 = arith.select %and3A_86, %sub3A_81, %broadcast_in_dim3A_18 : vector<16xi1>, vector<16xi32>
      %swap3A_88 = arith.index_cast %scan3A_66 : i32 to index
      %swap3A_89 = arith.constant 16 : index
      %swap3A_90 = tpu.vector_load %arg4[%swap3A_88, %swap3A_89] {strides = array<i32>} : memref<160x128xi32, #tpu.memory_space<vmem>>, vector<1x16xi32>,
      %swap3A_91 = vector.shape_cast %swap3A_90 : vector<1x16xi32> to vector<16xi32>
      %swap3A_92 = vector.shape_cast %select_n3A_87 : vector<16xi32> to vector<1x16xi32>
      tpu.vector_store %arg4[%swap3A_88, %swap3A_89], %swap3A_92 {strides = array<i32>} : memref<160x128xi32, #tpu.memory_space<vmem>>, vector<1x16xi32>,
      %get3A_93 = arith.index_cast %scan3A_66 : i32 to index
      %get3A_94 = arith.constant 32 : index
      %get3A_95 = tpu.vector_load %arg4[%get3A_93, %get3A_94] {strides = array<i32>} : memref<160x128xi32, #tpu.memory_space<vmem>>, vector<1x16xi32>,
      %get3A_96 = vector.shape_cast %get3A_95 : vector<1x16xi32> to vector<16xi32>
      %sub3A_97 = arith.subi %get3A_96, %broadcast_in_dim3A_48 : vector<16xi32>
      %ge3A_98 = arith.constant 0 : i32
      %ge3A_99 = vector.broadcast %ge3A_98 : i32 to vector<16xi32>
      %ge3A_100 = arith.cmpi sge, %sub3A_97, %ge3A_99 : vector<16xi32>
      %lt3A_101 = arith.cmpi slt, %sub3A_97, %broadcast_in_dim3A_20 : vector<16xi32>
      %and3A_102 = arith.andi %ge3A_100, %lt3A_101 : vector<16xi1>
      %select_n3A_103 = arith.select %and3A_102, %sub3A_97, %broadcast_in_dim3A_18 : vector<16xi1>, vector<16xi32>
      %swap3A_104 = arith.index_cast %scan3A_66 : i32 to index
      %swap3A_105 = arith.constant 32 : index
      %swap3A_106 = tpu.vector_load %arg4[%swap3A_104, %swap3A_105] {strides = array<i32>} : memref<160x128xi32, #tpu.memory_space<vmem>>, vector<1x16xi32>,
      %swap3A_107 = vector.shape_cast %swap3A_106 : vector<1x16xi32> to vector<16xi32>
      %swap3A_108 = vector.shape_cast %select_n3A_103 : vector<16xi32> to vector<1x16xi32>
      tpu.vector_store %arg4[%swap3A_104, %swap3A_105], %swap3A_108 {strides = array<i32>} : memref<160x128xi32, #tpu.memory_space<vmem>>, vector<1x16xi32>,
      %get3A_109 = arith.index_cast %scan3A_66 : i32 to index
      %get3A_110 = arith.constant 48 : index
      %get3A_111 = tpu.vector_load %arg4[%get3A_109, %get3A_110] {strides = array<i32>} : memref<160x128xi32, #tpu.memory_space<vmem>>, vector<1x16xi32>,
      %get3A_112 = vector.shape_cast %get3A_111 : vector<1x16xi32> to vector<16xi32>
      %sub3A_113 = arith.subi %get3A_112, %broadcast_in_dim3A_48 : vector<16xi32>
      %ge3A_114 = arith.constant 0 : i32
      %ge3A_115 = vector.broadcast %ge3A_114 : i32 to vector<16xi32>
      %ge3A_116 = arith.cmpi sge, %sub3A_113, %ge3A_115 : vector<16xi32>
      %lt3A_117 = arith.cmpi slt, %sub3A_113, %broadcast_in_dim3A_20 : vector<16xi32>
      %and3A_118 = arith.andi %ge3A_116, %lt3A_117 : vector<16xi1>
      %select_n3A_119 = arith.select %and3A_118, %sub3A_113, %broadcast_in_dim3A_18 : vector<16xi1>, vector<16xi32>
      %swap3A_120 = arith.index_cast %scan3A_66 : i32 to index
      %swap3A_121 = arith.constant 48 : index
      %swap3A_122 = tpu.vector_load %arg4[%swap3A_120, %swap3A_121] {strides = array<i32>} : memref<160x128xi32, #tpu.memory_space<vmem>>, vector<1x16xi32>,
      %swap3A_123 = vector.shape_cast %swap3A_122 : vector<1x16xi32> to vector<16xi32>
      %swap3A_124 = vector.shape_cast %select_n3A_119 : vector<16xi32> to vector<1x16xi32>
      tpu.vector_store %arg4[%swap3A_120, %swap3A_121], %swap3A_124 {strides = array<i32>} : memref<160x128xi32, #tpu.memory_space<vmem>>, vector<1x16xi32>,
      %get3A_125 = arith.index_cast %scan3A_66 : i32 to index
      %get3A_126 = arith.constant 64 : index
      %get3A_127 = tpu.vector_load %arg4[%get3A_125, %get3A_126] {strides = array<i32>} : memref<160x128xi32, #tpu.memory_space<vmem>>, vector<1x16xi32>,
      %get3A_128 = vector.shape_cast %get3A_127 : vector<1x16xi32> to vector<16xi32>
      %sub3A_129 = arith.subi %get3A_128, %broadcast_in_dim3A_48 : vector<16xi32>
      %ge3A_130 = arith.constant 0 : i32
      %ge3A_131 = vector.broadcast %ge3A_130 : i32 to vector<16xi32>
      %ge3A_132 = arith.cmpi sge, %sub3A_129, %ge3A_131 : vector<16xi32>
      %lt3A_133 = arith.cmpi slt, %sub3A_129, %broadcast_in_dim3A_20 : vector<16xi32>
      %and3A_134 = arith.andi %ge3A_132, %lt3A_133 : vector<16xi1>
      %select_n3A_135 = arith.select %and3A_134, %sub3A_129, %broadcast_in_dim3A_18 : vector<16xi1>, vector<16xi32>
      %swap3A_136 = arith.index_cast %scan3A_66 : i32 to index
      %swap3A_137 = arith.constant 64 : index
      %swap3A_138 = tpu.vector_load %arg4[%swap3A_136, %swap3A_137] {strides = array<i32>} : memref<160x128xi32, #tpu.memory_space<vmem>>, vector<1x16xi32>,
      %swap3A_139 = vector.shape_cast %swap3A_138 : vector<1x16xi32> to vector<16xi32>
      %swap3A_140 = vector.shape_cast %select_n3A_135 : vector<16xi32> to vector<1x16xi32>
      tpu.vector_store %arg4[%swap3A_136, %swap3A_137], %swap3A_140 {strides = array<i32>} : memref<160x128xi32, #tpu.memory_space<vmem>>, vector<1x16xi32>,
      %get3A_141 = arith.index_cast %scan3A_66 : i32 to index
      %get3A_142 = arith.constant 80 : index
      %get3A_143 = tpu.vector_load %arg4[%get3A_141, %get3A_142] {strides = array<i32>} : memref<160x128xi32, #tpu.memory_space<vmem>>, vector<1x16xi32>,
      %get3A_144 = vector.shape_cast %get3A_143 : vector<1x16xi32> to vector<16xi32>
      %sub3A_145 = arith.subi %get3A_144, %broadcast_in_dim3A_48 : vector<16xi32>
      %ge3A_146 = arith.constant 0 : i32
      %ge3A_147 = vector.broadcast %ge3A_146 : i32 to vector<16xi32>
      %ge3A_148 = arith.cmpi sge, %sub3A_145, %ge3A_147 : vector<16xi32>
      %lt3A_149 = arith.cmpi slt, %sub3A_145, %broadcast_in_dim3A_20 : vector<16xi32>
      %and3A_150 = arith.andi %ge3A_148, %lt3A_149 : vector<16xi1>
      %select_n3A_151 = arith.select %and3A_150, %sub3A_145, %broadcast_in_dim3A_18 : vector<16xi1>, vector<16xi32>
      %swap3A_152 = arith.index_cast %scan3A_66 : i32 to index
      %swap3A_153 = arith.constant 80 : index
      %swap3A_154 = tpu.vector_load %arg4[%swap3A_152, %swap3A_153] {strides = array<i32>} : memref<160x128xi32, #tpu.memory_space<vmem>>, vector<1x16xi32>,
      %swap3A_155 = vector.shape_cast %swap3A_154 : vector<1x16xi32> to vector<16xi32>
      %swap3A_156 = vector.shape_cast %select_n3A_151 : vector<16xi32> to vector<1x16xi32>
      tpu.vector_store %arg4[%swap3A_152, %swap3A_153], %swap3A_156 {strides = array<i32>} : memref<160x128xi32, #tpu.memory_space<vmem>>, vector<1x16xi32>,
      %get3A_157 = arith.index_cast %scan3A_66 : i32 to index
      %get3A_158 = arith.constant 96 : index
      %get3A_159 = tpu.vector_load %arg4[%get3A_157, %get3A_158] {strides = array<i32>} : memref<160x128xi32, #tpu.memory_space<vmem>>, vector<1x16xi32>,
      %get3A_160 = vector.shape_cast %get3A_159 : vector<1x16xi32> to vector<16xi32>
      %sub3A_161 = arith.subi %get3A_160, %broadcast_in_dim3A_48 : vector<16xi32>
      %ge3A_162 = arith.constant 0 : i32
      %ge3A_163 = vector.broadcast %ge3A_162 : i32 to vector<16xi32>
      %ge3A_164 = arith.cmpi sge, %sub3A_161, %ge3A_163 : vector<16xi32>
      %lt3A_165 = arith.cmpi slt, %sub3A_161, %broadcast_in_dim3A_20 : vector<16xi32>
      %and3A_166 = arith.andi %ge3A_164, %lt3A_165 : vector<16xi1>
      %select_n3A_167 = arith.select %and3A_166, %sub3A_161, %broadcast_in_dim3A_18 : vector<16xi1>, vector<16xi32>
      %swap3A_168 = arith.index_cast %scan3A_66 : i32 to index
      %swap3A_169 = arith.constant 96 : index
      %swap3A_170 = tpu.vector_load %arg4[%swap3A_168, %swap3A_169] {strides = array<i32>} : memref<160x128xi32, #tpu.memory_space<vmem>>, vector<1x16xi32>,
      %swap3A_171 = vector.shape_cast %swap3A_170 : vector<1x16xi32> to vector<16xi32>
      %swap3A_172 = vector.shape_cast %select_n3A_167 : vector<16xi32> to vector<1x16xi32>
      tpu.vector_store %arg4[%swap3A_168, %swap3A_169], %swap3A_172 {strides = array<i32>} : memref<160x128xi32, #tpu.memory_space<vmem>>, vector<1x16xi32>,
      %get3A_173 = arith.index_cast %scan3A_66 : i32 to index
      %get3A_174 = arith.constant 112 : index
      %get3A_175 = tpu.vector_load %arg4[%get3A_173, %get3A_174] {strides = array<i32>} : memref<160x128xi32, #tpu.memory_space<vmem>>, vector<1x16xi32>,
      %get3A_176 = vector.shape_cast %get3A_175 : vector<1x16xi32> to vector<16xi32>
      %sub3A_177 = arith.subi %get3A_176, %broadcast_in_dim3A_48 : vector<16xi32>
      %ge3A_178 = arith.constant 0 : i32
      %ge3A_179 = vector.broadcast %ge3A_178 : i32 to vector<16xi32>
      %ge3A_180 = arith.cmpi sge, %sub3A_177, %ge3A_179 : vector<16xi32>
      %lt3A_181 = arith.cmpi slt, %sub3A_177, %broadcast_in_dim3A_20 : vector<16xi32>
      %and3A_182 = arith.andi %ge3A_180, %lt3A_181 : vector<16xi1>
      %select_n3A_183 = arith.select %and3A_182, %sub3A_177, %broadcast_in_dim3A_18 : vector<16xi1>, vector<16xi32>
      %swap3A_184 = arith.index_cast %scan3A_66 : i32 to index
      %swap3A_185 = arith.constant 112 : index
      %swap3A_186 = tpu.vector_load %arg4[%swap3A_184, %swap3A_185] {strides = array<i32>} : memref<160x128xi32, #tpu.memory_space<vmem>>, vector<1x16xi32>,
      %swap3A_187 = vector.shape_cast %swap3A_186 : vector<1x16xi32> to vector<16xi32>
      %swap3A_188 = vector.shape_cast %select_n3A_183 : vector<16xi32> to vector<1x16xi32>
      tpu.vector_store %arg4[%swap3A_184, %swap3A_185], %swap3A_188 {strides = array<i32>} : memref<160x128xi32, #tpu.memory_space<vmem>>, vector<1x16xi32>,
      %scan3A_189 = arith.constant 0 : i32
      scf.yield %scan3A_189 : i32
    }
    %scan3A_55 = arith.constant 160 : i32
    "tpu.region"() ({
      %run_scoped3A_66 = tpu.sem_alloc : memref<!tpu.dma_semaphore, #tpu.memory_space<semaphore_mem>>
      %dma_start3A = arith.constant 0 : i32
      %dma_start3A_67 = tpu.memref_slice %arg7[%mul3A_16, %dma_start3A] : memref<2688x128xf32, #tpu.memory_space<vmem_shared>> -> memref<168x128xf32, #tpu.memory_space<vmem_shared>>
      %dma_start3A_68 = arith.constant 0 : i32
      %dma_start3A_69 = tpu.memref_slice %arg7[%mul3A_16, %dma_start3A_68] : memref<2688x128xf32, #tpu.memory_space<vmem_shared>> -> memref<168x128xf32, #tpu.memory_space<vmem_shared>>
      tpu.enqueue_dma source(%arg6 : memref<168x128xf32, #tpu.memory_space<vmem>>) target(%dma_start3A_69 : memref<168x128xf32, #tpu.memory_space<vmem_shared>>) target_semaphore(%run_scoped3A_66 : memref<!tpu.dma_semaphore, #tpu.memory_space<semaphore_mem>>)
      %dma_wait3A = arith.constant 0 : i32
      %dma_wait3A_70 = tpu.memref_slice %arg7[%mul3A_16, %dma_wait3A] : memref<2688x128xf32, #tpu.memory_space<vmem_shared>> -> memref<168x128xf32, #tpu.memory_space<vmem_shared>>
      %dma_wait3A_71 = arith.constant 0 : i32
      %dma_wait3A_72 = tpu.memref_slice %arg7[%mul3A_16, %dma_wait3A_71] : memref<2688x128xf32, #tpu.memory_space<vmem_shared>> -> memref<168x128xf32, #tpu.memory_space<vmem_shared>>
      tpu.wait_dma2 semaphore(%run_scoped3A_66 : memref<!tpu.dma_semaphore, #tpu.memory_space<semaphore_mem>>) src(%arg6 : memref<168x128xf32, #tpu.memory_space<vmem>>) dst(%dma_wait3A_72 : memref<168x128xf32, #tpu.memory_space<vmem_shared>>)
      tpu.yield
    }) : () -> ()
    %barrier3A_56 = arith.constant 0 : index
    tpu.barrier barrier_id(%barrier3A_56)
    %scan3A_57 = arith.constant 0 : i32
    %scan3A_58 = arith.constant 0 : i32
    %scan3A_59 = arith.constant 160 : i32
    %scan3A_60 = arith.addi %scan3A_58, %scan3A_59 : i32
    %scan3A_61 = arith.constant 1 : i32
    %scan3A_62 = scf.for %scan3A_66 = %scan3A_58 to %scan3A_60 step %scan3A_61 iter_args(%scan3A_67 = %scan3A_57) -> (i32)  : i32 {
      "tpu.region"() ({
        %run_scoped3A_69 = tpu.sem_alloc : memref<!tpu.dma_semaphore, #tpu.memory_space<semaphore_mem>>
        %dma_start3A = arith.constant 0 : i32
        %dma_start3A_70 = tpu.memref_slice %arg4[%scan3A_66, %dma_start3A] : memref<160x128xi32, #tpu.memory_space<vmem>> -> memref<1x128xi32, #tpu.memory_space<vmem>>
        %dma_start3A_71 = tpu.memref_squeeze %dma_start3A_70 : memref<1x128xi32, #tpu.memory_space<vmem>> -> memref<128xi32, #tpu.memory_space<vmem>>
        %dma_start3A_72 = arith.constant 0 : i32
        %dma_start3A_73 = arith.constant 0 : i32
        %dma_start3A_74 = tpu.memref_slice %arg7[%dma_start3A_72, %dma_start3A_73] : memref<2688x128xf32, #tpu.memory_space<vmem_shared>> -> memref<2688x128xf32, #tpu.memory_space<vmem_shared>>
        tpu.enqueue_indirect_dma source(%arg5 : memref<128x128xf32, #tpu.memory_space<vmem>>) target(%dma_start3A_74 : memref<2688x128xf32, #tpu.memory_space<vmem_shared>>) offsets(%dma_start3A_71 : memref<128xi32, #tpu.memory_space<vmem>>) semaphore(%run_scoped3A_69 : memref<!tpu.dma_semaphore, #tpu.memory_space<semaphore_mem>>) {add = true}
        %dma_wait3A = arith.constant 0 : i32
        %dma_wait3A_75 = tpu.memref_slice %arg4[%scan3A_66, %dma_wait3A] : memref<160x128xi32, #tpu.memory_space<vmem>> -> memref<1x128xi32, #tpu.memory_space<vmem>>
        %dma_wait3A_76 = tpu.memref_squeeze %dma_wait3A_75 : memref<1x128xi32, #tpu.memory_space<vmem>> -> memref<128xi32, #tpu.memory_space<vmem>>
        %dma_wait3A_77 = arith.constant 0 : i32
        %dma_wait3A_78 = arith.constant 0 : i32
        %dma_wait3A_79 = tpu.memref_slice %arg7[%dma_wait3A_77, %dma_wait3A_78] : memref<2688x128xf32, #tpu.memory_space<vmem_shared>> -> memref<2688x128xf32, #tpu.memory_space<vmem_shared>>
        tpu.wait_indirect_dma semaphore(%run_scoped3A_69 : memref<!tpu.dma_semaphore, #tpu.memory_space<semaphore_mem>>) src(%arg5 : memref<128x128xf32, #tpu.memory_space<vmem>>) dst(%dma_wait3A_79 : memref<2688x128xf32, #tpu.memory_space<vmem_shared>>)
        tpu.yield
      }) : () -> ()
      %scan3A_68 = arith.constant 0 : i32
      scf.yield %scan3A_68 : i32
    }
    %scan3A_63 = arith.constant 160 : i32
    %barrier3A_64 = arith.constant 0 : index
    tpu.barrier barrier_id(%barrier3A_64)
    %run_scoped3A_65 = arith.constant 1 : i32
    "tpu.region"() ({
      %run_scoped3A_66 = tpu.sem_alloc : memref<!tpu.dma_semaphore, #tpu.memory_space<semaphore_mem>>
      %dma_start3A = arith.constant 0 : i32
      %dma_start3A_67 = tpu.memref_slice %arg3[%arg0, %run_scoped3A_65, %mul3A_16, %dma_start3A] : memref<2x2x2688x128xf32, #tpu.memory_space<hbm>> -> memref<1x1x168x128xf32, #tpu.memory_space<hbm>>
      %dma_start3A_68 = tpu.memref_squeeze %dma_start3A_67 : memref<1x1x168x128xf32, #tpu.memory_space<hbm>> -> memref<168x128xf32, #tpu.memory_space<hbm>>
      %dma_start3A_69 = arith.constant 0 : i32
      %dma_start3A_70 = tpu.memref_slice %arg7[%mul3A_16, %dma_start3A_69] : memref<2688x128xf32, #tpu.memory_space<vmem_shared>> -> memref<168x128xf32, #tpu.memory_space<vmem_shared>>
      tpu.enqueue_dma source(%dma_start3A_70 : memref<168x128xf32, #tpu.memory_space<vmem_shared>>) target(%dma_start3A_68 : memref<168x128xf32, #tpu.memory_space<hbm>>) target_semaphore(%run_scoped3A_66 : memref<!tpu.dma_semaphore, #tpu.memory_space<semaphore_mem>>)
      %dma_wait3A = arith.constant 0 : i32
      %dma_wait3A_71 = tpu.memref_slice %arg3[%arg0, %run_scoped3A_65, %mul3A_16, %dma_wait3A] : memref<2x2x2688x128xf32, #tpu.memory_space<hbm>> -> memref<1x1x168x128xf32, #tpu.memory_space<hbm>>
      %dma_wait3A_72 = tpu.memref_squeeze %dma_wait3A_71 : memref<1x1x168x128xf32, #tpu.memory_space<hbm>> -> memref<168x128xf32, #tpu.memory_space<hbm>>
      %dma_wait3A_73 = arith.constant 0 : i32
      %dma_wait3A_74 = tpu.memref_slice %arg7[%mul3A_16, %dma_wait3A_73] : memref<2688x128xf32, #tpu.memory_space<vmem_shared>> -> memref<168x128xf32, #tpu.memory_space<vmem_shared>>
      tpu.wait_dma2 semaphore(%run_scoped3A_66 : memref<!tpu.dma_semaphore, #tpu.memory_space<semaphore_mem>>) src(%dma_wait3A_74 : memref<168x128xf32, #tpu.memory_space<vmem_shared>>) dst(%dma_wait3A_72 : memref<168x128xf32, #tpu.memory_space<hbm>>)
      tpu.yield
    }) : () -> ()
    return
  }
}

#map = affine_map<(d0, d1) -> (0, 0)>
#map1 = affine_map<(d0, d1) -> (0, 0, 0)>
#map2 = affine_map<(d0, d1) -> (0, 0, 0, 0)>
module attributes {stable_mosaic.version = 14 : i64} {
  func.func @sc_agg_2560x2(%arg0: i32, %arg1: i32, %arg2: memref<10240x128xf32, #tpu.memory_space<hbm>>, %arg3: memref<16x160x128xi32, #tpu.memory_space<hbm>>, %arg4: memref<16x160x128xi32, #tpu.memory_space<hbm>>, %arg5: memref<2x2x2560x128xf32, #tpu.memory_space<hbm>>, %arg6: memref<160x128xi32, #tpu.memory_space<vmem>>, %arg7: memref<160x128xi32, #tpu.memory_space<vmem>>, %arg8: memref<2x128x128xf32, #tpu.memory_space<vmem>>, %arg9: memref<160x128xf32, #tpu.memory_space<vmem>>, %arg10: memref<2560x128xf32, #tpu.memory_space<vmem_shared>>, %arg11: memref<!tpu.dma_semaphore, #tpu.memory_space<semaphore_mem>>, %arg12: memref<!tpu.dma_semaphore, #tpu.memory_space<semaphore_mem>>) attributes {dimension_semantics = [#tpu.dimension_semantics<core_parallel>, #tpu.dimension_semantics<subcore_parallel>], iteration_bounds = array<i64: 2, 16>, scalar_prefetch = 0 : i64, scratch_operands = 7 : i64, tpu.core_type = #tpu.core_type<sc_vector_subcore>, window_params = [{transform_indices = #map}, {transform_indices = #map1}, {transform_indices = #map1}, {transform_indices = #map2}]} {
    %broadcast_in_dim3A = arith.constant 0.000000e+00 : f32
    %broadcast_in_dim3A_0 = vector.broadcast %broadcast_in_dim3A : f32 to vector<16xf32>
    %scan3A = arith.constant 0 : i32
    %scan3A_1 = arith.constant 0 : i32
    %scan3A_2 = arith.constant 160 : i32
    %scan3A_3 = arith.addi %scan3A_1, %scan3A_2 : i32
    %scan3A_4 = arith.constant 1 : i32
    %scan3A_5 = scf.for %scan3A_105 = %scan3A_1 to %scan3A_3 step %scan3A_4 iter_args(%scan3A_106 = %scan3A) -> (i32)  : i32 {
      %swap3A = arith.index_cast %scan3A_105 : i32 to index
      %swap3A_107 = arith.constant 0 : index
      %swap3A_108 = tpu.vector_load %arg9[%swap3A, %swap3A_107] {strides = array<i32>} : memref<160x128xf32, #tpu.memory_space<vmem>>, vector<1x16xf32>,
      %swap3A_109 = vector.shape_cast %swap3A_108 : vector<1x16xf32> to vector<16xf32>
      %swap3A_110 = vector.shape_cast %broadcast_in_dim3A_0 : vector<16xf32> to vector<1x16xf32>
      tpu.vector_store %arg9[%swap3A, %swap3A_107], %swap3A_110 {strides = array<i32>} : memref<160x128xf32, #tpu.memory_space<vmem>>, vector<1x16xf32>,
      %swap3A_111 = arith.index_cast %scan3A_105 : i32 to index
      %swap3A_112 = arith.constant 16 : index
      %swap3A_113 = tpu.vector_load %arg9[%swap3A_111, %swap3A_112] {strides = array<i32>} : memref<160x128xf32, #tpu.memory_space<vmem>>, vector<1x16xf32>,
      %swap3A_114 = vector.shape_cast %swap3A_113 : vector<1x16xf32> to vector<16xf32>
      %swap3A_115 = vector.shape_cast %broadcast_in_dim3A_0 : vector<16xf32> to vector<1x16xf32>
      tpu.vector_store %arg9[%swap3A_111, %swap3A_112], %swap3A_115 {strides = array<i32>} : memref<160x128xf32, #tpu.memory_space<vmem>>, vector<1x16xf32>,
      %swap3A_116 = arith.index_cast %scan3A_105 : i32 to index
      %swap3A_117 = arith.constant 32 : index
      %swap3A_118 = tpu.vector_load %arg9[%swap3A_116, %swap3A_117] {strides = array<i32>} : memref<160x128xf32, #tpu.memory_space<vmem>>, vector<1x16xf32>,
      %swap3A_119 = vector.shape_cast %swap3A_118 : vector<1x16xf32> to vector<16xf32>
      %swap3A_120 = vector.shape_cast %broadcast_in_dim3A_0 : vector<16xf32> to vector<1x16xf32>
      tpu.vector_store %arg9[%swap3A_116, %swap3A_117], %swap3A_120 {strides = array<i32>} : memref<160x128xf32, #tpu.memory_space<vmem>>, vector<1x16xf32>,
      %swap3A_121 = arith.index_cast %scan3A_105 : i32 to index
      %swap3A_122 = arith.constant 48 : index
      %swap3A_123 = tpu.vector_load %arg9[%swap3A_121, %swap3A_122] {strides = array<i32>} : memref<160x128xf32, #tpu.memory_space<vmem>>, vector<1x16xf32>,
      %swap3A_124 = vector.shape_cast %swap3A_123 : vector<1x16xf32> to vector<16xf32>
      %swap3A_125 = vector.shape_cast %broadcast_in_dim3A_0 : vector<16xf32> to vector<1x16xf32>
      tpu.vector_store %arg9[%swap3A_121, %swap3A_122], %swap3A_125 {strides = array<i32>} : memref<160x128xf32, #tpu.memory_space<vmem>>, vector<1x16xf32>,
      %swap3A_126 = arith.index_cast %scan3A_105 : i32 to index
      %swap3A_127 = arith.constant 64 : index
      %swap3A_128 = tpu.vector_load %arg9[%swap3A_126, %swap3A_127] {strides = array<i32>} : memref<160x128xf32, #tpu.memory_space<vmem>>, vector<1x16xf32>,
      %swap3A_129 = vector.shape_cast %swap3A_128 : vector<1x16xf32> to vector<16xf32>
      %swap3A_130 = vector.shape_cast %broadcast_in_dim3A_0 : vector<16xf32> to vector<1x16xf32>
      tpu.vector_store %arg9[%swap3A_126, %swap3A_127], %swap3A_130 {strides = array<i32>} : memref<160x128xf32, #tpu.memory_space<vmem>>, vector<1x16xf32>,
      %swap3A_131 = arith.index_cast %scan3A_105 : i32 to index
      %swap3A_132 = arith.constant 80 : index
      %swap3A_133 = tpu.vector_load %arg9[%swap3A_131, %swap3A_132] {strides = array<i32>} : memref<160x128xf32, #tpu.memory_space<vmem>>, vector<1x16xf32>,
      %swap3A_134 = vector.shape_cast %swap3A_133 : vector<1x16xf32> to vector<16xf32>
      %swap3A_135 = vector.shape_cast %broadcast_in_dim3A_0 : vector<16xf32> to vector<1x16xf32>
      tpu.vector_store %arg9[%swap3A_131, %swap3A_132], %swap3A_135 {strides = array<i32>} : memref<160x128xf32, #tpu.memory_space<vmem>>, vector<1x16xf32>,
      %swap3A_136 = arith.index_cast %scan3A_105 : i32 to index
      %swap3A_137 = arith.constant 96 : index
      %swap3A_138 = tpu.vector_load %arg9[%swap3A_136, %swap3A_137] {strides = array<i32>} : memref<160x128xf32, #tpu.memory_space<vmem>>, vector<1x16xf32>,
      %swap3A_139 = vector.shape_cast %swap3A_138 : vector<1x16xf32> to vector<16xf32>
      %swap3A_140 = vector.shape_cast %broadcast_in_dim3A_0 : vector<16xf32> to vector<1x16xf32>
      tpu.vector_store %arg9[%swap3A_136, %swap3A_137], %swap3A_140 {strides = array<i32>} : memref<160x128xf32, #tpu.memory_space<vmem>>, vector<1x16xf32>,
      %swap3A_141 = arith.index_cast %scan3A_105 : i32 to index
      %swap3A_142 = arith.constant 112 : index
      %swap3A_143 = tpu.vector_load %arg9[%swap3A_141, %swap3A_142] {strides = array<i32>} : memref<160x128xf32, #tpu.memory_space<vmem>>, vector<1x16xf32>,
      %swap3A_144 = vector.shape_cast %swap3A_143 : vector<1x16xf32> to vector<16xf32>
      %swap3A_145 = vector.shape_cast %broadcast_in_dim3A_0 : vector<16xf32> to vector<1x16xf32>
      tpu.vector_store %arg9[%swap3A_141, %swap3A_142], %swap3A_145 {strides = array<i32>} : memref<160x128xf32, #tpu.memory_space<vmem>>, vector<1x16xf32>,
      %scan3A_146 = arith.constant 0 : i32
      scf.yield %scan3A_146 : i32
    }
    %scan3A_6 = arith.constant 160 : i32
    %mul3A = arith.constant 160 : i32
    %mul3A_7 = arith.muli %arg1, %mul3A : i32
    %broadcast_in_dim3A_8 = arith.constant 10000 : i32
    %broadcast_in_dim3A_9 = vector.broadcast %broadcast_in_dim3A_8 : i32 to vector<16xi32>
    %broadcast_in_dim3A_10 = arith.constant 0 : i32
    %broadcast_in_dim3A_11 = vector.broadcast %broadcast_in_dim3A_10 : i32 to vector<16xi32>
    %broadcast_in_dim3A_12 = arith.constant 2560 : i32
    %broadcast_in_dim3A_13 = vector.broadcast %broadcast_in_dim3A_12 : i32 to vector<16xi32>
    "tpu.region"() ({
      %run_scoped3A_105 = tpu.sem_alloc : memref<!tpu.dma_semaphore, #tpu.memory_space<semaphore_mem>>
      %dma_start3A_106 = arith.constant 0 : i32
      %dma_start3A_107 = arith.constant 0 : i32
      %dma_start3A_108 = tpu.memref_slice %arg3[%arg1, %dma_start3A_106, %dma_start3A_107] : memref<16x160x128xi32, #tpu.memory_space<hbm>> -> memref<1x160x128xi32, #tpu.memory_space<hbm>>
      %dma_start3A_109 = tpu.memref_squeeze %dma_start3A_108 : memref<1x160x128xi32, #tpu.memory_space<hbm>> -> memref<160x128xi32, #tpu.memory_space<hbm>>
      %dma_start3A_110 = arith.constant 0 : i32
      %dma_start3A_111 = arith.constant 0 : i32
      %dma_start3A_112 = tpu.memref_slice %arg3[%arg1, %dma_start3A_110, %dma_start3A_111] : memref<16x160x128xi32, #tpu.memory_space<hbm>> -> memref<1x160x128xi32, #tpu.memory_space<hbm>>
      %dma_start3A_113 = tpu.memref_squeeze %dma_start3A_112 : memref<1x160x128xi32, #tpu.memory_space<hbm>> -> memref<160x128xi32, #tpu.memory_space<hbm>>
      tpu.enqueue_dma source(%dma_start3A_113 : memref<160x128xi32, #tpu.memory_space<hbm>>) target(%arg6 : memref<160x128xi32, #tpu.memory_space<vmem>>) target_semaphore(%run_scoped3A_105 : memref<!tpu.dma_semaphore, #tpu.memory_space<semaphore_mem>>)
      %dma_wait3A_114 = arith.constant 0 : i32
      %dma_wait3A_115 = arith.constant 0 : i32
      %dma_wait3A_116 = tpu.memref_slice %arg3[%arg1, %dma_wait3A_114, %dma_wait3A_115] : memref<16x160x128xi32, #tpu.memory_space<hbm>> -> memref<1x160x128xi32, #tpu.memory_space<hbm>>
      %dma_wait3A_117 = tpu.memref_squeeze %dma_wait3A_116 : memref<1x160x128xi32, #tpu.memory_space<hbm>> -> memref<160x128xi32, #tpu.memory_space<hbm>>
      %dma_wait3A_118 = arith.constant 0 : i32
      %dma_wait3A_119 = arith.constant 0 : i32
      %dma_wait3A_120 = tpu.memref_slice %arg3[%arg1, %dma_wait3A_118, %dma_wait3A_119] : memref<16x160x128xi32, #tpu.memory_space<hbm>> -> memref<1x160x128xi32, #tpu.memory_space<hbm>>
      %dma_wait3A_121 = tpu.memref_squeeze %dma_wait3A_120 : memref<1x160x128xi32, #tpu.memory_space<hbm>> -> memref<160x128xi32, #tpu.memory_space<hbm>>
      tpu.wait_dma2 semaphore(%run_scoped3A_105 : memref<!tpu.dma_semaphore, #tpu.memory_space<semaphore_mem>>) src(%dma_wait3A_121 : memref<160x128xi32, #tpu.memory_space<hbm>>) dst(%arg6 : memref<160x128xi32, #tpu.memory_space<vmem>>)
      tpu.yield
    }) : () -> ()
    "tpu.region"() ({
      %run_scoped3A_105 = tpu.sem_alloc : memref<!tpu.dma_semaphore, #tpu.memory_space<semaphore_mem>>
      %dma_start3A_106 = arith.constant 0 : i32
      %dma_start3A_107 = arith.constant 0 : i32
      %dma_start3A_108 = tpu.memref_slice %arg4[%arg1, %dma_start3A_106, %dma_start3A_107] : memref<16x160x128xi32, #tpu.memory_space<hbm>> -> memref<1x160x128xi32, #tpu.memory_space<hbm>>
      %dma_start3A_109 = tpu.memref_squeeze %dma_start3A_108 : memref<1x160x128xi32, #tpu.memory_space<hbm>> -> memref<160x128xi32, #tpu.memory_space<hbm>>
      %dma_start3A_110 = arith.constant 0 : i32
      %dma_start3A_111 = arith.constant 0 : i32
      %dma_start3A_112 = tpu.memref_slice %arg4[%arg1, %dma_start3A_110, %dma_start3A_111] : memref<16x160x128xi32, #tpu.memory_space<hbm>> -> memref<1x160x128xi32, #tpu.memory_space<hbm>>
      %dma_start3A_113 = tpu.memref_squeeze %dma_start3A_112 : memref<1x160x128xi32, #tpu.memory_space<hbm>> -> memref<160x128xi32, #tpu.memory_space<hbm>>
      tpu.enqueue_dma source(%dma_start3A_113 : memref<160x128xi32, #tpu.memory_space<hbm>>) target(%arg7 : memref<160x128xi32, #tpu.memory_space<vmem>>) target_semaphore(%run_scoped3A_105 : memref<!tpu.dma_semaphore, #tpu.memory_space<semaphore_mem>>)
      %dma_wait3A_114 = arith.constant 0 : i32
      %dma_wait3A_115 = arith.constant 0 : i32
      %dma_wait3A_116 = tpu.memref_slice %arg4[%arg1, %dma_wait3A_114, %dma_wait3A_115] : memref<16x160x128xi32, #tpu.memory_space<hbm>> -> memref<1x160x128xi32, #tpu.memory_space<hbm>>
      %dma_wait3A_117 = tpu.memref_squeeze %dma_wait3A_116 : memref<1x160x128xi32, #tpu.memory_space<hbm>> -> memref<160x128xi32, #tpu.memory_space<hbm>>
      %dma_wait3A_118 = arith.constant 0 : i32
      %dma_wait3A_119 = arith.constant 0 : i32
      %dma_wait3A_120 = tpu.memref_slice %arg4[%arg1, %dma_wait3A_118, %dma_wait3A_119] : memref<16x160x128xi32, #tpu.memory_space<hbm>> -> memref<1x160x128xi32, #tpu.memory_space<hbm>>
      %dma_wait3A_121 = tpu.memref_squeeze %dma_wait3A_120 : memref<1x160x128xi32, #tpu.memory_space<hbm>> -> memref<160x128xi32, #tpu.memory_space<hbm>>
      tpu.wait_dma2 semaphore(%run_scoped3A_105 : memref<!tpu.dma_semaphore, #tpu.memory_space<semaphore_mem>>) src(%dma_wait3A_121 : memref<160x128xi32, #tpu.memory_space<hbm>>) dst(%arg7 : memref<160x128xi32, #tpu.memory_space<vmem>>)
      tpu.yield
    }) : () -> ()
    %mul3A_14 = arith.constant 2 : i32
    %mul3A_15 = arith.muli %mul3A_14, %arg0 : i32
    %add3A = arith.constant 0 : i32
    %add3A_16 = arith.addi %mul3A_15, %add3A : i32
    %mul3A_17 = arith.constant 2560 : i32
    %mul3A_18 = arith.muli %add3A_16, %mul3A_17 : i32
    %broadcast_in_dim3A_19 = vector.broadcast %mul3A_18 : i32 to vector<16xi32>
    %scan3A_20 = arith.constant 0 : i32
    %scan3A_21 = arith.constant 0 : i32
    %scan3A_22 = arith.constant 160 : i32
    %scan3A_23 = arith.addi %scan3A_21, %scan3A_22 : i32
    %scan3A_24 = arith.constant 1 : i32
    %scan3A_25 = scf.for %scan3A_105 = %scan3A_21 to %scan3A_23 step %scan3A_24 iter_args(%scan3A_106 = %scan3A_20) -> (i32)  : i32 {
      %get3A = arith.index_cast %scan3A_105 : i32 to index
      %get3A_107 = arith.constant 0 : index
      %get3A_108 = tpu.vector_load %arg7[%get3A, %get3A_107] {strides = array<i32>} : memref<160x128xi32, #tpu.memory_space<vmem>>, vector<1x16xi32>,
      %get3A_109 = vector.shape_cast %get3A_108 : vector<1x16xi32> to vector<16xi32>
      %sub3A = arith.subi %get3A_109, %broadcast_in_dim3A_19 : vector<16xi32>
      %ge3A = arith.constant 0 : i32
      %ge3A_110 = vector.broadcast %ge3A : i32 to vector<16xi32>
      %ge3A_111 = arith.cmpi sge, %sub3A, %ge3A_110 : vector<16xi32>
      %lt3A = arith.cmpi slt, %sub3A, %broadcast_in_dim3A_13 : vector<16xi32>
      %and3A = arith.andi %ge3A_111, %lt3A : vector<16xi1>
      %select_n3A = arith.select %and3A, %sub3A, %broadcast_in_dim3A_11 : vector<16xi1>, vector<16xi32>
      %swap3A = arith.index_cast %scan3A_105 : i32 to index
      %swap3A_112 = arith.constant 0 : index
      %swap3A_113 = tpu.vector_load %arg7[%swap3A, %swap3A_112] {strides = array<i32>} : memref<160x128xi32, #tpu.memory_space<vmem>>, vector<1x16xi32>,
      %swap3A_114 = vector.shape_cast %swap3A_113 : vector<1x16xi32> to vector<16xi32>
      %swap3A_115 = vector.shape_cast %select_n3A : vector<16xi32> to vector<1x16xi32>
      tpu.vector_store %arg7[%swap3A, %swap3A_112], %swap3A_115 {strides = array<i32>} : memref<160x128xi32, #tpu.memory_space<vmem>>, vector<1x16xi32>,
      %get3A_116 = arith.index_cast %scan3A_105 : i32 to index
      %get3A_117 = arith.constant 0 : index
      %get3A_118 = tpu.vector_load %arg6[%get3A_116, %get3A_117] {strides = array<i32>} : memref<160x128xi32, #tpu.memory_space<vmem>>, vector<1x16xi32>,
      %get3A_119 = vector.shape_cast %get3A_118 : vector<1x16xi32> to vector<16xi32>
      %select_n3A_120 = arith.select %and3A, %get3A_119, %broadcast_in_dim3A_9 : vector<16xi1>, vector<16xi32>
      %swap3A_121 = arith.index_cast %scan3A_105 : i32 to index
      %swap3A_122 = arith.constant 0 : index
      %swap3A_123 = tpu.vector_load %arg6[%swap3A_121, %swap3A_122] {strides = array<i32>} : memref<160x128xi32, #tpu.memory_space<vmem>>, vector<1x16xi32>,
      %swap3A_124 = vector.shape_cast %swap3A_123 : vector<1x16xi32> to vector<16xi32>
      %swap3A_125 = vector.shape_cast %select_n3A_120 : vector<16xi32> to vector<1x16xi32>
      tpu.vector_store %arg6[%swap3A_121, %swap3A_122], %swap3A_125 {strides = array<i32>} : memref<160x128xi32, #tpu.memory_space<vmem>>, vector<1x16xi32>,
      %get3A_126 = arith.index_cast %scan3A_105 : i32 to index
      %get3A_127 = arith.constant 16 : index
      %get3A_128 = tpu.vector_load %arg7[%get3A_126, %get3A_127] {strides = array<i32>} : memref<160x128xi32, #tpu.memory_space<vmem>>, vector<1x16xi32>,
      %get3A_129 = vector.shape_cast %get3A_128 : vector<1x16xi32> to vector<16xi32>
      %sub3A_130 = arith.subi %get3A_129, %broadcast_in_dim3A_19 : vector<16xi32>
      %ge3A_131 = arith.constant 0 : i32
      %ge3A_132 = vector.broadcast %ge3A_131 : i32 to vector<16xi32>
      %ge3A_133 = arith.cmpi sge, %sub3A_130, %ge3A_132 : vector<16xi32>
      %lt3A_134 = arith.cmpi slt, %sub3A_130, %broadcast_in_dim3A_13 : vector<16xi32>
      %and3A_135 = arith.andi %ge3A_133, %lt3A_134 : vector<16xi1>
      %select_n3A_136 = arith.select %and3A_135, %sub3A_130, %broadcast_in_dim3A_11 : vector<16xi1>, vector<16xi32>
      %swap3A_137 = arith.index_cast %scan3A_105 : i32 to index
      %swap3A_138 = arith.constant 16 : index
      %swap3A_139 = tpu.vector_load %arg7[%swap3A_137, %swap3A_138] {strides = array<i32>} : memref<160x128xi32, #tpu.memory_space<vmem>>, vector<1x16xi32>,
      %swap3A_140 = vector.shape_cast %swap3A_139 : vector<1x16xi32> to vector<16xi32>
      %swap3A_141 = vector.shape_cast %select_n3A_136 : vector<16xi32> to vector<1x16xi32>
      tpu.vector_store %arg7[%swap3A_137, %swap3A_138], %swap3A_141 {strides = array<i32>} : memref<160x128xi32, #tpu.memory_space<vmem>>, vector<1x16xi32>,
      %get3A_142 = arith.index_cast %scan3A_105 : i32 to index
      %get3A_143 = arith.constant 16 : index
      %get3A_144 = tpu.vector_load %arg6[%get3A_142, %get3A_143] {strides = array<i32>} : memref<160x128xi32, #tpu.memory_space<vmem>>, vector<1x16xi32>,
      %get3A_145 = vector.shape_cast %get3A_144 : vector<1x16xi32> to vector<16xi32>
      %select_n3A_146 = arith.select %and3A_135, %get3A_145, %broadcast_in_dim3A_9 : vector<16xi1>, vector<16xi32>
      %swap3A_147 = arith.index_cast %scan3A_105 : i32 to index
      %swap3A_148 = arith.constant 16 : index
      %swap3A_149 = tpu.vector_load %arg6[%swap3A_147, %swap3A_148] {strides = array<i32>} : memref<160x128xi32, #tpu.memory_space<vmem>>, vector<1x16xi32>,
      %swap3A_150 = vector.shape_cast %swap3A_149 : vector<1x16xi32> to vector<16xi32>
      %swap3A_151 = vector.shape_cast %select_n3A_146 : vector<16xi32> to vector<1x16xi32>
      tpu.vector_store %arg6[%swap3A_147, %swap3A_148], %swap3A_151 {strides = array<i32>} : memref<160x128xi32, #tpu.memory_space<vmem>>, vector<1x16xi32>,
      %get3A_152 = arith.index_cast %scan3A_105 : i32 to index
      %get3A_153 = arith.constant 32 : index
      %get3A_154 = tpu.vector_load %arg7[%get3A_152, %get3A_153] {strides = array<i32>} : memref<160x128xi32, #tpu.memory_space<vmem>>, vector<1x16xi32>,
      %get3A_155 = vector.shape_cast %get3A_154 : vector<1x16xi32> to vector<16xi32>
      %sub3A_156 = arith.subi %get3A_155, %broadcast_in_dim3A_19 : vector<16xi32>
      %ge3A_157 = arith.constant 0 : i32
      %ge3A_158 = vector.broadcast %ge3A_157 : i32 to vector<16xi32>
      %ge3A_159 = arith.cmpi sge, %sub3A_156, %ge3A_158 : vector<16xi32>
      %lt3A_160 = arith.cmpi slt, %sub3A_156, %broadcast_in_dim3A_13 : vector<16xi32>
      %and3A_161 = arith.andi %ge3A_159, %lt3A_160 : vector<16xi1>
      %select_n3A_162 = arith.select %and3A_161, %sub3A_156, %broadcast_in_dim3A_11 : vector<16xi1>, vector<16xi32>
      %swap3A_163 = arith.index_cast %scan3A_105 : i32 to index
      %swap3A_164 = arith.constant 32 : index
      %swap3A_165 = tpu.vector_load %arg7[%swap3A_163, %swap3A_164] {strides = array<i32>} : memref<160x128xi32, #tpu.memory_space<vmem>>, vector<1x16xi32>,
      %swap3A_166 = vector.shape_cast %swap3A_165 : vector<1x16xi32> to vector<16xi32>
      %swap3A_167 = vector.shape_cast %select_n3A_162 : vector<16xi32> to vector<1x16xi32>
      tpu.vector_store %arg7[%swap3A_163, %swap3A_164], %swap3A_167 {strides = array<i32>} : memref<160x128xi32, #tpu.memory_space<vmem>>, vector<1x16xi32>,
      %get3A_168 = arith.index_cast %scan3A_105 : i32 to index
      %get3A_169 = arith.constant 32 : index
      %get3A_170 = tpu.vector_load %arg6[%get3A_168, %get3A_169] {strides = array<i32>} : memref<160x128xi32, #tpu.memory_space<vmem>>, vector<1x16xi32>,
      %get3A_171 = vector.shape_cast %get3A_170 : vector<1x16xi32> to vector<16xi32>
      %select_n3A_172 = arith.select %and3A_161, %get3A_171, %broadcast_in_dim3A_9 : vector<16xi1>, vector<16xi32>
      %swap3A_173 = arith.index_cast %scan3A_105 : i32 to index
      %swap3A_174 = arith.constant 32 : index
      %swap3A_175 = tpu.vector_load %arg6[%swap3A_173, %swap3A_174] {strides = array<i32>} : memref<160x128xi32, #tpu.memory_space<vmem>>, vector<1x16xi32>,
      %swap3A_176 = vector.shape_cast %swap3A_175 : vector<1x16xi32> to vector<16xi32>
      %swap3A_177 = vector.shape_cast %select_n3A_172 : vector<16xi32> to vector<1x16xi32>
      tpu.vector_store %arg6[%swap3A_173, %swap3A_174], %swap3A_177 {strides = array<i32>} : memref<160x128xi32, #tpu.memory_space<vmem>>, vector<1x16xi32>,
      %get3A_178 = arith.index_cast %scan3A_105 : i32 to index
      %get3A_179 = arith.constant 48 : index
      %get3A_180 = tpu.vector_load %arg7[%get3A_178, %get3A_179] {strides = array<i32>} : memref<160x128xi32, #tpu.memory_space<vmem>>, vector<1x16xi32>,
      %get3A_181 = vector.shape_cast %get3A_180 : vector<1x16xi32> to vector<16xi32>
      %sub3A_182 = arith.subi %get3A_181, %broadcast_in_dim3A_19 : vector<16xi32>
      %ge3A_183 = arith.constant 0 : i32
      %ge3A_184 = vector.broadcast %ge3A_183 : i32 to vector<16xi32>
      %ge3A_185 = arith.cmpi sge, %sub3A_182, %ge3A_184 : vector<16xi32>
      %lt3A_186 = arith.cmpi slt, %sub3A_182, %broadcast_in_dim3A_13 : vector<16xi32>
      %and3A_187 = arith.andi %ge3A_185, %lt3A_186 : vector<16xi1>
      %select_n3A_188 = arith.select %and3A_187, %sub3A_182, %broadcast_in_dim3A_11 : vector<16xi1>, vector<16xi32>
      %swap3A_189 = arith.index_cast %scan3A_105 : i32 to index
      %swap3A_190 = arith.constant 48 : index
      %swap3A_191 = tpu.vector_load %arg7[%swap3A_189, %swap3A_190] {strides = array<i32>} : memref<160x128xi32, #tpu.memory_space<vmem>>, vector<1x16xi32>,
      %swap3A_192 = vector.shape_cast %swap3A_191 : vector<1x16xi32> to vector<16xi32>
      %swap3A_193 = vector.shape_cast %select_n3A_188 : vector<16xi32> to vector<1x16xi32>
      tpu.vector_store %arg7[%swap3A_189, %swap3A_190], %swap3A_193 {strides = array<i32>} : memref<160x128xi32, #tpu.memory_space<vmem>>, vector<1x16xi32>,
      %get3A_194 = arith.index_cast %scan3A_105 : i32 to index
      %get3A_195 = arith.constant 48 : index
      %get3A_196 = tpu.vector_load %arg6[%get3A_194, %get3A_195] {strides = array<i32>} : memref<160x128xi32, #tpu.memory_space<vmem>>, vector<1x16xi32>,
      %get3A_197 = vector.shape_cast %get3A_196 : vector<1x16xi32> to vector<16xi32>
      %select_n3A_198 = arith.select %and3A_187, %get3A_197, %broadcast_in_dim3A_9 : vector<16xi1>, vector<16xi32>
      %swap3A_199 = arith.index_cast %scan3A_105 : i32 to index
      %swap3A_200 = arith.constant 48 : index
      %swap3A_201 = tpu.vector_load %arg6[%swap3A_199, %swap3A_200] {strides = array<i32>} : memref<160x128xi32, #tpu.memory_space<vmem>>, vector<1x16xi32>,
      %swap3A_202 = vector.shape_cast %swap3A_201 : vector<1x16xi32> to vector<16xi32>
      %swap3A_203 = vector.shape_cast %select_n3A_198 : vector<16xi32> to vector<1x16xi32>
      tpu.vector_store %arg6[%swap3A_199, %swap3A_200], %swap3A_203 {strides = array<i32>} : memref<160x128xi32, #tpu.memory_space<vmem>>, vector<1x16xi32>,
      %get3A_204 = arith.index_cast %scan3A_105 : i32 to index
      %get3A_205 = arith.constant 64 : index
      %get3A_206 = tpu.vector_load %arg7[%get3A_204, %get3A_205] {strides = array<i32>} : memref<160x128xi32, #tpu.memory_space<vmem>>, vector<1x16xi32>,
      %get3A_207 = vector.shape_cast %get3A_206 : vector<1x16xi32> to vector<16xi32>
      %sub3A_208 = arith.subi %get3A_207, %broadcast_in_dim3A_19 : vector<16xi32>
      %ge3A_209 = arith.constant 0 : i32
      %ge3A_210 = vector.broadcast %ge3A_209 : i32 to vector<16xi32>
      %ge3A_211 = arith.cmpi sge, %sub3A_208, %ge3A_210 : vector<16xi32>
      %lt3A_212 = arith.cmpi slt, %sub3A_208, %broadcast_in_dim3A_13 : vector<16xi32>
      %and3A_213 = arith.andi %ge3A_211, %lt3A_212 : vector<16xi1>
      %select_n3A_214 = arith.select %and3A_213, %sub3A_208, %broadcast_in_dim3A_11 : vector<16xi1>, vector<16xi32>
      %swap3A_215 = arith.index_cast %scan3A_105 : i32 to index
      %swap3A_216 = arith.constant 64 : index
      %swap3A_217 = tpu.vector_load %arg7[%swap3A_215, %swap3A_216] {strides = array<i32>} : memref<160x128xi32, #tpu.memory_space<vmem>>, vector<1x16xi32>,
      %swap3A_218 = vector.shape_cast %swap3A_217 : vector<1x16xi32> to vector<16xi32>
      %swap3A_219 = vector.shape_cast %select_n3A_214 : vector<16xi32> to vector<1x16xi32>
      tpu.vector_store %arg7[%swap3A_215, %swap3A_216], %swap3A_219 {strides = array<i32>} : memref<160x128xi32, #tpu.memory_space<vmem>>, vector<1x16xi32>,
      %get3A_220 = arith.index_cast %scan3A_105 : i32 to index
      %get3A_221 = arith.constant 64 : index
      %get3A_222 = tpu.vector_load %arg6[%get3A_220, %get3A_221] {strides = array<i32>} : memref<160x128xi32, #tpu.memory_space<vmem>>, vector<1x16xi32>,
      %get3A_223 = vector.shape_cast %get3A_222 : vector<1x16xi32> to vector<16xi32>
      %select_n3A_224 = arith.select %and3A_213, %get3A_223, %broadcast_in_dim3A_9 : vector<16xi1>, vector<16xi32>
      %swap3A_225 = arith.index_cast %scan3A_105 : i32 to index
      %swap3A_226 = arith.constant 64 : index
      %swap3A_227 = tpu.vector_load %arg6[%swap3A_225, %swap3A_226] {strides = array<i32>} : memref<160x128xi32, #tpu.memory_space<vmem>>, vector<1x16xi32>,
      %swap3A_228 = vector.shape_cast %swap3A_227 : vector<1x16xi32> to vector<16xi32>
      %swap3A_229 = vector.shape_cast %select_n3A_224 : vector<16xi32> to vector<1x16xi32>
      tpu.vector_store %arg6[%swap3A_225, %swap3A_226], %swap3A_229 {strides = array<i32>} : memref<160x128xi32, #tpu.memory_space<vmem>>, vector<1x16xi32>,
      %get3A_230 = arith.index_cast %scan3A_105 : i32 to index
      %get3A_231 = arith.constant 80 : index
      %get3A_232 = tpu.vector_load %arg7[%get3A_230, %get3A_231] {strides = array<i32>} : memref<160x128xi32, #tpu.memory_space<vmem>>, vector<1x16xi32>,
      %get3A_233 = vector.shape_cast %get3A_232 : vector<1x16xi32> to vector<16xi32>
      %sub3A_234 = arith.subi %get3A_233, %broadcast_in_dim3A_19 : vector<16xi32>
      %ge3A_235 = arith.constant 0 : i32
      %ge3A_236 = vector.broadcast %ge3A_235 : i32 to vector<16xi32>
      %ge3A_237 = arith.cmpi sge, %sub3A_234, %ge3A_236 : vector<16xi32>
      %lt3A_238 = arith.cmpi slt, %sub3A_234, %broadcast_in_dim3A_13 : vector<16xi32>
      %and3A_239 = arith.andi %ge3A_237, %lt3A_238 : vector<16xi1>
      %select_n3A_240 = arith.select %and3A_239, %sub3A_234, %broadcast_in_dim3A_11 : vector<16xi1>, vector<16xi32>
      %swap3A_241 = arith.index_cast %scan3A_105 : i32 to index
      %swap3A_242 = arith.constant 80 : index
      %swap3A_243 = tpu.vector_load %arg7[%swap3A_241, %swap3A_242] {strides = array<i32>} : memref<160x128xi32, #tpu.memory_space<vmem>>, vector<1x16xi32>,
      %swap3A_244 = vector.shape_cast %swap3A_243 : vector<1x16xi32> to vector<16xi32>
      %swap3A_245 = vector.shape_cast %select_n3A_240 : vector<16xi32> to vector<1x16xi32>
      tpu.vector_store %arg7[%swap3A_241, %swap3A_242], %swap3A_245 {strides = array<i32>} : memref<160x128xi32, #tpu.memory_space<vmem>>, vector<1x16xi32>,
      %get3A_246 = arith.index_cast %scan3A_105 : i32 to index
      %get3A_247 = arith.constant 80 : index
      %get3A_248 = tpu.vector_load %arg6[%get3A_246, %get3A_247] {strides = array<i32>} : memref<160x128xi32, #tpu.memory_space<vmem>>, vector<1x16xi32>,
      %get3A_249 = vector.shape_cast %get3A_248 : vector<1x16xi32> to vector<16xi32>
      %select_n3A_250 = arith.select %and3A_239, %get3A_249, %broadcast_in_dim3A_9 : vector<16xi1>, vector<16xi32>
      %swap3A_251 = arith.index_cast %scan3A_105 : i32 to index
      %swap3A_252 = arith.constant 80 : index
      %swap3A_253 = tpu.vector_load %arg6[%swap3A_251, %swap3A_252] {strides = array<i32>} : memref<160x128xi32, #tpu.memory_space<vmem>>, vector<1x16xi32>,
      %swap3A_254 = vector.shape_cast %swap3A_253 : vector<1x16xi32> to vector<16xi32>
      %swap3A_255 = vector.shape_cast %select_n3A_250 : vector<16xi32> to vector<1x16xi32>
      tpu.vector_store %arg6[%swap3A_251, %swap3A_252], %swap3A_255 {strides = array<i32>} : memref<160x128xi32, #tpu.memory_space<vmem>>, vector<1x16xi32>,
      %get3A_256 = arith.index_cast %scan3A_105 : i32 to index
      %get3A_257 = arith.constant 96 : index
      %get3A_258 = tpu.vector_load %arg7[%get3A_256, %get3A_257] {strides = array<i32>} : memref<160x128xi32, #tpu.memory_space<vmem>>, vector<1x16xi32>,
      %get3A_259 = vector.shape_cast %get3A_258 : vector<1x16xi32> to vector<16xi32>
      %sub3A_260 = arith.subi %get3A_259, %broadcast_in_dim3A_19 : vector<16xi32>
      %ge3A_261 = arith.constant 0 : i32
      %ge3A_262 = vector.broadcast %ge3A_261 : i32 to vector<16xi32>
      %ge3A_263 = arith.cmpi sge, %sub3A_260, %ge3A_262 : vector<16xi32>
      %lt3A_264 = arith.cmpi slt, %sub3A_260, %broadcast_in_dim3A_13 : vector<16xi32>
      %and3A_265 = arith.andi %ge3A_263, %lt3A_264 : vector<16xi1>
      %select_n3A_266 = arith.select %and3A_265, %sub3A_260, %broadcast_in_dim3A_11 : vector<16xi1>, vector<16xi32>
      %swap3A_267 = arith.index_cast %scan3A_105 : i32 to index
      %swap3A_268 = arith.constant 96 : index
      %swap3A_269 = tpu.vector_load %arg7[%swap3A_267, %swap3A_268] {strides = array<i32>} : memref<160x128xi32, #tpu.memory_space<vmem>>, vector<1x16xi32>,
      %swap3A_270 = vector.shape_cast %swap3A_269 : vector<1x16xi32> to vector<16xi32>
      %swap3A_271 = vector.shape_cast %select_n3A_266 : vector<16xi32> to vector<1x16xi32>
      tpu.vector_store %arg7[%swap3A_267, %swap3A_268], %swap3A_271 {strides = array<i32>} : memref<160x128xi32, #tpu.memory_space<vmem>>, vector<1x16xi32>,
      %get3A_272 = arith.index_cast %scan3A_105 : i32 to index
      %get3A_273 = arith.constant 96 : index
      %get3A_274 = tpu.vector_load %arg6[%get3A_272, %get3A_273] {strides = array<i32>} : memref<160x128xi32, #tpu.memory_space<vmem>>, vector<1x16xi32>,
      %get3A_275 = vector.shape_cast %get3A_274 : vector<1x16xi32> to vector<16xi32>
      %select_n3A_276 = arith.select %and3A_265, %get3A_275, %broadcast_in_dim3A_9 : vector<16xi1>, vector<16xi32>
      %swap3A_277 = arith.index_cast %scan3A_105 : i32 to index
      %swap3A_278 = arith.constant 96 : index
      %swap3A_279 = tpu.vector_load %arg6[%swap3A_277, %swap3A_278] {strides = array<i32>} : memref<160x128xi32, #tpu.memory_space<vmem>>, vector<1x16xi32>,
      %swap3A_280 = vector.shape_cast %swap3A_279 : vector<1x16xi32> to vector<16xi32>
      %swap3A_281 = vector.shape_cast %select_n3A_276 : vector<16xi32> to vector<1x16xi32>
      tpu.vector_store %arg6[%swap3A_277, %swap3A_278], %swap3A_281 {strides = array<i32>} : memref<160x128xi32, #tpu.memory_space<vmem>>, vector<1x16xi32>,
      %get3A_282 = arith.index_cast %scan3A_105 : i32 to index
      %get3A_283 = arith.constant 112 : index
      %get3A_284 = tpu.vector_load %arg7[%get3A_282, %get3A_283] {strides = array<i32>} : memref<160x128xi32, #tpu.memory_space<vmem>>, vector<1x16xi32>,
      %get3A_285 = vector.shape_cast %get3A_284 : vector<1x16xi32> to vector<16xi32>
      %sub3A_286 = arith.subi %get3A_285, %broadcast_in_dim3A_19 : vector<16xi32>
      %ge3A_287 = arith.constant 0 : i32
      %ge3A_288 = vector.broadcast %ge3A_287 : i32 to vector<16xi32>
      %ge3A_289 = arith.cmpi sge, %sub3A_286, %ge3A_288 : vector<16xi32>
      %lt3A_290 = arith.cmpi slt, %sub3A_286, %broadcast_in_dim3A_13 : vector<16xi32>
      %and3A_291 = arith.andi %ge3A_289, %lt3A_290 : vector<16xi1>
      %select_n3A_292 = arith.select %and3A_291, %sub3A_286, %broadcast_in_dim3A_11 : vector<16xi1>, vector<16xi32>
      %swap3A_293 = arith.index_cast %scan3A_105 : i32 to index
      %swap3A_294 = arith.constant 112 : index
      %swap3A_295 = tpu.vector_load %arg7[%swap3A_293, %swap3A_294] {strides = array<i32>} : memref<160x128xi32, #tpu.memory_space<vmem>>, vector<1x16xi32>,
      %swap3A_296 = vector.shape_cast %swap3A_295 : vector<1x16xi32> to vector<16xi32>
      %swap3A_297 = vector.shape_cast %select_n3A_292 : vector<16xi32> to vector<1x16xi32>
      tpu.vector_store %arg7[%swap3A_293, %swap3A_294], %swap3A_297 {strides = array<i32>} : memref<160x128xi32, #tpu.memory_space<vmem>>, vector<1x16xi32>,
      %get3A_298 = arith.index_cast %scan3A_105 : i32 to index
      %get3A_299 = arith.constant 112 : index
      %get3A_300 = tpu.vector_load %arg6[%get3A_298, %get3A_299] {strides = array<i32>} : memref<160x128xi32, #tpu.memory_space<vmem>>, vector<1x16xi32>,
      %get3A_301 = vector.shape_cast %get3A_300 : vector<1x16xi32> to vector<16xi32>
      %select_n3A_302 = arith.select %and3A_291, %get3A_301, %broadcast_in_dim3A_9 : vector<16xi1>, vector<16xi32>
      %swap3A_303 = arith.index_cast %scan3A_105 : i32 to index
      %swap3A_304 = arith.constant 112 : index
      %swap3A_305 = tpu.vector_load %arg6[%swap3A_303, %swap3A_304] {strides = array<i32>} : memref<160x128xi32, #tpu.memory_space<vmem>>, vector<1x16xi32>,
      %swap3A_306 = vector.shape_cast %swap3A_305 : vector<1x16xi32> to vector<16xi32>
      %swap3A_307 = vector.shape_cast %select_n3A_302 : vector<16xi32> to vector<1x16xi32>
      tpu.vector_store %arg6[%swap3A_303, %swap3A_304], %swap3A_307 {strides = array<i32>} : memref<160x128xi32, #tpu.memory_space<vmem>>, vector<1x16xi32>,
      %scan3A_308 = arith.constant 0 : i32
      scf.yield %scan3A_308 : i32
    }
    %scan3A_26 = arith.constant 160 : i32
    "tpu.region"() ({
      %run_scoped3A_105 = tpu.sem_alloc : memref<!tpu.dma_semaphore, #tpu.memory_space<semaphore_mem>>
      %dma_start3A_106 = arith.constant 0 : i32
      %dma_start3A_107 = tpu.memref_slice %arg10[%mul3A_7, %dma_start3A_106] : memref<2560x128xf32, #tpu.memory_space<vmem_shared>> -> memref<160x128xf32, #tpu.memory_space<vmem_shared>>
      %dma_start3A_108 = arith.constant 0 : i32
      %dma_start3A_109 = tpu.memref_slice %arg10[%mul3A_7, %dma_start3A_108] : memref<2560x128xf32, #tpu.memory_space<vmem_shared>> -> memref<160x128xf32, #tpu.memory_space<vmem_shared>>
      tpu.enqueue_dma source(%arg9 : memref<160x128xf32, #tpu.memory_space<vmem>>) target(%dma_start3A_109 : memref<160x128xf32, #tpu.memory_space<vmem_shared>>) target_semaphore(%run_scoped3A_105 : memref<!tpu.dma_semaphore, #tpu.memory_space<semaphore_mem>>)
      %dma_wait3A_110 = arith.constant 0 : i32
      %dma_wait3A_111 = tpu.memref_slice %arg10[%mul3A_7, %dma_wait3A_110] : memref<2560x128xf32, #tpu.memory_space<vmem_shared>> -> memref<160x128xf32, #tpu.memory_space<vmem_shared>>
      %dma_wait3A_112 = arith.constant 0 : i32
      %dma_wait3A_113 = tpu.memref_slice %arg10[%mul3A_7, %dma_wait3A_112] : memref<2560x128xf32, #tpu.memory_space<vmem_shared>> -> memref<160x128xf32, #tpu.memory_space<vmem_shared>>
      tpu.wait_dma2 semaphore(%run_scoped3A_105 : memref<!tpu.dma_semaphore, #tpu.memory_space<semaphore_mem>>) src(%arg9 : memref<160x128xf32, #tpu.memory_space<vmem>>) dst(%dma_wait3A_113 : memref<160x128xf32, #tpu.memory_space<vmem_shared>>)
      tpu.yield
    }) : () -> ()
    %barrier3A = arith.constant 0 : index
    tpu.barrier barrier_id(%barrier3A)
    %dma_start3A = arith.constant 0 : i32
    %dma_start3A_27 = arith.constant 0 : i32
    %dma_start3A_28 = arith.constant 0 : i32
    %dma_start3A_29 = arith.constant 0 : i32
    %dma_start3A_30 = tpu.memref_slice %arg8[%dma_start3A_27, %dma_start3A_28, %dma_start3A_29] : memref<2x128x128xf32, #tpu.memory_space<vmem>> -> memref<1x128x128xf32, #tpu.memory_space<vmem>>
    %dma_start3A_31 = tpu.memref_squeeze %dma_start3A_30 : memref<1x128x128xf32, #tpu.memory_space<vmem>> -> memref<128x128xf32, #tpu.memory_space<vmem>>
    %dma_start3A_32 = arith.constant 0 : i32
    %dma_start3A_33 = tpu.memref_slice %arg6[%dma_start3A, %dma_start3A_32] : memref<160x128xi32, #tpu.memory_space<vmem>> -> memref<1x128xi32, #tpu.memory_space<vmem>>
    %dma_start3A_34 = tpu.memref_squeeze %dma_start3A_33 : memref<1x128xi32, #tpu.memory_space<vmem>> -> memref<128xi32, #tpu.memory_space<vmem>>
    %dma_start3A_35 = arith.constant 0 : i32
    %dma_start3A_36 = arith.constant 0 : i32
    %dma_start3A_37 = tpu.memref_slice %arg2[%dma_start3A_35, %dma_start3A_36] : memref<10240x128xf32, #tpu.memory_space<hbm>> -> memref<10240x128xf32, #tpu.memory_space<hbm>>
    tpu.enqueue_indirect_dma source(%dma_start3A_37 : memref<10240x128xf32, #tpu.memory_space<hbm>>) target(%dma_start3A_31 : memref<128x128xf32, #tpu.memory_space<vmem>>) offsets(%dma_start3A_34 : memref<128xi32, #tpu.memory_space<vmem>>) semaphore(%arg11 : memref<!tpu.dma_semaphore, #tpu.memory_space<semaphore_mem>>)
    %scan3A_38 = arith.constant 0 : i32
    %scan3A_39 = arith.constant 0 : i32
    %scan3A_40 = arith.constant 80 : i32
    %scan3A_41 = arith.addi %scan3A_39, %scan3A_40 : i32
    %scan3A_42 = arith.constant 1 : i32
    %scan3A_43 = scf.for %scan3A_105 = %scan3A_39 to %scan3A_41 step %scan3A_42 iter_args(%scan3A_106 = %scan3A_38) -> (i32)  : i32 {
      %mul3A_107 = arith.constant 2 : i32
      %mul3A_108 = arith.muli %mul3A_107, %scan3A_105 : i32
      %add3A_109 = arith.constant 0 : i32
      %add3A_110 = arith.addi %mul3A_108, %add3A_109 : i32
      %dma_wait3A_111 = arith.constant 0 : i32
      %dma_wait3A_112 = arith.constant 0 : i32
      %dma_wait3A_113 = arith.constant 0 : i32
      %dma_wait3A_114 = arith.constant 0 : i32
      %dma_wait3A_115 = tpu.memref_slice %arg8[%dma_wait3A_112, %dma_wait3A_113, %dma_wait3A_114] : memref<2x128x128xf32, #tpu.memory_space<vmem>> -> memref<1x128x128xf32, #tpu.memory_space<vmem>>
      %dma_wait3A_116 = tpu.memref_squeeze %dma_wait3A_115 : memref<1x128x128xf32, #tpu.memory_space<vmem>> -> memref<128x128xf32, #tpu.memory_space<vmem>>
      %dma_wait3A_117 = arith.constant 0 : i32
      %dma_wait3A_118 = tpu.memref_slice %arg6[%dma_wait3A_111, %dma_wait3A_117] : memref<160x128xi32, #tpu.memory_space<vmem>> -> memref<1x128xi32, #tpu.memory_space<vmem>>
      %dma_wait3A_119 = tpu.memref_squeeze %dma_wait3A_118 : memref<1x128xi32, #tpu.memory_space<vmem>> -> memref<128xi32, #tpu.memory_space<vmem>>
      %dma_wait3A_120 = arith.constant 0 : i32
      %dma_wait3A_121 = arith.constant 0 : i32
      %dma_wait3A_122 = tpu.memref_slice %arg2[%dma_wait3A_120, %dma_wait3A_121] : memref<10240x128xf32, #tpu.memory_space<hbm>> -> memref<10240x128xf32, #tpu.memory_space<hbm>>
      tpu.wait_indirect_dma semaphore(%arg11 : memref<!tpu.dma_semaphore, #tpu.memory_space<semaphore_mem>>) src(%dma_wait3A_122 : memref<10240x128xf32, #tpu.memory_space<hbm>>) dst(%dma_wait3A_116 : memref<128x128xf32, #tpu.memory_space<vmem>>)
      %add3A_123 = arith.constant 1 : i32
      %add3A_124 = arith.addi %add3A_110, %add3A_123 : i32
      %rem3A = arith.constant 160 : i32
      %rem3A_125 = arith.remsi %add3A_124, %rem3A : i32
      %dma_start3A_126 = arith.constant 1 : i32
      %dma_start3A_127 = arith.constant 0 : i32
      %dma_start3A_128 = arith.constant 0 : i32
      %dma_start3A_129 = tpu.memref_slice %arg8[%dma_start3A_126, %dma_start3A_127, %dma_start3A_128] : memref<2x128x128xf32, #tpu.memory_space<vmem>> -> memref<1x128x128xf32, #tpu.memory_space<vmem>>
      %dma_start3A_130 = tpu.memref_squeeze %dma_start3A_129 : memref<1x128x128xf32, #tpu.memory_space<vmem>> -> memref<128x128xf32, #tpu.memory_space<vmem>>
      %dma_start3A_131 = arith.constant 0 : i32
      %dma_start3A_132 = tpu.memref_slice %arg6[%rem3A_125, %dma_start3A_131] : memref<160x128xi32, #tpu.memory_space<vmem>> -> memref<1x128xi32, #tpu.memory_space<vmem>>
      %dma_start3A_133 = tpu.memref_squeeze %dma_start3A_132 : memref<1x128xi32, #tpu.memory_space<vmem>> -> memref<128xi32, #tpu.memory_space<vmem>>
      %dma_start3A_134 = arith.constant 0 : i32
      %dma_start3A_135 = arith.constant 0 : i32
      %dma_start3A_136 = tpu.memref_slice %arg2[%dma_start3A_134, %dma_start3A_135] : memref<10240x128xf32, #tpu.memory_space<hbm>> -> memref<10240x128xf32, #tpu.memory_space<hbm>>
      tpu.enqueue_indirect_dma source(%dma_start3A_136 : memref<10240x128xf32, #tpu.memory_space<hbm>>) target(%dma_start3A_130 : memref<128x128xf32, #tpu.memory_space<vmem>>) offsets(%dma_start3A_133 : memref<128xi32, #tpu.memory_space<vmem>>) semaphore(%arg12 : memref<!tpu.dma_semaphore, #tpu.memory_space<semaphore_mem>>)
      %run_scoped3A_137 = arith.constant 0 : i32
      "tpu.region"() ({
        %run_scoped3A_171 = tpu.sem_alloc : memref<!tpu.dma_semaphore, #tpu.memory_space<semaphore_mem>>
        %dma_start3A_172 = arith.constant 0 : i32
        %dma_start3A_173 = arith.constant 0 : i32
        %dma_start3A_174 = tpu.memref_slice %arg8[%run_scoped3A_137, %dma_start3A_172, %dma_start3A_173] : memref<2x128x128xf32, #tpu.memory_space<vmem>> -> memref<1x128x128xf32, #tpu.memory_space<vmem>>
        %dma_start3A_175 = tpu.memref_squeeze %dma_start3A_174 : memref<1x128x128xf32, #tpu.memory_space<vmem>> -> memref<128x128xf32, #tpu.memory_space<vmem>>
        %dma_start3A_176 = arith.constant 0 : i32
        %dma_start3A_177 = tpu.memref_slice %arg7[%add3A_110, %dma_start3A_176] : memref<160x128xi32, #tpu.memory_space<vmem>> -> memref<1x128xi32, #tpu.memory_space<vmem>>
        %dma_start3A_178 = tpu.memref_squeeze %dma_start3A_177 : memref<1x128xi32, #tpu.memory_space<vmem>> -> memref<128xi32, #tpu.memory_space<vmem>>
        %dma_start3A_179 = arith.constant 0 : i32
        %dma_start3A_180 = arith.constant 0 : i32
        %dma_start3A_181 = tpu.memref_slice %arg10[%dma_start3A_179, %dma_start3A_180] : memref<2560x128xf32, #tpu.memory_space<vmem_shared>> -> memref<2560x128xf32, #tpu.memory_space<vmem_shared>>
        tpu.enqueue_indirect_dma source(%dma_start3A_175 : memref<128x128xf32, #tpu.memory_space<vmem>>) target(%dma_start3A_181 : memref<2560x128xf32, #tpu.memory_space<vmem_shared>>) offsets(%dma_start3A_178 : memref<128xi32, #tpu.memory_space<vmem>>) semaphore(%run_scoped3A_171 : memref<!tpu.dma_semaphore, #tpu.memory_space<semaphore_mem>>) {add = true}
        %dma_wait3A_182 = arith.constant 0 : i32
        %dma_wait3A_183 = arith.constant 0 : i32
        %dma_wait3A_184 = tpu.memref_slice %arg8[%run_scoped3A_137, %dma_wait3A_182, %dma_wait3A_183] : memref<2x128x128xf32, #tpu.memory_space<vmem>> -> memref<1x128x128xf32, #tpu.memory_space<vmem>>
        %dma_wait3A_185 = tpu.memref_squeeze %dma_wait3A_184 : memref<1x128x128xf32, #tpu.memory_space<vmem>> -> memref<128x128xf32, #tpu.memory_space<vmem>>
        %dma_wait3A_186 = arith.constant 0 : i32
        %dma_wait3A_187 = tpu.memref_slice %arg7[%add3A_110, %dma_wait3A_186] : memref<160x128xi32, #tpu.memory_space<vmem>> -> memref<1x128xi32, #tpu.memory_space<vmem>>
        %dma_wait3A_188 = tpu.memref_squeeze %dma_wait3A_187 : memref<1x128xi32, #tpu.memory_space<vmem>> -> memref<128xi32, #tpu.memory_space<vmem>>
        %dma_wait3A_189 = arith.constant 0 : i32
        %dma_wait3A_190 = arith.constant 0 : i32
        %dma_wait3A_191 = tpu.memref_slice %arg10[%dma_wait3A_189, %dma_wait3A_190] : memref<2560x128xf32, #tpu.memory_space<vmem_shared>> -> memref<2560x128xf32, #tpu.memory_space<vmem_shared>>
        tpu.wait_indirect_dma semaphore(%run_scoped3A_171 : memref<!tpu.dma_semaphore, #tpu.memory_space<semaphore_mem>>) src(%dma_wait3A_185 : memref<128x128xf32, #tpu.memory_space<vmem>>) dst(%dma_wait3A_191 : memref<2560x128xf32, #tpu.memory_space<vmem_shared>>)
        tpu.yield
      }) : () -> ()
      %mul3A_138 = arith.constant 2 : i32
      %mul3A_139 = arith.muli %mul3A_138, %scan3A_105 : i32
      %add3A_140 = arith.constant 1 : i32
      %add3A_141 = arith.addi %mul3A_139, %add3A_140 : i32
      %dma_wait3A_142 = arith.constant 0 : i32
      %dma_wait3A_143 = arith.constant 1 : i32
      %dma_wait3A_144 = arith.constant 0 : i32
      %dma_wait3A_145 = arith.constant 0 : i32
      %dma_wait3A_146 = tpu.memref_slice %arg8[%dma_wait3A_143, %dma_wait3A_144, %dma_wait3A_145] : memref<2x128x128xf32, #tpu.memory_space<vmem>> -> memref<1x128x128xf32, #tpu.memory_space<vmem>>
      %dma_wait3A_147 = tpu.memref_squeeze %dma_wait3A_146 : memref<1x128x128xf32, #tpu.memory_space<vmem>> -> memref<128x128xf32, #tpu.memory_space<vmem>>
      %dma_wait3A_148 = arith.constant 0 : i32
      %dma_wait3A_149 = tpu.memref_slice %arg6[%dma_wait3A_142, %dma_wait3A_148] : memref<160x128xi32, #tpu.memory_space<vmem>> -> memref<1x128xi32, #tpu.memory_space<vmem>>
      %dma_wait3A_150 = tpu.memref_squeeze %dma_wait3A_149 : memref<1x128xi32, #tpu.memory_space<vmem>> -> memref<128xi32, #tpu.memory_space<vmem>>
      %dma_wait3A_151 = arith.constant 0 : i32
      %dma_wait3A_152 = arith.constant 0 : i32
      %dma_wait3A_153 = tpu.memref_slice %arg2[%dma_wait3A_151, %dma_wait3A_152] : memref<10240x128xf32, #tpu.memory_space<hbm>> -> memref<10240x128xf32, #tpu.memory_space<hbm>>
      tpu.wait_indirect_dma semaphore(%arg12 : memref<!tpu.dma_semaphore, #tpu.memory_space<semaphore_mem>>) src(%dma_wait3A_153 : memref<10240x128xf32, #tpu.memory_space<hbm>>) dst(%dma_wait3A_147 : memref<128x128xf32, #tpu.memory_space<vmem>>)
      %add3A_154 = arith.constant 1 : i32
      %add3A_155 = arith.addi %add3A_141, %add3A_154 : i32
      %rem3A_156 = arith.constant 160 : i32
      %rem3A_157 = arith.remsi %add3A_155, %rem3A_156 : i32
      %dma_start3A_158 = arith.constant 0 : i32
      %dma_start3A_159 = arith.constant 0 : i32
      %dma_start3A_160 = arith.constant 0 : i32
      %dma_start3A_161 = tpu.memref_slice %arg8[%dma_start3A_158, %dma_start3A_159, %dma_start3A_160] : memref<2x128x128xf32, #tpu.memory_space<vmem>> -> memref<1x128x128xf32, #tpu.memory_space<vmem>>
      %dma_start3A_162 = tpu.memref_squeeze %dma_start3A_161 : memref<1x128x128xf32, #tpu.memory_space<vmem>> -> memref<128x128xf32, #tpu.memory_space<vmem>>
      %dma_start3A_163 = arith.constant 0 : i32
      %dma_start3A_164 = tpu.memref_slice %arg6[%rem3A_157, %dma_start3A_163] : memref<160x128xi32, #tpu.memory_space<vmem>> -> memref<1x128xi32, #tpu.memory_space<vmem>>
      %dma_start3A_165 = tpu.memref_squeeze %dma_start3A_164 : memref<1x128xi32, #tpu.memory_space<vmem>> -> memref<128xi32, #tpu.memory_space<vmem>>
      %dma_start3A_166 = arith.constant 0 : i32
      %dma_start3A_167 = arith.constant 0 : i32
      %dma_start3A_168 = tpu.memref_slice %arg2[%dma_start3A_166, %dma_start3A_167] : memref<10240x128xf32, #tpu.memory_space<hbm>> -> memref<10240x128xf32, #tpu.memory_space<hbm>>
      tpu.enqueue_indirect_dma source(%dma_start3A_168 : memref<10240x128xf32, #tpu.memory_space<hbm>>) target(%dma_start3A_162 : memref<128x128xf32, #tpu.memory_space<vmem>>) offsets(%dma_start3A_165 : memref<128xi32, #tpu.memory_space<vmem>>) semaphore(%arg11 : memref<!tpu.dma_semaphore, #tpu.memory_space<semaphore_mem>>)
      %run_scoped3A_169 = arith.constant 1 : i32
      "tpu.region"() ({
        %run_scoped3A_171 = tpu.sem_alloc : memref<!tpu.dma_semaphore, #tpu.memory_space<semaphore_mem>>
        %dma_start3A_172 = arith.constant 0 : i32
        %dma_start3A_173 = arith.constant 0 : i32
        %dma_start3A_174 = tpu.memref_slice %arg8[%run_scoped3A_169, %dma_start3A_172, %dma_start3A_173] : memref<2x128x128xf32, #tpu.memory_space<vmem>> -> memref<1x128x128xf32, #tpu.memory_space<vmem>>
        %dma_start3A_175 = tpu.memref_squeeze %dma_start3A_174 : memref<1x128x128xf32, #tpu.memory_space<vmem>> -> memref<128x128xf32, #tpu.memory_space<vmem>>
        %dma_start3A_176 = arith.constant 0 : i32
        %dma_start3A_177 = tpu.memref_slice %arg7[%add3A_141, %dma_start3A_176] : memref<160x128xi32, #tpu.memory_space<vmem>> -> memref<1x128xi32, #tpu.memory_space<vmem>>
        %dma_start3A_178 = tpu.memref_squeeze %dma_start3A_177 : memref<1x128xi32, #tpu.memory_space<vmem>> -> memref<128xi32, #tpu.memory_space<vmem>>
        %dma_start3A_179 = arith.constant 0 : i32
        %dma_start3A_180 = arith.constant 0 : i32
        %dma_start3A_181 = tpu.memref_slice %arg10[%dma_start3A_179, %dma_start3A_180] : memref<2560x128xf32, #tpu.memory_space<vmem_shared>> -> memref<2560x128xf32, #tpu.memory_space<vmem_shared>>
        tpu.enqueue_indirect_dma source(%dma_start3A_175 : memref<128x128xf32, #tpu.memory_space<vmem>>) target(%dma_start3A_181 : memref<2560x128xf32, #tpu.memory_space<vmem_shared>>) offsets(%dma_start3A_178 : memref<128xi32, #tpu.memory_space<vmem>>) semaphore(%run_scoped3A_171 : memref<!tpu.dma_semaphore, #tpu.memory_space<semaphore_mem>>) {add = true}
        %dma_wait3A_182 = arith.constant 0 : i32
        %dma_wait3A_183 = arith.constant 0 : i32
        %dma_wait3A_184 = tpu.memref_slice %arg8[%run_scoped3A_169, %dma_wait3A_182, %dma_wait3A_183] : memref<2x128x128xf32, #tpu.memory_space<vmem>> -> memref<1x128x128xf32, #tpu.memory_space<vmem>>
        %dma_wait3A_185 = tpu.memref_squeeze %dma_wait3A_184 : memref<1x128x128xf32, #tpu.memory_space<vmem>> -> memref<128x128xf32, #tpu.memory_space<vmem>>
        %dma_wait3A_186 = arith.constant 0 : i32
        %dma_wait3A_187 = tpu.memref_slice %arg7[%add3A_141, %dma_wait3A_186] : memref<160x128xi32, #tpu.memory_space<vmem>> -> memref<1x128xi32, #tpu.memory_space<vmem>>
        %dma_wait3A_188 = tpu.memref_squeeze %dma_wait3A_187 : memref<1x128xi32, #tpu.memory_space<vmem>> -> memref<128xi32, #tpu.memory_space<vmem>>
        %dma_wait3A_189 = arith.constant 0 : i32
        %dma_wait3A_190 = arith.constant 0 : i32
        %dma_wait3A_191 = tpu.memref_slice %arg10[%dma_wait3A_189, %dma_wait3A_190] : memref<2560x128xf32, #tpu.memory_space<vmem_shared>> -> memref<2560x128xf32, #tpu.memory_space<vmem_shared>>
        tpu.wait_indirect_dma semaphore(%run_scoped3A_171 : memref<!tpu.dma_semaphore, #tpu.memory_space<semaphore_mem>>) src(%dma_wait3A_185 : memref<128x128xf32, #tpu.memory_space<vmem>>) dst(%dma_wait3A_191 : memref<2560x128xf32, #tpu.memory_space<vmem_shared>>)
        tpu.yield
      }) : () -> ()
      %scan3A_170 = arith.constant 0 : i32
      scf.yield %scan3A_170 : i32
    }
    %scan3A_44 = arith.constant 80 : i32
    %dma_wait3A = arith.constant 0 : i32
    %dma_wait3A_45 = arith.constant 0 : i32
    %dma_wait3A_46 = arith.constant 0 : i32
    %dma_wait3A_47 = arith.constant 0 : i32
    %dma_wait3A_48 = tpu.memref_slice %arg8[%dma_wait3A_45, %dma_wait3A_46, %dma_wait3A_47] : memref<2x128x128xf32, #tpu.memory_space<vmem>> -> memref<1x128x128xf32, #tpu.memory_space<vmem>>
    %dma_wait3A_49 = tpu.memref_squeeze %dma_wait3A_48 : memref<1x128x128xf32, #tpu.memory_space<vmem>> -> memref<128x128xf32, #tpu.memory_space<vmem>>
    %dma_wait3A_50 = arith.constant 0 : i32
    %dma_wait3A_51 = tpu.memref_slice %arg6[%dma_wait3A, %dma_wait3A_50] : memref<160x128xi32, #tpu.memory_space<vmem>> -> memref<1x128xi32, #tpu.memory_space<vmem>>
    %dma_wait3A_52 = tpu.memref_squeeze %dma_wait3A_51 : memref<1x128xi32, #tpu.memory_space<vmem>> -> memref<128xi32, #tpu.memory_space<vmem>>
    %dma_wait3A_53 = arith.constant 0 : i32
    %dma_wait3A_54 = arith.constant 0 : i32
    %dma_wait3A_55 = tpu.memref_slice %arg2[%dma_wait3A_53, %dma_wait3A_54] : memref<10240x128xf32, #tpu.memory_space<hbm>> -> memref<10240x128xf32, #tpu.memory_space<hbm>>
    tpu.wait_indirect_dma semaphore(%arg11 : memref<!tpu.dma_semaphore, #tpu.memory_space<semaphore_mem>>) src(%dma_wait3A_55 : memref<10240x128xf32, #tpu.memory_space<hbm>>) dst(%dma_wait3A_49 : memref<128x128xf32, #tpu.memory_space<vmem>>)
    %barrier3A_56 = arith.constant 0 : index
    tpu.barrier barrier_id(%barrier3A_56)
    %run_scoped3A = arith.constant 0 : i32
    "tpu.region"() ({
      %run_scoped3A_105 = tpu.sem_alloc : memref<!tpu.dma_semaphore, #tpu.memory_space<semaphore_mem>>
      %dma_start3A_106 = arith.constant 0 : i32
      %dma_start3A_107 = tpu.memref_slice %arg5[%arg0, %run_scoped3A, %mul3A_7, %dma_start3A_106] : memref<2x2x2560x128xf32, #tpu.memory_space<hbm>> -> memref<1x1x160x128xf32, #tpu.memory_space<hbm>>
      %dma_start3A_108 = tpu.memref_squeeze %dma_start3A_107 : memref<1x1x160x128xf32, #tpu.memory_space<hbm>> -> memref<160x128xf32, #tpu.memory_space<hbm>>
      %dma_start3A_109 = arith.constant 0 : i32
      %dma_start3A_110 = tpu.memref_slice %arg10[%mul3A_7, %dma_start3A_109] : memref<2560x128xf32, #tpu.memory_space<vmem_shared>> -> memref<160x128xf32, #tpu.memory_space<vmem_shared>>
      tpu.enqueue_dma source(%dma_start3A_110 : memref<160x128xf32, #tpu.memory_space<vmem_shared>>) target(%dma_start3A_108 : memref<160x128xf32, #tpu.memory_space<hbm>>) target_semaphore(%run_scoped3A_105 : memref<!tpu.dma_semaphore, #tpu.memory_space<semaphore_mem>>)
      %dma_wait3A_111 = arith.constant 0 : i32
      %dma_wait3A_112 = tpu.memref_slice %arg5[%arg0, %run_scoped3A, %mul3A_7, %dma_wait3A_111] : memref<2x2x2560x128xf32, #tpu.memory_space<hbm>> -> memref<1x1x160x128xf32, #tpu.memory_space<hbm>>
      %dma_wait3A_113 = tpu.memref_squeeze %dma_wait3A_112 : memref<1x1x160x128xf32, #tpu.memory_space<hbm>> -> memref<160x128xf32, #tpu.memory_space<hbm>>
      %dma_wait3A_114 = arith.constant 0 : i32
      %dma_wait3A_115 = tpu.memref_slice %arg10[%mul3A_7, %dma_wait3A_114] : memref<2560x128xf32, #tpu.memory_space<vmem_shared>> -> memref<160x128xf32, #tpu.memory_space<vmem_shared>>
      tpu.wait_dma2 semaphore(%run_scoped3A_105 : memref<!tpu.dma_semaphore, #tpu.memory_space<semaphore_mem>>) src(%dma_wait3A_115 : memref<160x128xf32, #tpu.memory_space<vmem_shared>>) dst(%dma_wait3A_113 : memref<160x128xf32, #tpu.memory_space<hbm>>)
      tpu.yield
    }) : () -> ()
    "tpu.region"() ({
      %run_scoped3A_105 = tpu.sem_alloc : memref<!tpu.dma_semaphore, #tpu.memory_space<semaphore_mem>>
      %dma_start3A_106 = arith.constant 0 : i32
      %dma_start3A_107 = arith.constant 0 : i32
      %dma_start3A_108 = tpu.memref_slice %arg3[%arg1, %dma_start3A_106, %dma_start3A_107] : memref<16x160x128xi32, #tpu.memory_space<hbm>> -> memref<1x160x128xi32, #tpu.memory_space<hbm>>
      %dma_start3A_109 = tpu.memref_squeeze %dma_start3A_108 : memref<1x160x128xi32, #tpu.memory_space<hbm>> -> memref<160x128xi32, #tpu.memory_space<hbm>>
      %dma_start3A_110 = arith.constant 0 : i32
      %dma_start3A_111 = arith.constant 0 : i32
      %dma_start3A_112 = tpu.memref_slice %arg3[%arg1, %dma_start3A_110, %dma_start3A_111] : memref<16x160x128xi32, #tpu.memory_space<hbm>> -> memref<1x160x128xi32, #tpu.memory_space<hbm>>
      %dma_start3A_113 = tpu.memref_squeeze %dma_start3A_112 : memref<1x160x128xi32, #tpu.memory_space<hbm>> -> memref<160x128xi32, #tpu.memory_space<hbm>>
      tpu.enqueue_dma source(%dma_start3A_113 : memref<160x128xi32, #tpu.memory_space<hbm>>) target(%arg6 : memref<160x128xi32, #tpu.memory_space<vmem>>) target_semaphore(%run_scoped3A_105 : memref<!tpu.dma_semaphore, #tpu.memory_space<semaphore_mem>>)
      %dma_wait3A_114 = arith.constant 0 : i32
      %dma_wait3A_115 = arith.constant 0 : i32
      %dma_wait3A_116 = tpu.memref_slice %arg3[%arg1, %dma_wait3A_114, %dma_wait3A_115] : memref<16x160x128xi32, #tpu.memory_space<hbm>> -> memref<1x160x128xi32, #tpu.memory_space<hbm>>
      %dma_wait3A_117 = tpu.memref_squeeze %dma_wait3A_116 : memref<1x160x128xi32, #tpu.memory_space<hbm>> -> memref<160x128xi32, #tpu.memory_space<hbm>>
      %dma_wait3A_118 = arith.constant 0 : i32
      %dma_wait3A_119 = arith.constant 0 : i32
      %dma_wait3A_120 = tpu.memref_slice %arg3[%arg1, %dma_wait3A_118, %dma_wait3A_119] : memref<16x160x128xi32, #tpu.memory_space<hbm>> -> memref<1x160x128xi32, #tpu.memory_space<hbm>>
      %dma_wait3A_121 = tpu.memref_squeeze %dma_wait3A_120 : memref<1x160x128xi32, #tpu.memory_space<hbm>> -> memref<160x128xi32, #tpu.memory_space<hbm>>
      tpu.wait_dma2 semaphore(%run_scoped3A_105 : memref<!tpu.dma_semaphore, #tpu.memory_space<semaphore_mem>>) src(%dma_wait3A_121 : memref<160x128xi32, #tpu.memory_space<hbm>>) dst(%arg6 : memref<160x128xi32, #tpu.memory_space<vmem>>)
      tpu.yield
    }) : () -> ()
    "tpu.region"() ({
      %run_scoped3A_105 = tpu.sem_alloc : memref<!tpu.dma_semaphore, #tpu.memory_space<semaphore_mem>>
      %dma_start3A_106 = arith.constant 0 : i32
      %dma_start3A_107 = arith.constant 0 : i32
      %dma_start3A_108 = tpu.memref_slice %arg4[%arg1, %dma_start3A_106, %dma_start3A_107] : memref<16x160x128xi32, #tpu.memory_space<hbm>> -> memref<1x160x128xi32, #tpu.memory_space<hbm>>
      %dma_start3A_109 = tpu.memref_squeeze %dma_start3A_108 : memref<1x160x128xi32, #tpu.memory_space<hbm>> -> memref<160x128xi32, #tpu.memory_space<hbm>>
      %dma_start3A_110 = arith.constant 0 : i32
      %dma_start3A_111 = arith.constant 0 : i32
      %dma_start3A_112 = tpu.memref_slice %arg4[%arg1, %dma_start3A_110, %dma_start3A_111] : memref<16x160x128xi32, #tpu.memory_space<hbm>> -> memref<1x160x128xi32, #tpu.memory_space<hbm>>
      %dma_start3A_113 = tpu.memref_squeeze %dma_start3A_112 : memref<1x160x128xi32, #tpu.memory_space<hbm>> -> memref<160x128xi32, #tpu.memory_space<hbm>>
      tpu.enqueue_dma source(%dma_start3A_113 : memref<160x128xi32, #tpu.memory_space<hbm>>) target(%arg7 : memref<160x128xi32, #tpu.memory_space<vmem>>) target_semaphore(%run_scoped3A_105 : memref<!tpu.dma_semaphore, #tpu.memory_space<semaphore_mem>>)
      %dma_wait3A_114 = arith.constant 0 : i32
      %dma_wait3A_115 = arith.constant 0 : i32
      %dma_wait3A_116 = tpu.memref_slice %arg4[%arg1, %dma_wait3A_114, %dma_wait3A_115] : memref<16x160x128xi32, #tpu.memory_space<hbm>> -> memref<1x160x128xi32, #tpu.memory_space<hbm>>
      %dma_wait3A_117 = tpu.memref_squeeze %dma_wait3A_116 : memref<1x160x128xi32, #tpu.memory_space<hbm>> -> memref<160x128xi32, #tpu.memory_space<hbm>>
      %dma_wait3A_118 = arith.constant 0 : i32
      %dma_wait3A_119 = arith.constant 0 : i32
      %dma_wait3A_120 = tpu.memref_slice %arg4[%arg1, %dma_wait3A_118, %dma_wait3A_119] : memref<16x160x128xi32, #tpu.memory_space<hbm>> -> memref<1x160x128xi32, #tpu.memory_space<hbm>>
      %dma_wait3A_121 = tpu.memref_squeeze %dma_wait3A_120 : memref<1x160x128xi32, #tpu.memory_space<hbm>> -> memref<160x128xi32, #tpu.memory_space<hbm>>
      tpu.wait_dma2 semaphore(%run_scoped3A_105 : memref<!tpu.dma_semaphore, #tpu.memory_space<semaphore_mem>>) src(%dma_wait3A_121 : memref<160x128xi32, #tpu.memory_space<hbm>>) dst(%arg7 : memref<160x128xi32, #tpu.memory_space<vmem>>)
      tpu.yield
    }) : () -> ()
    %mul3A_57 = arith.constant 2 : i32
    %mul3A_58 = arith.muli %mul3A_57, %arg0 : i32
    %add3A_59 = arith.constant 1 : i32
    %add3A_60 = arith.addi %mul3A_58, %add3A_59 : i32
    %mul3A_61 = arith.constant 2560 : i32
    %mul3A_62 = arith.muli %add3A_60, %mul3A_61 : i32
    %broadcast_in_dim3A_63 = vector.broadcast %mul3A_62 : i32 to vector<16xi32>
    %scan3A_64 = arith.constant 0 : i32
    %scan3A_65 = arith.constant 0 : i32
    %scan3A_66 = arith.constant 160 : i32
    %scan3A_67 = arith.addi %scan3A_65, %scan3A_66 : i32
    %scan3A_68 = arith.constant 1 : i32
    %scan3A_69 = scf.for %scan3A_105 = %scan3A_65 to %scan3A_67 step %scan3A_68 iter_args(%scan3A_106 = %scan3A_64) -> (i32)  : i32 {
      %get3A = arith.index_cast %scan3A_105 : i32 to index
      %get3A_107 = arith.constant 0 : index
      %get3A_108 = tpu.vector_load %arg7[%get3A, %get3A_107] {strides = array<i32>} : memref<160x128xi32, #tpu.memory_space<vmem>>, vector<1x16xi32>,
      %get3A_109 = vector.shape_cast %get3A_108 : vector<1x16xi32> to vector<16xi32>
      %sub3A = arith.subi %get3A_109, %broadcast_in_dim3A_63 : vector<16xi32>
      %ge3A = arith.constant 0 : i32
      %ge3A_110 = vector.broadcast %ge3A : i32 to vector<16xi32>
      %ge3A_111 = arith.cmpi sge, %sub3A, %ge3A_110 : vector<16xi32>
      %lt3A = arith.cmpi slt, %sub3A, %broadcast_in_dim3A_13 : vector<16xi32>
      %and3A = arith.andi %ge3A_111, %lt3A : vector<16xi1>
      %select_n3A = arith.select %and3A, %sub3A, %broadcast_in_dim3A_11 : vector<16xi1>, vector<16xi32>
      %swap3A = arith.index_cast %scan3A_105 : i32 to index
      %swap3A_112 = arith.constant 0 : index
      %swap3A_113 = tpu.vector_load %arg7[%swap3A, %swap3A_112] {strides = array<i32>} : memref<160x128xi32, #tpu.memory_space<vmem>>, vector<1x16xi32>,
      %swap3A_114 = vector.shape_cast %swap3A_113 : vector<1x16xi32> to vector<16xi32>
      %swap3A_115 = vector.shape_cast %select_n3A : vector<16xi32> to vector<1x16xi32>
      tpu.vector_store %arg7[%swap3A, %swap3A_112], %swap3A_115 {strides = array<i32>} : memref<160x128xi32, #tpu.memory_space<vmem>>, vector<1x16xi32>,
      %get3A_116 = arith.index_cast %scan3A_105 : i32 to index
      %get3A_117 = arith.constant 0 : index
      %get3A_118 = tpu.vector_load %arg6[%get3A_116, %get3A_117] {strides = array<i32>} : memref<160x128xi32, #tpu.memory_space<vmem>>, vector<1x16xi32>,
      %get3A_119 = vector.shape_cast %get3A_118 : vector<1x16xi32> to vector<16xi32>
      %select_n3A_120 = arith.select %and3A, %get3A_119, %broadcast_in_dim3A_9 : vector<16xi1>, vector<16xi32>
      %swap3A_121 = arith.index_cast %scan3A_105 : i32 to index
      %swap3A_122 = arith.constant 0 : index
      %swap3A_123 = tpu.vector_load %arg6[%swap3A_121, %swap3A_122] {strides = array<i32>} : memref<160x128xi32, #tpu.memory_space<vmem>>, vector<1x16xi32>,
      %swap3A_124 = vector.shape_cast %swap3A_123 : vector<1x16xi32> to vector<16xi32>
      %swap3A_125 = vector.shape_cast %select_n3A_120 : vector<16xi32> to vector<1x16xi32>
      tpu.vector_store %arg6[%swap3A_121, %swap3A_122], %swap3A_125 {strides = array<i32>} : memref<160x128xi32, #tpu.memory_space<vmem>>, vector<1x16xi32>,
      %get3A_126 = arith.index_cast %scan3A_105 : i32 to index
      %get3A_127 = arith.constant 16 : index
      %get3A_128 = tpu.vector_load %arg7[%get3A_126, %get3A_127] {strides = array<i32>} : memref<160x128xi32, #tpu.memory_space<vmem>>, vector<1x16xi32>,
      %get3A_129 = vector.shape_cast %get3A_128 : vector<1x16xi32> to vector<16xi32>
      %sub3A_130 = arith.subi %get3A_129, %broadcast_in_dim3A_63 : vector<16xi32>
      %ge3A_131 = arith.constant 0 : i32
      %ge3A_132 = vector.broadcast %ge3A_131 : i32 to vector<16xi32>
      %ge3A_133 = arith.cmpi sge, %sub3A_130, %ge3A_132 : vector<16xi32>
      %lt3A_134 = arith.cmpi slt, %sub3A_130, %broadcast_in_dim3A_13 : vector<16xi32>
      %and3A_135 = arith.andi %ge3A_133, %lt3A_134 : vector<16xi1>
      %select_n3A_136 = arith.select %and3A_135, %sub3A_130, %broadcast_in_dim3A_11 : vector<16xi1>, vector<16xi32>
      %swap3A_137 = arith.index_cast %scan3A_105 : i32 to index
      %swap3A_138 = arith.constant 16 : index
      %swap3A_139 = tpu.vector_load %arg7[%swap3A_137, %swap3A_138] {strides = array<i32>} : memref<160x128xi32, #tpu.memory_space<vmem>>, vector<1x16xi32>,
      %swap3A_140 = vector.shape_cast %swap3A_139 : vector<1x16xi32> to vector<16xi32>
      %swap3A_141 = vector.shape_cast %select_n3A_136 : vector<16xi32> to vector<1x16xi32>
      tpu.vector_store %arg7[%swap3A_137, %swap3A_138], %swap3A_141 {strides = array<i32>} : memref<160x128xi32, #tpu.memory_space<vmem>>, vector<1x16xi32>,
      %get3A_142 = arith.index_cast %scan3A_105 : i32 to index
      %get3A_143 = arith.constant 16 : index
      %get3A_144 = tpu.vector_load %arg6[%get3A_142, %get3A_143] {strides = array<i32>} : memref<160x128xi32, #tpu.memory_space<vmem>>, vector<1x16xi32>,
      %get3A_145 = vector.shape_cast %get3A_144 : vector<1x16xi32> to vector<16xi32>
      %select_n3A_146 = arith.select %and3A_135, %get3A_145, %broadcast_in_dim3A_9 : vector<16xi1>, vector<16xi32>
      %swap3A_147 = arith.index_cast %scan3A_105 : i32 to index
      %swap3A_148 = arith.constant 16 : index
      %swap3A_149 = tpu.vector_load %arg6[%swap3A_147, %swap3A_148] {strides = array<i32>} : memref<160x128xi32, #tpu.memory_space<vmem>>, vector<1x16xi32>,
      %swap3A_150 = vector.shape_cast %swap3A_149 : vector<1x16xi32> to vector<16xi32>
      %swap3A_151 = vector.shape_cast %select_n3A_146 : vector<16xi32> to vector<1x16xi32>
      tpu.vector_store %arg6[%swap3A_147, %swap3A_148], %swap3A_151 {strides = array<i32>} : memref<160x128xi32, #tpu.memory_space<vmem>>, vector<1x16xi32>,
      %get3A_152 = arith.index_cast %scan3A_105 : i32 to index
      %get3A_153 = arith.constant 32 : index
      %get3A_154 = tpu.vector_load %arg7[%get3A_152, %get3A_153] {strides = array<i32>} : memref<160x128xi32, #tpu.memory_space<vmem>>, vector<1x16xi32>,
      %get3A_155 = vector.shape_cast %get3A_154 : vector<1x16xi32> to vector<16xi32>
      %sub3A_156 = arith.subi %get3A_155, %broadcast_in_dim3A_63 : vector<16xi32>
      %ge3A_157 = arith.constant 0 : i32
      %ge3A_158 = vector.broadcast %ge3A_157 : i32 to vector<16xi32>
      %ge3A_159 = arith.cmpi sge, %sub3A_156, %ge3A_158 : vector<16xi32>
      %lt3A_160 = arith.cmpi slt, %sub3A_156, %broadcast_in_dim3A_13 : vector<16xi32>
      %and3A_161 = arith.andi %ge3A_159, %lt3A_160 : vector<16xi1>
      %select_n3A_162 = arith.select %and3A_161, %sub3A_156, %broadcast_in_dim3A_11 : vector<16xi1>, vector<16xi32>
      %swap3A_163 = arith.index_cast %scan3A_105 : i32 to index
      %swap3A_164 = arith.constant 32 : index
      %swap3A_165 = tpu.vector_load %arg7[%swap3A_163, %swap3A_164] {strides = array<i32>} : memref<160x128xi32, #tpu.memory_space<vmem>>, vector<1x16xi32>,
      %swap3A_166 = vector.shape_cast %swap3A_165 : vector<1x16xi32> to vector<16xi32>
      %swap3A_167 = vector.shape_cast %select_n3A_162 : vector<16xi32> to vector<1x16xi32>
      tpu.vector_store %arg7[%swap3A_163, %swap3A_164], %swap3A_167 {strides = array<i32>} : memref<160x128xi32, #tpu.memory_space<vmem>>, vector<1x16xi32>,
      %get3A_168 = arith.index_cast %scan3A_105 : i32 to index
      %get3A_169 = arith.constant 32 : index
      %get3A_170 = tpu.vector_load %arg6[%get3A_168, %get3A_169] {strides = array<i32>} : memref<160x128xi32, #tpu.memory_space<vmem>>, vector<1x16xi32>,
      %get3A_171 = vector.shape_cast %get3A_170 : vector<1x16xi32> to vector<16xi32>
      %select_n3A_172 = arith.select %and3A_161, %get3A_171, %broadcast_in_dim3A_9 : vector<16xi1>, vector<16xi32>
      %swap3A_173 = arith.index_cast %scan3A_105 : i32 to index
      %swap3A_174 = arith.constant 32 : index
      %swap3A_175 = tpu.vector_load %arg6[%swap3A_173, %swap3A_174] {strides = array<i32>} : memref<160x128xi32, #tpu.memory_space<vmem>>, vector<1x16xi32>,
      %swap3A_176 = vector.shape_cast %swap3A_175 : vector<1x16xi32> to vector<16xi32>
      %swap3A_177 = vector.shape_cast %select_n3A_172 : vector<16xi32> to vector<1x16xi32>
      tpu.vector_store %arg6[%swap3A_173, %swap3A_174], %swap3A_177 {strides = array<i32>} : memref<160x128xi32, #tpu.memory_space<vmem>>, vector<1x16xi32>,
      %get3A_178 = arith.index_cast %scan3A_105 : i32 to index
      %get3A_179 = arith.constant 48 : index
      %get3A_180 = tpu.vector_load %arg7[%get3A_178, %get3A_179] {strides = array<i32>} : memref<160x128xi32, #tpu.memory_space<vmem>>, vector<1x16xi32>,
      %get3A_181 = vector.shape_cast %get3A_180 : vector<1x16xi32> to vector<16xi32>
      %sub3A_182 = arith.subi %get3A_181, %broadcast_in_dim3A_63 : vector<16xi32>
      %ge3A_183 = arith.constant 0 : i32
      %ge3A_184 = vector.broadcast %ge3A_183 : i32 to vector<16xi32>
      %ge3A_185 = arith.cmpi sge, %sub3A_182, %ge3A_184 : vector<16xi32>
      %lt3A_186 = arith.cmpi slt, %sub3A_182, %broadcast_in_dim3A_13 : vector<16xi32>
      %and3A_187 = arith.andi %ge3A_185, %lt3A_186 : vector<16xi1>
      %select_n3A_188 = arith.select %and3A_187, %sub3A_182, %broadcast_in_dim3A_11 : vector<16xi1>, vector<16xi32>
      %swap3A_189 = arith.index_cast %scan3A_105 : i32 to index
      %swap3A_190 = arith.constant 48 : index
      %swap3A_191 = tpu.vector_load %arg7[%swap3A_189, %swap3A_190] {strides = array<i32>} : memref<160x128xi32, #tpu.memory_space<vmem>>, vector<1x16xi32>,
      %swap3A_192 = vector.shape_cast %swap3A_191 : vector<1x16xi32> to vector<16xi32>
      %swap3A_193 = vector.shape_cast %select_n3A_188 : vector<16xi32> to vector<1x16xi32>
      tpu.vector_store %arg7[%swap3A_189, %swap3A_190], %swap3A_193 {strides = array<i32>} : memref<160x128xi32, #tpu.memory_space<vmem>>, vector<1x16xi32>,
      %get3A_194 = arith.index_cast %scan3A_105 : i32 to index
      %get3A_195 = arith.constant 48 : index
      %get3A_196 = tpu.vector_load %arg6[%get3A_194, %get3A_195] {strides = array<i32>} : memref<160x128xi32, #tpu.memory_space<vmem>>, vector<1x16xi32>,
      %get3A_197 = vector.shape_cast %get3A_196 : vector<1x16xi32> to vector<16xi32>
      %select_n3A_198 = arith.select %and3A_187, %get3A_197, %broadcast_in_dim3A_9 : vector<16xi1>, vector<16xi32>
      %swap3A_199 = arith.index_cast %scan3A_105 : i32 to index
      %swap3A_200 = arith.constant 48 : index
      %swap3A_201 = tpu.vector_load %arg6[%swap3A_199, %swap3A_200] {strides = array<i32>} : memref<160x128xi32, #tpu.memory_space<vmem>>, vector<1x16xi32>,
      %swap3A_202 = vector.shape_cast %swap3A_201 : vector<1x16xi32> to vector<16xi32>
      %swap3A_203 = vector.shape_cast %select_n3A_198 : vector<16xi32> to vector<1x16xi32>
      tpu.vector_store %arg6[%swap3A_199, %swap3A_200], %swap3A_203 {strides = array<i32>} : memref<160x128xi32, #tpu.memory_space<vmem>>, vector<1x16xi32>,
      %get3A_204 = arith.index_cast %scan3A_105 : i32 to index
      %get3A_205 = arith.constant 64 : index
      %get3A_206 = tpu.vector_load %arg7[%get3A_204, %get3A_205] {strides = array<i32>} : memref<160x128xi32, #tpu.memory_space<vmem>>, vector<1x16xi32>,
      %get3A_207 = vector.shape_cast %get3A_206 : vector<1x16xi32> to vector<16xi32>
      %sub3A_208 = arith.subi %get3A_207, %broadcast_in_dim3A_63 : vector<16xi32>
      %ge3A_209 = arith.constant 0 : i32
      %ge3A_210 = vector.broadcast %ge3A_209 : i32 to vector<16xi32>
      %ge3A_211 = arith.cmpi sge, %sub3A_208, %ge3A_210 : vector<16xi32>
      %lt3A_212 = arith.cmpi slt, %sub3A_208, %broadcast_in_dim3A_13 : vector<16xi32>
      %and3A_213 = arith.andi %ge3A_211, %lt3A_212 : vector<16xi1>
      %select_n3A_214 = arith.select %and3A_213, %sub3A_208, %broadcast_in_dim3A_11 : vector<16xi1>, vector<16xi32>
      %swap3A_215 = arith.index_cast %scan3A_105 : i32 to index
      %swap3A_216 = arith.constant 64 : index
      %swap3A_217 = tpu.vector_load %arg7[%swap3A_215, %swap3A_216] {strides = array<i32>} : memref<160x128xi32, #tpu.memory_space<vmem>>, vector<1x16xi32>,
      %swap3A_218 = vector.shape_cast %swap3A_217 : vector<1x16xi32> to vector<16xi32>
      %swap3A_219 = vector.shape_cast %select_n3A_214 : vector<16xi32> to vector<1x16xi32>
      tpu.vector_store %arg7[%swap3A_215, %swap3A_216], %swap3A_219 {strides = array<i32>} : memref<160x128xi32, #tpu.memory_space<vmem>>, vector<1x16xi32>,
      %get3A_220 = arith.index_cast %scan3A_105 : i32 to index
      %get3A_221 = arith.constant 64 : index
      %get3A_222 = tpu.vector_load %arg6[%get3A_220, %get3A_221] {strides = array<i32>} : memref<160x128xi32, #tpu.memory_space<vmem>>, vector<1x16xi32>,
      %get3A_223 = vector.shape_cast %get3A_222 : vector<1x16xi32> to vector<16xi32>
      %select_n3A_224 = arith.select %and3A_213, %get3A_223, %broadcast_in_dim3A_9 : vector<16xi1>, vector<16xi32>
      %swap3A_225 = arith.index_cast %scan3A_105 : i32 to index
      %swap3A_226 = arith.constant 64 : index
      %swap3A_227 = tpu.vector_load %arg6[%swap3A_225, %swap3A_226] {strides = array<i32>} : memref<160x128xi32, #tpu.memory_space<vmem>>, vector<1x16xi32>,
      %swap3A_228 = vector.shape_cast %swap3A_227 : vector<1x16xi32> to vector<16xi32>
      %swap3A_229 = vector.shape_cast %select_n3A_224 : vector<16xi32> to vector<1x16xi32>
      tpu.vector_store %arg6[%swap3A_225, %swap3A_226], %swap3A_229 {strides = array<i32>} : memref<160x128xi32, #tpu.memory_space<vmem>>, vector<1x16xi32>,
      %get3A_230 = arith.index_cast %scan3A_105 : i32 to index
      %get3A_231 = arith.constant 80 : index
      %get3A_232 = tpu.vector_load %arg7[%get3A_230, %get3A_231] {strides = array<i32>} : memref<160x128xi32, #tpu.memory_space<vmem>>, vector<1x16xi32>,
      %get3A_233 = vector.shape_cast %get3A_232 : vector<1x16xi32> to vector<16xi32>
      %sub3A_234 = arith.subi %get3A_233, %broadcast_in_dim3A_63 : vector<16xi32>
      %ge3A_235 = arith.constant 0 : i32
      %ge3A_236 = vector.broadcast %ge3A_235 : i32 to vector<16xi32>
      %ge3A_237 = arith.cmpi sge, %sub3A_234, %ge3A_236 : vector<16xi32>
      %lt3A_238 = arith.cmpi slt, %sub3A_234, %broadcast_in_dim3A_13 : vector<16xi32>
      %and3A_239 = arith.andi %ge3A_237, %lt3A_238 : vector<16xi1>
      %select_n3A_240 = arith.select %and3A_239, %sub3A_234, %broadcast_in_dim3A_11 : vector<16xi1>, vector<16xi32>
      %swap3A_241 = arith.index_cast %scan3A_105 : i32 to index
      %swap3A_242 = arith.constant 80 : index
      %swap3A_243 = tpu.vector_load %arg7[%swap3A_241, %swap3A_242] {strides = array<i32>} : memref<160x128xi32, #tpu.memory_space<vmem>>, vector<1x16xi32>,
      %swap3A_244 = vector.shape_cast %swap3A_243 : vector<1x16xi32> to vector<16xi32>
      %swap3A_245 = vector.shape_cast %select_n3A_240 : vector<16xi32> to vector<1x16xi32>
      tpu.vector_store %arg7[%swap3A_241, %swap3A_242], %swap3A_245 {strides = array<i32>} : memref<160x128xi32, #tpu.memory_space<vmem>>, vector<1x16xi32>,
      %get3A_246 = arith.index_cast %scan3A_105 : i32 to index
      %get3A_247 = arith.constant 80 : index
      %get3A_248 = tpu.vector_load %arg6[%get3A_246, %get3A_247] {strides = array<i32>} : memref<160x128xi32, #tpu.memory_space<vmem>>, vector<1x16xi32>,
      %get3A_249 = vector.shape_cast %get3A_248 : vector<1x16xi32> to vector<16xi32>
      %select_n3A_250 = arith.select %and3A_239, %get3A_249, %broadcast_in_dim3A_9 : vector<16xi1>, vector<16xi32>
      %swap3A_251 = arith.index_cast %scan3A_105 : i32 to index
      %swap3A_252 = arith.constant 80 : index
      %swap3A_253 = tpu.vector_load %arg6[%swap3A_251, %swap3A_252] {strides = array<i32>} : memref<160x128xi32, #tpu.memory_space<vmem>>, vector<1x16xi32>,
      %swap3A_254 = vector.shape_cast %swap3A_253 : vector<1x16xi32> to vector<16xi32>
      %swap3A_255 = vector.shape_cast %select_n3A_250 : vector<16xi32> to vector<1x16xi32>
      tpu.vector_store %arg6[%swap3A_251, %swap3A_252], %swap3A_255 {strides = array<i32>} : memref<160x128xi32, #tpu.memory_space<vmem>>, vector<1x16xi32>,
      %get3A_256 = arith.index_cast %scan3A_105 : i32 to index
      %get3A_257 = arith.constant 96 : index
      %get3A_258 = tpu.vector_load %arg7[%get3A_256, %get3A_257] {strides = array<i32>} : memref<160x128xi32, #tpu.memory_space<vmem>>, vector<1x16xi32>,
      %get3A_259 = vector.shape_cast %get3A_258 : vector<1x16xi32> to vector<16xi32>
      %sub3A_260 = arith.subi %get3A_259, %broadcast_in_dim3A_63 : vector<16xi32>
      %ge3A_261 = arith.constant 0 : i32
      %ge3A_262 = vector.broadcast %ge3A_261 : i32 to vector<16xi32>
      %ge3A_263 = arith.cmpi sge, %sub3A_260, %ge3A_262 : vector<16xi32>
      %lt3A_264 = arith.cmpi slt, %sub3A_260, %broadcast_in_dim3A_13 : vector<16xi32>
      %and3A_265 = arith.andi %ge3A_263, %lt3A_264 : vector<16xi1>
      %select_n3A_266 = arith.select %and3A_265, %sub3A_260, %broadcast_in_dim3A_11 : vector<16xi1>, vector<16xi32>
      %swap3A_267 = arith.index_cast %scan3A_105 : i32 to index
      %swap3A_268 = arith.constant 96 : index
      %swap3A_269 = tpu.vector_load %arg7[%swap3A_267, %swap3A_268] {strides = array<i32>} : memref<160x128xi32, #tpu.memory_space<vmem>>, vector<1x16xi32>,
      %swap3A_270 = vector.shape_cast %swap3A_269 : vector<1x16xi32> to vector<16xi32>
      %swap3A_271 = vector.shape_cast %select_n3A_266 : vector<16xi32> to vector<1x16xi32>
      tpu.vector_store %arg7[%swap3A_267, %swap3A_268], %swap3A_271 {strides = array<i32>} : memref<160x128xi32, #tpu.memory_space<vmem>>, vector<1x16xi32>,
      %get3A_272 = arith.index_cast %scan3A_105 : i32 to index
      %get3A_273 = arith.constant 96 : index
      %get3A_274 = tpu.vector_load %arg6[%get3A_272, %get3A_273] {strides = array<i32>} : memref<160x128xi32, #tpu.memory_space<vmem>>, vector<1x16xi32>,
      %get3A_275 = vector.shape_cast %get3A_274 : vector<1x16xi32> to vector<16xi32>
      %select_n3A_276 = arith.select %and3A_265, %get3A_275, %broadcast_in_dim3A_9 : vector<16xi1>, vector<16xi32>
      %swap3A_277 = arith.index_cast %scan3A_105 : i32 to index
      %swap3A_278 = arith.constant 96 : index
      %swap3A_279 = tpu.vector_load %arg6[%swap3A_277, %swap3A_278] {strides = array<i32>} : memref<160x128xi32, #tpu.memory_space<vmem>>, vector<1x16xi32>,
      %swap3A_280 = vector.shape_cast %swap3A_279 : vector<1x16xi32> to vector<16xi32>
      %swap3A_281 = vector.shape_cast %select_n3A_276 : vector<16xi32> to vector<1x16xi32>
      tpu.vector_store %arg6[%swap3A_277, %swap3A_278], %swap3A_281 {strides = array<i32>} : memref<160x128xi32, #tpu.memory_space<vmem>>, vector<1x16xi32>,
      %get3A_282 = arith.index_cast %scan3A_105 : i32 to index
      %get3A_283 = arith.constant 112 : index
      %get3A_284 = tpu.vector_load %arg7[%get3A_282, %get3A_283] {strides = array<i32>} : memref<160x128xi32, #tpu.memory_space<vmem>>, vector<1x16xi32>,
      %get3A_285 = vector.shape_cast %get3A_284 : vector<1x16xi32> to vector<16xi32>
      %sub3A_286 = arith.subi %get3A_285, %broadcast_in_dim3A_63 : vector<16xi32>
      %ge3A_287 = arith.constant 0 : i32
      %ge3A_288 = vector.broadcast %ge3A_287 : i32 to vector<16xi32>
      %ge3A_289 = arith.cmpi sge, %sub3A_286, %ge3A_288 : vector<16xi32>
      %lt3A_290 = arith.cmpi slt, %sub3A_286, %broadcast_in_dim3A_13 : vector<16xi32>
      %and3A_291 = arith.andi %ge3A_289, %lt3A_290 : vector<16xi1>
      %select_n3A_292 = arith.select %and3A_291, %sub3A_286, %broadcast_in_dim3A_11 : vector<16xi1>, vector<16xi32>
      %swap3A_293 = arith.index_cast %scan3A_105 : i32 to index
      %swap3A_294 = arith.constant 112 : index
      %swap3A_295 = tpu.vector_load %arg7[%swap3A_293, %swap3A_294] {strides = array<i32>} : memref<160x128xi32, #tpu.memory_space<vmem>>, vector<1x16xi32>,
      %swap3A_296 = vector.shape_cast %swap3A_295 : vector<1x16xi32> to vector<16xi32>
      %swap3A_297 = vector.shape_cast %select_n3A_292 : vector<16xi32> to vector<1x16xi32>
      tpu.vector_store %arg7[%swap3A_293, %swap3A_294], %swap3A_297 {strides = array<i32>} : memref<160x128xi32, #tpu.memory_space<vmem>>, vector<1x16xi32>,
      %get3A_298 = arith.index_cast %scan3A_105 : i32 to index
      %get3A_299 = arith.constant 112 : index
      %get3A_300 = tpu.vector_load %arg6[%get3A_298, %get3A_299] {strides = array<i32>} : memref<160x128xi32, #tpu.memory_space<vmem>>, vector<1x16xi32>,
      %get3A_301 = vector.shape_cast %get3A_300 : vector<1x16xi32> to vector<16xi32>
      %select_n3A_302 = arith.select %and3A_291, %get3A_301, %broadcast_in_dim3A_9 : vector<16xi1>, vector<16xi32>
      %swap3A_303 = arith.index_cast %scan3A_105 : i32 to index
      %swap3A_304 = arith.constant 112 : index
      %swap3A_305 = tpu.vector_load %arg6[%swap3A_303, %swap3A_304] {strides = array<i32>} : memref<160x128xi32, #tpu.memory_space<vmem>>, vector<1x16xi32>,
      %swap3A_306 = vector.shape_cast %swap3A_305 : vector<1x16xi32> to vector<16xi32>
      %swap3A_307 = vector.shape_cast %select_n3A_302 : vector<16xi32> to vector<1x16xi32>
      tpu.vector_store %arg6[%swap3A_303, %swap3A_304], %swap3A_307 {strides = array<i32>} : memref<160x128xi32, #tpu.memory_space<vmem>>, vector<1x16xi32>,
      %scan3A_308 = arith.constant 0 : i32
      scf.yield %scan3A_308 : i32
    }
    %scan3A_70 = arith.constant 160 : i32
    "tpu.region"() ({
      %run_scoped3A_105 = tpu.sem_alloc : memref<!tpu.dma_semaphore, #tpu.memory_space<semaphore_mem>>
      %dma_start3A_106 = arith.constant 0 : i32
      %dma_start3A_107 = tpu.memref_slice %arg10[%mul3A_7, %dma_start3A_106] : memref<2560x128xf32, #tpu.memory_space<vmem_shared>> -> memref<160x128xf32, #tpu.memory_space<vmem_shared>>
      %dma_start3A_108 = arith.constant 0 : i32
      %dma_start3A_109 = tpu.memref_slice %arg10[%mul3A_7, %dma_start3A_108] : memref<2560x128xf32, #tpu.memory_space<vmem_shared>> -> memref<160x128xf32, #tpu.memory_space<vmem_shared>>
      tpu.enqueue_dma source(%arg9 : memref<160x128xf32, #tpu.memory_space<vmem>>) target(%dma_start3A_109 : memref<160x128xf32, #tpu.memory_space<vmem_shared>>) target_semaphore(%run_scoped3A_105 : memref<!tpu.dma_semaphore, #tpu.memory_space<semaphore_mem>>)
      %dma_wait3A_110 = arith.constant 0 : i32
      %dma_wait3A_111 = tpu.memref_slice %arg10[%mul3A_7, %dma_wait3A_110] : memref<2560x128xf32, #tpu.memory_space<vmem_shared>> -> memref<160x128xf32, #tpu.memory_space<vmem_shared>>
      %dma_wait3A_112 = arith.constant 0 : i32
      %dma_wait3A_113 = tpu.memref_slice %arg10[%mul3A_7, %dma_wait3A_112] : memref<2560x128xf32, #tpu.memory_space<vmem_shared>> -> memref<160x128xf32, #tpu.memory_space<vmem_shared>>
      tpu.wait_dma2 semaphore(%run_scoped3A_105 : memref<!tpu.dma_semaphore, #tpu.memory_space<semaphore_mem>>) src(%arg9 : memref<160x128xf32, #tpu.memory_space<vmem>>) dst(%dma_wait3A_113 : memref<160x128xf32, #tpu.memory_space<vmem_shared>>)
      tpu.yield
    }) : () -> ()
    %barrier3A_71 = arith.constant 0 : index
    tpu.barrier barrier_id(%barrier3A_71)
    %dma_start3A_72 = arith.constant 0 : i32
    %dma_start3A_73 = arith.constant 0 : i32
    %dma_start3A_74 = arith.constant 0 : i32
    %dma_start3A_75 = arith.constant 0 : i32
    %dma_start3A_76 = tpu.memref_slice %arg8[%dma_start3A_73, %dma_start3A_74, %dma_start3A_75] : memref<2x128x128xf32, #tpu.memory_space<vmem>> -> memref<1x128x128xf32, #tpu.memory_space<vmem>>
    %dma_start3A_77 = tpu.memref_squeeze %dma_start3A_76 : memref<1x128x128xf32, #tpu.memory_space<vmem>> -> memref<128x128xf32, #tpu.memory_space<vmem>>
    %dma_start3A_78 = arith.constant 0 : i32
    %dma_start3A_79 = tpu.memref_slice %arg6[%dma_start3A_72, %dma_start3A_78] : memref<160x128xi32, #tpu.memory_space<vmem>> -> memref<1x128xi32, #tpu.memory_space<vmem>>
    %dma_start3A_80 = tpu.memref_squeeze %dma_start3A_79 : memref<1x128xi32, #tpu.memory_space<vmem>> -> memref<128xi32, #tpu.memory_space<vmem>>
    %dma_start3A_81 = arith.constant 0 : i32
    %dma_start3A_82 = arith.constant 0 : i32
    %dma_start3A_83 = tpu.memref_slice %arg2[%dma_start3A_81, %dma_start3A_82] : memref<10240x128xf32, #tpu.memory_space<hbm>> -> memref<10240x128xf32, #tpu.memory_space<hbm>>
    tpu.enqueue_indirect_dma source(%dma_start3A_83 : memref<10240x128xf32, #tpu.memory_space<hbm>>) target(%dma_start3A_77 : memref<128x128xf32, #tpu.memory_space<vmem>>) offsets(%dma_start3A_80 : memref<128xi32, #tpu.memory_space<vmem>>) semaphore(%arg11 : memref<!tpu.dma_semaphore, #tpu.memory_space<semaphore_mem>>)
    %scan3A_84 = arith.constant 0 : i32
    %scan3A_85 = arith.constant 0 : i32
    %scan3A_86 = arith.constant 80 : i32
    %scan3A_87 = arith.addi %scan3A_85, %scan3A_86 : i32
    %scan3A_88 = arith.constant 1 : i32
    %scan3A_89 = scf.for %scan3A_105 = %scan3A_85 to %scan3A_87 step %scan3A_88 iter_args(%scan3A_106 = %scan3A_84) -> (i32)  : i32 {
      %mul3A_107 = arith.constant 2 : i32
      %mul3A_108 = arith.muli %mul3A_107, %scan3A_105 : i32
      %add3A_109 = arith.constant 0 : i32
      %add3A_110 = arith.addi %mul3A_108, %add3A_109 : i32
      %dma_wait3A_111 = arith.constant 0 : i32
      %dma_wait3A_112 = arith.constant 0 : i32
      %dma_wait3A_113 = arith.constant 0 : i32
      %dma_wait3A_114 = arith.constant 0 : i32
      %dma_wait3A_115 = tpu.memref_slice %arg8[%dma_wait3A_112, %dma_wait3A_113, %dma_wait3A_114] : memref<2x128x128xf32, #tpu.memory_space<vmem>> -> memref<1x128x128xf32, #tpu.memory_space<vmem>>
      %dma_wait3A_116 = tpu.memref_squeeze %dma_wait3A_115 : memref<1x128x128xf32, #tpu.memory_space<vmem>> -> memref<128x128xf32, #tpu.memory_space<vmem>>
      %dma_wait3A_117 = arith.constant 0 : i32
      %dma_wait3A_118 = tpu.memref_slice %arg6[%dma_wait3A_111, %dma_wait3A_117] : memref<160x128xi32, #tpu.memory_space<vmem>> -> memref<1x128xi32, #tpu.memory_space<vmem>>
      %dma_wait3A_119 = tpu.memref_squeeze %dma_wait3A_118 : memref<1x128xi32, #tpu.memory_space<vmem>> -> memref<128xi32, #tpu.memory_space<vmem>>
      %dma_wait3A_120 = arith.constant 0 : i32
      %dma_wait3A_121 = arith.constant 0 : i32
      %dma_wait3A_122 = tpu.memref_slice %arg2[%dma_wait3A_120, %dma_wait3A_121] : memref<10240x128xf32, #tpu.memory_space<hbm>> -> memref<10240x128xf32, #tpu.memory_space<hbm>>
      tpu.wait_indirect_dma semaphore(%arg11 : memref<!tpu.dma_semaphore, #tpu.memory_space<semaphore_mem>>) src(%dma_wait3A_122 : memref<10240x128xf32, #tpu.memory_space<hbm>>) dst(%dma_wait3A_116 : memref<128x128xf32, #tpu.memory_space<vmem>>)
      %add3A_123 = arith.constant 1 : i32
      %add3A_124 = arith.addi %add3A_110, %add3A_123 : i32
      %rem3A = arith.constant 160 : i32
      %rem3A_125 = arith.remsi %add3A_124, %rem3A : i32
      %dma_start3A_126 = arith.constant 1 : i32
      %dma_start3A_127 = arith.constant 0 : i32
      %dma_start3A_128 = arith.constant 0 : i32
      %dma_start3A_129 = tpu.memref_slice %arg8[%dma_start3A_126, %dma_start3A_127, %dma_start3A_128] : memref<2x128x128xf32, #tpu.memory_space<vmem>> -> memref<1x128x128xf32, #tpu.memory_space<vmem>>
      %dma_start3A_130 = tpu.memref_squeeze %dma_start3A_129 : memref<1x128x128xf32, #tpu.memory_space<vmem>> -> memref<128x128xf32, #tpu.memory_space<vmem>>
      %dma_start3A_131 = arith.constant 0 : i32
      %dma_start3A_132 = tpu.memref_slice %arg6[%rem3A_125, %dma_start3A_131] : memref<160x128xi32, #tpu.memory_space<vmem>> -> memref<1x128xi32, #tpu.memory_space<vmem>>
      %dma_start3A_133 = tpu.memref_squeeze %dma_start3A_132 : memref<1x128xi32, #tpu.memory_space<vmem>> -> memref<128xi32, #tpu.memory_space<vmem>>
      %dma_start3A_134 = arith.constant 0 : i32
      %dma_start3A_135 = arith.constant 0 : i32
      %dma_start3A_136 = tpu.memref_slice %arg2[%dma_start3A_134, %dma_start3A_135] : memref<10240x128xf32, #tpu.memory_space<hbm>> -> memref<10240x128xf32, #tpu.memory_space<hbm>>
      tpu.enqueue_indirect_dma source(%dma_start3A_136 : memref<10240x128xf32, #tpu.memory_space<hbm>>) target(%dma_start3A_130 : memref<128x128xf32, #tpu.memory_space<vmem>>) offsets(%dma_start3A_133 : memref<128xi32, #tpu.memory_space<vmem>>) semaphore(%arg12 : memref<!tpu.dma_semaphore, #tpu.memory_space<semaphore_mem>>)
      %run_scoped3A_137 = arith.constant 0 : i32
      "tpu.region"() ({
        %run_scoped3A_171 = tpu.sem_alloc : memref<!tpu.dma_semaphore, #tpu.memory_space<semaphore_mem>>
        %dma_start3A_172 = arith.constant 0 : i32
        %dma_start3A_173 = arith.constant 0 : i32
        %dma_start3A_174 = tpu.memref_slice %arg8[%run_scoped3A_137, %dma_start3A_172, %dma_start3A_173] : memref<2x128x128xf32, #tpu.memory_space<vmem>> -> memref<1x128x128xf32, #tpu.memory_space<vmem>>
        %dma_start3A_175 = tpu.memref_squeeze %dma_start3A_174 : memref<1x128x128xf32, #tpu.memory_space<vmem>> -> memref<128x128xf32, #tpu.memory_space<vmem>>
        %dma_start3A_176 = arith.constant 0 : i32
        %dma_start3A_177 = tpu.memref_slice %arg7[%add3A_110, %dma_start3A_176] : memref<160x128xi32, #tpu.memory_space<vmem>> -> memref<1x128xi32, #tpu.memory_space<vmem>>
        %dma_start3A_178 = tpu.memref_squeeze %dma_start3A_177 : memref<1x128xi32, #tpu.memory_space<vmem>> -> memref<128xi32, #tpu.memory_space<vmem>>
        %dma_start3A_179 = arith.constant 0 : i32
        %dma_start3A_180 = arith.constant 0 : i32
        %dma_start3A_181 = tpu.memref_slice %arg10[%dma_start3A_179, %dma_start3A_180] : memref<2560x128xf32, #tpu.memory_space<vmem_shared>> -> memref<2560x128xf32, #tpu.memory_space<vmem_shared>>
        tpu.enqueue_indirect_dma source(%dma_start3A_175 : memref<128x128xf32, #tpu.memory_space<vmem>>) target(%dma_start3A_181 : memref<2560x128xf32, #tpu.memory_space<vmem_shared>>) offsets(%dma_start3A_178 : memref<128xi32, #tpu.memory_space<vmem>>) semaphore(%run_scoped3A_171 : memref<!tpu.dma_semaphore, #tpu.memory_space<semaphore_mem>>) {add = true}
        %dma_wait3A_182 = arith.constant 0 : i32
        %dma_wait3A_183 = arith.constant 0 : i32
        %dma_wait3A_184 = tpu.memref_slice %arg8[%run_scoped3A_137, %dma_wait3A_182, %dma_wait3A_183] : memref<2x128x128xf32, #tpu.memory_space<vmem>> -> memref<1x128x128xf32, #tpu.memory_space<vmem>>
        %dma_wait3A_185 = tpu.memref_squeeze %dma_wait3A_184 : memref<1x128x128xf32, #tpu.memory_space<vmem>> -> memref<128x128xf32, #tpu.memory_space<vmem>>
        %dma_wait3A_186 = arith.constant 0 : i32
        %dma_wait3A_187 = tpu.memref_slice %arg7[%add3A_110, %dma_wait3A_186] : memref<160x128xi32, #tpu.memory_space<vmem>> -> memref<1x128xi32, #tpu.memory_space<vmem>>
        %dma_wait3A_188 = tpu.memref_squeeze %dma_wait3A_187 : memref<1x128xi32, #tpu.memory_space<vmem>> -> memref<128xi32, #tpu.memory_space<vmem>>
        %dma_wait3A_189 = arith.constant 0 : i32
        %dma_wait3A_190 = arith.constant 0 : i32
        %dma_wait3A_191 = tpu.memref_slice %arg10[%dma_wait3A_189, %dma_wait3A_190] : memref<2560x128xf32, #tpu.memory_space<vmem_shared>> -> memref<2560x128xf32, #tpu.memory_space<vmem_shared>>
        tpu.wait_indirect_dma semaphore(%run_scoped3A_171 : memref<!tpu.dma_semaphore, #tpu.memory_space<semaphore_mem>>) src(%dma_wait3A_185 : memref<128x128xf32, #tpu.memory_space<vmem>>) dst(%dma_wait3A_191 : memref<2560x128xf32, #tpu.memory_space<vmem_shared>>)
        tpu.yield
      }) : () -> ()
      %mul3A_138 = arith.constant 2 : i32
      %mul3A_139 = arith.muli %mul3A_138, %scan3A_105 : i32
      %add3A_140 = arith.constant 1 : i32
      %add3A_141 = arith.addi %mul3A_139, %add3A_140 : i32
      %dma_wait3A_142 = arith.constant 0 : i32
      %dma_wait3A_143 = arith.constant 1 : i32
      %dma_wait3A_144 = arith.constant 0 : i32
      %dma_wait3A_145 = arith.constant 0 : i32
      %dma_wait3A_146 = tpu.memref_slice %arg8[%dma_wait3A_143, %dma_wait3A_144, %dma_wait3A_145] : memref<2x128x128xf32, #tpu.memory_space<vmem>> -> memref<1x128x128xf32, #tpu.memory_space<vmem>>
      %dma_wait3A_147 = tpu.memref_squeeze %dma_wait3A_146 : memref<1x128x128xf32, #tpu.memory_space<vmem>> -> memref<128x128xf32, #tpu.memory_space<vmem>>
      %dma_wait3A_148 = arith.constant 0 : i32
      %dma_wait3A_149 = tpu.memref_slice %arg6[%dma_wait3A_142, %dma_wait3A_148] : memref<160x128xi32, #tpu.memory_space<vmem>> -> memref<1x128xi32, #tpu.memory_space<vmem>>
      %dma_wait3A_150 = tpu.memref_squeeze %dma_wait3A_149 : memref<1x128xi32, #tpu.memory_space<vmem>> -> memref<128xi32, #tpu.memory_space<vmem>>
      %dma_wait3A_151 = arith.constant 0 : i32
      %dma_wait3A_152 = arith.constant 0 : i32
      %dma_wait3A_153 = tpu.memref_slice %arg2[%dma_wait3A_151, %dma_wait3A_152] : memref<10240x128xf32, #tpu.memory_space<hbm>> -> memref<10240x128xf32, #tpu.memory_space<hbm>>
      tpu.wait_indirect_dma semaphore(%arg12 : memref<!tpu.dma_semaphore, #tpu.memory_space<semaphore_mem>>) src(%dma_wait3A_153 : memref<10240x128xf32, #tpu.memory_space<hbm>>) dst(%dma_wait3A_147 : memref<128x128xf32, #tpu.memory_space<vmem>>)
      %add3A_154 = arith.constant 1 : i32
      %add3A_155 = arith.addi %add3A_141, %add3A_154 : i32
      %rem3A_156 = arith.constant 160 : i32
      %rem3A_157 = arith.remsi %add3A_155, %rem3A_156 : i32
      %dma_start3A_158 = arith.constant 0 : i32
      %dma_start3A_159 = arith.constant 0 : i32
      %dma_start3A_160 = arith.constant 0 : i32
      %dma_start3A_161 = tpu.memref_slice %arg8[%dma_start3A_158, %dma_start3A_159, %dma_start3A_160] : memref<2x128x128xf32, #tpu.memory_space<vmem>> -> memref<1x128x128xf32, #tpu.memory_space<vmem>>
      %dma_start3A_162 = tpu.memref_squeeze %dma_start3A_161 : memref<1x128x128xf32, #tpu.memory_space<vmem>> -> memref<128x128xf32, #tpu.memory_space<vmem>>
      %dma_start3A_163 = arith.constant 0 : i32
      %dma_start3A_164 = tpu.memref_slice %arg6[%rem3A_157, %dma_start3A_163] : memref<160x128xi32, #tpu.memory_space<vmem>> -> memref<1x128xi32, #tpu.memory_space<vmem>>
      %dma_start3A_165 = tpu.memref_squeeze %dma_start3A_164 : memref<1x128xi32, #tpu.memory_space<vmem>> -> memref<128xi32, #tpu.memory_space<vmem>>
      %dma_start3A_166 = arith.constant 0 : i32
      %dma_start3A_167 = arith.constant 0 : i32
      %dma_start3A_168 = tpu.memref_slice %arg2[%dma_start3A_166, %dma_start3A_167] : memref<10240x128xf32, #tpu.memory_space<hbm>> -> memref<10240x128xf32, #tpu.memory_space<hbm>>
      tpu.enqueue_indirect_dma source(%dma_start3A_168 : memref<10240x128xf32, #tpu.memory_space<hbm>>) target(%dma_start3A_162 : memref<128x128xf32, #tpu.memory_space<vmem>>) offsets(%dma_start3A_165 : memref<128xi32, #tpu.memory_space<vmem>>) semaphore(%arg11 : memref<!tpu.dma_semaphore, #tpu.memory_space<semaphore_mem>>)
      %run_scoped3A_169 = arith.constant 1 : i32
      "tpu.region"() ({
        %run_scoped3A_171 = tpu.sem_alloc : memref<!tpu.dma_semaphore, #tpu.memory_space<semaphore_mem>>
        %dma_start3A_172 = arith.constant 0 : i32
        %dma_start3A_173 = arith.constant 0 : i32
        %dma_start3A_174 = tpu.memref_slice %arg8[%run_scoped3A_169, %dma_start3A_172, %dma_start3A_173] : memref<2x128x128xf32, #tpu.memory_space<vmem>> -> memref<1x128x128xf32, #tpu.memory_space<vmem>>
        %dma_start3A_175 = tpu.memref_squeeze %dma_start3A_174 : memref<1x128x128xf32, #tpu.memory_space<vmem>> -> memref<128x128xf32, #tpu.memory_space<vmem>>
        %dma_start3A_176 = arith.constant 0 : i32
        %dma_start3A_177 = tpu.memref_slice %arg7[%add3A_141, %dma_start3A_176] : memref<160x128xi32, #tpu.memory_space<vmem>> -> memref<1x128xi32, #tpu.memory_space<vmem>>
        %dma_start3A_178 = tpu.memref_squeeze %dma_start3A_177 : memref<1x128xi32, #tpu.memory_space<vmem>> -> memref<128xi32, #tpu.memory_space<vmem>>
        %dma_start3A_179 = arith.constant 0 : i32
        %dma_start3A_180 = arith.constant 0 : i32
        %dma_start3A_181 = tpu.memref_slice %arg10[%dma_start3A_179, %dma_start3A_180] : memref<2560x128xf32, #tpu.memory_space<vmem_shared>> -> memref<2560x128xf32, #tpu.memory_space<vmem_shared>>
        tpu.enqueue_indirect_dma source(%dma_start3A_175 : memref<128x128xf32, #tpu.memory_space<vmem>>) target(%dma_start3A_181 : memref<2560x128xf32, #tpu.memory_space<vmem_shared>>) offsets(%dma_start3A_178 : memref<128xi32, #tpu.memory_space<vmem>>) semaphore(%run_scoped3A_171 : memref<!tpu.dma_semaphore, #tpu.memory_space<semaphore_mem>>) {add = true}
        %dma_wait3A_182 = arith.constant 0 : i32
        %dma_wait3A_183 = arith.constant 0 : i32
        %dma_wait3A_184 = tpu.memref_slice %arg8[%run_scoped3A_169, %dma_wait3A_182, %dma_wait3A_183] : memref<2x128x128xf32, #tpu.memory_space<vmem>> -> memref<1x128x128xf32, #tpu.memory_space<vmem>>
        %dma_wait3A_185 = tpu.memref_squeeze %dma_wait3A_184 : memref<1x128x128xf32, #tpu.memory_space<vmem>> -> memref<128x128xf32, #tpu.memory_space<vmem>>
        %dma_wait3A_186 = arith.constant 0 : i32
        %dma_wait3A_187 = tpu.memref_slice %arg7[%add3A_141, %dma_wait3A_186] : memref<160x128xi32, #tpu.memory_space<vmem>> -> memref<1x128xi32, #tpu.memory_space<vmem>>
        %dma_wait3A_188 = tpu.memref_squeeze %dma_wait3A_187 : memref<1x128xi32, #tpu.memory_space<vmem>> -> memref<128xi32, #tpu.memory_space<vmem>>
        %dma_wait3A_189 = arith.constant 0 : i32
        %dma_wait3A_190 = arith.constant 0 : i32
        %dma_wait3A_191 = tpu.memref_slice %arg10[%dma_wait3A_189, %dma_wait3A_190] : memref<2560x128xf32, #tpu.memory_space<vmem_shared>> -> memref<2560x128xf32, #tpu.memory_space<vmem_shared>>
        tpu.wait_indirect_dma semaphore(%run_scoped3A_171 : memref<!tpu.dma_semaphore, #tpu.memory_space<semaphore_mem>>) src(%dma_wait3A_185 : memref<128x128xf32, #tpu.memory_space<vmem>>) dst(%dma_wait3A_191 : memref<2560x128xf32, #tpu.memory_space<vmem_shared>>)
        tpu.yield
      }) : () -> ()
      %scan3A_170 = arith.constant 0 : i32
      scf.yield %scan3A_170 : i32
    }
    %scan3A_90 = arith.constant 80 : i32
    %dma_wait3A_91 = arith.constant 0 : i32
    %dma_wait3A_92 = arith.constant 0 : i32
    %dma_wait3A_93 = arith.constant 0 : i32
    %dma_wait3A_94 = arith.constant 0 : i32
    %dma_wait3A_95 = tpu.memref_slice %arg8[%dma_wait3A_92, %dma_wait3A_93, %dma_wait3A_94] : memref<2x128x128xf32, #tpu.memory_space<vmem>> -> memref<1x128x128xf32, #tpu.memory_space<vmem>>
    %dma_wait3A_96 = tpu.memref_squeeze %dma_wait3A_95 : memref<1x128x128xf32, #tpu.memory_space<vmem>> -> memref<128x128xf32, #tpu.memory_space<vmem>>
    %dma_wait3A_97 = arith.constant 0 : i32
    %dma_wait3A_98 = tpu.memref_slice %arg6[%dma_wait3A_91, %dma_wait3A_97] : memref<160x128xi32, #tpu.memory_space<vmem>> -> memref<1x128xi32, #tpu.memory_space<vmem>>
    %dma_wait3A_99 = tpu.memref_squeeze %dma_wait3A_98 : memref<1x128xi32, #tpu.memory_space<vmem>> -> memref<128xi32, #tpu.memory_space<vmem>>
    %dma_wait3A_100 = arith.constant 0 : i32
    %dma_wait3A_101 = arith.constant 0 : i32
    %dma_wait3A_102 = tpu.memref_slice %arg2[%dma_wait3A_100, %dma_wait3A_101] : memref<10240x128xf32, #tpu.memory_space<hbm>> -> memref<10240x128xf32, #tpu.memory_space<hbm>>
    tpu.wait_indirect_dma semaphore(%arg11 : memref<!tpu.dma_semaphore, #tpu.memory_space<semaphore_mem>>) src(%dma_wait3A_102 : memref<10240x128xf32, #tpu.memory_space<hbm>>) dst(%dma_wait3A_96 : memref<128x128xf32, #tpu.memory_space<vmem>>)
    %barrier3A_103 = arith.constant 0 : index
    tpu.barrier barrier_id(%barrier3A_103)
    %run_scoped3A_104 = arith.constant 1 : i32
    "tpu.region"() ({
      %run_scoped3A_105 = tpu.sem_alloc : memref<!tpu.dma_semaphore, #tpu.memory_space<semaphore_mem>>
      %dma_start3A_106 = arith.constant 0 : i32
      %dma_start3A_107 = tpu.memref_slice %arg5[%arg0, %run_scoped3A_104, %mul3A_7, %dma_start3A_106] : memref<2x2x2560x128xf32, #tpu.memory_space<hbm>> -> memref<1x1x160x128xf32, #tpu.memory_space<hbm>>
      %dma_start3A_108 = tpu.memref_squeeze %dma_start3A_107 : memref<1x1x160x128xf32, #tpu.memory_space<hbm>> -> memref<160x128xf32, #tpu.memory_space<hbm>>
      %dma_start3A_109 = arith.constant 0 : i32
      %dma_start3A_110 = tpu.memref_slice %arg10[%mul3A_7, %dma_start3A_109] : memref<2560x128xf32, #tpu.memory_space<vmem_shared>> -> memref<160x128xf32, #tpu.memory_space<vmem_shared>>
      tpu.enqueue_dma source(%dma_start3A_110 : memref<160x128xf32, #tpu.memory_space<vmem_shared>>) target(%dma_start3A_108 : memref<160x128xf32, #tpu.memory_space<hbm>>) target_semaphore(%run_scoped3A_105 : memref<!tpu.dma_semaphore, #tpu.memory_space<semaphore_mem>>)
      %dma_wait3A_111 = arith.constant 0 : i32
      %dma_wait3A_112 = tpu.memref_slice %arg5[%arg0, %run_scoped3A_104, %mul3A_7, %dma_wait3A_111] : memref<2x2x2560x128xf32, #tpu.memory_space<hbm>> -> memref<1x1x160x128xf32, #tpu.memory_space<hbm>>
      %dma_wait3A_113 = tpu.memref_squeeze %dma_wait3A_112 : memref<1x1x160x128xf32, #tpu.memory_space<hbm>> -> memref<160x128xf32, #tpu.memory_space<hbm>>
      %dma_wait3A_114 = arith.constant 0 : i32
      %dma_wait3A_115 = tpu.memref_slice %arg10[%mul3A_7, %dma_wait3A_114] : memref<2560x128xf32, #tpu.memory_space<vmem_shared>> -> memref<160x128xf32, #tpu.memory_space<vmem_shared>>
      tpu.wait_dma2 semaphore(%run_scoped3A_105 : memref<!tpu.dma_semaphore, #tpu.memory_space<semaphore_mem>>) src(%dma_wait3A_115 : memref<160x128xf32, #tpu.memory_space<vmem_shared>>) dst(%dma_wait3A_113 : memref<160x128xf32, #tpu.memory_space<hbm>>)
      tpu.yield
    }) : () -> ()
    return
  }
}

module attributes {stable_mosaic.version = 14 : i64} {
  func.func @_prescale_body(%arg0: i32, %arg1: memref<1x1x512x128xf32, #tpu.memory_space<vmem>>, %arg2: memref<512x128xf32, #tpu.memory_space<vmem>>, %arg3: memref<512x128xf32, #tpu.memory_space<vmem>>, %arg4: memref<512x1xf32, #tpu.memory_space<vmem>>) attributes {dimension_semantics = [#tpu.dimension_semantics<arbitrary>], iteration_bounds = array<i64: 20>, scalar_prefetch = 0 : i64, scratch_operands = 0 : i64, tpu.core_type = #tpu.core_type<tc>, window_params = [{transform_indices = @transform_0, window_bounds = array<i64: 1, 1, 512, 128>}, {transform_indices = @transform_1, window_bounds = array<i64: 512, 128>}, {transform_indices = @transform_2, window_bounds = array<i64: 512, 128>}, {transform_indices = @transform_3, window_bounds = array<i64: 512, 1>}]} {
    %get3A = arith.constant 0 : index
    %get3A_0 = arith.constant 0 : index
    %get3A_1 = arith.constant 0 : index
    %get3A_2 = arith.constant 0 : index
    %get3A_3 = vector.load %arg1[%get3A, %get3A_0, %get3A_1, %get3A_2] : memref<1x1x512x128xf32, #tpu.memory_space<vmem>>, vector<1x1x512x1xf32>
    %get3A_4 = vector.shape_cast %get3A_3 : vector<1x1x512x1xf32> to vector<512x1xf32>
    %add3A = arith.constant 1.000000e+00 : f32
    %add3A_5 = vector.broadcast %add3A : f32 to vector<512x1xf32>
    %add3A_6 = arith.addf %get3A_4, %add3A_5 : vector<512x1xf32>
    %rsqrt3A = math.rsqrt %add3A_6 : vector<512x1xf32>
    %swap3A = arith.constant 0 : index
    %swap3A_7 = arith.constant 0 : index
    %swap3A_8 = vector.load %arg4[%swap3A, %swap3A_7] : memref<512x1xf32, #tpu.memory_space<vmem>>, vector<512x1xf32>
    tpu.vector_store %arg4[%swap3A, %swap3A_7], %rsqrt3A {strides = array<i32>} : memref<512x1xf32, #tpu.memory_space<vmem>>, vector<512x1xf32>,
    %get3A_9 = arith.constant 0 : index
    %get3A_10 = arith.constant 0 : index
    %get3A_11 = vector.load %arg2[%get3A_9, %get3A_10] : memref<512x128xf32, #tpu.memory_space<vmem>>, vector<512x128xf32>
    %mul3A = vector.broadcast %rsqrt3A : vector<512x1xf32> to vector<512x128xf32>
    %mul3A_12 = arith.mulf %get3A_11, %mul3A : vector<512x128xf32>
    %swap3A_13 = arith.constant 0 : index
    %swap3A_14 = arith.constant 0 : index
    %swap3A_15 = vector.load %arg3[%swap3A_13, %swap3A_14] : memref<512x128xf32, #tpu.memory_space<vmem>>, vector<512x128xf32>
    tpu.vector_store %arg3[%swap3A_13, %swap3A_14], %mul3A_12 {strides = array<i32>} : memref<512x128xf32, #tpu.memory_space<vmem>>, vector<512x128xf32>,
    return
  }
  func.func @transform_0(%arg0: i32) -> (i32, i32, i32, i32) {
    %jit3A = arith.constant 10 : i32
    %div3A = arith.divsi %arg0, %jit3A : i32
    %sign3A = arith.constant 0 : i32
    %sign3A_0 = arith.cmpi sgt, %arg0, %sign3A : i32
    %sign3A_1 = arith.extui %sign3A_0 : i1 to i32
    %sign3A_2 = arith.constant 0 : i32
    %sign3A_3 = arith.cmpi slt, %arg0, %sign3A_2 : i32
    %sign3A_4 = arith.extui %sign3A_3 : i1 to i32
    %sign3A_5 = arith.subi %sign3A_1, %sign3A_4 : i32
    %sign3A_6 = arith.constant 0 : i32
    %sign3A_7 = arith.cmpi sgt, %jit3A, %sign3A_6 : i32
    %sign3A_8 = arith.extui %sign3A_7 : i1 to i32
    %sign3A_9 = arith.constant 0 : i32
    %sign3A_10 = arith.cmpi slt, %jit3A, %sign3A_9 : i32
    %sign3A_11 = arith.extui %sign3A_10 : i1 to i32
    %sign3A_12 = arith.subi %sign3A_8, %sign3A_11 : i32
    %ne3A = arith.cmpi ne, %sign3A_5, %sign3A_12 : i32
    %rem3A = arith.remsi %arg0, %jit3A : i32
    %ne3A_13 = arith.constant 0 : i32
    %ne3A_14 = arith.cmpi ne, %rem3A, %ne3A_13 : i32
    %and3A = arith.andi %ne3A, %ne3A_14 : i1
    %sub3A = arith.constant 1 : i32
    %sub3A_15 = arith.subi %div3A, %sub3A : i32
    %select_n3A = arith.select %and3A, %sub3A_15, %div3A : i32
    %jit3A_16 = arith.constant 5 : i32
    %div3A_17 = arith.divsi %arg0, %jit3A_16 : i32
    %sign3A_18 = arith.constant 0 : i32
    %sign3A_19 = arith.cmpi sgt, %arg0, %sign3A_18 : i32
    %sign3A_20 = arith.extui %sign3A_19 : i1 to i32
    %sign3A_21 = arith.constant 0 : i32
    %sign3A_22 = arith.cmpi slt, %arg0, %sign3A_21 : i32
    %sign3A_23 = arith.extui %sign3A_22 : i1 to i32
    %sign3A_24 = arith.subi %sign3A_20, %sign3A_23 : i32
    %sign3A_25 = arith.constant 0 : i32
    %sign3A_26 = arith.cmpi sgt, %jit3A_16, %sign3A_25 : i32
    %sign3A_27 = arith.extui %sign3A_26 : i1 to i32
    %sign3A_28 = arith.constant 0 : i32
    %sign3A_29 = arith.cmpi slt, %jit3A_16, %sign3A_28 : i32
    %sign3A_30 = arith.extui %sign3A_29 : i1 to i32
    %sign3A_31 = arith.subi %sign3A_27, %sign3A_30 : i32
    %ne3A_32 = arith.cmpi ne, %sign3A_24, %sign3A_31 : i32
    %rem3A_33 = arith.remsi %arg0, %jit3A_16 : i32
    %ne3A_34 = arith.constant 0 : i32
    %ne3A_35 = arith.cmpi ne, %rem3A_33, %ne3A_34 : i32
    %and3A_36 = arith.andi %ne3A_32, %ne3A_35 : i1
    %sub3A_37 = arith.constant 1 : i32
    %sub3A_38 = arith.subi %div3A_17, %sub3A_37 : i32
    %select_n3A_39 = arith.select %and3A_36, %sub3A_38, %div3A_17 : i32
    %jit3A_40 = arith.constant 2 : i32
    %eq3A = arith.constant 0 : i32
    %eq3A_41 = arith.cmpi eq, %jit3A_40, %eq3A : i32
    %jit3A_42 = arith.constant 1 : i32
    %select_n3A_43 = arith.select %eq3A_41, %jit3A_42, %jit3A_40 : i32
    %rem3A_44 = arith.remsi %select_n3A_39, %select_n3A_43 : i32
    %ne3A_45 = arith.constant 0 : i32
    %ne3A_46 = arith.cmpi ne, %rem3A_44, %ne3A_45 : i32
    %lt3A = arith.constant 0 : i32
    %lt3A_47 = arith.cmpi slt, %rem3A_44, %lt3A : i32
    %lt3A_48 = arith.constant 0 : i32
    %lt3A_49 = arith.cmpi slt, %select_n3A_43, %lt3A_48 : i32
    %ne3A_50 = arith.xori %lt3A_47, %lt3A_49 : i1
    %and3A_51 = arith.andi %ne3A_50, %ne3A_46 : i1
    %add3A = arith.addi %rem3A_44, %select_n3A_43 : i32
    %select_n3A_52 = arith.select %and3A_51, %add3A, %rem3A_44 : i32
    %jit3A_53 = arith.constant 5 : i32
    %eq3A_54 = arith.constant 0 : i32
    %eq3A_55 = arith.cmpi eq, %jit3A_53, %eq3A_54 : i32
    %jit3A_56 = arith.constant 1 : i32
    %select_n3A_57 = arith.select %eq3A_55, %jit3A_56, %jit3A_53 : i32
    %rem3A_58 = arith.remsi %arg0, %select_n3A_57 : i32
    %ne3A_59 = arith.constant 0 : i32
    %ne3A_60 = arith.cmpi ne, %rem3A_58, %ne3A_59 : i32
    %lt3A_61 = arith.constant 0 : i32
    %lt3A_62 = arith.cmpi slt, %rem3A_58, %lt3A_61 : i32
    %lt3A_63 = arith.constant 0 : i32
    %lt3A_64 = arith.cmpi slt, %select_n3A_57, %lt3A_63 : i32
    %ne3A_65 = arith.xori %lt3A_62, %lt3A_64 : i1
    %and3A_66 = arith.andi %ne3A_65, %ne3A_60 : i1
    %add3A_67 = arith.addi %rem3A_58, %select_n3A_57 : i32
    %select_n3A_68 = arith.select %and3A_66, %add3A_67, %rem3A_58 : i32
    %c0_i32 = arith.constant 0 : i32
    %c0_i32_69 = arith.constant 0 : i32
    return %select_n3A, %select_n3A_52, %select_n3A_68, %c0_i32 : i32, i32, i32, i32
  }
  func.func @transform_1(%arg0: i32) -> (i32, i32) {
    %c0_i32 = arith.constant 0 : i32
    %c0_i32_0 = arith.constant 0 : i32
    return %arg0, %c0_i32 : i32, i32
  }
  func.func @transform_2(%arg0: i32) -> (i32, i32) {
    %c0_i32 = arith.constant 0 : i32
    %c0_i32_0 = arith.constant 0 : i32
    return %arg0, %c0_i32 : i32, i32
  }
  func.func @transform_3(%arg0: i32) -> (i32, i32) {
    %c0_i32 = arith.constant 0 : i32
    %c0_i32_0 = arith.constant 0 : i32
    return %arg0, %c0_i32 : i32, i32
  }
}

module attributes {stable_mosaic.version = 14 : i64} {
  func.func @_final_body(%arg0: i32, %arg1: memref<1x1x512x128xf32, #tpu.memory_space<vmem>>, %arg2: memref<512x128xf32, #tpu.memory_space<vmem>>, %arg3: memref<512x1xf32, #tpu.memory_space<vmem>>, %arg4: memref<1x128xf32, #tpu.memory_space<vmem>>, %arg5: memref<1x128xf32, #tpu.memory_space<vmem>>, %arg6: memref<512x128xf32, #tpu.memory_space<vmem>>) attributes {dimension_semantics = [#tpu.dimension_semantics<arbitrary>], iteration_bounds = array<i64: 20>, scalar_prefetch = 0 : i64, scratch_operands = 0 : i64, tpu.core_type = #tpu.core_type<tc>, window_params = [{transform_indices = @transform_0, window_bounds = array<i64: 1, 1, 512, 128>}, {transform_indices = @transform_1, window_bounds = array<i64: 512, 128>}, {transform_indices = @transform_2, window_bounds = array<i64: 512, 1>}, {pipeline_mode = #tpu.pipeline_mode<synchronous>, transform_indices = @transform_3, window_bounds = array<i64: 1, 128>}, {pipeline_mode = #tpu.pipeline_mode<synchronous>, transform_indices = @transform_4, window_bounds = array<i64: 1, 128>}, {transform_indices = @transform_5, window_bounds = array<i64: 512, 128>}]} {
    %get3A = arith.constant 0 : index
    %get3A_0 = arith.constant 0 : index
    %get3A_1 = arith.constant 0 : index
    %get3A_2 = arith.constant 0 : index
    %get3A_3 = vector.load %arg1[%get3A, %get3A_0, %get3A_1, %get3A_2] : memref<1x1x512x128xf32, #tpu.memory_space<vmem>>, vector<1x1x512x128xf32>
    %get3A_4 = vector.shape_cast %get3A_3 : vector<1x1x512x128xf32> to vector<512x128xf32>
    %get3A_5 = arith.constant 0 : index
    %get3A_6 = arith.constant 0 : index
    %get3A_7 = vector.load %arg2[%get3A_5, %get3A_6] : memref<512x128xf32, #tpu.memory_space<vmem>>, vector<512x128xf32>
    %add3A = arith.addf %get3A_4, %get3A_7 : vector<512x128xf32>
    %get3A_8 = arith.constant 0 : index
    %get3A_9 = arith.constant 0 : index
    %get3A_10 = vector.load %arg3[%get3A_8, %get3A_9] : memref<512x1xf32, #tpu.memory_space<vmem>>, vector<512x1xf32>
    %mul3A = vector.broadcast %get3A_10 : vector<512x1xf32> to vector<512x128xf32>
    %mul3A_11 = arith.mulf %add3A, %mul3A : vector<512x128xf32>
    %get3A_12 = arith.constant 0 : index
    %get3A_13 = arith.constant 0 : index
    %get3A_14 = vector.load %arg4[%get3A_12, %get3A_13] : memref<1x128xf32, #tpu.memory_space<vmem>>, vector<1x128xf32>
    %mul3A_15 = vector.broadcast %get3A_14 : vector<1x128xf32> to vector<512x128xf32>
    %mul3A_16 = arith.mulf %mul3A_11, %mul3A_15 : vector<512x128xf32>
    %get3A_17 = arith.constant 0 : index
    %get3A_18 = arith.constant 0 : index
    %get3A_19 = vector.load %arg5[%get3A_17, %get3A_18] : memref<1x128xf32, #tpu.memory_space<vmem>>, vector<1x128xf32>
    %add3A_20 = vector.broadcast %get3A_19 : vector<1x128xf32> to vector<512x128xf32>
    %add3A_21 = arith.addf %mul3A_16, %add3A_20 : vector<512x128xf32>
    %reduce_max3A = arith.constant dense<0xFF800000> : vector<512xf32>
    %reduce_max3A_22 = vector.multi_reduction <maximumf>, %add3A_21, %reduce_max3A [1] : vector<512x128xf32> to vector<512xf32>
    %broadcast_in_dim3A = vector.shape_cast %reduce_max3A_22 : vector<512xf32> to vector<512x1xf32>
    %sub3A = vector.broadcast %broadcast_in_dim3A : vector<512x1xf32> to vector<512x128xf32>
    %sub3A_23 = arith.subf %add3A_21, %sub3A : vector<512x128xf32>
    %exp3A = math.exp %sub3A_23 : vector<512x128xf32>
    %reduce_sum3A = arith.constant dense<0.000000e+00> : vector<512xf32>
    %reduce_sum3A_24 = vector.multi_reduction <add>, %exp3A, %reduce_sum3A [1] : vector<512x128xf32> to vector<512xf32>
    %broadcast_in_dim3A_25 = vector.shape_cast %reduce_sum3A_24 : vector<512xf32> to vector<512x1xf32>
    %log3A = math.log %broadcast_in_dim3A_25 : vector<512x1xf32>
    %sub3A_26 = vector.broadcast %broadcast_in_dim3A : vector<512x1xf32> to vector<512x128xf32>
    %sub3A_27 = arith.subf %add3A_21, %sub3A_26 : vector<512x128xf32>
    %sub3A_28 = vector.broadcast %log3A : vector<512x1xf32> to vector<512x128xf32>
    %sub3A_29 = arith.subf %sub3A_27, %sub3A_28 : vector<512x128xf32>
    %swap3A = arith.constant 0 : index
    %swap3A_30 = arith.constant 0 : index
    %swap3A_31 = vector.load %arg6[%swap3A, %swap3A_30] : memref<512x128xf32, #tpu.memory_space<vmem>>, vector<512x128xf32>
    tpu.vector_store %arg6[%swap3A, %swap3A_30], %sub3A_29 {strides = array<i32>} : memref<512x128xf32, #tpu.memory_space<vmem>>, vector<512x128xf32>,
    return
  }
  func.func @transform_0(%arg0: i32) -> (i32, i32, i32, i32) {
    %jit3A = arith.constant 10 : i32
    %div3A = arith.divsi %arg0, %jit3A : i32
    %sign3A = arith.constant 0 : i32
    %sign3A_0 = arith.cmpi sgt, %arg0, %sign3A : i32
    %sign3A_1 = arith.extui %sign3A_0 : i1 to i32
    %sign3A_2 = arith.constant 0 : i32
    %sign3A_3 = arith.cmpi slt, %arg0, %sign3A_2 : i32
    %sign3A_4 = arith.extui %sign3A_3 : i1 to i32
    %sign3A_5 = arith.subi %sign3A_1, %sign3A_4 : i32
    %sign3A_6 = arith.constant 0 : i32
    %sign3A_7 = arith.cmpi sgt, %jit3A, %sign3A_6 : i32
    %sign3A_8 = arith.extui %sign3A_7 : i1 to i32
    %sign3A_9 = arith.constant 0 : i32
    %sign3A_10 = arith.cmpi slt, %jit3A, %sign3A_9 : i32
    %sign3A_11 = arith.extui %sign3A_10 : i1 to i32
    %sign3A_12 = arith.subi %sign3A_8, %sign3A_11 : i32
    %ne3A = arith.cmpi ne, %sign3A_5, %sign3A_12 : i32
    %rem3A = arith.remsi %arg0, %jit3A : i32
    %ne3A_13 = arith.constant 0 : i32
    %ne3A_14 = arith.cmpi ne, %rem3A, %ne3A_13 : i32
    %and3A = arith.andi %ne3A, %ne3A_14 : i1
    %sub3A = arith.constant 1 : i32
    %sub3A_15 = arith.subi %div3A, %sub3A : i32
    %select_n3A = arith.select %and3A, %sub3A_15, %div3A : i32
    %jit3A_16 = arith.constant 5 : i32
    %div3A_17 = arith.divsi %arg0, %jit3A_16 : i32
    %sign3A_18 = arith.constant 0 : i32
    %sign3A_19 = arith.cmpi sgt, %arg0, %sign3A_18 : i32
    %sign3A_20 = arith.extui %sign3A_19 : i1 to i32
    %sign3A_21 = arith.constant 0 : i32
    %sign3A_22 = arith.cmpi slt, %arg0, %sign3A_21 : i32
    %sign3A_23 = arith.extui %sign3A_22 : i1 to i32
    %sign3A_24 = arith.subi %sign3A_20, %sign3A_23 : i32
    %sign3A_25 = arith.constant 0 : i32
    %sign3A_26 = arith.cmpi sgt, %jit3A_16, %sign3A_25 : i32
    %sign3A_27 = arith.extui %sign3A_26 : i1 to i32
    %sign3A_28 = arith.constant 0 : i32
    %sign3A_29 = arith.cmpi slt, %jit3A_16, %sign3A_28 : i32
    %sign3A_30 = arith.extui %sign3A_29 : i1 to i32
    %sign3A_31 = arith.subi %sign3A_27, %sign3A_30 : i32
    %ne3A_32 = arith.cmpi ne, %sign3A_24, %sign3A_31 : i32
    %rem3A_33 = arith.remsi %arg0, %jit3A_16 : i32
    %ne3A_34 = arith.constant 0 : i32
    %ne3A_35 = arith.cmpi ne, %rem3A_33, %ne3A_34 : i32
    %and3A_36 = arith.andi %ne3A_32, %ne3A_35 : i1
    %sub3A_37 = arith.constant 1 : i32
    %sub3A_38 = arith.subi %div3A_17, %sub3A_37 : i32
    %select_n3A_39 = arith.select %and3A_36, %sub3A_38, %div3A_17 : i32
    %jit3A_40 = arith.constant 2 : i32
    %eq3A = arith.constant 0 : i32
    %eq3A_41 = arith.cmpi eq, %jit3A_40, %eq3A : i32
    %jit3A_42 = arith.constant 1 : i32
    %select_n3A_43 = arith.select %eq3A_41, %jit3A_42, %jit3A_40 : i32
    %rem3A_44 = arith.remsi %select_n3A_39, %select_n3A_43 : i32
    %ne3A_45 = arith.constant 0 : i32
    %ne3A_46 = arith.cmpi ne, %rem3A_44, %ne3A_45 : i32
    %lt3A = arith.constant 0 : i32
    %lt3A_47 = arith.cmpi slt, %rem3A_44, %lt3A : i32
    %lt3A_48 = arith.constant 0 : i32
    %lt3A_49 = arith.cmpi slt, %select_n3A_43, %lt3A_48 : i32
    %ne3A_50 = arith.xori %lt3A_47, %lt3A_49 : i1
    %and3A_51 = arith.andi %ne3A_50, %ne3A_46 : i1
    %add3A = arith.addi %rem3A_44, %select_n3A_43 : i32
    %select_n3A_52 = arith.select %and3A_51, %add3A, %rem3A_44 : i32
    %jit3A_53 = arith.constant 5 : i32
    %eq3A_54 = arith.constant 0 : i32
    %eq3A_55 = arith.cmpi eq, %jit3A_53, %eq3A_54 : i32
    %jit3A_56 = arith.constant 1 : i32
    %select_n3A_57 = arith.select %eq3A_55, %jit3A_56, %jit3A_53 : i32
    %rem3A_58 = arith.remsi %arg0, %select_n3A_57 : i32
    %ne3A_59 = arith.constant 0 : i32
    %ne3A_60 = arith.cmpi ne, %rem3A_58, %ne3A_59 : i32
    %lt3A_61 = arith.constant 0 : i32
    %lt3A_62 = arith.cmpi slt, %rem3A_58, %lt3A_61 : i32
    %lt3A_63 = arith.constant 0 : i32
    %lt3A_64 = arith.cmpi slt, %select_n3A_57, %lt3A_63 : i32
    %ne3A_65 = arith.xori %lt3A_62, %lt3A_64 : i1
    %and3A_66 = arith.andi %ne3A_65, %ne3A_60 : i1
    %add3A_67 = arith.addi %rem3A_58, %select_n3A_57 : i32
    %select_n3A_68 = arith.select %and3A_66, %add3A_67, %rem3A_58 : i32
    %c0_i32 = arith.constant 0 : i32
    %c0_i32_69 = arith.constant 0 : i32
    return %select_n3A, %select_n3A_52, %select_n3A_68, %c0_i32 : i32, i32, i32, i32
  }
  func.func @transform_1(%arg0: i32) -> (i32, i32) {
    %c0_i32 = arith.constant 0 : i32
    %c0_i32_0 = arith.constant 0 : i32
    return %arg0, %c0_i32 : i32, i32
  }
  func.func @transform_2(%arg0: i32) -> (i32, i32) {
    %c0_i32 = arith.constant 0 : i32
    %c0_i32_0 = arith.constant 0 : i32
    return %arg0, %c0_i32 : i32, i32
  }
  func.func @transform_3(%arg0: i32) -> (i32, i32) {
    %c0_i32 = arith.constant 0 : i32
    %c0_i32_0 = arith.constant 0 : i32
    %c0_i32_1 = arith.constant 0 : i32
    return %c0_i32, %c0_i32_0 : i32, i32
  }
  func.func @transform_4(%arg0: i32) -> (i32, i32) {
    %c0_i32 = arith.constant 0 : i32
    %c0_i32_0 = arith.constant 0 : i32
    %c0_i32_1 = arith.constant 0 : i32
    return %c0_i32, %c0_i32_0 : i32, i32
  }
  func.func @transform_5(%arg0: i32) -> (i32, i32) {
    %c0_i32 = arith.constant 0 : i32
    %c0_i32_0 = arith.constant 0 : i32
    return %arg0, %c0_i32 : i32, i32
  }
}

module attributes {stable_mosaic.version = 14 : i64} {
  func.func @_mm_body(%arg0: i32, %arg1: memref<1x1x512x128xf32, #tpu.memory_space<vmem>>, %arg2: memref<512x128xf32, #tpu.memory_space<vmem>>, %arg3: memref<512x1xf32, #tpu.memory_space<vmem>>, %arg4: memref<128x256xf32, #tpu.memory_space<vmem>>, %arg5: memref<1x256xf32, #tpu.memory_space<vmem>>, %arg6: memref<256x128xf32, #tpu.memory_space<vmem>>, %arg7: memref<512x128xf32, #tpu.memory_space<vmem>>) attributes {dimension_semantics = [#tpu.dimension_semantics<arbitrary>], iteration_bounds = array<i64: 20>, scalar_prefetch = 0 : i64, scratch_operands = 0 : i64, tpu.core_type = #tpu.core_type<tc>, window_params = [{transform_indices = @transform_0, window_bounds = array<i64: 1, 1, 512, 128>}, {transform_indices = @transform_1, window_bounds = array<i64: 512, 128>}, {transform_indices = @transform_2, window_bounds = array<i64: 512, 1>}, {pipeline_mode = #tpu.pipeline_mode<synchronous>, transform_indices = @transform_3, window_bounds = array<i64: 128, 256>}, {pipeline_mode = #tpu.pipeline_mode<synchronous>, transform_indices = @transform_4, window_bounds = array<i64: 1, 256>}, {pipeline_mode = #tpu.pipeline_mode<synchronous>, transform_indices = @transform_5, window_bounds = array<i64: 256, 128>}, {transform_indices = @transform_6, window_bounds = array<i64: 512, 128>}]} {
    %get3A = arith.constant 0 : index
    %get3A_0 = arith.constant 0 : index
    %get3A_1 = arith.constant 0 : index
    %get3A_2 = arith.constant 0 : index
    %get3A_3 = vector.load %arg1[%get3A, %get3A_0, %get3A_1, %get3A_2] : memref<1x1x512x128xf32, #tpu.memory_space<vmem>>, vector<1x1x512x128xf32>
    %get3A_4 = vector.shape_cast %get3A_3 : vector<1x1x512x128xf32> to vector<512x128xf32>
    %get3A_5 = arith.constant 0 : index
    %get3A_6 = arith.constant 0 : index
    %get3A_7 = vector.load %arg2[%get3A_5, %get3A_6] : memref<512x128xf32, #tpu.memory_space<vmem>>, vector<512x128xf32>
    %add3A = arith.addf %get3A_4, %get3A_7 : vector<512x128xf32>
    %get3A_8 = arith.constant 0 : index
    %get3A_9 = arith.constant 0 : index
    %get3A_10 = vector.load %arg3[%get3A_8, %get3A_9] : memref<512x1xf32, #tpu.memory_space<vmem>>, vector<512x1xf32>
    %mul3A = vector.broadcast %get3A_10 : vector<512x1xf32> to vector<512x128xf32>
    %mul3A_11 = arith.mulf %add3A, %mul3A : vector<512x128xf32>
    %get3A_12 = arith.constant 0 : index
    %get3A_13 = arith.constant 0 : index
    %get3A_14 = vector.load %arg4[%get3A_12, %get3A_13] : memref<128x256xf32, #tpu.memory_space<vmem>>, vector<128x256xf32>
    %dot_general3A = arith.constant dense<0.000000e+00> : vector<512x256xf32>
    %dot_general3A_15 = tpu.matmul %mul3A_11, %get3A_14, %dot_general3A {dimension_numbers = #tpu.dot_dimension_numbers<[1], [0], [0], [1], [0, 0, 1, 1], [], []>, transpose_lhs_hint = false} : vector<512x128xf32>, vector<128x256xf32>, vector<512x256xf32> -> vector<512x256xf32>
    %get3A_16 = arith.constant 0 : index
    %get3A_17 = arith.constant 0 : index
    %get3A_18 = vector.load %arg5[%get3A_16, %get3A_17] : memref<1x256xf32, #tpu.memory_space<vmem>>, vector<1x256xf32>
    %add3A_19 = vector.broadcast %get3A_18 : vector<1x256xf32> to vector<512x256xf32>
    %add3A_20 = arith.addf %dot_general3A_15, %add3A_19 : vector<512x256xf32>
    %max3A = arith.constant 0.000000e+00 : f32
    %max3A_21 = vector.broadcast %max3A : f32 to vector<512x256xf32>
    %max3A_22 = arith.maximumf %add3A_20, %max3A_21 : vector<512x256xf32>
    %get3A_23 = arith.constant 0 : index
    %get3A_24 = arith.constant 0 : index
    %get3A_25 = vector.load %arg6[%get3A_23, %get3A_24] : memref<256x128xf32, #tpu.memory_space<vmem>>, vector<256x128xf32>
    %dot_general3A_26 = arith.constant dense<0.000000e+00> : vector<512x128xf32>
    %dot_general3A_27 = tpu.matmul %max3A_22, %get3A_25, %dot_general3A_26 {dimension_numbers = #tpu.dot_dimension_numbers<[1], [0], [0], [1], [0, 0, 1, 1], [], []>, transpose_lhs_hint = false} : vector<512x256xf32>, vector<256x128xf32>, vector<512x128xf32> -> vector<512x128xf32>
    %get3A_28 = arith.constant 0 : index
    %get3A_29 = arith.constant 0 : index
    %get3A_30 = vector.load %arg3[%get3A_28, %get3A_29] : memref<512x1xf32, #tpu.memory_space<vmem>>, vector<512x1xf32>
    %mul3A_31 = vector.broadcast %get3A_30 : vector<512x1xf32> to vector<512x128xf32>
    %mul3A_32 = arith.mulf %dot_general3A_27, %mul3A_31 : vector<512x128xf32>
    %iota3A = tpu.iota {dimensions = array<i32: 0>} : vector<512x1xi32>
    %mul3A_33 = arith.constant 512 : i32
    %mul3A_34 = arith.muli %arg0, %mul3A_33 : i32
    %add3A_35 = vector.broadcast %mul3A_34 : i32 to vector<512x1xi32>
    %add3A_36 = arith.addi %iota3A, %add3A_35 : vector<512x1xi32>
    %lt3A = arith.constant 10000 : i32
    %lt3A_37 = vector.broadcast %lt3A : i32 to vector<512x1xi32>
    %lt3A_38 = arith.cmpi slt, %add3A_36, %lt3A_37 : vector<512x1xi32>
    %jit3A = arith.constant 0.000000e+00 : f32
    %broadcast_in_dim3A = vector.shape_cast %lt3A_38 : vector<512x1xi1> to vector<512x1xi1>
    %broadcast_in_dim3A_39 = vector.broadcast %broadcast_in_dim3A : vector<512x1xi1> to vector<512x128xi1>
    %broadcast_in_dim3A_40 = vector.broadcast %jit3A : f32 to vector<512x128xf32>
    %select_n3A = arith.select %broadcast_in_dim3A_39, %mul3A_32, %broadcast_in_dim3A_40 : vector<512x128xi1>, vector<512x128xf32>
    %swap3A = arith.constant 0 : index
    %swap3A_41 = arith.constant 0 : index
    %swap3A_42 = vector.load %arg7[%swap3A, %swap3A_41] : memref<512x128xf32, #tpu.memory_space<vmem>>, vector<512x128xf32>
    tpu.vector_store %arg7[%swap3A, %swap3A_41], %select_n3A {strides = array<i32>} : memref<512x128xf32, #tpu.memory_space<vmem>>, vector<512x128xf32>,
    return
  }
  func.func @transform_0(%arg0: i32) -> (i32, i32, i32, i32) {
    %jit3A = arith.constant 10 : i32
    %div3A = arith.divsi %arg0, %jit3A : i32
    %sign3A = arith.constant 0 : i32
    %sign3A_0 = arith.cmpi sgt, %arg0, %sign3A : i32
    %sign3A_1 = arith.extui %sign3A_0 : i1 to i32
    %sign3A_2 = arith.constant 0 : i32
    %sign3A_3 = arith.cmpi slt, %arg0, %sign3A_2 : i32
    %sign3A_4 = arith.extui %sign3A_3 : i1 to i32
    %sign3A_5 = arith.subi %sign3A_1, %sign3A_4 : i32
    %sign3A_6 = arith.constant 0 : i32
    %sign3A_7 = arith.cmpi sgt, %jit3A, %sign3A_6 : i32
    %sign3A_8 = arith.extui %sign3A_7 : i1 to i32
    %sign3A_9 = arith.constant 0 : i32
    %sign3A_10 = arith.cmpi slt, %jit3A, %sign3A_9 : i32
    %sign3A_11 = arith.extui %sign3A_10 : i1 to i32
    %sign3A_12 = arith.subi %sign3A_8, %sign3A_11 : i32
    %ne3A = arith.cmpi ne, %sign3A_5, %sign3A_12 : i32
    %rem3A = arith.remsi %arg0, %jit3A : i32
    %ne3A_13 = arith.constant 0 : i32
    %ne3A_14 = arith.cmpi ne, %rem3A, %ne3A_13 : i32
    %and3A = arith.andi %ne3A, %ne3A_14 : i1
    %sub3A = arith.constant 1 : i32
    %sub3A_15 = arith.subi %div3A, %sub3A : i32
    %select_n3A = arith.select %and3A, %sub3A_15, %div3A : i32
    %jit3A_16 = arith.constant 5 : i32
    %div3A_17 = arith.divsi %arg0, %jit3A_16 : i32
    %sign3A_18 = arith.constant 0 : i32
    %sign3A_19 = arith.cmpi sgt, %arg0, %sign3A_18 : i32
    %sign3A_20 = arith.extui %sign3A_19 : i1 to i32
    %sign3A_21 = arith.constant 0 : i32
    %sign3A_22 = arith.cmpi slt, %arg0, %sign3A_21 : i32
    %sign3A_23 = arith.extui %sign3A_22 : i1 to i32
    %sign3A_24 = arith.subi %sign3A_20, %sign3A_23 : i32
    %sign3A_25 = arith.constant 0 : i32
    %sign3A_26 = arith.cmpi sgt, %jit3A_16, %sign3A_25 : i32
    %sign3A_27 = arith.extui %sign3A_26 : i1 to i32
    %sign3A_28 = arith.constant 0 : i32
    %sign3A_29 = arith.cmpi slt, %jit3A_16, %sign3A_28 : i32
    %sign3A_30 = arith.extui %sign3A_29 : i1 to i32
    %sign3A_31 = arith.subi %sign3A_27, %sign3A_30 : i32
    %ne3A_32 = arith.cmpi ne, %sign3A_24, %sign3A_31 : i32
    %rem3A_33 = arith.remsi %arg0, %jit3A_16 : i32
    %ne3A_34 = arith.constant 0 : i32
    %ne3A_35 = arith.cmpi ne, %rem3A_33, %ne3A_34 : i32
    %and3A_36 = arith.andi %ne3A_32, %ne3A_35 : i1
    %sub3A_37 = arith.constant 1 : i32
    %sub3A_38 = arith.subi %div3A_17, %sub3A_37 : i32
    %select_n3A_39 = arith.select %and3A_36, %sub3A_38, %div3A_17 : i32
    %jit3A_40 = arith.constant 2 : i32
    %eq3A = arith.constant 0 : i32
    %eq3A_41 = arith.cmpi eq, %jit3A_40, %eq3A : i32
    %jit3A_42 = arith.constant 1 : i32
    %select_n3A_43 = arith.select %eq3A_41, %jit3A_42, %jit3A_40 : i32
    %rem3A_44 = arith.remsi %select_n3A_39, %select_n3A_43 : i32
    %ne3A_45 = arith.constant 0 : i32
    %ne3A_46 = arith.cmpi ne, %rem3A_44, %ne3A_45 : i32
    %lt3A = arith.constant 0 : i32
    %lt3A_47 = arith.cmpi slt, %rem3A_44, %lt3A : i32
    %lt3A_48 = arith.constant 0 : i32
    %lt3A_49 = arith.cmpi slt, %select_n3A_43, %lt3A_48 : i32
    %ne3A_50 = arith.xori %lt3A_47, %lt3A_49 : i1
    %and3A_51 = arith.andi %ne3A_50, %ne3A_46 : i1
    %add3A = arith.addi %rem3A_44, %select_n3A_43 : i32
    %select_n3A_52 = arith.select %and3A_51, %add3A, %rem3A_44 : i32
    %jit3A_53 = arith.constant 5 : i32
    %eq3A_54 = arith.constant 0 : i32
    %eq3A_55 = arith.cmpi eq, %jit3A_53, %eq3A_54 : i32
    %jit3A_56 = arith.constant 1 : i32
    %select_n3A_57 = arith.select %eq3A_55, %jit3A_56, %jit3A_53 : i32
    %rem3A_58 = arith.remsi %arg0, %select_n3A_57 : i32
    %ne3A_59 = arith.constant 0 : i32
    %ne3A_60 = arith.cmpi ne, %rem3A_58, %ne3A_59 : i32
    %lt3A_61 = arith.constant 0 : i32
    %lt3A_62 = arith.cmpi slt, %rem3A_58, %lt3A_61 : i32
    %lt3A_63 = arith.constant 0 : i32
    %lt3A_64 = arith.cmpi slt, %select_n3A_57, %lt3A_63 : i32
    %ne3A_65 = arith.xori %lt3A_62, %lt3A_64 : i1
    %and3A_66 = arith.andi %ne3A_65, %ne3A_60 : i1
    %add3A_67 = arith.addi %rem3A_58, %select_n3A_57 : i32
    %select_n3A_68 = arith.select %and3A_66, %add3A_67, %rem3A_58 : i32
    %c0_i32 = arith.constant 0 : i32
    %c0_i32_69 = arith.constant 0 : i32
    return %select_n3A, %select_n3A_52, %select_n3A_68, %c0_i32 : i32, i32, i32, i32
  }
  func.func @transform_1(%arg0: i32) -> (i32, i32) {
    %c0_i32 = arith.constant 0 : i32
    %c0_i32_0 = arith.constant 0 : i32
    return %arg0, %c0_i32 : i32, i32
  }
  func.func @transform_2(%arg0: i32) -> (i32, i32) {
    %c0_i32 = arith.constant 0 : i32
    %c0_i32_0 = arith.constant 0 : i32
    return %arg0, %c0_i32 : i32, i32
  }
  func.func @transform_3(%arg0: i32) -> (i32, i32) {
    %c0_i32 = arith.constant 0 : i32
    %c0_i32_0 = arith.constant 0 : i32
    %c0_i32_1 = arith.constant 0 : i32
    return %c0_i32, %c0_i32_0 : i32, i32
  }
  func.func @transform_4(%arg0: i32) -> (i32, i32) {
    %c0_i32 = arith.constant 0 : i32
    %c0_i32_0 = arith.constant 0 : i32
    %c0_i32_1 = arith.constant 0 : i32
    return %c0_i32, %c0_i32_0 : i32, i32
  }
  func.func @transform_5(%arg0: i32) -> (i32, i32) {
    %c0_i32 = arith.constant 0 : i32
    %c0_i32_0 = arith.constant 0 : i32
    %c0_i32_1 = arith.constant 0 : i32
    return %c0_i32, %c0_i32_0 : i32, i32
  }
  func.func @transform_6(%arg0: i32) -> (i32, i32) {
    %c0_i32 = arith.constant 0 : i32
    %c0_i32_0 = arith.constant 0 : i32
    return %arg0, %c0_i32 : i32, i32
  }
}

</mosaic_0001>

<sc_bundles>
// kernel: sc_agg_2560x2.4.cloned.1.call-start
scs
__scs_entry_jumppad:
0x0: {  	(pc) =	sbr.rel $0x88, $3  }
0x1: {  	(tag) =	ssettag $0x0;
	lr =	simm.s32 $0x1  }
0x2: {  	[smem:$0x3F93] =	sst lr;
	_ =	strace $0xD0000000  }
0x3: {  	_ = 	snop  }
0x4: {  	_ = 	snop  }
0x5: {  	_ = 	snop  }
0x6: {  	_ = 	snop  }
0x7: {  	_ = 	snop  }
__scs_overlays_trampoline_lowered:
0x8: {  	[smem:$0x3FA2] =	sst s0  }
0x9: {  	[smem:$0x3FA3] =	sst s1  }
0xa: {  	[smem:$0x3FA4] =	sst s2  }
0xb: {  	[smem:$0x3FA5] =	sst s3  }
0xc: {  	[smem:$0x3FA6] =	sst s4  }
0xd: {  	[smem:$0x3FA7] =	sst s5  }
0xe: {  	[smem:$0x3FA8] =	sst s6  }
0xf: {  	[smem:$0x3FA9] =	sst s7  }
0x10: {  	[smem:$0x3FAA] =	sst s8  }
0x11: {  	[smem:$0x3FAB] =	sst s9;
	s0 =	simm.s32 @!p0 $0x0  }
0x12: {  	s1 =	sld [smem:$0x3F91];
	s0 =	simm.s32 @p0 $0x1  }
0x13: {  	[smem:$0x3FAC] =	sst s0;
	s0 =	simm.s32 @!p1 $0x0  }
0x14: {  	s2 =	sld [smem:$0x3F90];
	s0 =	simm.s32 @p1 $0x1  }
0x15: {  	[smem:$0x3FAD] =	sst s0;
	s0 =	simm.s32 @!p2 $0x0  }
0x16: {  	s3 =	sld [smem:$0x3FDB];
	s0 =	simm.s32 @p2 $0x1  }
0x17: {  	s4 =	simm.s32 $0x1BF5;
	[smem:$0x3FAF] =	sst s0  }
0x18: {  	s0 =	sld [smem:$0x3F92];
	_ =	swait.ge [sflag:s4], $0x0  }
0x19: {  	s7 =	sld [smem:$0x3F93]  }
0x1a: {  	s8 =	sadd.s32 $0xFFFFE003, lr  }
0x1b: {  	s9 =	sadd.s32 $0xFFFFFEF7, lr;
	s5 =	simm.s32 $0xFFFFFFFF;
	p2 =	slt.u32 s8, $0xFFFFF086  }
0x1c: {  	p1 =	slt.u32 s9, $0xF7A;
	s5 =	simm.s32 @!p2 $0x0  }
0x1d: {  	s5 =	simm.s32 @p1 $0x1;
	p0 =	seq.s32 s7, s2  }
0x1e: {  	s7 =	smul.u32 @!p0 $0xF7A, s2;
	p2 =	seq.s32 @!p0 s5, $0x0  }
0x1f: {  	s9 =	smul.u32 $0xF7A, s1;
	s8 =	simm.s32 @!p0 $0x1BF5;
	p2 =	por !p2, p0  }
0x20: {  	[sflag:s8] =	ssyncset.s32 @!p0 $0xFFFFF086;
	s6 =	sadd.s32 @!p0 s3, s7;
	s7 =	simm.s32 @!p0 $0x108  }
0x21: {  	s3 =	sadd.s32 s3, s9;
	s6 =	sadd.s32 @!p0 $0x88, s6;
	s7 =	simm.s32 @p2 $0x1082  }
0x22: {  	[simem:s7], [sflag:s8] =	dma.local @!p0 [hbm:s6], $0xF7A  }
0x23: {  	s9 =	sor.u32 $0xD0000000, s2;
	s6 =	simm.s32 $0x108;
	_ =	swait.ge @!p0 [sflag:s8], $0x0  }
0x24: {  	s3 =	sadd.s32 $0x88, s3;
	s6 =	simm.s32 @!p1 $0x1082;
	[sflag:s4] =	ssyncset.s32 $0xFFFFF086  }
0x25: {  	[simem:s6], [sflag:s4] =	dma.local [hbm:s3], $0xF7A  }
0x26: {  	[smem:$0x3F93] =	sst s1;
	(tag) =	ssettag s2;
	_ =	strace s9  }
0x27: {  	s1 =	sld [smem:$0x3FA3]  }
0x28: {  	s2 =	sld [smem:$0x3FA4]  }
0x29: {  	s4 =	sld [smem:$0x3FA6]  }
0x2a: {  	p0 =	seq.s32 s5, $0x0;
	s5 =	sld [smem:$0x3FA7]  }
0x2b: {  	s6 =	sld [smem:$0x3FA8]  }
0x2c: {  	s7 =	sld [smem:$0x3FA9]  }
0x2d: {  	s3 =	simm.s32 $0x108;
	s8 =	sld [smem:$0x3FAA]  }
0x2e: {  	s3 =	simm.s32 @!p0 $0x1082;
	s9 =	sld [smem:$0x3FAB]  }
0x2f: {  	lr =	sadd.s32 s0, s3;
	s0 =	sld [smem:$0x3FA2]  }
0x30: {  	s3 =	sld [smem:$0x3FA5]  }
0x31: {  	[smem:$0x3FAE] =	sst s10  }
0x32: {  	s10 =	sld [smem:$0x3FAC];
	_ =	sdelay $0x3  }
0x33: {  	p0 =	seq.s32 s10, $0x1;
	s10 =	sld [smem:$0x3FAE];
	_ =	sdelay $0x3  }
0x34: {  	[smem:$0x3FAE] =	sst s10  }
0x35: {  	s10 =	sld [smem:$0x3FAD];
	_ =	sdelay $0x3  }
0x36: {  	p1 =	seq.s32 s10, $0x1;
	s10 =	sld [smem:$0x3FAE];
	_ =	sdelay $0x3  }
0x37: {  	[smem:$0x3FAE] =	sst s10  }
0x38: {  	s10 =	sld [smem:$0x3FAF]  }
0x39: {  	_ = 	snop;
	(pc) =	sbr.ind lr, $3  }
0x3a: {  	_ = 	snop  }
0x3b: {  	_ = 	snop  }
0x3c: {  	p2 =	seq.s32 s10, $0x1;
	s10 =	sld [smem:$0x3FAE]  }
0x3d: {  	_ =	shalt  }
0x3e: {  	_ =	shalt  }
0x3f: {  	_ =	shalt  }
0x40: {  	_ =	shalt  }
0x41: {  	_ =	shalt  }
0x42: {  	_ =	shalt  }
0x43: {  	_ =	shalt  }
0x44: {  	_ =	shalt  }
0x45: {  	_ =	shalt  }
0x46: {  	_ =	shalt  }
0x47: {  	_ =	shalt  }
0x48: {  	_ =	shalt  }
0x49: {  	_ =	shalt  }
0x4a: {  	_ =	shalt  }
0x4b: {  	_ =	shalt  }
0x4c: {  	_ =	shalt  }
0x4d: {  	_ =	shalt  }
0x4e: {  	_ =	shalt  }
0x4f: {  	_ =	shalt  }
0x50: {  	_ =	shalt  }
0x51: {  	_ =	shalt  }
0x52: {  	_ =	shalt  }
0x53: {  	_ =	shalt  }
0x54: {  	_ =	shalt  }
0x55: {  	_ =	shalt  }
0x56: {  	_ =	shalt  }
0x57: {  	_ =	shalt  }
0x58: {  	_ =	shalt  }
0x59: {  	_ =	shalt  }
0x5a: {  	_ =	shalt  }
0x5b: {  	_ =	shalt  }
0x5c: {  	_ =	shalt  }
0x5d: {  	_ =	shalt  }
0x5e: {  	_ =	shalt  }
0x5f: {  	_ =	shalt  }
0x60: {  	_ =	shalt  }
0x61: {  	_ =	shalt  }
0x62: {  	_ =	shalt  }
0x63: {  	_ =	shalt  }
0x64: {  	_ =	shalt  }
0x65: {  	_ =	shalt  }
0x66: {  	_ =	shalt  }
0x67: {  	_ =	shalt  }
0x68: {  	_ =	shalt  }
0x69: {  	_ =	shalt  }
0x6a: {  	_ =	shalt  }
0x6b: {  	_ =	shalt  }
0x6c: {  	_ =	shalt  }
0x6d: {  	_ =	shalt  }
0x6e: {  	_ =	shalt  }
0x6f: {  	_ =	shalt  }
0x70: {  	_ =	shalt  }
0x71: {  	_ =	shalt  }
0x72: {  	_ =	shalt  }
0x73: {  	_ =	shalt  }
0x74: {  	_ =	shalt  }
0x75: {  	_ =	shalt  }
0x76: {  	_ =	shalt  }
0x77: {  	_ =	shalt  }
0x78: {  	_ =	shalt  }
0x79: {  	_ =	shalt  }
0x7a: {  	_ =	shalt  }
0x7b: {  	_ =	shalt  }
0x7c: {  	_ =	shalt  }
0x7d: {  	_ =	shalt  }
0x7e: {  	_ =	shalt  }
0x7f: {  	_ =	shalt  }
0x80: {  	_ =	shalt  }
0x81: {  	_ =	shalt  }
0x82: {  	_ =	shalt  }
0x83: {  	_ =	shalt  }
0x84: {  	_ =	shalt  }
0x85: {  	_ =	shalt  }
0x86: {  	_ =	shalt  }
0x87: {  	_ =	shalt  }
.Lfunc_end0:
.L_simem_size_0:
called_computation.1_lowered:
.L_overlay_start_0:
0x88: {  	s2 =	sld [smem:$0x3FD9]  }
0x89: {  	s3 =	sld [smem:$0x3FFE];
	_ =	sdelay $0x1  }
0x8a: {  	s1 =	srdreg.scid  }
0x8b: {  	s0 =	sand.u32 $0x1, s1  }
0x8c: {  	s17 =	sshll.u32 s0, $0xA;
	s2 =	sadd.s32 s3, s2  }
0x8d: {  	s2 =	sadd.s32 s2, s17  }
0x8e: {  	[smem:$0x3FBA] =	sst s2  }
0x8f: {  	_ = 	snop  }
0x90: {  	s2 =	sld [smem:$0x3FD0];
	(tm) =	ssettm $0x1  }
0x91: {  	s18 =	sld [smem:$0x3FFB];
	_ =	sdelay $0x3  }
0x92: {  	_ =	strace s18  }
0x93: {  	s3 =	sld [smem:$0x3FFC];
	_ =	sdelay $0x3  }
0x94: {  	_ =	strace s3  }
0x95: {  	s3 =	sld [smem:$0x3FFD];
	_ =	sdelay $0x3  }
0x96: {  	_ =	strace s3  }
0x97: {  	_ =	strace $0x8FFFFFFF  }
0x98: {  	s19 =	sld [smem:$0x3FDB];
	_ =	sdelay $0x1  }
0x99: {  	s4 =	simm.s32 $_scs_section_size  }
0x9a: {  	s5 =	simm.s32 $_size__tile_overlayer_lowered;
	s6 =	simm.s32 $_tile_overlayer_lowered  }
0x9b: {  	s22 =	simm.s32 $0x1BFF;
	s21 =	sshll.u32 s6, $0x1;
	s3 =	sadd.s32 s4, s19  }
0x9c: {  	s7 =	simm.s32 $0x0;
	s20 =	sshll.u32 s5, $0x1;
	s5 =	sadd.s32 s21, s3  }
0x9d: {  	[timem:s7], [sflag:s22] =	dma.local [hbm:s5], s20  }
0x9e: {  	_ =	swait.ge [sflag:s22], s20  }
0x9f: {  	s4 =	ssub.s32 $0x0, s20;
	[sflag:s22] =	ssyncset.done $0x0  }
0xa0: {  	[sflag:s22] =	ssyncadd.s32 s4;
	_ =	sdelay $0x1  }
0xa1: {  	s23 =	simm.s32 $0x1B8B  }
0xa2: {  	_ =	swait.ge [sflag:s23], $0x1  }
0xa3: {  	[sflag:s23] =	ssyncset.done $0x0  }
0xa4: {  	s25 =	simm.s32 $0x1B8E;
	s24 =	sld [smem:$0x3FFE];
	[sflag:s23] =	ssyncadd.s32 $0xFFFFFFFF  }
0xa5: {  	s26 =	simm.s32 $execute0_lowered;
	[smem:$0x3FD2] =	sst s25  }
0xa6: {  	s5 =	sshll.u32 s26, $0x1;
	_ =	strace $0x80000049;
	[dreg:$0x1] =	wrdreg $0xFFFFFFFF  }
0xa7: {  	s28 =	simm.s32 $_size_execute0_lowered;
	s3 =	sadd.s32 s3, s5;
	[dreg:$0x0] =	wrdreg $0x0  }
0xa8: {  	s5 =	sshll.u32 s28, $0x1;
	[dreg:$0x2] =	wrdreg s3  }
0xa9: {  	[dreg:$0x3] =	wrdreg s5  }
0xaa: {  	[dreg:$0x4] =	wrdreg $0xC0  }
0xab: {  	_ =	task [dreg:s7], $0x5FFFF  }
0xac: {  	[dreg:$0x1] =	wrdreg $0xFFFFFFFF  }
0xad: {  	[dreg:$0x0] =	wrdreg $0x60  }
0xae: {  	[dreg:$0x2] =	wrdreg s24  }
0xaf: {  	[dreg:$0x3] =	wrdreg s2  }
0xb0: {  	[dreg:$0x4] =	wrdreg $0x170000  }
0xb1: {  	[dreg:$0x5] =	wrdreg $0x9  }
0xb2: {  	_ =	task.clear_ibuf [dreg:s7], $0x6FFFF;
	_ =	strace $0x90000049  }
0xb3: {  	s29 =	simm.s32 $0x9;
	_ =	strace $0x8000004B  }
0xb4: {  	_ =	swait.ge [sflag:s29], $0x1  }
0xb5: {  	[sflag:s29] =	ssyncadd.s32 $0xFFFFFFFF  }
0xb6: {  	_ =	strace $0x9000004B  }
0xb7: {  	_ =	sfence  }
0xb8: {  	s30 =	sld [smem:$0x0];
	_ =	sdelay $0x2  }
0xb9: {  	s31 =	sshll.u32 s1, $0xD;
	s1 =	sshrl.u32 s1, $0x2  }
0xba: {  	s3 =	sand.u32 $0x4000, s31;
	s1 =	sadd.s32 s1, s30  }
0xbb: {  	s0 =	sor.u32 s3, s0;
	s1 =	sshll.u32 s1, $0x11  }
0xbc: {  	s0 =	sor.u32 s1, s0  }
0xbd: {  	s0 =	sadd.s32 $0x8F2B, s0  }
0xbe: {  	[sflag:s0] =	ssyncadd.remote.s32 $0x1  }
0xbf: {  	_ =	sfence.sel $0xFFFF  }
0xc0: {  	[dreg:$0x0] =	wrdreg $0xFFFFFFFF;
	(pc) =	sbr.abs _section_cstart, $3  }
0xc1: {  	[dreg:$0x1] =	wrdreg $0xFFFFFFFF  }
0xc2: {  	_ =	task.clear_ibuf [dreg:s7], $0x2FFFF;
	_ =	strace $0x9FFFFFFF  }
0xc3: {  	(tm) =	ssettm $0x7FFFFFFF  }
tec
execute0_lowered:
.L_overlay_start_1:
0x0: {  	(tag) =	ssettag $0x1  }
0x1: {  	s5 =	rddreg [dreg:$0x0]  }
0x2: {  	s6 =	rddreg [dreg:$0x1]  }
0x3: {  	s1 =	rddreg [dreg:$0x2];
	s2 =	srdreg.scid  }
0x4: {  	s0 =	rddreg [dreg:$0x3];
	s3 =	simm.s32 $0x0;
	s15 =	simm.s32 $0xA000  }
0x5: {  	s16 =	simm.s32 $0x1;
	s17 =	simm.s32 $0xE000;
	s7 =	sand.u32 $0x1, s2  }
0x6: {  	s18 =	simm.s32 $0x2;
	s2 =	stileid.u32;
	s8 =	smul.u32 $0xA0000, s7  }
0x7: {  	s19 =	simm.s32 $0x4F80;
	s22 =	simm.s32 $0x0;
	s9 =	smul.u32 $0x5000, s2  }
0x8: {  	[smem:$0x7FF] =	sst s3;
	s4 =	sadd.s32 $0x3800, s5;
	s10 =	smul.u32 $0xA00, s2  }
0x9: {  	_ =	strace $0x8000004A;
	s30 =	ssub.s32 $0x2, s7;
	s12 =	smul.u32 $0x14000, s2  }
0xa: {  	s20 =	smul.u32 $0x1400, s7;
	s11 =	sshrl.u32 s30, $0x1;
	s8 =	sadd.s32 s9, s8  }
0xb: {  	s13 =	sadd.s32 s10, s5;
	s11 =	ssub.s32 s30, s11;
	s31 =	sshrl.u32 s12, $0x2  }
0xc: {  	s6 =	sadd.s32 s6, s10;
	s21 =	sadd.s32 $0xA00, s20;
	s12 =	simm.s32 $0x5000  }
0xd: {  	v0 =	vmov s20;
	s20 =	simm.s32 $0x9F00;
	s8 =	sshrl.u32 s8, $0x3;
	s7 =	sadd.s32 s31, s1  }
0xe: {  	s10 =	smax.u32 s11, $0x1;
	s11 =	simm.s32 $0x3;
	v1 =	vmov s21;
	s21 =	simm.s32 $0x9F80  }
0xf: {  	s14 =	sadd.s32 s8, s5;
	s5 =	sadd.s32 $0x2D800, s13;
	s13 =	simm.s32 $0x12000  }
0x10: {  	v2 =	vimm.f32 $0.0e+00;
	s8 =	sadd.s32 $0x37800, s14;
	s9 =	sadd.s32 $0x41800, s14;
	s14 =	simm.s32 $0x80  }
.LBB2_1:
0x11: {  	s23 =	simm.s32 $0x0;
	s24 =	simm.s32 $0x200  }
.LBB2_2:
0x12: {  	p0 =	sne.s32 s24, $0x13E00;
	[tilespmem:s23+$0x12070] =	vst v2  }
0x13: {  	[tilespmem:s23+$0x12000] =	vst v2  }
0x14: {  	[tilespmem:s23+$0x12010] =	vst v2  }
.Ltmp0:
0x15: {  	[tilespmem:s23+$0x12020] =	vst v2;
	(pc) =	sbr.rel @p0 .LBB2_2-.Ltmp0, $4  }
0x16: {  	[tilespmem:s23+$0x12030] =	vst v2  }
0x17: {  	[tilespmem:s23+$0x12040] =	vst v2  }
0x18: {  	[tilespmem:s23+$0x12050] =	vst v2  }
0x19: {  	[tilespmem:s23+$0x12060] =	vst v2;
	s23 =	sshra.s32 s24, $0x2;
	s24 =	sadd.s32 $0x200, s24  }
0x1a: {  	[tilespmem:s23+$0x12070] =	vst v2  }
0x1b: {  	[tilespmem:s23+$0x12000] =	vst v2  }
0x1c: {  	[tilespmem:s23+$0x12010] =	vst v2  }
0x1d: {  	[tilespmem:s23+$0x12020] =	vst v2  }
0x1e: {  	[tilespmem:s23+$0x12030] =	vst v2  }
0x1f: {  	[tilespmem:s23+$0x12040] =	vst v2  }
0x20: {  	[tilespmem:s23+$0x12050] =	vst v2  }
0x21: {  	[tilespmem:s23+$0x12060] =	vst v2;
	s31 =	simm.s32 $0x0  }
0x22: {  	[tilespmem:s31], [sflag:$0x3] =	stream.linear.gather [hbm4b:s5+s31], $0x5000, $0x38;
	[tilespmem:$0x1C000] =	vst v63  }
0x23: {  	_ =	swait.ge [sflag:s11], $0x5000  }
0x24: {  	[sflag:s11] =	ssyncset.done $0x0  }
0x25: {  	[sflag:s11] =	ssyncadd.s32 $0xFFFFB000  }
0x26: {  	[tilespmem:s12], [sflag:$0x3] =	stream.linear.gather [hbm4b:s6+s31], $0x5000, $0x38;
	[tilespmem:$0x1C000] =	vst v63  }
0x27: {  	_ =	swait.ge [sflag:s11], $0x5000  }
0x28: {  	[sflag:s11] =	ssyncset.done $0x0  }
0x29: {  	s23 =	simm.s32 $0x0;
	[sflag:s11] =	ssyncadd.s32 $0xFFFFB000  }
0x2a: {  	v6 =	vld [tilespmem:s23+$0x0]  }
0x2b: {  	v4 =	vld [tilespmem:s23+$0x5030]  }
0x2c: {  	v9 =	vld [tilespmem:s23+$0x5000]  }
0x2d: {  	v7 =	vld [tilespmem:s23+$0x20]  }
0x2e: {  	v8 =	vld [tilespmem:s23+$0x30]  }
0x2f: {  	v3 =	vld [tilespmem:s23+$0x10]  }
0x30: {  	v11 =	vld [tilespmem:s23+$0x5020]  }
0x31: {  	v14 =	vld [tilespmem:s23+$0x5060]  }
0x32: {  	v5 =	vld [tilespmem:s23+$0x50]  }
0x33: {  	v10 =	vld [tilespmem:s23+$0x5010];
	v15 =	vsub.s32 v4, v0  }
0x34: {  	v12 =	vld [tilespmem:s23+$0x5050];
	vm0 =	vlt.u32 v15, $0xA00  }
0x35: {  	v4 =	vld [tilespmem:s23+$0x40];
	v13 =	vnsel vm0, $0x2710, v8  }
0x36: {  	v16 =	vsub.s32 v11, v0;
	v11 =	vld [tilespmem:s23+$0x5040];
	v14 =	vsub.s32 v14, v0;
	[tilespmem:s23+$0x30] =	vst v13;
	v13 =	vsub.s32 v9, v0  }
0x37: {  	vm2 =	vlt.u32 v16, $0xA00;
	v8 =	vld [tilespmem:s23+$0x5070];
	v9 =	vnsel vm0, $0x0, v15;
	vm1 =	vlt.u32 v13, $0xA00  }
0x38: {  	s24 =	simm.s32 $0x200;
	vm0 =	vlt.u32 v14, $0xA00;
	[tilespmem:s23+$0x5030] =	vst v9;
	v9 =	vnsel vm2, $0x0, v16;
	v15 =	vnsel vm1, $0x2710, v6;
	v6 =	vld [tilespmem:s23+$0x70]  }
.LBB2_4:
0x39: {  	s25 =	sshra.s32 s24, $0x2;
	p0 =	sne.s32 s24, $0x13E00;
	s24 =	sadd.s32 $0x200, s24;
	[tilespmem:s23+$0x0] =	vst v15;
	v10 =	vsub.s32 v10, v0;
	v7 =	vnsel vm2, $0x2710, v7;
	v15 =	vld [tilespmem:s23+$0x60]  }
0x3a: {  	v13 =	vnsel vm1, $0x0, v13;
	v16 =	vld [tilespmem:s25+$0x0];
	vm1 =	vlt.u32 v10, $0xA00;
	[tilespmem:s23+$0x20] =	vst v7;
	v12 =	vsub.s32 v12, v0  }
0x3b: {  	v7 =	vnsel vm0, $0x0, v14;
	v17 =	vld [tilespmem:s25+$0x5030];
	[tilespmem:s23+$0x5000] =	vst v13;
	vm2 =	vlt.u32 v12, $0xA00  }
0x3c: {  	v10 =	vnsel vm1, $0x0, v10;
	v13 =	vld [tilespmem:s25+$0x5000];
	v11 =	vsub.s32 v11, v0;
	v5 =	vnsel vm2, $0x2710, v5;
	[tilespmem:s23+$0x5060] =	vst v7  }
0x3d: {  	v3 =	vnsel vm1, $0x2710, v3;
	v12 =	vnsel vm2, $0x0, v12;
	v7 =	vld [tilespmem:s25+$0x20];
	vm1 =	vlt.u32 v11, $0xA00;
	[tilespmem:s23+$0x50] =	vst v5  }
0x3e: {  	v8 =	vsub.s32 v8, v0;
	v14 =	vld [tilespmem:s25+$0x30];
	[tilespmem:s23+$0x10] =	vst v3;
	v11 =	vnsel vm1, $0x0, v11;
	v15 =	vnsel vm0, $0x2710, v15  }
0x3f: {  	v4 =	vnsel vm1, $0x2710, v4;
	v3 =	vld [tilespmem:s25+$0x10];
	[tilespmem:s23+$0x5010] =	vst v10  }
0x40: {  	v5 =	vld [tilespmem:s25+$0x50];
	[tilespmem:s23+$0x5020] =	vst v9  }
0x41: {  	v9 =	vld [tilespmem:s25+$0x5020];
	[tilespmem:s23+$0x60] =	vst v15  }
0x42: {  	vm0 =	vlt.u32 v8, $0xA00;
	v15 =	vsub.s32 v17, v0;
	v17 =	vld [tilespmem:s25+$0x5060];
	[tilespmem:s23+$0x5050] =	vst v12  }
0x43: {  	v8 =	vnsel vm0, $0x0, v8;
	vm2 =	vlt.u32 v15, $0xA00;
	v10 =	vld [tilespmem:s25+$0x5010];
	[tilespmem:s23+$0x40] =	vst v4  }
.Ltmp1:
0x44: {  	v6 =	vnsel vm0, $0x2710, v6;
	v13 =	vsub.s32 v13, v0;
	v18 =	vnsel vm2, $0x0, v15;
	v4 =	vld [tilespmem:s25+$0x40];
	[tilespmem:s23+$0x5070] =	vst v8;
	(pc) =	sbr.rel @p0 .LBB2_4-.Ltmp1, $4  }
0x45: {  	vm1 =	vlt.u32 v13, $0xA00;
	v12 =	vld [tilespmem:s25+$0x5050];
	[tilespmem:s23+$0x70] =	vst v6  }
0x46: {  	v6 =	vsub.s32 v9, v0;
	v9 =	vnsel vm2, $0x2710, v14;
	v8 =	vld [tilespmem:s25+$0x5070];
	[tilespmem:s23+$0x5040] =	vst v11;
	s23 =	smov.u32 s25  }
0x47: {  	vm2 =	vlt.u32 v6, $0xA00;
	[tilespmem:s23+$0x30] =	vst v9;
	v11 =	vld [tilespmem:s23+$0x5040];
	v14 =	vsub.s32 v17, v0  }
0x48: {  	v15 =	vnsel vm1, $0x2710, v16;
	v9 =	vnsel vm2, $0x0, v6;
	[tilespmem:s23+$0x5030] =	vst v18;
	vm0 =	vlt.u32 v14, $0xA00;
	v6 =	vld [tilespmem:s23+$0x70]  }
0x49: {  	[tilespmem:s23+$0x0] =	vst v15  }
0x4a: {  	v7 =	vnsel vm2, $0x2710, v7;
	[tilespmem:s23+$0x5020] =	vst v9  }
0x4b: {  	v13 =	vnsel vm1, $0x0, v13;
	v10 =	vsub.s32 v10, v0;
	[tilespmem:s23+$0x20] =	vst v7  }
0x4c: {  	v59 =	vnsel vm0, $0x0, v14;
	[tilespmem:s23+$0x5000] =	vst v13;
	vm13 =	vlt.u32 v10, $0xA00  }
0x4d: {  	v58 =	vsub.s32 v12, v0;
	[tilespmem:s23+$0x5060] =	vst v59;
	v3 =	vnsel vm13, $0x2710, v3  }
0x4e: {  	v57 =	vld [tilespmem:s23+$0x60];
	vm12 =	vlt.u32 v58, $0xA00;
	v60 =	vnsel vm13, $0x0, v10;
	[tilespmem:s23+$0x10] =	vst v3  }
0x4f: {  	v8 =	vsub.s32 v8, v0;
	v5 =	vnsel vm12, $0x2710, v5;
	[tilespmem:s23+$0x5010] =	vst v60  }
0x50: {  	v7 =	vnsel vm12, $0x0, v58;
	vm15 =	vlt.u32 v8, $0xA00;
	[tilespmem:s23+$0x50] =	vst v5  }
0x51: {  	[tilespmem:s23+$0x5050] =	vst v7;
	v62 =	vnsel vm15, $0x0, v8  }
0x52: {  	v3 =	vsub.s32 v11, v0;
	v63 =	vnsel vm15, $0x2710, v6;
	[tilespmem:s23+$0x5070] =	vst v62  }
0x53: {  	vm14 =	vlt.u32 v3, $0xA00;
	v61 =	vnsel vm0, $0x2710, v57;
	[tilespmem:s23+$0x70] =	vst v63  }
0x54: {  	v4 =	vnsel vm14, $0x2710, v4;
	[tilespmem:s23+$0x60] =	vst v61  }
0x55: {  	v3 =	vnsel vm14, $0x0, v3;
	[tilespmem:s23+$0x40] =	vst v4  }
0x56: {  	[tilespmem:s23+$0x5040] =	vst v3  }
0x57: {  	[spmem:s7] =	stream.linear.scatter [tilespmem:s13], [sflag:$0x3], $0x5000, $0x38;
	[tilespmem:$0x1C000] =	vst v63  }
0x58: {  	_ =	swait.ge [sflag:s11], $0x5000  }
0x59: {  	[sflag:s11] =	ssyncset.done $0x0  }
0x5a: {  	[sflag:s11] =	ssyncadd.s32 $0xFFFFB000  }
0x5b: {  	s26 =	simm.s32 $0x0;
	[bflag:$0x0] =	sbarrier.arrive $0xFFFF  }
0x5c: {  	[tilespmem:s15], [sflag:$0x1] =	stream.indirect.gather [hbm4b:s4+s14], $0x80, s26, s14, $0xb8;
	[tilespmem:$0x1C000] =	vst v63  }
0x5d: {  	_ =	swait.ge [sflag:s16], $0x4000  }
0x5e: {  	[sflag:s16] =	ssyncset.done $0x0  }
0x5f: {  	s28 =	simm.s32 $0x80;
	[sflag:s16] =	ssyncadd.s32 $0xFFFFC000  }
0x60: {  	[tilespmem:s17], [sflag:$0x2] =	stream.indirect.gather [hbm4b:s4+s14], $0x80, s28, s14, $0xb8;
	[tilespmem:$0x1C000] =	vst v63  }
0x61: {  	s29 =	simm.s32 $0x5000  }
0x62: {  	[spmem:s1] =	stream.indirect.scatter.add.f32 [tilespmem:s15], [sflag:$0x3], $0x80, s29, s14, $0xb8;
	[tilespmem:$0x1C000] =	vst v63  }
0x63: {  	_ =	swait.ge [sflag:s11], $0x4000  }
0x64: {  	[sflag:s11] =	ssyncset.done $0x0  }
0x65: {  	[sflag:s11] =	ssyncadd.s32 $0xFFFFC000  }
0x66: {  	_ =	swait.ge [sflag:s18], $0x4000  }
0x67: {  	[sflag:s18] =	ssyncset.done $0x0  }
0x68: {  	s30 =	simm.s32 $0x100;
	[sflag:s18] =	ssyncadd.s32 $0xFFFFC000  }
0x69: {  	[tilespmem:s15], [sflag:$0x1] =	stream.indirect.gather [hbm4b:s4+s14], $0x80, s30, s14, $0xb8;
	[tilespmem:$0x1C000] =	vst v63  }
0x6a: {  	s31 =	simm.s32 $0x5080  }
0x6b: {  	[spmem:s1] =	stream.indirect.scatter.add.f32 [tilespmem:s17], [sflag:$0x3], $0x80, s31, s14, $0xb8;
	[tilespmem:$0x1C000] =	vst v63  }
0x6c: {  	_ =	swait.ge [sflag:s11], $0x4000  }
0x6d: {  	s23 =	simm.s32 $0x400;
	[sflag:s11] =	ssyncset.done $0x0  }
.LBB2_6:
0x6e: {  	p0 =	sne.s32 s23, $0x13800  }
0x6f: {  	[sflag:s11] =	ssyncadd.s32 $0xFFFFC000;
	s24 =	smov.u32 s23;
	s23 =	sadd.s32 $0x400, s23  }
0x70: {  	_ = 	snop  }
0x71: {  	_ =	swait.ge [sflag:s16], $0x4000  }
0x72: {  	s24 =	sshra.s32 s24, $0x2;
	[sflag:s16] =	ssyncset.done $0x0  }
0x73: {  	s25 =	sadd.s32 $0x80, s24;
	[sflag:s16] =	ssyncadd.s32 $0xFFFFC000  }
0x74: {  	[tilespmem:s17], [sflag:$0x2] =	stream.indirect.gather [hbm4b:s4+s14], $0x80, s25, s14, $0xb8;
	[tilespmem:$0x1C000] =	vst v63  }
0x75: {  	s25 =	sadd.s32 $0x5000, s24  }
0x76: {  	[spmem:s1] =	stream.indirect.scatter.add.f32 [tilespmem:s15], [sflag:$0x3], $0x80, s25, s14, $0xb8;
	[tilespmem:$0x1C000] =	vst v63  }
0x77: {  	_ =	swait.ge [sflag:s11], $0x4000  }
0x78: {  	[sflag:s11] =	ssyncset.done $0x0  }
0x79: {  	[sflag:s11] =	ssyncadd.s32 $0xFFFFC000  }
0x7a: {  	_ =	swait.ge [sflag:s18], $0x4000  }
0x7b: {  	[sflag:s18] =	ssyncset.done $0x0  }
0x7c: {  	s25 =	sadd.s32 $0x100, s24;
	[sflag:s18] =	ssyncadd.s32 $0xFFFFC000  }
0x7d: {  	[tilespmem:s15], [sflag:$0x1] =	stream.indirect.gather [hbm4b:s4+s14], $0x80, s25, s14, $0xb8;
	[tilespmem:$0x1C000] =	vst v63  }
.Ltmp2:
0x7e: {  	_ = 	snop;
	(pc) =	sbr.rel @p0 .LBB2_6-.Ltmp2, $4  }
0x7f: {  	s24 =	sadd.s32 $0x5080, s24  }
0x80: {  	[spmem:s1] =	stream.indirect.scatter.add.f32 [tilespmem:s17], [sflag:$0x3], $0x80, s24, s14, $0xb8;
	[tilespmem:$0x1C000] =	vst v63  }
0x81: {  	_ =	swait.ge [sflag:s11], $0x4000  }
0x82: {  	[sflag:s11] =	ssyncset.done $0x0  }
0x83: {  	[sflag:s11] =	ssyncadd.s32 $0xFFFFC000  }
0x84: {  	_ =	swait.ge [sflag:s16], $0x4000  }
0x85: {  	[sflag:s16] =	ssyncset.done $0x0  }
0x86: {  	[sflag:s16] =	ssyncadd.s32 $0xFFFFC000  }
0x87: {  	[tilespmem:s17], [sflag:$0x2] =	stream.indirect.gather [hbm4b:s4+s14], $0x80, s19, s14, $0xb8;
	[tilespmem:$0x1C000] =	vst v63  }
0x88: {  	_ = 	snop  }
0x89: {  	[spmem:s1] =	stream.indirect.scatter.add.f32 [tilespmem:s15], [sflag:$0x3], $0x80, s20, s14, $0xb8;
	[tilespmem:$0x1C000] =	vst v63  }
0x8a: {  	_ =	swait.ge [sflag:s11], $0x4000  }
0x8b: {  	[sflag:s11] =	ssyncset.done $0x0  }
0x8c: {  	[sflag:s11] =	ssyncadd.s32 $0xFFFFC000  }
0x8d: {  	_ =	swait.ge [sflag:s18], $0x4000  }
0x8e: {  	[sflag:s18] =	ssyncset.done $0x0  }
0x8f: {  	s25 =	simm.s32 $0x0;
	[sflag:s18] =	ssyncadd.s32 $0xFFFFC000  }
0x90: {  	[tilespmem:s15], [sflag:$0x1] =	stream.indirect.gather [hbm4b:s4+s14], $0x80, s25, s14, $0xb8;
	[tilespmem:$0x1C000] =	vst v63  }
0x91: {  	_ = 	snop  }
0x92: {  	[spmem:s1] =	stream.indirect.scatter.add.f32 [tilespmem:s17], [sflag:$0x3], $0x80, s21, s14, $0xb8;
	[tilespmem:$0x1C000] =	vst v63  }
0x93: {  	_ =	swait.ge [sflag:s11], $0x4000  }
0x94: {  	[sflag:s11] =	ssyncset.done $0x0  }
0x95: {  	[sflag:s11] =	ssyncadd.s32 $0xFFFFC000  }
0x96: {  	_ =	swait.ge [sflag:s16], $0x4000  }
0x97: {  	[sflag:s16] =	ssyncset.done $0x0  }
0x98: {  	s23 =	sshll.u32 s2, $0x6;
	[sflag:s16] =	ssyncadd.s32 $0xFFFFC000  }
0x99: {  	s24 =	sshrl.u32 s7, $0x3;
	s23 =	sor.u32 $0x1C03, s23;
	[bflag:$0x0] =	sbarrier.arrive $0xFFFF  }
0x9a: {  	[hbm:s8], [sflag:s23] =	dma.local [spmem:s24], $0xA00  }
0x9b: {  	_ =	swait.ge [sflag:s11], $0xA00  }
0x9c: {  	[sflag:s11] =	ssyncset.done $0x0  }
0x9d: {  	[sflag:s11] =	ssyncadd.s32 $0xFFFFF600  }
0x9e: {  	[tilespmem:s25], [sflag:$0x3] =	stream.linear.gather [hbm4b:s5+s25], $0x5000, $0x38;
	[tilespmem:$0x1C000] =	vst v63  }
0x9f: {  	_ =	swait.ge [sflag:s11], $0x5000  }
0xa0: {  	[sflag:s11] =	ssyncset.done $0x0  }
0xa1: {  	[sflag:s11] =	ssyncadd.s32 $0xFFFFB000  }
0xa2: {  	[tilespmem:s12], [sflag:$0x3] =	stream.linear.gather [hbm4b:s6+s25], $0x5000, $0x38;
	[tilespmem:$0x1C000] =	vst v63  }
0xa3: {  	_ =	swait.ge [sflag:s11], $0x5000  }
0xa4: {  	[sflag:s11] =	ssyncset.done $0x0  }
0xa5: {  	s25 =	simm.s32 $0x0;
	[sflag:s11] =	ssyncadd.s32 $0xFFFFB000  }
0xa6: {  	v6 =	vld [tilespmem:s25+$0x0]  }
0xa7: {  	v4 =	vld [tilespmem:s25+$0x5030]  }
0xa8: {  	v9 =	vld [tilespmem:s25+$0x5000]  }
0xa9: {  	v7 =	vld [tilespmem:s25+$0x20]  }
0xaa: {  	v8 =	vld [tilespmem:s25+$0x30]  }
0xab: {  	v3 =	vld [tilespmem:s25+$0x10]  }
0xac: {  	v11 =	vld [tilespmem:s25+$0x5020]  }
0xad: {  	v14 =	vld [tilespmem:s25+$0x5060]  }
0xae: {  	v5 =	vld [tilespmem:s25+$0x50]  }
0xaf: {  	v10 =	vld [tilespmem:s25+$0x5010];
	v15 =	vsub.s32 v4, v1  }
0xb0: {  	v12 =	vld [tilespmem:s25+$0x5050];
	vm0 =	vlt.u32 v15, $0xA00  }
0xb1: {  	v4 =	vld [tilespmem:s25+$0x40];
	v13 =	vnsel vm0, $0x2710, v8  }
0xb2: {  	v16 =	vsub.s32 v11, v1;
	v11 =	vld [tilespmem:s25+$0x5040];
	v14 =	vsub.s32 v14, v1;
	[tilespmem:s25+$0x30] =	vst v13;
	v13 =	vsub.s32 v9, v1  }
0xb3: {  	vm2 =	vlt.u32 v16, $0xA00;
	v8 =	vld [tilespmem:s25+$0x5070];
	v9 =	vnsel vm0, $0x0, v15;
	vm1 =	vlt.u32 v13, $0xA00  }
0xb4: {  	s26 =	simm.s32 $0x200;
	vm0 =	vlt.u32 v14, $0xA00;
	[tilespmem:s25+$0x5030] =	vst v9;
	v9 =	vnsel vm2, $0x0, v16;
	v15 =	vnsel vm1, $0x2710, v6;
	v6 =	vld [tilespmem:s25+$0x70]  }
.LBB2_8:
0xb5: {  	s28 =	sshra.s32 s26, $0x2;
	p0 =	sne.s32 s26, $0x13E00;
	s26 =	sadd.s32 $0x200, s26;
	[tilespmem:s25+$0x0] =	vst v15;
	v10 =	vsub.s32 v10, v1;
	v7 =	vnsel vm2, $0x2710, v7;
	v15 =	vld [tilespmem:s25+$0x60]  }
0xb6: {  	v13 =	vnsel vm1, $0x0, v13;
	v16 =	vld [tilespmem:s28+$0x0];
	vm1 =	vlt.u32 v10, $0xA00;
	[tilespmem:s25+$0x20] =	vst v7;
	v12 =	vsub.s32 v12, v1  }
0xb7: {  	v7 =	vnsel vm0, $0x0, v14;
	v17 =	vld [tilespmem:s28+$0x5030];
	[tilespmem:s25+$0x5000] =	vst v13;
	vm2 =	vlt.u32 v12, $0xA00  }
0xb8: {  	v10 =	vnsel vm1, $0x0, v10;
	v13 =	vld [tilespmem:s28+$0x5000];
	v11 =	vsub.s32 v11, v1;
	v5 =	vnsel vm2, $0x2710, v5;
	[tilespmem:s25+$0x5060] =	vst v7  }
0xb9: {  	v3 =	vnsel vm1, $0x2710, v3;
	v12 =	vnsel vm2, $0x0, v12;
	v7 =	vld [tilespmem:s28+$0x20];
	vm1 =	vlt.u32 v11, $0xA00;
	[tilespmem:s25+$0x50] =	vst v5  }
0xba: {  	v8 =	vsub.s32 v8, v1;
	v14 =	vld [tilespmem:s28+$0x30];
	[tilespmem:s25+$0x10] =	vst v3;
	v11 =	vnsel vm1, $0x0, v11;
	v15 =	vnsel vm0, $0x2710, v15  }
0xbb: {  	v4 =	vnsel vm1, $0x2710, v4;
	v3 =	vld [tilespmem:s28+$0x10];
	[tilespmem:s25+$0x5010] =	vst v10  }
0xbc: {  	v5 =	vld [tilespmem:s28+$0x50];
	[tilespmem:s25+$0x5020] =	vst v9  }
0xbd: {  	v9 =	vld [tilespmem:s28+$0x5020];
	[tilespmem:s25+$0x60] =	vst v15  }
0xbe: {  	vm0 =	vlt.u32 v8, $0xA00;
	v15 =	vsub.s32 v17, v1;
	v17 =	vld [tilespmem:s28+$0x5060];
	[tilespmem:s25+$0x5050] =	vst v12  }
0xbf: {  	v8 =	vnsel vm0, $0x0, v8;
	vm2 =	vlt.u32 v15, $0xA00;
	v10 =	vld [tilespmem:s28+$0x5010];
	[tilespmem:s25+$0x40] =	vst v4  }
.Ltmp3:
0xc0: {  	v6 =	vnsel vm0, $0x2710, v6;
	v13 =	vsub.s32 v13, v1;
	v18 =	vnsel vm2, $0x0, v15;
	v4 =	vld [tilespmem:s28+$0x40];
	[tilespmem:s25+$0x5070] =	vst v8;
	(pc) =	sbr.rel @p0 .LBB2_8-.Ltmp3, $4  }
0xc1: {  	vm1 =	vlt.u32 v13, $0xA00;
	v12 =	vld [tilespmem:s28+$0x5050];
	[tilespmem:s25+$0x70] =	vst v6  }
0xc2: {  	v6 =	vsub.s32 v9, v1;
	v9 =	vnsel vm2, $0x2710, v14;
	v8 =	vld [tilespmem:s28+$0x5070];
	[tilespmem:s25+$0x5040] =	vst v11;
	s25 =	smov.u32 s28  }
0xc3: {  	vm2 =	vlt.u32 v6, $0xA00;
	[tilespmem:s25+$0x30] =	vst v9;
	v11 =	vld [tilespmem:s25+$0x5040];
	v14 =	vsub.s32 v17, v1  }
0xc4: {  	v15 =	vnsel vm1, $0x2710, v16;
	v9 =	vnsel vm2, $0x0, v6;
	[tilespmem:s25+$0x5030] =	vst v18;
	vm0 =	vlt.u32 v14, $0xA00;
	v6 =	vld [tilespmem:s25+$0x70]  }
0xc5: {  	[tilespmem:s25+$0x0] =	vst v15  }
0xc6: {  	v7 =	vnsel vm2, $0x2710, v7;
	[tilespmem:s25+$0x5020] =	vst v9  }
0xc7: {  	v13 =	vnsel vm1, $0x0, v13;
	v10 =	vsub.s32 v10, v1;
	[tilespmem:s25+$0x20] =	vst v7  }
0xc8: {  	v59 =	vnsel vm0, $0x0, v14;
	[tilespmem:s25+$0x5000] =	vst v13;
	vm13 =	vlt.u32 v10, $0xA00  }
0xc9: {  	v58 =	vsub.s32 v12, v1;
	[tilespmem:s25+$0x5060] =	vst v59;
	v3 =	vnsel vm13, $0x2710, v3  }
0xca: {  	v57 =	vld [tilespmem:s25+$0x60];
	vm12 =	vlt.u32 v58, $0xA00;
	v60 =	vnsel vm13, $0x0, v10;
	[tilespmem:s25+$0x10] =	vst v3  }
0xcb: {  	v8 =	vsub.s32 v8, v1;
	v5 =	vnsel vm12, $0x2710, v5;
	[tilespmem:s25+$0x5010] =	vst v60  }
0xcc: {  	v7 =	vnsel vm12, $0x0, v58;
	vm15 =	vlt.u32 v8, $0xA00;
	[tilespmem:s25+$0x50] =	vst v5  }
0xcd: {  	[tilespmem:s25+$0x5050] =	vst v7;
	v62 =	vnsel vm15, $0x0, v8  }
0xce: {  	v3 =	vsub.s32 v11, v1;
	v63 =	vnsel vm15, $0x2710, v6;
	[tilespmem:s25+$0x5070] =	vst v62  }
0xcf: {  	vm14 =	vlt.u32 v3, $0xA00;
	v61 =	vnsel vm0, $0x2710, v57;
	[tilespmem:s25+$0x70] =	vst v63  }
0xd0: {  	v4 =	vnsel vm14, $0x2710, v4;
	[tilespmem:s25+$0x60] =	vst v61  }
0xd1: {  	v3 =	vnsel vm14, $0x0, v3;
	[tilespmem:s25+$0x40] =	vst v4  }
0xd2: {  	[tilespmem:s25+$0x5040] =	vst v3  }
0xd3: {  	[spmem:s7] =	stream.linear.scatter [tilespmem:s13], [sflag:$0x3], $0x5000, $0x38;
	[tilespmem:$0x1C000] =	vst v63  }
0xd4: {  	_ =	swait.ge [sflag:s11], $0x5000  }
0xd5: {  	[sflag:s11] =	ssyncset.done $0x0  }
0xd6: {  	[sflag:s11] =	ssyncadd.s32 $0xFFFFB000  }
0xd7: {  	s26 =	simm.s32 $0x0;
	[bflag:$0x0] =	sbarrier.arrive $0xFFFF  }
0xd8: {  	[tilespmem:s15], [sflag:$0x1] =	stream.indirect.gather [hbm4b:s4+s14], $0x80, s26, s14, $0xb8;
	[tilespmem:$0x1C000] =	vst v63  }
0xd9: {  	_ =	swait.ge [sflag:s16], $0x4000  }
0xda: {  	[sflag:s16] =	ssyncset.done $0x0  }
0xdb: {  	s28 =	simm.s32 $0x80;
	[sflag:s16] =	ssyncadd.s32 $0xFFFFC000  }
0xdc: {  	[tilespmem:s17], [sflag:$0x2] =	stream.indirect.gather [hbm4b:s4+s14], $0x80, s28, s14, $0xb8;
	[tilespmem:$0x1C000] =	vst v63  }
0xdd: {  	s29 =	simm.s32 $0x5000  }
0xde: {  	[spmem:s1] =	stream.indirect.scatter.add.f32 [tilespmem:s15], [sflag:$0x3], $0x80, s29, s14, $0xb8;
	[tilespmem:$0x1C000] =	vst v63  }
0xdf: {  	_ =	swait.ge [sflag:s11], $0x4000  }
0xe0: {  	[sflag:s11] =	ssyncset.done $0x0  }
0xe1: {  	[sflag:s11] =	ssyncadd.s32 $0xFFFFC000  }
0xe2: {  	_ =	swait.ge [sflag:s18], $0x4000  }
0xe3: {  	[sflag:s18] =	ssyncset.done $0x0  }
0xe4: {  	s30 =	simm.s32 $0x100;
	[sflag:s18] =	ssyncadd.s32 $0xFFFFC000  }
0xe5: {  	[tilespmem:s15], [sflag:$0x1] =	stream.indirect.gather [hbm4b:s4+s14], $0x80, s30, s14, $0xb8;
	[tilespmem:$0x1C000] =	vst v63  }
0xe6: {  	s31 =	simm.s32 $0x5080  }
0xe7: {  	[spmem:s1] =	stream.indirect.scatter.add.f32 [tilespmem:s17], [sflag:$0x3], $0x80, s31, s14, $0xb8;
	[tilespmem:$0x1C000] =	vst v63  }
0xe8: {  	_ =	swait.ge [sflag:s11], $0x4000  }
0xe9: {  	s25 =	simm.s32 $0x400;
	[sflag:s11] =	ssyncset.done $0x0  }
.LBB2_10:
0xea: {  	p0 =	sne.s32 s25, $0x13800  }
0xeb: {  	[sflag:s11] =	ssyncadd.s32 $0xFFFFC000;
	s26 =	smov.u32 s25;
	s25 =	sadd.s32 $0x400, s25  }
0xec: {  	_ = 	snop  }
0xed: {  	_ =	swait.ge [sflag:s16], $0x4000  }
0xee: {  	s26 =	sshra.s32 s26, $0x2;
	[sflag:s16] =	ssyncset.done $0x0  }
0xef: {  	s28 =	sadd.s32 $0x80, s26;
	[sflag:s16] =	ssyncadd.s32 $0xFFFFC000  }
0xf0: {  	[tilespmem:s17], [sflag:$0x2] =	stream.indirect.gather [hbm4b:s4+s14], $0x80, s28, s14, $0xb8;
	[tilespmem:$0x1C000] =	vst v63  }
0xf1: {  	s28 =	sadd.s32 $0x5000, s26  }
0xf2: {  	[spmem:s1] =	stream.indirect.scatter.add.f32 [tilespmem:s15], [sflag:$0x3], $0x80, s28, s14, $0xb8;
	[tilespmem:$0x1C000] =	vst v63  }
0xf3: {  	_ =	swait.ge [sflag:s11], $0x4000  }
0xf4: {  	[sflag:s11] =	ssyncset.done $0x0  }
0xf5: {  	[sflag:s11] =	ssyncadd.s32 $0xFFFFC000  }
0xf6: {  	_ =	swait.ge [sflag:s18], $0x4000  }
0xf7: {  	[sflag:s18] =	ssyncset.done $0x0  }
0xf8: {  	s28 =	sadd.s32 $0x100, s26;
	[sflag:s18] =	ssyncadd.s32 $0xFFFFC000  }
0xf9: {  	[tilespmem:s15], [sflag:$0x1] =	stream.indirect.gather [hbm4b:s4+s14], $0x80, s28, s14, $0xb8;
	[tilespmem:$0x1C000] =	vst v63  }
.Ltmp4:
0xfa: {  	_ = 	snop;
	(pc) =	sbr.rel @p0 .LBB2_10-.Ltmp4, $4  }
0xfb: {  	s26 =	sadd.s32 $0x5080, s26  }
0xfc: {  	[spmem:s1] =	stream.indirect.scatter.add.f32 [tilespmem:s17], [sflag:$0x3], $0x80, s26, s14, $0xb8;
	[tilespmem:$0x1C000] =	vst v63  }
0xfd: {  	_ =	swait.ge [sflag:s11], $0x4000  }
0xfe: {  	[sflag:s11] =	ssyncset.done $0x0  }
0xff: {  	[sflag:s11] =	ssyncadd.s32 $0xFFFFC000  }
0x100: {  	_ =	swait.ge [sflag:s16], $0x4000  }
0x101: {  	[sflag:s16] =	ssyncset.done $0x0  }
0x102: {  	[sflag:s16] =	ssyncadd.s32 $0xFFFFC000  }
0x103: {  	[tilespmem:s17], [sflag:$0x2] =	stream.indirect.gather [hbm4b:s4+s14], $0x80, s19, s14, $0xb8;
	[tilespmem:$0x1C000] =	vst v63  }
0x104: {  	_ = 	snop  }
0x105: {  	[spmem:s1] =	stream.indirect.scatter.add.f32 [tilespmem:s15], [sflag:$0x3], $0x80, s20, s14, $0xb8;
	[tilespmem:$0x1C000] =	vst v63  }
0x106: {  	_ =	swait.ge [sflag:s11], $0x4000  }
0x107: {  	[sflag:s11] =	ssyncset.done $0x0  }
0x108: {  	[sflag:s11] =	ssyncadd.s32 $0xFFFFC000  }
0x109: {  	_ =	swait.ge [sflag:s18], $0x4000  }
0x10a: {  	[sflag:s18] =	ssyncset.done $0x0  }
0x10b: {  	[sflag:s18] =	ssyncadd.s32 $0xFFFFC000  }
0x10c: {  	[tilespmem:s15], [sflag:$0x1] =	stream.indirect.gather [hbm4b:s4+s14], $0x80, s3, s14, $0xb8;
	[tilespmem:$0x1C000] =	vst v63  }
0x10d: {  	_ = 	snop  }
0x10e: {  	[spmem:s1] =	stream.indirect.scatter.add.f32 [tilespmem:s17], [sflag:$0x3], $0x80, s21, s14, $0xb8;
	[tilespmem:$0x1C000] =	vst v63  }
0x10f: {  	_ =	swait.ge [sflag:s11], $0x4000  }
0x110: {  	[sflag:s11] =	ssyncset.done $0x0  }
0x111: {  	[sflag:s11] =	ssyncadd.s32 $0xFFFFC000  }
0x112: {  	_ =	swait.ge [sflag:s16], $0x4000  }
0x113: {  	s22 =	sadd.s32 $0x1, s22;
	[sflag:s16] =	ssyncset.done $0x0  }
0x114: {  	p0 =	sne.s32 s22, s10;
	[sflag:s16] =	ssyncadd.s32 $0xFFFFC000  }
.Ltmp5:
0x115: {  	[bflag:$0x0] =	sbarrier.arrive $0xFFFF;
	(pc) =	sbr.rel @p0 .LBB2_1-.Ltmp5, $4  }
0x116: {  	[hbm:s9], [sflag:s23] =	dma.local [spmem:s24], $0xA00  }
0x117: {  	_ =	swait.ge [sflag:s11], $0xA00  }
0x118: {  	[sflag:s11] =	ssyncset.done $0x0  }
0x119: {  	[sflag:s11] =	ssyncadd.s32 $0xFFFFF600  }
0x11a: {  	_ =	sfence.sel $0x180000  }
0x11b: {  	[bflag:$0x0] =	sbarrier.arrive $0xFFFF  }
0x11c: {  	p0 =	sne.s32 s2, $0x0;
	_ =	strace $0x9000004A  }
0x11d: {  	s0 =	sadd.s32 @!p0 $0x100000, s0;
	[bflag:$0x2] =	sbarrier.arrive $0xFFFF  }
0x11e: {  	[sflag:s0] =	ssyncadd.tile.s32 @!p0 $0x1;
	_ =	shalt  }
.Lfunc_end2:
_tile_overlayer_lowered:
.L_overlay_start_2:
0x11f: {  	(tag) =	ssettag $0x2  }
0x120: {  	s0 =	rddreg [dreg:$0x0];
	s2 =	stileid.u32  }
0x121: {  	s1 =	rddreg [dreg:$0x1];
	p0 =	sne.s32 s2, $0x0  }
0x122: {  	s3 =	rddreg [dreg:$0x2];
	[bflag:$0x3] =	sbarrier.arrive $0xFFFF;
	s2 =	simm.s32 @!p0 $0x1C03  }
0x123: {  	[timem:s3], [sflag:s2] =	dma.local @!p0 [hbm:s0], s1  }
0x124: {  	s0 =	simm.s32 @!p0 $0x3  }
0x125: {  	_ =	swait.ge @!p0 [sflag:s0], s1  }
0x126: {  	s1 =	ssub.s32 @!p0 $0x0, s1;
	[sflag:s0] =	ssyncset.done @!p0 $0x0  }
0x127: {  	[sflag:s0] =	ssyncadd.s32 @!p0 s1  }
0x128: {  	[bflag:$0x3] =	sbarrier.arrive $0xFFFF  }
0x129: {  	_ =	shalt  }

// kernel: sc_agg_2560x2.7.cloned.1.call-start
scs
__scs_entry_jumppad:
0x0: {  	(pc) =	sbr.rel $0x88, $3  }
0x1: {  	(tag) =	ssettag $0x0;
	lr =	simm.s32 $0x1  }
0x2: {  	[smem:$0x3F93] =	sst lr;
	_ =	strace $0xD0000000  }
0x3: {  	_ = 	snop  }
0x4: {  	_ = 	snop  }
0x5: {  	_ = 	snop  }
0x6: {  	_ = 	snop  }
0x7: {  	_ = 	snop  }
__scs_overlays_trampoline_lowered:
0x8: {  	[smem:$0x3FA2] =	sst s0  }
0x9: {  	[smem:$0x3FA3] =	sst s1  }
0xa: {  	[smem:$0x3FA4] =	sst s2  }
0xb: {  	[smem:$0x3FA5] =	sst s3  }
0xc: {  	[smem:$0x3FA6] =	sst s4  }
0xd: {  	[smem:$0x3FA7] =	sst s5  }
0xe: {  	[smem:$0x3FA8] =	sst s6  }
0xf: {  	[smem:$0x3FA9] =	sst s7  }
0x10: {  	[smem:$0x3FAA] =	sst s8  }
0x11: {  	[smem:$0x3FAB] =	sst s9;
	s0 =	simm.s32 @!p0 $0x0  }
0x12: {  	s1 =	sld [smem:$0x3F91];
	s0 =	simm.s32 @p0 $0x1  }
0x13: {  	[smem:$0x3FAC] =	sst s0;
	s0 =	simm.s32 @!p1 $0x0  }
0x14: {  	s2 =	sld [smem:$0x3F90];
	s0 =	simm.s32 @p1 $0x1  }
0x15: {  	[smem:$0x3FAD] =	sst s0;
	s0 =	simm.s32 @!p2 $0x0  }
0x16: {  	s3 =	sld [smem:$0x3FDB];
	s0 =	simm.s32 @p2 $0x1  }
0x17: {  	s4 =	simm.s32 $0x1BF5;
	[smem:$0x3FAF] =	sst s0  }
0x18: {  	s0 =	sld [smem:$0x3F92];
	_ =	swait.ge [sflag:s4], $0x0  }
0x19: {  	s7 =	sld [smem:$0x3F93]  }
0x1a: {  	s8 =	sadd.s32 $0xFFFFE003, lr  }
0x1b: {  	s9 =	sadd.s32 $0xFFFFFEF7, lr;
	s5 =	simm.s32 $0xFFFFFFFF;
	p2 =	slt.u32 s8, $0xFFFFF086  }
0x1c: {  	p1 =	slt.u32 s9, $0xF7A;
	s5 =	simm.s32 @!p2 $0x0  }
0x1d: {  	s5 =	simm.s32 @p1 $0x1;
	p0 =	seq.s32 s7, s2  }
0x1e: {  	s7 =	smul.u32 @!p0 $0xF7A, s2;
	p2 =	seq.s32 @!p0 s5, $0x0  }
0x1f: {  	s9 =	smul.u32 $0xF7A, s1;
	s8 =	simm.s32 @!p0 $0x1BF5;
	p2 =	por !p2, p0  }
0x20: {  	[sflag:s8] =	ssyncset.s32 @!p0 $0xFFFFF086;
	s6 =	sadd.s32 @!p0 s3, s7;
	s7 =	simm.s32 @!p0 $0x108  }
0x21: {  	s3 =	sadd.s32 s3, s9;
	s6 =	sadd.s32 @!p0 $0x88, s6;
	s7 =	simm.s32 @p2 $0x1082  }
0x22: {  	[simem:s7], [sflag:s8] =	dma.local @!p0 [hbm:s6], $0xF7A  }
0x23: {  	s9 =	sor.u32 $0xD0000000, s2;
	s6 =	simm.s32 $0x108;
	_ =	swait.ge @!p0 [sflag:s8], $0x0  }
0x24: {  	s3 =	sadd.s32 $0x88, s3;
	s6 =	simm.s32 @!p1 $0x1082;
	[sflag:s4] =	ssyncset.s32 $0xFFFFF086  }
0x25: {  	[simem:s6], [sflag:s4] =	dma.local [hbm:s3], $0xF7A  }
0x26: {  	[smem:$0x3F93] =	sst s1;
	(tag) =	ssettag s2;
	_ =	strace s9  }
0x27: {  	s1 =	sld [smem:$0x3FA3]  }
0x28: {  	s2 =	sld [smem:$0x3FA4]  }
0x29: {  	s4 =	sld [smem:$0x3FA6]  }
0x2a: {  	p0 =	seq.s32 s5, $0x0;
	s5 =	sld [smem:$0x3FA7]  }
0x2b: {  	s6 =	sld [smem:$0x3FA8]  }
0x2c: {  	s7 =	sld [smem:$0x3FA9]  }
0x2d: {  	s3 =	simm.s32 $0x108;
	s8 =	sld [smem:$0x3FAA]  }
0x2e: {  	s3 =	simm.s32 @!p0 $0x1082;
	s9 =	sld [smem:$0x3FAB]  }
0x2f: {  	lr =	sadd.s32 s0, s3;
	s0 =	sld [smem:$0x3FA2]  }
0x30: {  	s3 =	sld [smem:$0x3FA5]  }
0x31: {  	[smem:$0x3FAE] =	sst s10  }
0x32: {  	s10 =	sld [smem:$0x3FAC];
	_ =	sdelay $0x3  }
0x33: {  	p0 =	seq.s32 s10, $0x1;
	s10 =	sld [smem:$0x3FAE];
	_ =	sdelay $0x3  }
0x34: {  	[smem:$0x3FAE] =	sst s10  }
0x35: {  	s10 =	sld [smem:$0x3FAD];
	_ =	sdelay $0x3  }
0x36: {  	p1 =	seq.s32 s10, $0x1;
	s10 =	sld [smem:$0x3FAE];
	_ =	sdelay $0x3  }
0x37: {  	[smem:$0x3FAE] =	sst s10  }
0x38: {  	s10 =	sld [smem:$0x3FAF]  }
0x39: {  	_ = 	snop;
	(pc) =	sbr.ind lr, $3  }
0x3a: {  	_ = 	snop  }
0x3b: {  	_ = 	snop  }
0x3c: {  	p2 =	seq.s32 s10, $0x1;
	s10 =	sld [smem:$0x3FAE]  }
0x3d: {  	_ =	shalt  }
0x3e: {  	_ =	shalt  }
0x3f: {  	_ =	shalt  }
0x40: {  	_ =	shalt  }
0x41: {  	_ =	shalt  }
0x42: {  	_ =	shalt  }
0x43: {  	_ =	shalt  }
0x44: {  	_ =	shalt  }
0x45: {  	_ =	shalt  }
0x46: {  	_ =	shalt  }
0x47: {  	_ =	shalt  }
0x48: {  	_ =	shalt  }
0x49: {  	_ =	shalt  }
0x4a: {  	_ =	shalt  }
0x4b: {  	_ =	shalt  }
0x4c: {  	_ =	shalt  }
0x4d: {  	_ =	shalt  }
0x4e: {  	_ =	shalt  }
0x4f: {  	_ =	shalt  }
0x50: {  	_ =	shalt  }
0x51: {  	_ =	shalt  }
0x52: {  	_ =	shalt  }
0x53: {  	_ =	shalt  }
0x54: {  	_ =	shalt  }
0x55: {  	_ =	shalt  }
0x56: {  	_ =	shalt  }
0x57: {  	_ =	shalt  }
0x58: {  	_ =	shalt  }
0x59: {  	_ =	shalt  }
0x5a: {  	_ =	shalt  }
0x5b: {  	_ =	shalt  }
0x5c: {  	_ =	shalt  }
0x5d: {  	_ =	shalt  }
0x5e: {  	_ =	shalt  }
0x5f: {  	_ =	shalt  }
0x60: {  	_ =	shalt  }
0x61: {  	_ =	shalt  }
0x62: {  	_ =	shalt  }
0x63: {  	_ =	shalt  }
0x64: {  	_ =	shalt  }
0x65: {  	_ =	shalt  }
0x66: {  	_ =	shalt  }
0x67: {  	_ =	shalt  }
0x68: {  	_ =	shalt  }
0x69: {  	_ =	shalt  }
0x6a: {  	_ =	shalt  }
0x6b: {  	_ =	shalt  }
0x6c: {  	_ =	shalt  }
0x6d: {  	_ =	shalt  }
0x6e: {  	_ =	shalt  }
0x6f: {  	_ =	shalt  }
0x70: {  	_ =	shalt  }
0x71: {  	_ =	shalt  }
0x72: {  	_ =	shalt  }
0x73: {  	_ =	shalt  }
0x74: {  	_ =	shalt  }
0x75: {  	_ =	shalt  }
0x76: {  	_ =	shalt  }
0x77: {  	_ =	shalt  }
0x78: {  	_ =	shalt  }
0x79: {  	_ =	shalt  }
0x7a: {  	_ =	shalt  }
0x7b: {  	_ =	shalt  }
0x7c: {  	_ =	shalt  }
0x7d: {  	_ =	shalt  }
0x7e: {  	_ =	shalt  }
0x7f: {  	_ =	shalt  }
0x80: {  	_ =	shalt  }
0x81: {  	_ =	shalt  }
0x82: {  	_ =	shalt  }
0x83: {  	_ =	shalt  }
0x84: {  	_ =	shalt  }
0x85: {  	_ =	shalt  }
0x86: {  	_ =	shalt  }
0x87: {  	_ =	shalt  }
.Lfunc_end0:
.L_simem_size_0:
called_computation.2_lowered:
.L_overlay_start_0:
0x88: {  	s2 =	sld [smem:$0x3FD9]  }
0x89: {  	s3 =	sld [smem:$0x3FFE];
	_ =	sdelay $0x1  }
0x8a: {  	s1 =	srdreg.scid  }
0x8b: {  	s0 =	sand.u32 $0x1, s1  }
0x8c: {  	s17 =	sshll.u32 s0, $0xA;
	s2 =	sadd.s32 s3, s2  }
0x8d: {  	s2 =	sadd.s32 s2, s17  }
0x8e: {  	[smem:$0x3FBA] =	sst s2  }
0x8f: {  	_ = 	snop  }
0x90: {  	s2 =	sld [smem:$0x3FD0];
	(tm) =	ssettm $0x1  }
0x91: {  	s18 =	sld [smem:$0x3FFB];
	_ =	sdelay $0x3  }
0x92: {  	_ =	strace s18  }
0x93: {  	s3 =	sld [smem:$0x3FFC];
	_ =	sdelay $0x3  }
0x94: {  	_ =	strace s3  }
0x95: {  	s3 =	sld [smem:$0x3FFD];
	_ =	sdelay $0x3  }
0x96: {  	_ =	strace s3  }
0x97: {  	_ =	strace $0x8FFFFFFF  }
0x98: {  	s19 =	sld [smem:$0x3FDB];
	_ =	sdelay $0x1  }
0x99: {  	s4 =	simm.s32 $_scs_section_size  }
0x9a: {  	s5 =	simm.s32 $_size__tile_overlayer_lowered;
	s6 =	simm.s32 $_tile_overlayer_lowered  }
0x9b: {  	s22 =	simm.s32 $0x1BFF;
	s21 =	sshll.u32 s6, $0x1;
	s3 =	sadd.s32 s4, s19  }
0x9c: {  	s7 =	simm.s32 $0x0;
	s20 =	sshll.u32 s5, $0x1;
	s5 =	sadd.s32 s21, s3  }
0x9d: {  	[timem:s7], [sflag:s22] =	dma.local [hbm:s5], s20  }
0x9e: {  	_ =	swait.ge [sflag:s22], s20  }
0x9f: {  	s4 =	ssub.s32 $0x0, s20;
	[sflag:s22] =	ssyncset.done $0x0  }
0xa0: {  	[sflag:s22] =	ssyncadd.s32 s4;
	_ =	sdelay $0x1  }
0xa1: {  	s23 =	simm.s32 $0x1B8B  }
0xa2: {  	_ =	swait.ge [sflag:s23], $0x1  }
0xa3: {  	[sflag:s23] =	ssyncset.done $0x0  }
0xa4: {  	s25 =	simm.s32 $0x1B8E;
	s24 =	sld [smem:$0x3FFE];
	[sflag:s23] =	ssyncadd.s32 $0xFFFFFFFF  }
0xa5: {  	s26 =	simm.s32 $execute0_lowered;
	[smem:$0x3FD2] =	sst s25  }
0xa6: {  	s5 =	sshll.u32 s26, $0x1;
	_ =	strace $0x8000004C;
	[dreg:$0x1] =	wrdreg $0xFFFFFFFF  }
0xa7: {  	s28 =	simm.s32 $_size_execute0_lowered;
	s3 =	sadd.s32 s3, s5;
	[dreg:$0x0] =	wrdreg $0x0  }
0xa8: {  	s5 =	sshll.u32 s28, $0x1;
	[dreg:$0x2] =	wrdreg s3  }
0xa9: {  	[dreg:$0x3] =	wrdreg s5  }
0xaa: {  	[dreg:$0x4] =	wrdreg $0xC0  }
0xab: {  	_ =	task [dreg:s7], $0x5FFFF  }
0xac: {  	[dreg:$0x1] =	wrdreg $0xFFFFFFFF  }
0xad: {  	[dreg:$0x0] =	wrdreg $0x60  }
0xae: {  	[dreg:$0x2] =	wrdreg s24  }
0xaf: {  	[dreg:$0x3] =	wrdreg s2  }
0xb0: {  	[dreg:$0x4] =	wrdreg $0x170000  }
0xb1: {  	[dreg:$0x5] =	wrdreg $0x9  }
0xb2: {  	_ =	task.clear_ibuf [dreg:s7], $0x6FFFF;
	_ =	strace $0x9000004C  }
0xb3: {  	s29 =	simm.s32 $0x9;
	_ =	strace $0x8000004E  }
0xb4: {  	_ =	swait.ge [sflag:s29], $0x1  }
0xb5: {  	[sflag:s29] =	ssyncadd.s32 $0xFFFFFFFF  }
0xb6: {  	_ =	strace $0x9000004E  }
0xb7: {  	_ =	sfence  }
0xb8: {  	s30 =	sld [smem:$0x0];
	_ =	sdelay $0x2  }
0xb9: {  	s31 =	sshll.u32 s1, $0xD;
	s1 =	sshrl.u32 s1, $0x2  }
0xba: {  	s3 =	sand.u32 $0x4000, s31;
	s1 =	sadd.s32 s1, s30  }
0xbb: {  	s0 =	sor.u32 s3, s0;
	s1 =	sshll.u32 s1, $0x11  }
0xbc: {  	s0 =	sor.u32 s1, s0  }
0xbd: {  	s0 =	sadd.s32 $0x8F2B, s0  }
0xbe: {  	[sflag:s0] =	ssyncadd.remote.s32 $0x1  }
0xbf: {  	_ =	sfence.sel $0xFFFF  }
0xc0: {  	[dreg:$0x0] =	wrdreg $0xFFFFFFFF;
	(pc) =	sbr.abs _section_cstart, $3  }
0xc1: {  	[dreg:$0x1] =	wrdreg $0xFFFFFFFF  }
0xc2: {  	_ =	task.clear_ibuf [dreg:s7], $0x2FFFF;
	_ =	strace $0x9FFFFFFF  }
0xc3: {  	(tm) =	ssettm $0x7FFFFFFF  }
tec
execute0_lowered:
.L_overlay_start_1:
0x0: {  	(tag) =	ssettag $0x1  }
0x1: {  	s5 =	rddreg [dreg:$0x0]  }
0x2: {  	s6 =	rddreg [dreg:$0x1]  }
0x3: {  	s1 =	rddreg [dreg:$0x2];
	s2 =	srdreg.scid  }
0x4: {  	s0 =	rddreg [dreg:$0x3];
	s3 =	simm.s32 $0x0;
	s15 =	simm.s32 $0xA000  }
0x5: {  	s16 =	simm.s32 $0x1;
	s17 =	simm.s32 $0xE000;
	s7 =	sand.u32 $0x1, s2  }
0x6: {  	s18 =	simm.s32 $0x2;
	s2 =	stileid.u32;
	s8 =	smul.u32 $0xA0000, s7  }
0x7: {  	s19 =	simm.s32 $0x4F80;
	s22 =	simm.s32 $0x0;
	s9 =	smul.u32 $0x5000, s2  }
0x8: {  	[smem:$0x7FF] =	sst s3;
	s4 =	sadd.s32 $0x3800, s5;
	s10 =	smul.u32 $0xA00, s2  }
0x9: {  	_ =	strace $0x8000004D;
	s30 =	ssub.s32 $0x2, s7;
	s12 =	smul.u32 $0x14000, s2  }
0xa: {  	s20 =	smul.u32 $0x1400, s7;
	s11 =	sshrl.u32 s30, $0x1;
	s8 =	sadd.s32 s9, s8  }
0xb: {  	s13 =	sadd.s32 s10, s5;
	s11 =	ssub.s32 s30, s11;
	s31 =	sshrl.u32 s12, $0x2  }
0xc: {  	s6 =	sadd.s32 s6, s10;
	s21 =	sadd.s32 $0xA00, s20;
	s12 =	simm.s32 $0x5000  }
0xd: {  	v0 =	vmov s20;
	s20 =	simm.s32 $0x9F00;
	s8 =	sshrl.u32 s8, $0x3;
	s7 =	sadd.s32 s31, s1  }
0xe: {  	s10 =	smax.u32 s11, $0x1;
	s11 =	simm.s32 $0x3;
	v1 =	vmov s21;
	s21 =	simm.s32 $0x9F80  }
0xf: {  	s14 =	sadd.s32 s8, s5;
	s5 =	sadd.s32 $0x2D800, s13;
	s13 =	simm.s32 $0x12000  }
0x10: {  	v2 =	vimm.f32 $0.0e+00;
	s8 =	sadd.s32 $0x37800, s14;
	s9 =	sadd.s32 $0x41800, s14;
	s14 =	simm.s32 $0x80  }
.LBB2_1:
0x11: {  	s23 =	simm.s32 $0x0;
	s24 =	simm.s32 $0x200  }
.LBB2_2:
0x12: {  	p0 =	sne.s32 s24, $0x13E00;
	[tilespmem:s23+$0x12070] =	vst v2  }
0x13: {  	[tilespmem:s23+$0x12000] =	vst v2  }
0x14: {  	[tilespmem:s23+$0x12010] =	vst v2  }
.Ltmp0:
0x15: {  	[tilespmem:s23+$0x12020] =	vst v2;
	(pc) =	sbr.rel @p0 .LBB2_2-.Ltmp0, $4  }
0x16: {  	[tilespmem:s23+$0x12030] =	vst v2  }
0x17: {  	[tilespmem:s23+$0x12040] =	vst v2  }
0x18: {  	[tilespmem:s23+$0x12050] =	vst v2  }
0x19: {  	[tilespmem:s23+$0x12060] =	vst v2;
	s23 =	sshra.s32 s24, $0x2;
	s24 =	sadd.s32 $0x200, s24  }
0x1a: {  	[tilespmem:s23+$0x12070] =	vst v2  }
0x1b: {  	[tilespmem:s23+$0x12000] =	vst v2  }
0x1c: {  	[tilespmem:s23+$0x12010] =	vst v2  }
0x1d: {  	[tilespmem:s23+$0x12020] =	vst v2  }
0x1e: {  	[tilespmem:s23+$0x12030] =	vst v2  }
0x1f: {  	[tilespmem:s23+$0x12040] =	vst v2  }
0x20: {  	[tilespmem:s23+$0x12050] =	vst v2  }
0x21: {  	[tilespmem:s23+$0x12060] =	vst v2;
	s31 =	simm.s32 $0x0  }
0x22: {  	[tilespmem:s31], [sflag:$0x3] =	stream.linear.gather [hbm4b:s5+s31], $0x5000, $0x38;
	[tilespmem:$0x1C000] =	vst v63  }
0x23: {  	_ =	swait.ge [sflag:s11], $0x5000  }
0x24: {  	[sflag:s11] =	ssyncset.done $0x0  }
0x25: {  	[sflag:s11] =	ssyncadd.s32 $0xFFFFB000  }
0x26: {  	[tilespmem:s12], [sflag:$0x3] =	stream.linear.gather [hbm4b:s6+s31], $0x5000, $0x38;
	[tilespmem:$0x1C000] =	vst v63  }
0x27: {  	_ =	swait.ge [sflag:s11], $0x5000  }
0x28: {  	[sflag:s11] =	ssyncset.done $0x0  }
0x29: {  	s23 =	simm.s32 $0x0;
	[sflag:s11] =	ssyncadd.s32 $0xFFFFB000  }
0x2a: {  	v6 =	vld [tilespmem:s23+$0x0]  }
0x2b: {  	v4 =	vld [tilespmem:s23+$0x5030]  }
0x2c: {  	v9 =	vld [tilespmem:s23+$0x5000]  }
0x2d: {  	v7 =	vld [tilespmem:s23+$0x20]  }
0x2e: {  	v8 =	vld [tilespmem:s23+$0x30]  }
0x2f: {  	v3 =	vld [tilespmem:s23+$0x10]  }
0x30: {  	v11 =	vld [tilespmem:s23+$0x5020]  }
0x31: {  	v14 =	vld [tilespmem:s23+$0x5060]  }
0x32: {  	v5 =	vld [tilespmem:s23+$0x50]  }
0x33: {  	v10 =	vld [tilespmem:s23+$0x5010];
	v15 =	vsub.s32 v4, v0  }
0x34: {  	v12 =	vld [tilespmem:s23+$0x5050];
	vm0 =	vlt.u32 v15, $0xA00  }
0x35: {  	v4 =	vld [tilespmem:s23+$0x40];
	v13 =	vnsel vm0, $0x2710, v8  }
0x36: {  	v16 =	vsub.s32 v11, v0;
	v11 =	vld [tilespmem:s23+$0x5040];
	v14 =	vsub.s32 v14, v0;
	[tilespmem:s23+$0x30] =	vst v13;
	v13 =	vsub.s32 v9, v0  }
0x37: {  	vm2 =	vlt.u32 v16, $0xA00;
	v8 =	vld [tilespmem:s23+$0x5070];
	v9 =	vnsel vm0, $0x0, v15;
	vm1 =	vlt.u32 v13, $0xA00  }
0x38: {  	s24 =	simm.s32 $0x200;
	vm0 =	vlt.u32 v14, $0xA00;
	[tilespmem:s23+$0x5030] =	vst v9;
	v9 =	vnsel vm2, $0x0, v16;
	v15 =	vnsel vm1, $0x2710, v6;
	v6 =	vld [tilespmem:s23+$0x70]  }
.LBB2_4:
0x39: {  	s25 =	sshra.s32 s24, $0x2;
	p0 =	sne.s32 s24, $0x13E00;
	s24 =	sadd.s32 $0x200, s24;
	[tilespmem:s23+$0x0] =	vst v15;
	v10 =	vsub.s32 v10, v0;
	v7 =	vnsel vm2, $0x2710, v7;
	v15 =	vld [tilespmem:s23+$0x60]  }
0x3a: {  	v13 =	vnsel vm1, $0x0, v13;
	v16 =	vld [tilespmem:s25+$0x0];
	vm1 =	vlt.u32 v10, $0xA00;
	[tilespmem:s23+$0x20] =	vst v7;
	v12 =	vsub.s32 v12, v0  }
0x3b: {  	v7 =	vnsel vm0, $0x0, v14;
	v17 =	vld [tilespmem:s25+$0x5030];
	[tilespmem:s23+$0x5000] =	vst v13;
	vm2 =	vlt.u32 v12, $0xA00  }
0x3c: {  	v10 =	vnsel vm1, $0x0, v10;
	v13 =	vld [tilespmem:s25+$0x5000];
	v11 =	vsub.s32 v11, v0;
	v5 =	vnsel vm2, $0x2710, v5;
	[tilespmem:s23+$0x5060] =	vst v7  }
0x3d: {  	v3 =	vnsel vm1, $0x2710, v3;
	v12 =	vnsel vm2, $0x0, v12;
	v7 =	vld [tilespmem:s25+$0x20];
	vm1 =	vlt.u32 v11, $0xA00;
	[tilespmem:s23+$0x50] =	vst v5  }
0x3e: {  	v8 =	vsub.s32 v8, v0;
	v14 =	vld [tilespmem:s25+$0x30];
	[tilespmem:s23+$0x10] =	vst v3;
	v11 =	vnsel vm1, $0x0, v11;
	v15 =	vnsel vm0, $0x2710, v15  }
0x3f: {  	v4 =	vnsel vm1, $0x2710, v4;
	v3 =	vld [tilespmem:s25+$0x10];
	[tilespmem:s23+$0x5010] =	vst v10  }
0x40: {  	v5 =	vld [tilespmem:s25+$0x50];
	[tilespmem:s23+$0x5020] =	vst v9  }
0x41: {  	v9 =	vld [tilespmem:s25+$0x5020];
	[tilespmem:s23+$0x60] =	vst v15  }
0x42: {  	vm0 =	vlt.u32 v8, $0xA00;
	v15 =	vsub.s32 v17, v0;
	v17 =	vld [tilespmem:s25+$0x5060];
	[tilespmem:s23+$0x5050] =	vst v12  }
0x43: {  	v8 =	vnsel vm0, $0x0, v8;
	vm2 =	vlt.u32 v15, $0xA00;
	v10 =	vld [tilespmem:s25+$0x5010];
	[tilespmem:s23+$0x40] =	vst v4  }
.Ltmp1:
0x44: {  	v6 =	vnsel vm0, $0x2710, v6;
	v13 =	vsub.s32 v13, v0;
	v18 =	vnsel vm2, $0x0, v15;
	v4 =	vld [tilespmem:s25+$0x40];
	[tilespmem:s23+$0x5070] =	vst v8;
	(pc) =	sbr.rel @p0 .LBB2_4-.Ltmp1, $4  }
0x45: {  	vm1 =	vlt.u32 v13, $0xA00;
	v12 =	vld [tilespmem:s25+$0x5050];
	[tilespmem:s23+$0x70] =	vst v6  }
0x46: {  	v6 =	vsub.s32 v9, v0;
	v9 =	vnsel vm2, $0x2710, v14;
	v8 =	vld [tilespmem:s25+$0x5070];
	[tilespmem:s23+$0x5040] =	vst v11;
	s23 =	smov.u32 s25  }
0x47: {  	vm2 =	vlt.u32 v6, $0xA00;
	[tilespmem:s23+$0x30] =	vst v9;
	v11 =	vld [tilespmem:s23+$0x5040];
	v14 =	vsub.s32 v17, v0  }
0x48: {  	v15 =	vnsel vm1, $0x2710, v16;
	v9 =	vnsel vm2, $0x0, v6;
	[tilespmem:s23+$0x5030] =	vst v18;
	vm0 =	vlt.u32 v14, $0xA00;
	v6 =	vld [tilespmem:s23+$0x70]  }
0x49: {  	[tilespmem:s23+$0x0] =	vst v15  }
0x4a: {  	v7 =	vnsel vm2, $0x2710, v7;
	[tilespmem:s23+$0x5020] =	vst v9  }
0x4b: {  	v13 =	vnsel vm1, $0x0, v13;
	v10 =	vsub.s32 v10, v0;
	[tilespmem:s23+$0x20] =	vst v7  }
0x4c: {  	v59 =	vnsel vm0, $0x0, v14;
	[tilespmem:s23+$0x5000] =	vst v13;
	vm13 =	vlt.u32 v10, $0xA00  }
0x4d: {  	v58 =	vsub.s32 v12, v0;
	[tilespmem:s23+$0x5060] =	vst v59;
	v3 =	vnsel vm13, $0x2710, v3  }
0x4e: {  	v57 =	vld [tilespmem:s23+$0x60];
	vm12 =	vlt.u32 v58, $0xA00;
	v60 =	vnsel vm13, $0x0, v10;
	[tilespmem:s23+$0x10] =	vst v3  }
0x4f: {  	v8 =	vsub.s32 v8, v0;
	v5 =	vnsel vm12, $0x2710, v5;
	[tilespmem:s23+$0x5010] =	vst v60  }
0x50: {  	v7 =	vnsel vm12, $0x0, v58;
	vm15 =	vlt.u32 v8, $0xA00;
	[tilespmem:s23+$0x50] =	vst v5  }
0x51: {  	[tilespmem:s23+$0x5050] =	vst v7;
	v62 =	vnsel vm15, $0x0, v8  }
0x52: {  	v3 =	vsub.s32 v11, v0;
	v63 =	vnsel vm15, $0x2710, v6;
	[tilespmem:s23+$0x5070] =	vst v62  }
0x53: {  	vm14 =	vlt.u32 v3, $0xA00;
	v61 =	vnsel vm0, $0x2710, v57;
	[tilespmem:s23+$0x70] =	vst v63  }
0x54: {  	v4 =	vnsel vm14, $0x2710, v4;
	[tilespmem:s23+$0x60] =	vst v61  }
0x55: {  	v3 =	vnsel vm14, $0x0, v3;
	[tilespmem:s23+$0x40] =	vst v4  }
0x56: {  	[tilespmem:s23+$0x5040] =	vst v3  }
0x57: {  	[spmem:s7] =	stream.linear.scatter [tilespmem:s13], [sflag:$0x3], $0x5000, $0x38;
	[tilespmem:$0x1C000] =	vst v63  }
0x58: {  	_ =	swait.ge [sflag:s11], $0x5000  }
0x59: {  	[sflag:s11] =	ssyncset.done $0x0  }
0x5a: {  	[sflag:s11] =	ssyncadd.s32 $0xFFFFB000  }
0x5b: {  	s26 =	simm.s32 $0x0;
	[bflag:$0x0] =	sbarrier.arrive $0xFFFF  }
0x5c: {  	[tilespmem:s15], [sflag:$0x1] =	stream.indirect.gather [hbm4b:s4+s14], $0x80, s26, s14, $0xb8;
	[tilespmem:$0x1C000] =	vst v63  }
0x5d: {  	_ =	swait.ge [sflag:s16], $0x4000  }
0x5e: {  	[sflag:s16] =	ssyncset.done $0x0  }
0x5f: {  	s28 =	simm.s32 $0x80;
	[sflag:s16] =	ssyncadd.s32 $0xFFFFC000  }
0x60: {  	[tilespmem:s17], [sflag:$0x2] =	stream.indirect.gather [hbm4b:s4+s14], $0x80, s28, s14, $0xb8;
	[tilespmem:$0x1C000] =	vst v63  }
0x61: {  	s29 =	simm.s32 $0x5000  }
0x62: {  	[spmem:s1] =	stream.indirect.scatter.add.f32 [tilespmem:s15], [sflag:$0x3], $0x80, s29, s14, $0xb8;
	[tilespmem:$0x1C000] =	vst v63  }
0x63: {  	_ =	swait.ge [sflag:s11], $0x4000  }
0x64: {  	[sflag:s11] =	ssyncset.done $0x0  }
0x65: {  	[sflag:s11] =	ssyncadd.s32 $0xFFFFC000  }
0x66: {  	_ =	swait.ge [sflag:s18], $0x4000  }
0x67: {  	[sflag:s18] =	ssyncset.done $0x0  }
0x68: {  	s30 =	simm.s32 $0x100;
	[sflag:s18] =	ssyncadd.s32 $0xFFFFC000  }
0x69: {  	[tilespmem:s15], [sflag:$0x1] =	stream.indirect.gather [hbm4b:s4+s14], $0x80, s30, s14, $0xb8;
	[tilespmem:$0x1C000] =	vst v63  }
0x6a: {  	s31 =	simm.s32 $0x5080  }
0x6b: {  	[spmem:s1] =	stream.indirect.scatter.add.f32 [tilespmem:s17], [sflag:$0x3], $0x80, s31, s14, $0xb8;
	[tilespmem:$0x1C000] =	vst v63  }
0x6c: {  	_ =	swait.ge [sflag:s11], $0x4000  }
0x6d: {  	s23 =	simm.s32 $0x400;
	[sflag:s11] =	ssyncset.done $0x0  }
.LBB2_6:
0x6e: {  	p0 =	sne.s32 s23, $0x13800  }
0x6f: {  	[sflag:s11] =	ssyncadd.s32 $0xFFFFC000;
	s24 =	smov.u32 s23;
	s23 =	sadd.s32 $0x400, s23  }
0x70: {  	_ = 	snop  }
0x71: {  	_ =	swait.ge [sflag:s16], $0x4000  }
0x72: {  	s24 =	sshra.s32 s24, $0x2;
	[sflag:s16] =	ssyncset.done $0x0  }
0x73: {  	s25 =	sadd.s32 $0x80, s24;
	[sflag:s16] =	ssyncadd.s32 $0xFFFFC000  }
0x74: {  	[tilespmem:s17], [sflag:$0x2] =	stream.indirect.gather [hbm4b:s4+s14], $0x80, s25, s14, $0xb8;
	[tilespmem:$0x1C000] =	vst v63  }
0x75: {  	s25 =	sadd.s32 $0x5000, s24  }
0x76: {  	[spmem:s1] =	stream.indirect.scatter.add.f32 [tilespmem:s15], [sflag:$0x3], $0x80, s25, s14, $0xb8;
	[tilespmem:$0x1C000] =	vst v63  }
0x77: {  	_ =	swait.ge [sflag:s11], $0x4000  }
0x78: {  	[sflag:s11] =	ssyncset.done $0x0  }
0x79: {  	[sflag:s11] =	ssyncadd.s32 $0xFFFFC000  }
0x7a: {  	_ =	swait.ge [sflag:s18], $0x4000  }
0x7b: {  	[sflag:s18] =	ssyncset.done $0x0  }
0x7c: {  	s25 =	sadd.s32 $0x100, s24;
	[sflag:s18] =	ssyncadd.s32 $0xFFFFC000  }
0x7d: {  	[tilespmem:s15], [sflag:$0x1] =	stream.indirect.gather [hbm4b:s4+s14], $0x80, s25, s14, $0xb8;
	[tilespmem:$0x1C000] =	vst v63  }
.Ltmp2:
0x7e: {  	_ = 	snop;
	(pc) =	sbr.rel @p0 .LBB2_6-.Ltmp2, $4  }
0x7f: {  	s24 =	sadd.s32 $0x5080, s24  }
0x80: {  	[spmem:s1] =	stream.indirect.scatter.add.f32 [tilespmem:s17], [sflag:$0x3], $0x80, s24, s14, $0xb8;
	[tilespmem:$0x1C000] =	vst v63  }
0x81: {  	_ =	swait.ge [sflag:s11], $0x4000  }
0x82: {  	[sflag:s11] =	ssyncset.done $0x0  }
0x83: {  	[sflag:s11] =	ssyncadd.s32 $0xFFFFC000  }
0x84: {  	_ =	swait.ge [sflag:s16], $0x4000  }
0x85: {  	[sflag:s16] =	ssyncset.done $0x0  }
0x86: {  	[sflag:s16] =	ssyncadd.s32 $0xFFFFC000  }
0x87: {  	[tilespmem:s17], [sflag:$0x2] =	stream.indirect.gather [hbm4b:s4+s14], $0x80, s19, s14, $0xb8;
	[tilespmem:$0x1C000] =	vst v63  }
0x88: {  	_ = 	snop  }
0x89: {  	[spmem:s1] =	stream.indirect.scatter.add.f32 [tilespmem:s15], [sflag:$0x3], $0x80, s20, s14, $0xb8;
	[tilespmem:$0x1C000] =	vst v63  }
0x8a: {  	_ =	swait.ge [sflag:s11], $0x4000  }
0x8b: {  	[sflag:s11] =	ssyncset.done $0x0  }
0x8c: {  	[sflag:s11] =	ssyncadd.s32 $0xFFFFC000  }
0x8d: {  	_ =	swait.ge [sflag:s18], $0x4000  }
0x8e: {  	[sflag:s18] =	ssyncset.done $0x0  }
0x8f: {  	s25 =	simm.s32 $0x0;
	[sflag:s18] =	ssyncadd.s32 $0xFFFFC000  }
0x90: {  	[tilespmem:s15], [sflag:$0x1] =	stream.indirect.gather [hbm4b:s4+s14], $0x80, s25, s14, $0xb8;
	[tilespmem:$0x1C000] =	vst v63  }
0x91: {  	_ = 	snop  }
0x92: {  	[spmem:s1] =	stream.indirect.scatter.add.f32 [tilespmem:s17], [sflag:$0x3], $0x80, s21, s14, $0xb8;
	[tilespmem:$0x1C000] =	vst v63  }
0x93: {  	_ =	swait.ge [sflag:s11], $0x4000  }
0x94: {  	[sflag:s11] =	ssyncset.done $0x0  }
0x95: {  	[sflag:s11] =	ssyncadd.s32 $0xFFFFC000  }
0x96: {  	_ =	swait.ge [sflag:s16], $0x4000  }
0x97: {  	[sflag:s16] =	ssyncset.done $0x0  }
0x98: {  	s23 =	sshll.u32 s2, $0x6;
	[sflag:s16] =	ssyncadd.s32 $0xFFFFC000  }
0x99: {  	s24 =	sshrl.u32 s7, $0x3;
	s23 =	sor.u32 $0x1C03, s23;
	[bflag:$0x0] =	sbarrier.arrive $0xFFFF  }
0x9a: {  	[hbm:s8], [sflag:s23] =	dma.local [spmem:s24], $0xA00  }
0x9b: {  	_ =	swait.ge [sflag:s11], $0xA00  }
0x9c: {  	[sflag:s11] =	ssyncset.done $0x0  }
0x9d: {  	[sflag:s11] =	ssyncadd.s32 $0xFFFFF600  }
0x9e: {  	[tilespmem:s25], [sflag:$0x3] =	stream.linear.gather [hbm4b:s5+s25], $0x5000, $0x38;
	[tilespmem:$0x1C000] =	vst v63  }
0x9f: {  	_ =	swait.ge [sflag:s11], $0x5000  }
0xa0: {  	[sflag:s11] =	ssyncset.done $0x0  }
0xa1: {  	[sflag:s11] =	ssyncadd.s32 $0xFFFFB000  }
0xa2: {  	[tilespmem:s12], [sflag:$0x3] =	stream.linear.gather [hbm4b:s6+s25], $0x5000, $0x38;
	[tilespmem:$0x1C000] =	vst v63  }
0xa3: {  	_ =	swait.ge [sflag:s11], $0x5000  }
0xa4: {  	[sflag:s11] =	ssyncset.done $0x0  }
0xa5: {  	s25 =	simm.s32 $0x0;
	[sflag:s11] =	ssyncadd.s32 $0xFFFFB000  }
0xa6: {  	v6 =	vld [tilespmem:s25+$0x0]  }
0xa7: {  	v4 =	vld [tilespmem:s25+$0x5030]  }
0xa8: {  	v9 =	vld [tilespmem:s25+$0x5000]  }
0xa9: {  	v7 =	vld [tilespmem:s25+$0x20]  }
0xaa: {  	v8 =	vld [tilespmem:s25+$0x30]  }
0xab: {  	v3 =	vld [tilespmem:s25+$0x10]  }
0xac: {  	v11 =	vld [tilespmem:s25+$0x5020]  }
0xad: {  	v14 =	vld [tilespmem:s25+$0x5060]  }
0xae: {  	v5 =	vld [tilespmem:s25+$0x50]  }
0xaf: {  	v10 =	vld [tilespmem:s25+$0x5010];
	v15 =	vsub.s32 v4, v1  }
0xb0: {  	v12 =	vld [tilespmem:s25+$0x5050];
	vm0 =	vlt.u32 v15, $0xA00  }
0xb1: {  	v4 =	vld [tilespmem:s25+$0x40];
	v13 =	vnsel vm0, $0x2710, v8  }
0xb2: {  	v16 =	vsub.s32 v11, v1;
	v11 =	vld [tilespmem:s25+$0x5040];
	v14 =	vsub.s32 v14, v1;
	[tilespmem:s25+$0x30] =	vst v13;
	v13 =	vsub.s32 v9, v1  }
0xb3: {  	vm2 =	vlt.u32 v16, $0xA00;
	v8 =	vld [tilespmem:s25+$0x5070];
	v9 =	vnsel vm0, $0x0, v15;
	vm1 =	vlt.u32 v13, $0xA00  }
0xb4: {  	s26 =	simm.s32 $0x200;
	vm0 =	vlt.u32 v14, $0xA00;
	[tilespmem:s25+$0x5030] =	vst v9;
	v9 =	vnsel vm2, $0x0, v16;
	v15 =	vnsel vm1, $0x2710, v6;
	v6 =	vld [tilespmem:s25+$0x70]  }
.LBB2_8:
0xb5: {  	s28 =	sshra.s32 s26, $0x2;
	p0 =	sne.s32 s26, $0x13E00;
	s26 =	sadd.s32 $0x200, s26;
	[tilespmem:s25+$0x0] =	vst v15;
	v10 =	vsub.s32 v10, v1;
	v7 =	vnsel vm2, $0x2710, v7;
	v15 =	vld [tilespmem:s25+$0x60]  }
0xb6: {  	v13 =	vnsel vm1, $0x0, v13;
	v16 =	vld [tilespmem:s28+$0x0];
	vm1 =	vlt.u32 v10, $0xA00;
	[tilespmem:s25+$0x20] =	vst v7;
	v12 =	vsub.s32 v12, v1  }
0xb7: {  	v7 =	vnsel vm0, $0x0, v14;
	v17 =	vld [tilespmem:s28+$0x5030];
	[tilespmem:s25+$0x5000] =	vst v13;
	vm2 =	vlt.u32 v12, $0xA00  }
0xb8: {  	v10 =	vnsel vm1, $0x0, v10;
	v13 =	vld [tilespmem:s28+$0x5000];
	v11 =	vsub.s32 v11, v1;
	v5 =	vnsel vm2, $0x2710, v5;
	[tilespmem:s25+$0x5060] =	vst v7  }
0xb9: {  	v3 =	vnsel vm1, $0x2710, v3;
	v12 =	vnsel vm2, $0x0, v12;
	v7 =	vld [tilespmem:s28+$0x20];
	vm1 =	vlt.u32 v11, $0xA00;
	[tilespmem:s25+$0x50] =	vst v5  }
0xba: {  	v8 =	vsub.s32 v8, v1;
	v14 =	vld [tilespmem:s28+$0x30];
	[tilespmem:s25+$0x10] =	vst v3;
	v11 =	vnsel vm1, $0x0, v11;
	v15 =	vnsel vm0, $0x2710, v15  }
0xbb: {  	v4 =	vnsel vm1, $0x2710, v4;
	v3 =	vld [tilespmem:s28+$0x10];
	[tilespmem:s25+$0x5010] =	vst v10  }
0xbc: {  	v5 =	vld [tilespmem:s28+$0x50];
	[tilespmem:s25+$0x5020] =	vst v9  }
0xbd: {  	v9 =	vld [tilespmem:s28+$0x5020];
	[tilespmem:s25+$0x60] =	vst v15  }
0xbe: {  	vm0 =	vlt.u32 v8, $0xA00;
	v15 =	vsub.s32 v17, v1;
	v17 =	vld [tilespmem:s28+$0x5060];
	[tilespmem:s25+$0x5050] =	vst v12  }
0xbf: {  	v8 =	vnsel vm0, $0x0, v8;
	vm2 =	vlt.u32 v15, $0xA00;
	v10 =	vld [tilespmem:s28+$0x5010];
	[tilespmem:s25+$0x40] =	vst v4  }
.Ltmp3:
0xc0: {  	v6 =	vnsel vm0, $0x2710, v6;
	v13 =	vsub.s32 v13, v1;
	v18 =	vnsel vm2, $0x0, v15;
	v4 =	vld [tilespmem:s28+$0x40];
	[tilespmem:s25+$0x5070] =	vst v8;
	(pc) =	sbr.rel @p0 .LBB2_8-.Ltmp3, $4  }
0xc1: {  	vm1 =	vlt.u32 v13, $0xA00;
	v12 =	vld [tilespmem:s28+$0x5050];
	[tilespmem:s25+$0x70] =	vst v6  }
0xc2: {  	v6 =	vsub.s32 v9, v1;
	v9 =	vnsel vm2, $0x2710, v14;
	v8 =	vld [tilespmem:s28+$0x5070];
	[tilespmem:s25+$0x5040] =	vst v11;
	s25 =	smov.u32 s28  }
0xc3: {  	vm2 =	vlt.u32 v6, $0xA00;
	[tilespmem:s25+$0x30] =	vst v9;
	v11 =	vld [tilespmem:s25+$0x5040];
	v14 =	vsub.s32 v17, v1  }
0xc4: {  	v15 =	vnsel vm1, $0x2710, v16;
	v9 =	vnsel vm2, $0x0, v6;
	[tilespmem:s25+$0x5030] =	vst v18;
	vm0 =	vlt.u32 v14, $0xA00;
	v6 =	vld [tilespmem:s25+$0x70]  }
0xc5: {  	[tilespmem:s25+$0x0] =	vst v15  }
0xc6: {  	v7 =	vnsel vm2, $0x2710, v7;
	[tilespmem:s25+$0x5020] =	vst v9  }
0xc7: {  	v13 =	vnsel vm1, $0x0, v13;
	v10 =	vsub.s32 v10, v1;
	[tilespmem:s25+$0x20] =	vst v7  }
0xc8: {  	v59 =	vnsel vm0, $0x0, v14;
	[tilespmem:s25+$0x5000] =	vst v13;
	vm13 =	vlt.u32 v10, $0xA00  }
0xc9: {  	v58 =	vsub.s32 v12, v1;
	[tilespmem:s25+$0x5060] =	vst v59;
	v3 =	vnsel vm13, $0x2710, v3  }
0xca: {  	v57 =	vld [tilespmem:s25+$0x60];
	vm12 =	vlt.u32 v58, $0xA00;
	v60 =	vnsel vm13, $0x0, v10;
	[tilespmem:s25+$0x10] =	vst v3  }
0xcb: {  	v8 =	vsub.s32 v8, v1;
	v5 =	vnsel vm12, $0x2710, v5;
	[tilespmem:s25+$0x5010] =	vst v60  }
0xcc: {  	v7 =	vnsel vm12, $0x0, v58;
	vm15 =	vlt.u32 v8, $0xA00;
	[tilespmem:s25+$0x50] =	vst v5  }
0xcd: {  	[tilespmem:s25+$0x5050] =	vst v7;
	v62 =	vnsel vm15, $0x0, v8  }
0xce: {  	v3 =	vsub.s32 v11, v1;
	v63 =	vnsel vm15, $0x2710, v6;
	[tilespmem:s25+$0x5070] =	vst v62  }
0xcf: {  	vm14 =	vlt.u32 v3, $0xA00;
	v61 =	vnsel vm0, $0x2710, v57;
	[tilespmem:s25+$0x70] =	vst v63  }
0xd0: {  	v4 =	vnsel vm14, $0x2710, v4;
	[tilespmem:s25+$0x60] =	vst v61  }
0xd1: {  	v3 =	vnsel vm14, $0x0, v3;
	[tilespmem:s25+$0x40] =	vst v4  }
0xd2: {  	[tilespmem:s25+$0x5040] =	vst v3  }
0xd3: {  	[spmem:s7] =	stream.linear.scatter [tilespmem:s13], [sflag:$0x3], $0x5000, $0x38;
	[tilespmem:$0x1C000] =	vst v63  }
0xd4: {  	_ =	swait.ge [sflag:s11], $0x5000  }
0xd5: {  	[sflag:s11] =	ssyncset.done $0x0  }
0xd6: {  	[sflag:s11] =	ssyncadd.s32 $0xFFFFB000  }
0xd7: {  	s26 =	simm.s32 $0x0;
	[bflag:$0x0] =	sbarrier.arrive $0xFFFF  }
0xd8: {  	[tilespmem:s15], [sflag:$0x1] =	stream.indirect.gather [hbm4b:s4+s14], $0x80, s26, s14, $0xb8;
	[tilespmem:$0x1C000] =	vst v63  }
0xd9: {  	_ =	swait.ge [sflag:s16], $0x4000  }
0xda: {  	[sflag:s16] =	ssyncset.done $0x0  }
0xdb: {  	s28 =	simm.s32 $0x80;
	[sflag:s16] =	ssyncadd.s32 $0xFFFFC000  }
0xdc: {  	[tilespmem:s17], [sflag:$0x2] =	stream.indirect.gather [hbm4b:s4+s14], $0x80, s28, s14, $0xb8;
	[tilespmem:$0x1C000] =	vst v63  }
0xdd: {  	s29 =	simm.s32 $0x5000  }
0xde: {  	[spmem:s1] =	stream.indirect.scatter.add.f32 [tilespmem:s15], [sflag:$0x3], $0x80, s29, s14, $0xb8;
	[tilespmem:$0x1C000] =	vst v63  }
0xdf: {  	_ =	swait.ge [sflag:s11], $0x4000  }
0xe0: {  	[sflag:s11] =	ssyncset.done $0x0  }
0xe1: {  	[sflag:s11] =	ssyncadd.s32 $0xFFFFC000  }
0xe2: {  	_ =	swait.ge [sflag:s18], $0x4000  }
0xe3: {  	[sflag:s18] =	ssyncset.done $0x0  }
0xe4: {  	s30 =	simm.s32 $0x100;
	[sflag:s18] =	ssyncadd.s32 $0xFFFFC000  }
0xe5: {  	[tilespmem:s15], [sflag:$0x1] =	stream.indirect.gather [hbm4b:s4+s14], $0x80, s30, s14, $0xb8;
	[tilespmem:$0x1C000] =	vst v63  }
0xe6: {  	s31 =	simm.s32 $0x5080  }
0xe7: {  	[spmem:s1] =	stream.indirect.scatter.add.f32 [tilespmem:s17], [sflag:$0x3], $0x80, s31, s14, $0xb8;
	[tilespmem:$0x1C000] =	vst v63  }
0xe8: {  	_ =	swait.ge [sflag:s11], $0x4000  }
0xe9: {  	s25 =	simm.s32 $0x400;
	[sflag:s11] =	ssyncset.done $0x0  }
.LBB2_10:
0xea: {  	p0 =	sne.s32 s25, $0x13800  }
0xeb: {  	[sflag:s11] =	ssyncadd.s32 $0xFFFFC000;
	s26 =	smov.u32 s25;
	s25 =	sadd.s32 $0x400, s25  }
0xec: {  	_ = 	snop  }
0xed: {  	_ =	swait.ge [sflag:s16], $0x4000  }
0xee: {  	s26 =	sshra.s32 s26, $0x2;
	[sflag:s16] =	ssyncset.done $0x0  }
0xef: {  	s28 =	sadd.s32 $0x80, s26;
	[sflag:s16] =	ssyncadd.s32 $0xFFFFC000  }
0xf0: {  	[tilespmem:s17], [sflag:$0x2] =	stream.indirect.gather [hbm4b:s4+s14], $0x80, s28, s14, $0xb8;
	[tilespmem:$0x1C000] =	vst v63  }
0xf1: {  	s28 =	sadd.s32 $0x5000, s26  }
0xf2: {  	[spmem:s1] =	stream.indirect.scatter.add.f32 [tilespmem:s15], [sflag:$0x3], $0x80, s28, s14, $0xb8;
	[tilespmem:$0x1C000] =	vst v63  }
0xf3: {  	_ =	swait.ge [sflag:s11], $0x4000  }
0xf4: {  	[sflag:s11] =	ssyncset.done $0x0  }
0xf5: {  	[sflag:s11] =	ssyncadd.s32 $0xFFFFC000  }
0xf6: {  	_ =	swait.ge [sflag:s18], $0x4000  }
0xf7: {  	[sflag:s18] =	ssyncset.done $0x0  }
0xf8: {  	s28 =	sadd.s32 $0x100, s26;
	[sflag:s18] =	ssyncadd.s32 $0xFFFFC000  }
0xf9: {  	[tilespmem:s15], [sflag:$0x1] =	stream.indirect.gather [hbm4b:s4+s14], $0x80, s28, s14, $0xb8;
	[tilespmem:$0x1C000] =	vst v63  }
.Ltmp4:
0xfa: {  	_ = 	snop;
	(pc) =	sbr.rel @p0 .LBB2_10-.Ltmp4, $4  }
0xfb: {  	s26 =	sadd.s32 $0x5080, s26  }
0xfc: {  	[spmem:s1] =	stream.indirect.scatter.add.f32 [tilespmem:s17], [sflag:$0x3], $0x80, s26, s14, $0xb8;
	[tilespmem:$0x1C000] =	vst v63  }
0xfd: {  	_ =	swait.ge [sflag:s11], $0x4000  }
0xfe: {  	[sflag:s11] =	ssyncset.done $0x0  }
0xff: {  	[sflag:s11] =	ssyncadd.s32 $0xFFFFC000  }
0x100: {  	_ =	swait.ge [sflag:s16], $0x4000  }
0x101: {  	[sflag:s16] =	ssyncset.done $0x0  }
0x102: {  	[sflag:s16] =	ssyncadd.s32 $0xFFFFC000  }
0x103: {  	[tilespmem:s17], [sflag:$0x2] =	stream.indirect.gather [hbm4b:s4+s14], $0x80, s19, s14, $0xb8;
	[tilespmem:$0x1C000] =	vst v63  }
0x104: {  	_ = 	snop  }
0x105: {  	[spmem:s1] =	stream.indirect.scatter.add.f32 [tilespmem:s15], [sflag:$0x3], $0x80, s20, s14, $0xb8;
	[tilespmem:$0x1C000] =	vst v63  }
0x106: {  	_ =	swait.ge [sflag:s11], $0x4000  }
0x107: {  	[sflag:s11] =	ssyncset.done $0x0  }
0x108: {  	[sflag:s11] =	ssyncadd.s32 $0xFFFFC000  }
0x109: {  	_ =	swait.ge [sflag:s18], $0x4000  }
0x10a: {  	[sflag:s18] =	ssyncset.done $0x0  }
0x10b: {  	[sflag:s18] =	ssyncadd.s32 $0xFFFFC000  }
0x10c: {  	[tilespmem:s15], [sflag:$0x1] =	stream.indirect.gather [hbm4b:s4+s14], $0x80, s3, s14, $0xb8;
	[tilespmem:$0x1C000] =	vst v63  }
0x10d: {  	_ = 	snop  }
0x10e: {  	[spmem:s1] =	stream.indirect.scatter.add.f32 [tilespmem:s17], [sflag:$0x3], $0x80, s21, s14, $0xb8;
	[tilespmem:$0x1C000] =	vst v63  }
0x10f: {  	_ =	swait.ge [sflag:s11], $0x4000  }
0x110: {  	[sflag:s11] =	ssyncset.done $0x0  }
0x111: {  	[sflag:s11] =	ssyncadd.s32 $0xFFFFC000  }
0x112: {  	_ =	swait.ge [sflag:s16], $0x4000  }
0x113: {  	s22 =	sadd.s32 $0x1, s22;
	[sflag:s16] =	ssyncset.done $0x0  }
0x114: {  	p0 =	sne.s32 s22, s10;
	[sflag:s16] =	ssyncadd.s32 $0xFFFFC000  }
.Ltmp5:
0x115: {  	[bflag:$0x0] =	sbarrier.arrive $0xFFFF;
	(pc) =	sbr.rel @p0 .LBB2_1-.Ltmp5, $4  }
0x116: {  	[hbm:s9], [sflag:s23] =	dma.local [spmem:s24], $0xA00  }
0x117: {  	_ =	swait.ge [sflag:s11], $0xA00  }
0x118: {  	[sflag:s11] =	ssyncset.done $0x0  }
0x119: {  	[sflag:s11] =	ssyncadd.s32 $0xFFFFF600  }
0x11a: {  	_ =	sfence.sel $0x180000  }
0x11b: {  	[bflag:$0x0] =	sbarrier.arrive $0xFFFF  }
0x11c: {  	p0 =	sne.s32 s2, $0x0;
	_ =	strace $0x9000004D  }
0x11d: {  	s0 =	sadd.s32 @!p0 $0x100000, s0;
	[bflag:$0x2] =	sbarrier.arrive $0xFFFF  }
0x11e: {  	[sflag:s0] =	ssyncadd.tile.s32 @!p0 $0x1;
	_ =	shalt  }
.Lfunc_end2:
_tile_overlayer_lowered:
.L_overlay_start_2:
0x11f: {  	(tag) =	ssettag $0x2  }
0x120: {  	s0 =	rddreg [dreg:$0x0];
	s2 =	stileid.u32  }
0x121: {  	s1 =	rddreg [dreg:$0x1];
	p0 =	sne.s32 s2, $0x0  }
0x122: {  	s3 =	rddreg [dreg:$0x2];
	[bflag:$0x3] =	sbarrier.arrive $0xFFFF;
	s2 =	simm.s32 @!p0 $0x1C03  }
0x123: {  	[timem:s3], [sflag:s2] =	dma.local @!p0 [hbm:s0], s1  }
0x124: {  	s0 =	simm.s32 @!p0 $0x3  }
0x125: {  	_ =	swait.ge @!p0 [sflag:s0], s1  }
0x126: {  	s1 =	ssub.s32 @!p0 $0x0, s1;
	[sflag:s0] =	ssyncset.done @!p0 $0x0  }
0x127: {  	[sflag:s0] =	ssyncadd.s32 @!p0 s1  }
0x128: {  	[bflag:$0x3] =	sbarrier.arrive $0xFFFF  }
0x129: {  	_ =	shalt  }

// kernel: sc_deg.3.cloned.1.call-start
scs
__scs_entry_jumppad:
0x0: {  	(pc) =	sbr.rel $0x88, $3  }
0x1: {  	(tag) =	ssettag $0x0;
	lr =	simm.s32 $0x1  }
0x2: {  	[smem:$0x3F93] =	sst lr;
	_ =	strace $0xD0000000  }
0x3: {  	_ = 	snop  }
0x4: {  	_ = 	snop  }
0x5: {  	_ = 	snop  }
0x6: {  	_ = 	snop  }
0x7: {  	_ = 	snop  }
__scs_overlays_trampoline_lowered:
0x8: {  	[smem:$0x3FA2] =	sst s0  }
0x9: {  	[smem:$0x3FA3] =	sst s1  }
0xa: {  	[smem:$0x3FA4] =	sst s2  }
0xb: {  	[smem:$0x3FA5] =	sst s3  }
0xc: {  	[smem:$0x3FA6] =	sst s4  }
0xd: {  	[smem:$0x3FA7] =	sst s5  }
0xe: {  	[smem:$0x3FA8] =	sst s6  }
0xf: {  	[smem:$0x3FA9] =	sst s7  }
0x10: {  	[smem:$0x3FAA] =	sst s8  }
0x11: {  	[smem:$0x3FAB] =	sst s9;
	s0 =	simm.s32 @!p0 $0x0  }
0x12: {  	s1 =	sld [smem:$0x3F91];
	s0 =	simm.s32 @p0 $0x1  }
0x13: {  	[smem:$0x3FAC] =	sst s0;
	s0 =	simm.s32 @!p1 $0x0  }
0x14: {  	s2 =	sld [smem:$0x3F90];
	s0 =	simm.s32 @p1 $0x1  }
0x15: {  	[smem:$0x3FAD] =	sst s0;
	s0 =	simm.s32 @!p2 $0x0  }
0x16: {  	s3 =	sld [smem:$0x3FDB];
	s0 =	simm.s32 @p2 $0x1  }
0x17: {  	s4 =	simm.s32 $0x1BF5;
	[smem:$0x3FAF] =	sst s0  }
0x18: {  	s0 =	sld [smem:$0x3F92];
	_ =	swait.ge [sflag:s4], $0x0  }
0x19: {  	s7 =	sld [smem:$0x3F93]  }
0x1a: {  	s8 =	sadd.s32 $0xFFFFE003, lr  }
0x1b: {  	s9 =	sadd.s32 $0xFFFFFEF7, lr;
	s5 =	simm.s32 $0xFFFFFFFF;
	p2 =	slt.u32 s8, $0xFFFFF086  }
0x1c: {  	p1 =	slt.u32 s9, $0xF7A;
	s5 =	simm.s32 @!p2 $0x0  }
0x1d: {  	s5 =	simm.s32 @p1 $0x1;
	p0 =	seq.s32 s7, s2  }
0x1e: {  	s7 =	smul.u32 @!p0 $0xF7A, s2;
	p2 =	seq.s32 @!p0 s5, $0x0  }
0x1f: {  	s9 =	smul.u32 $0xF7A, s1;
	s8 =	simm.s32 @!p0 $0x1BF5;
	p2 =	por !p2, p0  }
0x20: {  	[sflag:s8] =	ssyncset.s32 @!p0 $0xFFFFF086;
	s6 =	sadd.s32 @!p0 s3, s7;
	s7 =	simm.s32 @!p0 $0x108  }
0x21: {  	s3 =	sadd.s32 s3, s9;
	s6 =	sadd.s32 @!p0 $0x88, s6;
	s7 =	simm.s32 @p2 $0x1082  }
0x22: {  	[simem:s7], [sflag:s8] =	dma.local @!p0 [hbm:s6], $0xF7A  }
0x23: {  	s9 =	sor.u32 $0xD0000000, s2;
	s6 =	simm.s32 $0x108;
	_ =	swait.ge @!p0 [sflag:s8], $0x0  }
0x24: {  	s3 =	sadd.s32 $0x88, s3;
	s6 =	simm.s32 @!p1 $0x1082;
	[sflag:s4] =	ssyncset.s32 $0xFFFFF086  }
0x25: {  	[simem:s6], [sflag:s4] =	dma.local [hbm:s3], $0xF7A  }
0x26: {  	[smem:$0x3F93] =	sst s1;
	(tag) =	ssettag s2;
	_ =	strace s9  }
0x27: {  	s1 =	sld [smem:$0x3FA3]  }
0x28: {  	s2 =	sld [smem:$0x3FA4]  }
0x29: {  	s4 =	sld [smem:$0x3FA6]  }
0x2a: {  	p0 =	seq.s32 s5, $0x0;
	s5 =	sld [smem:$0x3FA7]  }
0x2b: {  	s6 =	sld [smem:$0x3FA8]  }
0x2c: {  	s7 =	sld [smem:$0x3FA9]  }
0x2d: {  	s3 =	simm.s32 $0x108;
	s8 =	sld [smem:$0x3FAA]  }
0x2e: {  	s3 =	simm.s32 @!p0 $0x1082;
	s9 =	sld [smem:$0x3FAB]  }
0x2f: {  	lr =	sadd.s32 s0, s3;
	s0 =	sld [smem:$0x3FA2]  }
0x30: {  	s3 =	sld [smem:$0x3FA5]  }
0x31: {  	[smem:$0x3FAE] =	sst s10  }
0x32: {  	s10 =	sld [smem:$0x3FAC];
	_ =	sdelay $0x3  }
0x33: {  	p0 =	seq.s32 s10, $0x1;
	s10 =	sld [smem:$0x3FAE];
	_ =	sdelay $0x3  }
0x34: {  	[smem:$0x3FAE] =	sst s10  }
0x35: {  	s10 =	sld [smem:$0x3FAD];
	_ =	sdelay $0x3  }
0x36: {  	p1 =	seq.s32 s10, $0x1;
	s10 =	sld [smem:$0x3FAE];
	_ =	sdelay $0x3  }
0x37: {  	[smem:$0x3FAE] =	sst s10  }
0x38: {  	s10 =	sld [smem:$0x3FAF]  }
0x39: {  	_ = 	snop;
	(pc) =	sbr.ind lr, $3  }
0x3a: {  	_ = 	snop  }
0x3b: {  	_ = 	snop  }
0x3c: {  	p2 =	seq.s32 s10, $0x1;
	s10 =	sld [smem:$0x3FAE]  }
0x3d: {  	_ =	shalt  }
0x3e: {  	_ =	shalt  }
0x3f: {  	_ =	shalt  }
0x40: {  	_ =	shalt  }
0x41: {  	_ =	shalt  }
0x42: {  	_ =	shalt  }
0x43: {  	_ =	shalt  }
0x44: {  	_ =	shalt  }
0x45: {  	_ =	shalt  }
0x46: {  	_ =	shalt  }
0x47: {  	_ =	shalt  }
0x48: {  	_ =	shalt  }
0x49: {  	_ =	shalt  }
0x4a: {  	_ =	shalt  }
0x4b: {  	_ =	shalt  }
0x4c: {  	_ =	shalt  }
0x4d: {  	_ =	shalt  }
0x4e: {  	_ =	shalt  }
0x4f: {  	_ =	shalt  }
0x50: {  	_ =	shalt  }
0x51: {  	_ =	shalt  }
0x52: {  	_ =	shalt  }
0x53: {  	_ =	shalt  }
0x54: {  	_ =	shalt  }
0x55: {  	_ =	shalt  }
0x56: {  	_ =	shalt  }
0x57: {  	_ =	shalt  }
0x58: {  	_ =	shalt  }
0x59: {  	_ =	shalt  }
0x5a: {  	_ =	shalt  }
0x5b: {  	_ =	shalt  }
0x5c: {  	_ =	shalt  }
0x5d: {  	_ =	shalt  }
0x5e: {  	_ =	shalt  }
0x5f: {  	_ =	shalt  }
0x60: {  	_ =	shalt  }
0x61: {  	_ =	shalt  }
0x62: {  	_ =	shalt  }
0x63: {  	_ =	shalt  }
0x64: {  	_ =	shalt  }
0x65: {  	_ =	shalt  }
0x66: {  	_ =	shalt  }
0x67: {  	_ =	shalt  }
0x68: {  	_ =	shalt  }
0x69: {  	_ =	shalt  }
0x6a: {  	_ =	shalt  }
0x6b: {  	_ =	shalt  }
0x6c: {  	_ =	shalt  }
0x6d: {  	_ =	shalt  }
0x6e: {  	_ =	shalt  }
0x6f: {  	_ =	shalt  }
0x70: {  	_ =	shalt  }
0x71: {  	_ =	shalt  }
0x72: {  	_ =	shalt  }
0x73: {  	_ =	shalt  }
0x74: {  	_ =	shalt  }
0x75: {  	_ =	shalt  }
0x76: {  	_ =	shalt  }
0x77: {  	_ =	shalt  }
0x78: {  	_ =	shalt  }
0x79: {  	_ =	shalt  }
0x7a: {  	_ =	shalt  }
0x7b: {  	_ =	shalt  }
0x7c: {  	_ =	shalt  }
0x7d: {  	_ =	shalt  }
0x7e: {  	_ =	shalt  }
0x7f: {  	_ =	shalt  }
0x80: {  	_ =	shalt  }
0x81: {  	_ =	shalt  }
0x82: {  	_ =	shalt  }
0x83: {  	_ =	shalt  }
0x84: {  	_ =	shalt  }
0x85: {  	_ =	shalt  }
0x86: {  	_ =	shalt  }
0x87: {  	_ =	shalt  }
.Lfunc_end0:
.L_simem_size_0:
called_computation_lowered:
.L_overlay_start_0:
0x88: {  	s2 =	sld [smem:$0x3FD9]  }
0x89: {  	s3 =	sld [smem:$0x3FFE];
	_ =	sdelay $0x1  }
0x8a: {  	s1 =	srdreg.scid  }
0x8b: {  	s0 =	sand.u32 $0x1, s1  }
0x8c: {  	s17 =	sshll.u32 s0, $0xA;
	s2 =	sadd.s32 s3, s2  }
0x8d: {  	s2 =	sadd.s32 s2, s17  }
0x8e: {  	[smem:$0x3FBA] =	sst s2  }
0x8f: {  	_ = 	snop  }
0x90: {  	s2 =	sld [smem:$0x3FD0];
	(tm) =	ssettm $0x1  }
0x91: {  	s18 =	sld [smem:$0x3FFB];
	_ =	sdelay $0x3  }
0x92: {  	_ =	strace s18  }
0x93: {  	s3 =	sld [smem:$0x3FFC];
	_ =	sdelay $0x3  }
0x94: {  	_ =	strace s3  }
0x95: {  	s3 =	sld [smem:$0x3FFD];
	_ =	sdelay $0x3  }
0x96: {  	_ =	strace s3  }
0x97: {  	_ =	strace $0x8FFFFFFF  }
0x98: {  	s19 =	sld [smem:$0x3FDB];
	_ =	sdelay $0x1  }
0x99: {  	s4 =	simm.s32 $_scs_section_size  }
0x9a: {  	s5 =	simm.s32 $_size__tile_overlayer_lowered;
	s6 =	simm.s32 $_tile_overlayer_lowered  }
0x9b: {  	s22 =	simm.s32 $0x1BFF;
	s21 =	sshll.u32 s6, $0x1;
	s3 =	sadd.s32 s4, s19  }
0x9c: {  	s7 =	simm.s32 $0x0;
	s20 =	sshll.u32 s5, $0x1;
	s5 =	sadd.s32 s21, s3  }
0x9d: {  	[timem:s7], [sflag:s22] =	dma.local [hbm:s5], s20  }
0x9e: {  	_ =	swait.ge [sflag:s22], s20  }
0x9f: {  	s4 =	ssub.s32 $0x0, s20;
	[sflag:s22] =	ssyncset.done $0x0  }
0xa0: {  	[sflag:s22] =	ssyncadd.s32 s4;
	_ =	sdelay $0x1  }
0xa1: {  	s23 =	simm.s32 $0x1B8B  }
0xa2: {  	_ =	swait.ge [sflag:s23], $0x1  }
0xa3: {  	[sflag:s23] =	ssyncset.done $0x0  }
0xa4: {  	s25 =	simm.s32 $0x1B8E;
	s24 =	sld [smem:$0x3FFE];
	[sflag:s23] =	ssyncadd.s32 $0xFFFFFFFF  }
0xa5: {  	s26 =	simm.s32 $execute0_lowered;
	[smem:$0x3FD2] =	sst s25  }
0xa6: {  	s5 =	sshll.u32 s26, $0x1;
	_ =	strace $0x80000046;
	[dreg:$0x1] =	wrdreg $0xFFFFFFFF  }
0xa7: {  	s28 =	simm.s32 $_size_execute0_lowered;
	s3 =	sadd.s32 s3, s5;
	[dreg:$0x0] =	wrdreg $0x0  }
0xa8: {  	s5 =	sshll.u32 s28, $0x1;
	[dreg:$0x2] =	wrdreg s3  }
0xa9: {  	[dreg:$0x3] =	wrdreg s5  }
0xaa: {  	[dreg:$0x4] =	wrdreg $0xC0  }
0xab: {  	_ =	task [dreg:s7], $0x5FFFF  }
0xac: {  	[dreg:$0x1] =	wrdreg $0xFFFFFFFF  }
0xad: {  	[dreg:$0x0] =	wrdreg $0x60  }
0xae: {  	[dreg:$0x2] =	wrdreg s2  }
0xaf: {  	[dreg:$0x3] =	wrdreg s24  }
0xb0: {  	[dreg:$0x4] =	wrdreg $0xE4000  }
0xb1: {  	[dreg:$0x5] =	wrdreg $0x9  }
0xb2: {  	_ =	task.clear_ibuf [dreg:s7], $0x6FFFF;
	_ =	strace $0x90000046  }
0xb3: {  	s29 =	simm.s32 $0x9;
	_ =	strace $0x80000048  }
0xb4: {  	_ =	swait.ge [sflag:s29], $0x1  }
0xb5: {  	[sflag:s29] =	ssyncadd.s32 $0xFFFFFFFF  }
0xb6: {  	_ =	strace $0x90000048  }
0xb7: {  	_ =	sfence  }
0xb8: {  	s30 =	sld [smem:$0x0];
	_ =	sdelay $0x2  }
0xb9: {  	s31 =	sshll.u32 s1, $0xD;
	s1 =	sshrl.u32 s1, $0x2  }
0xba: {  	s3 =	sand.u32 $0x4000, s31;
	s1 =	sadd.s32 s1, s30  }
0xbb: {  	s0 =	sor.u32 s3, s0;
	s1 =	sshll.u32 s1, $0x11  }
0xbc: {  	s0 =	sor.u32 s1, s0  }
0xbd: {  	s0 =	sadd.s32 $0x8F2B, s0  }
0xbe: {  	[sflag:s0] =	ssyncadd.remote.s32 $0x1  }
0xbf: {  	_ =	sfence.sel $0xFFFF  }
0xc0: {  	[dreg:$0x0] =	wrdreg $0xFFFFFFFF;
	(pc) =	sbr.abs _section_cstart, $3  }
0xc1: {  	[dreg:$0x1] =	wrdreg $0xFFFFFFFF  }
0xc2: {  	_ =	task.clear_ibuf [dreg:s7], $0x2FFFF;
	_ =	strace $0x9FFFFFFF  }
0xc3: {  	(tm) =	ssettm $0x7FFFFFFF  }
tec
execute0_lowered:
.L_overlay_start_1:
0x0: {  	(tag) =	ssettag $0x1  }
0x1: {  	s4 =	rddreg [dreg:$0x0]  }
0x2: {  	s5 =	rddreg [dreg:$0x1]  }
0x3: {  	s0 =	srdreg.scid;
	s1 =	stileid.u32  }
0x4: {  	s2 =	rddreg [dreg:$0x2];
	s3 =	simm.s32 $0x0;
	s8 =	smul.u32 $0x5400, s1  }
0x5: {  	s6 =	sand.u32 $0x1, s0;
	s0 =	rddreg [dreg:$0x3];
	s9 =	smul.u32 $0x15000, s1  }
0x6: {  	[smem:$0x7FF] =	sst s3;
	s10 =	smul.u32 $0xA00, s1;
	s13 =	sshll.u32 s1, $0x6  }
0x7: {  	s7 =	smul.u32 $0xA8000, s6;
	_ =	strace $0x80000047;
	s29 =	ssub.s32 $0x2, s6  }
0x8: {  	s11 =	smul.u32 $0x1400, s6;
	s13 =	sor.u32 $0x1C01, s13;
	s30 =	sshrl.u32 s29, $0x1  }
0x9: {  	s31 =	sshrl.u32 s9, $0x2;
	s4 =	sadd.s32 s4, s10;
	s9 =	simm.s32 $0x1  }
0xa: {  	s10 =	simm.s32 $0x9000;
	s7 =	sadd.s32 s8, s7;
	s8 =	ssub.s32 s29, s30  }
0xb: {  	s12 =	sadd.s32 $0xA00, s11;
	v0 =	vmov s11;
	s11 =	simm.s32 $0x80;
	s7 =	sshrl.u32 s7, $0x3  }
0xc: {  	s8 =	smax.u32 s8, $0x1;
	v1 =	vmov s12;
	s12 =	simm.s32 $0x5000;
	s7 =	sadd.s32 s7, s5  }
0xd: {  	v2 =	vimm.f32 $0.0e+00;
	v3 =	vimm.f32 $1.000000000e+00;
	s5 =	sadd.s32 s31, s2;
	s6 =	sadd.s32 $0x3800, s7;
	s7 =	sadd.s32 $0xE000, s7  }
.LBB2_1:
0xe: {  	s14 =	simm.s32 $0x0;
	s15 =	simm.s32 $0x200  }
.LBB2_2:
0xf: {  	p0 =	sne.s32 s15, $0x14E00;
	[tilespmem:s14+$0x9070] =	vst v2  }
0x10: {  	[tilespmem:s14+$0x9000] =	vst v2  }
0x11: {  	[tilespmem:s14+$0x9010] =	vst v2  }
.Ltmp0:
0x12: {  	[tilespmem:s14+$0x9020] =	vst v2;
	(pc) =	sbr.rel @p0 .LBB2_2-.Ltmp0, $4  }
0x13: {  	[tilespmem:s14+$0x9030] =	vst v2  }
0x14: {  	[tilespmem:s14+$0x9040] =	vst v2  }
0x15: {  	[tilespmem:s14+$0x9050] =	vst v2  }
0x16: {  	[tilespmem:s14+$0x9060] =	vst v2;
	s14 =	sshra.s32 s15, $0x2;
	s15 =	sadd.s32 $0x200, s15  }
0x17: {  	[tilespmem:s14+$0x9070] =	vst v2  }
0x18: {  	[tilespmem:s14+$0x9000] =	vst v2  }
0x19: {  	[tilespmem:s14+$0x9010] =	vst v2  }
0x1a: {  	[tilespmem:s14+$0x9020] =	vst v2  }
0x1b: {  	[tilespmem:s14+$0x9030] =	vst v2  }
0x1c: {  	[tilespmem:s14+$0x9040] =	vst v2  }
0x1d: {  	[tilespmem:s14+$0x9050] =	vst v2  }
0x1e: {  	[tilespmem:s14+$0x9060] =	vst v2;
	s14 =	simm.s32 $0x0;
	s15 =	simm.s32 $0x200  }
.LBB2_4:
0x1f: {  	p0 =	sne.s32 s15, $0xFE00;
	[tilespmem:s14+$0x5070] =	vst v3  }
0x20: {  	[tilespmem:s14+$0x5000] =	vst v3  }
0x21: {  	[tilespmem:s14+$0x5010] =	vst v3  }
.Ltmp1:
0x22: {  	[tilespmem:s14+$0x5020] =	vst v3;
	(pc) =	sbr.rel @p0 .LBB2_4-.Ltmp1, $4  }
0x23: {  	[tilespmem:s14+$0x5030] =	vst v3  }
0x24: {  	[tilespmem:s14+$0x5040] =	vst v3  }
0x25: {  	[tilespmem:s14+$0x5050] =	vst v3  }
0x26: {  	[tilespmem:s14+$0x5060] =	vst v3;
	s14 =	sshra.s32 s15, $0x2;
	s15 =	sadd.s32 $0x200, s15  }
0x27: {  	[tilespmem:s14+$0x5070] =	vst v3  }
0x28: {  	[tilespmem:s14+$0x5000] =	vst v3  }
0x29: {  	[tilespmem:s14+$0x5010] =	vst v3  }
0x2a: {  	[tilespmem:s14+$0x5020] =	vst v3  }
0x2b: {  	[tilespmem:s14+$0x5030] =	vst v3  }
0x2c: {  	[tilespmem:s14+$0x5040] =	vst v3  }
0x2d: {  	[tilespmem:s14+$0x5050] =	vst v3  }
0x2e: {  	[tilespmem:s14+$0x5060] =	vst v3;
	s31 =	simm.s32 $0x0  }
0x2f: {  	[tilespmem:s31], [sflag:$0x1] =	stream.linear.gather [hbm4b:s4+s31], $0x5000, $0x38;
	[tilespmem:$0x13800] =	vst v63  }
0x30: {  	_ =	swait.ge [sflag:s9], $0x5000  }
0x31: {  	[sflag:s9] =	ssyncset.done $0x0  }
0x32: {  	s14 =	simm.s32 $0x0;
	[sflag:s9] =	ssyncadd.s32 $0xFFFFB000  }
0x33: {  	v5 =	vld [tilespmem:s14+$0x0]  }
0x34: {  	v6 =	vld [tilespmem:s14+$0x10]  }
0x35: {  	v8 =	vld [tilespmem:s14+$0x20]  }
0x36: {  	v7 =	vld [tilespmem:s14+$0x30]  }
0x37: {  	v4 =	vld [tilespmem:s14+$0x40]  }
0x38: {  	v9 =	vsub.s32 v5, v0;
	v5 =	vld [tilespmem:s14+$0x50]  }
0x39: {  	s15 =	simm.s32 $0x200;
	v10 =	vsub.s32 v6, v0;
	v6 =	vld [tilespmem:s14+$0x60];
	v9 =	vmin.u32 v9, $0xA00  }
.LBB2_6:
0x3a: {  	s16 =	sshra.s32 s15, $0x2;
	p0 =	sne.s32 s15, $0x13E00;
	[tilespmem:s14+$0x0] =	vst v9;
	v9 =	vmin.u32 v10, $0xA00;
	v8 =	vsub.s32 v8, v0;
	v10 =	vld [tilespmem:s14+$0x70]  }
0x3b: {  	v11 =	vld [tilespmem:s16+$0x0];
	[tilespmem:s14+$0x10] =	vst v9;
	v8 =	vmin.u32 v8, $0xA00;
	v7 =	vsub.s32 v7, v0  }
0x3c: {  	v12 =	vld [tilespmem:s16+$0x10];
	[tilespmem:s14+$0x20] =	vst v8;
	v7 =	vmin.u32 v7, $0xA00;
	v4 =	vsub.s32 v4, v0  }
.Ltmp2:
0x3d: {  	v8 =	vld [tilespmem:s16+$0x20];
	[tilespmem:s14+$0x30] =	vst v7;
	v4 =	vmin.u32 v4, $0xA00;
	v5 =	vsub.s32 v5, v0;
	(pc) =	sbr.rel @p0 .LBB2_6-.Ltmp2, $4  }
0x3e: {  	v7 =	vld [tilespmem:s16+$0x30];
	[tilespmem:s14+$0x40] =	vst v4;
	v5 =	vmin.u32 v5, $0xA00;
	v6 =	vsub.s32 v6, v0  }
0x3f: {  	v4 =	vld [tilespmem:s16+$0x40];
	[tilespmem:s14+$0x50] =	vst v5;
	v6 =	vmin.u32 v6, $0xA00;
	v9 =	vsub.s32 v10, v0  }
0x40: {  	v10 =	vsub.s32 v11, v0;
	v5 =	vld [tilespmem:s16+$0x50];
	[tilespmem:s14+$0x60] =	vst v6;
	v11 =	vmin.u32 v9, $0xA00  }
0x41: {  	s15 =	sadd.s32 $0x200, s15;
	v9 =	vmin.u32 v10, $0xA00;
	v10 =	vsub.s32 v12, v0;
	v6 =	vld [tilespmem:s16+$0x60];
	[tilespmem:s14+$0x70] =	vst v11;
	s14 =	smov.u32 s16  }
0x42: {  	[tilespmem:s14+$0x0] =	vst v9;
	v62 =	vmin.u32 v10, $0xA00;
	v8 =	vsub.s32 v8, v0;
	v63 =	vld [tilespmem:s14+$0x70]  }
0x43: {  	[tilespmem:s14+$0x10] =	vst v62;
	v8 =	vmin.u32 v8, $0xA00;
	v7 =	vsub.s32 v7, v0  }
0x44: {  	[tilespmem:s14+$0x20] =	vst v8;
	v7 =	vmin.u32 v7, $0xA00;
	v4 =	vsub.s32 v4, v0  }
0x45: {  	[tilespmem:s14+$0x30] =	vst v7;
	v4 =	vmin.u32 v4, $0xA00;
	v5 =	vsub.s32 v5, v0  }
0x46: {  	[tilespmem:s14+$0x40] =	vst v4;
	v4 =	vmin.u32 v5, $0xA00;
	v5 =	vsub.s32 v6, v0  }
0x47: {  	[tilespmem:s14+$0x50] =	vst v4;
	v4 =	vmin.u32 v5, $0xA00;
	v5 =	vsub.s32 v63, v0  }
0x48: {  	[tilespmem:s14+$0x60] =	vst v4;
	v4 =	vmin.u32 v5, $0xA00  }
0x49: {  	[tilespmem:s14+$0x70] =	vst v4  }
0x4a: {  	[spmem:s5] =	stream.linear.scatter [tilespmem:s10], [sflag:$0x1], $0x5400, $0x38;
	[tilespmem:$0x13800] =	vst v63  }
0x4b: {  	_ =	swait.ge [sflag:s9], $0x5400  }
0x4c: {  	[sflag:s9] =	ssyncset.done $0x0  }
0x4d: {  	[sflag:s9] =	ssyncadd.s32 $0xFFFFAC00  }
0x4e: {  	s31 =	simm.s32 $0x0;
	[bflag:$0x0] =	sbarrier.arrive $0xFFFF  }
0x4f: {  	[spmem:s2] =	stream.indirect.scatter.add.f32 [tilespmem:s12], [sflag:$0x1], $0x80, s31, s11, $0xb8;
	[tilespmem:$0x13800] =	vst v63  }
0x50: {  	_ =	swait.ge [sflag:s9], $0x4000  }
0x51: {  	s14 =	simm.s32 $0x200;
	[sflag:s9] =	ssyncset.done $0x0  }
.LBB2_8:
0x52: {  	s15 =	sshra.s32 s14, $0x2;
	[sflag:s9] =	ssyncadd.s32 $0xFFFFC000;
	p0 =	sne.s32 s14, $0x13E00  }
0x53: {  	[spmem:s2] =	stream.indirect.scatter.add.f32 [tilespmem:s12], [sflag:$0x1], $0x80, s15, s11, $0xb8;
	[tilespmem:$0x13800] =	vst v63  }
.Ltmp3:
0x54: {  	_ = 	snop;
	(pc) =	sbr.rel @p0 .LBB2_8-.Ltmp3, $4  }
0x55: {  	_ = 	snop  }
0x56: {  	s14 =	sadd.s32 $0x200, s14  }
0x57: {  	_ =	swait.ge [sflag:s9], $0x4000  }
0x58: {  	[sflag:s9] =	ssyncset.done $0x0  }
0x59: {  	[sflag:s9] =	ssyncadd.s32 $0xFFFFC000  }
0x5a: {  	s14 =	sshrl.u32 s5, $0x3;
	[bflag:$0x0] =	sbarrier.arrive $0xFFFF  }
0x5b: {  	[hbm:s6], [sflag:s13] =	dma.local [spmem:s14], $0xA80  }
0x5c: {  	_ =	swait.ge [sflag:s9], $0xA80  }
0x5d: {  	[sflag:s9] =	ssyncset.done $0x0  }
0x5e: {  	s15 =	simm.s32 $0x0;
	[sflag:s9] =	ssyncadd.s32 $0xFFFFF580  }
0x5f: {  	[tilespmem:s15], [sflag:$0x1] =	stream.linear.gather [hbm4b:s4+s15], $0x5000, $0x38;
	[tilespmem:$0x13800] =	vst v63  }
0x60: {  	_ =	swait.ge [sflag:s9], $0x5000  }
0x61: {  	[sflag:s9] =	ssyncset.done $0x0  }
0x62: {  	s15 =	simm.s32 $0x0;
	[sflag:s9] =	ssyncadd.s32 $0xFFFFB000  }
0x63: {  	v5 =	vld [tilespmem:s15+$0x0]  }
0x64: {  	v6 =	vld [tilespmem:s15+$0x10]  }
0x65: {  	v8 =	vld [tilespmem:s15+$0x20]  }
0x66: {  	v7 =	vld [tilespmem:s15+$0x30]  }
0x67: {  	v4 =	vld [tilespmem:s15+$0x40]  }
0x68: {  	v9 =	vsub.s32 v5, v1;
	v5 =	vld [tilespmem:s15+$0x50]  }
0x69: {  	s16 =	simm.s32 $0x200;
	v10 =	vsub.s32 v6, v1;
	v6 =	vld [tilespmem:s15+$0x60];
	v9 =	vmin.u32 v9, $0xA00  }
.LBB2_10:
0x6a: {  	s17 =	sshra.s32 s16, $0x2;
	p0 =	sne.s32 s16, $0x13E00;
	[tilespmem:s15+$0x0] =	vst v9;
	v9 =	vmin.u32 v10, $0xA00;
	v8 =	vsub.s32 v8, v1;
	v10 =	vld [tilespmem:s15+$0x70]  }
0x6b: {  	v11 =	vld [tilespmem:s17+$0x0];
	[tilespmem:s15+$0x10] =	vst v9;
	v8 =	vmin.u32 v8, $0xA00;
	v7 =	vsub.s32 v7, v1  }
0x6c: {  	v12 =	vld [tilespmem:s17+$0x10];
	[tilespmem:s15+$0x20] =	vst v8;
	v7 =	vmin.u32 v7, $0xA00;
	v4 =	vsub.s32 v4, v1  }
.Ltmp4:
0x6d: {  	v8 =	vld [tilespmem:s17+$0x20];
	[tilespmem:s15+$0x30] =	vst v7;
	v4 =	vmin.u32 v4, $0xA00;
	v5 =	vsub.s32 v5, v1;
	(pc) =	sbr.rel @p0 .LBB2_10-.Ltmp4, $4  }
0x6e: {  	v7 =	vld [tilespmem:s17+$0x30];
	[tilespmem:s15+$0x40] =	vst v4;
	v5 =	vmin.u32 v5, $0xA00;
	v6 =	vsub.s32 v6, v1  }
0x6f: {  	v4 =	vld [tilespmem:s17+$0x40];
	[tilespmem:s15+$0x50] =	vst v5;
	v6 =	vmin.u32 v6, $0xA00;
	v9 =	vsub.s32 v10, v1  }
0x70: {  	v10 =	vsub.s32 v11, v1;
	v5 =	vld [tilespmem:s17+$0x50];
	[tilespmem:s15+$0x60] =	vst v6;
	v11 =	vmin.u32 v9, $0xA00  }
0x71: {  	s16 =	sadd.s32 $0x200, s16;
	v9 =	vmin.u32 v10, $0xA00;
	v10 =	vsub.s32 v12, v1;
	v6 =	vld [tilespmem:s17+$0x60];
	[tilespmem:s15+$0x70] =	vst v11;
	s15 =	smov.u32 s17  }
0x72: {  	[tilespmem:s15+$0x0] =	vst v9;
	v62 =	vmin.u32 v10, $0xA00;
	v8 =	vsub.s32 v8, v1;
	v63 =	vld [tilespmem:s15+$0x70]  }
0x73: {  	[tilespmem:s15+$0x10] =	vst v62;
	v8 =	vmin.u32 v8, $0xA00;
	v7 =	vsub.s32 v7, v1  }
0x74: {  	[tilespmem:s15+$0x20] =	vst v8;
	v7 =	vmin.u32 v7, $0xA00;
	v4 =	vsub.s32 v4, v1  }
0x75: {  	[tilespmem:s15+$0x30] =	vst v7;
	v4 =	vmin.u32 v4, $0xA00;
	v5 =	vsub.s32 v5, v1  }
0x76: {  	[tilespmem:s15+$0x40] =	vst v4;
	v4 =	vmin.u32 v5, $0xA00;
	v5 =	vsub.s32 v6, v1  }
0x77: {  	[tilespmem:s15+$0x50] =	vst v4;
	v4 =	vmin.u32 v5, $0xA00;
	v5 =	vsub.s32 v63, v1  }
0x78: {  	[tilespmem:s15+$0x60] =	vst v4;
	v4 =	vmin.u32 v5, $0xA00  }
0x79: {  	[tilespmem:s15+$0x70] =	vst v4  }
0x7a: {  	[spmem:s5] =	stream.linear.scatter [tilespmem:s10], [sflag:$0x1], $0x5400, $0x38;
	[tilespmem:$0x13800] =	vst v63  }
0x7b: {  	_ =	swait.ge [sflag:s9], $0x5400  }
0x7c: {  	[sflag:s9] =	ssyncset.done $0x0  }
0x7d: {  	[sflag:s9] =	ssyncadd.s32 $0xFFFFAC00  }
0x7e: {  	s31 =	simm.s32 $0x0;
	[bflag:$0x0] =	sbarrier.arrive $0xFFFF  }
0x7f: {  	[spmem:s2] =	stream.indirect.scatter.add.f32 [tilespmem:s12], [sflag:$0x1], $0x80, s31, s11, $0xb8;
	[tilespmem:$0x13800] =	vst v63  }
0x80: {  	_ =	swait.ge [sflag:s9], $0x4000  }
0x81: {  	s15 =	simm.s32 $0x200;
	[sflag:s9] =	ssyncset.done $0x0  }
.LBB2_12:
0x82: {  	s16 =	sshra.s32 s15, $0x2;
	[sflag:s9] =	ssyncadd.s32 $0xFFFFC000;
	p0 =	sne.s32 s15, $0x13E00  }
0x83: {  	[spmem:s2] =	stream.indirect.scatter.add.f32 [tilespmem:s12], [sflag:$0x1], $0x80, s16, s11, $0xb8;
	[tilespmem:$0x13800] =	vst v63  }
.Ltmp5:
0x84: {  	_ = 	snop;
	(pc) =	sbr.rel @p0 .LBB2_12-.Ltmp5, $4  }
0x85: {  	_ = 	snop  }
0x86: {  	s15 =	sadd.s32 $0x200, s15  }
0x87: {  	_ =	swait.ge [sflag:s9], $0x4000  }
0x88: {  	[sflag:s9] =	ssyncset.done $0x0  }
0x89: {  	s3 =	sadd.s32 $0x1, s3  }
0x8a: {  	[sflag:s9] =	ssyncadd.s32 $0xFFFFC000;
	p0 =	sne.s32 s3, s8  }
.Ltmp6:
0x8b: {  	[bflag:$0x0] =	sbarrier.arrive $0xFFFF;
	(pc) =	sbr.rel @p0 .LBB2_1-.Ltmp6, $4  }
0x8c: {  	[hbm:s7], [sflag:s13] =	dma.local [spmem:s14], $0xA80  }
0x8d: {  	_ =	swait.ge [sflag:s9], $0xA80  }
0x8e: {  	[sflag:s9] =	ssyncset.done $0x0  }
0x8f: {  	[sflag:s9] =	ssyncadd.s32 $0xFFFFF580  }
0x90: {  	_ =	sfence.sel $0x180000  }
0x91: {  	[bflag:$0x0] =	sbarrier.arrive $0xFFFF  }
0x92: {  	p0 =	sne.s32 s1, $0x0;
	_ =	strace $0x90000047  }
0x93: {  	s0 =	sadd.s32 @!p0 $0x100000, s0;
	[bflag:$0x2] =	sbarrier.arrive $0xFFFF  }
0x94: {  	[sflag:s0] =	ssyncadd.tile.s32 @!p0 $0x1;
	_ =	shalt  }
.Lfunc_end2:
_tile_overlayer_lowered:
.L_overlay_start_2:
0x95: {  	(tag) =	ssettag $0x2  }
0x96: {  	s0 =	rddreg [dreg:$0x0];
	s2 =	stileid.u32  }
0x97: {  	s1 =	rddreg [dreg:$0x1];
	p0 =	sne.s32 s2, $0x0  }
0x98: {  	s3 =	rddreg [dreg:$0x2];
	[bflag:$0x3] =	sbarrier.arrive $0xFFFF;
	s2 =	simm.s32 @!p0 $0x1C01  }
0x99: {  	[timem:s3], [sflag:s2] =	dma.local @!p0 [hbm:s0], s1  }
0x9a: {  	s0 =	simm.s32 @!p0 $0x1  }
0x9b: {  	_ =	swait.ge @!p0 [sflag:s0], s1  }
0x9c: {  	s1 =	ssub.s32 @!p0 $0x0, s1;
	[sflag:s0] =	ssyncset.done @!p0 $0x0  }
0x9d: {  	[sflag:s0] =	ssyncadd.s32 @!p0 s1  }
0x9e: {  	[bflag:$0x3] =	sbarrier.arrive $0xFFFF  }
0x9f: {  	_ =	shalt  }

</sc_bundles>
